<compile_context>
chip_gen: v7x
topology: tpu7x:2x2x1
jax: 0.10.2.dev20260603
libtpu: 0.0.44.dev20260713+nightly
codegen_flags: <defaults>
</compile_context>

<pallas_src>
import functools

import jax
import jax.numpy as jnp
from jax import lax
from jax.experimental import pallas as pl
from jax.experimental.pallas import tpu as pltpu
from jax.experimental.pallas import tpu_sc as plsc

N = 10000
E = 320000
H = 128
LANES = 16
NC = 2
NS = 16
NW = NC * NS
KE = 128
NCHP = 80
EPT_P = NCHP * KE
E_P = NW * EPT_P
PAD_PT = EPT_P - E // NW
NP = 10240
RPT = NP // NS
ZR = 64
DW = 128
BN_EPS = 1e-5
BM = 2000
BMM = 2048


def _sc_mesh():
    return plsc.VectorSubcoreMesh(core_axis_name="c", subcore_axis_name="s")



def _deg_sc(edges):

    @functools.partial(
        pl.kernel,
        out_type=jax.ShapeDtypeStruct((NC, NP, DW), jnp.float32),
        mesh=_sc_mesh(),
        scratch_types=[
            pltpu.VMEM_SHARED((NP, DW), jnp.float32),
            pltpu.VMEM((2, KE), jnp.int32),
            pltpu.VMEM((2, KE), jnp.int32),
            pltpu.VMEM((KE, DW), jnp.float32),
            pltpu.VMEM((ZR, DW), jnp.float32),
            pltpu.SemaphoreType.DMA,
            pltpu.SemaphoreType.DMA,
        ],
    )
    def deg_kernel(edge_hbm, out_hbm, accd, e0, e1, ones_v, zbuf, ia, ib):
        c = lax.axis_index("c")
        s = lax.axis_index("s")
        w = c * NS + s
        base0 = w * EPT_P

        def fill_z(i, carry):
            for j in range(DW // LANES):
                zbuf[i, pl.ds(j * LANES, LANES)] = jnp.zeros((LANES,), jnp.float32)
            return carry

        lax.fori_loop(0, ZR, fill_z, 0)

        def fill_o(i, carry):
            for j in range(DW // LANES):
                ones_v[i, pl.ds(j * LANES, LANES)] = jnp.ones((LANES,), jnp.float32)
            return carry

        lax.fori_loop(0, KE, fill_o, 0)

        for kblk in range(RPT // ZR):
            pltpu.sync_copy(zbuf, accd.at[pl.ds(s * RPT + kblk * ZR, ZR)])
        plsc.subcore_barrier()

        def wait_idx(sem, buf):
            pltpu.make_async_copy(edge_hbm.at[:, pl.ds(0, KE)], buf, sem).wait()

        pltpu.sync_copy(edge_hbm.at[:, pl.ds(base0, KE)], e0)
        pltpu.async_copy(edge_hbm.at[:, pl.ds(base0 + KE, KE)], e1, ib)

        def pair(j, carry):
            i0 = 2 * j
            pltpu.sync_copy(ones_v, accd.at[e0.at[1]], add=True)
            pltpu.async_copy(edge_hbm.at[:, pl.ds(base0 + (i0 + 2) * KE, KE)], e0, ia)
            wait_idx(ib, e1)
            pltpu.sync_copy(ones_v, accd.at[e1.at[1]], add=True)
            pltpu.async_copy(edge_hbm.at[:, pl.ds(base0 + (i0 + 3) * KE, KE)], e1, ib)
            wait_idx(ia, e0)
            return carry

        lax.fori_loop(0, NCHP // 2 - 1, pair, 0)

        pltpu.sync_copy(ones_v, accd.at[e0.at[1]], add=True)
        wait_idx(ib, e1)
        pltpu.sync_copy(ones_v, accd.at[e1.at[1]], add=True)

        plsc.subcore_barrier()
        pltpu.sync_copy(accd.at[pl.ds(s * RPT, RPT)], out_hbm.at[c, pl.ds(s * RPT, RPT)])

    return deg_kernel(edges)


def _scatter_sc(hs, edges):

    @functools.partial(
        pl.kernel,
        out_type=jax.ShapeDtypeStruct((NC, NP, H), jnp.float32),
        mesh=_sc_mesh(),
        scratch_types=[
            pltpu.VMEM_SHARED((NP, H), jnp.float32),
            pltpu.VMEM((2, KE), jnp.int32),
            pltpu.VMEM((2, KE), jnp.int32),
            pltpu.VMEM((KE, H), jnp.float32),
            pltpu.VMEM((KE, H), jnp.float32),
            pltpu.VMEM((ZR, H), jnp.float32),
            pltpu.SemaphoreType.DMA,
            pltpu.SemaphoreType.DMA,
            pltpu.SemaphoreType.DMA,
            pltpu.SemaphoreType.DMA,
        ],
    )
    def s_kernel(hs_hbm, edge_hbm, out_hbm, acc, e0, e1,
                 rows0, rows1, zbuf, g0, g1, ia, ib):
        c = lax.axis_index("c")
        s = lax.axis_index("s")
        w = c * NS + s
        base0 = w * EPT_P

        def fill_z(i, carry):
            for j in range(H // LANES):
                zbuf[i, pl.ds(j * LANES, LANES)] = jnp.zeros((LANES,), jnp.float32)
            return carry

        lax.fori_loop(0, ZR, fill_z, 0)

        for kblk in range(RPT // ZR):
            pltpu.sync_copy(zbuf, acc.at[pl.ds(s * RPT + kblk * ZR, ZR)])
        plsc.subcore_barrier()

        def wait_rows(sem):
            pltpu.make_async_copy(hs_hbm.at[pl.ds(0, KE)], rows0, sem).wait()

        def wait_idx(sem):
            pltpu.make_async_copy(edge_hbm.at[:, pl.ds(0, KE)], e0, sem).wait()

        pltpu.sync_copy(edge_hbm.at[:, pl.ds(base0, KE)], e0)
        pltpu.async_copy(hs_hbm.at[e0.at[0]], rows0, g0)
        pltpu.async_copy(edge_hbm.at[:, pl.ds(base0 + KE, KE)], e1, ib)

        def pair(j, carry):
            i0 = 2 * j
            wait_idx(ib)
            wait_rows(g0)
            pltpu.async_copy(hs_hbm.at[e1.at[0]], rows1, g1)
            pltpu.sync_copy(rows0, acc.at[e0.at[1]], add=True)
            pltpu.async_copy(edge_hbm.at[:, pl.ds(base0 + (i0 + 2) * KE, KE)], e0, ia)
            wait_idx(ia)
            wait_rows(g1)
            pltpu.async_copy(hs_hbm.at[e0.at[0]], rows0, g0)
            pltpu.sync_copy(rows1, acc.at[e1.at[1]], add=True)
            pltpu.async_copy(edge_hbm.at[:, pl.ds(base0 + (i0 + 3) * KE, KE)], e1, ib)
            return carry

        lax.fori_loop(0, NCHP // 2 - 1, pair, 0)

        wait_idx(ib)
        wait_rows(g0)
        pltpu.async_copy(hs_hbm.at[e1.at[0]], rows1, g1)
        pltpu.sync_copy(rows0, acc.at[e0.at[1]], add=True)
        wait_rows(g1)
        pltpu.sync_copy(rows1, acc.at[e1.at[1]], add=True)

        plsc.subcore_barrier()
        pltpu.sync_copy(acc.at[pl.ds(s * RPT, RPT)], out_hbm.at[c, pl.ds(s * RPT, RPT)])

    return s_kernel(hs, edges)



def _dinv_tc(degp):

    def body(deg_ref, o_ref):
        d = deg_ref[0, :, 0:1] + deg_ref[1, :, 0:1] + 1.0
        o_ref[...] = jnp.broadcast_to(lax.rsqrt(d), (BM, H))

    return pl.pallas_call(
        body,
        grid=(N // BM,),
        in_specs=[pl.BlockSpec((NC, BM, DW), lambda i: (0, i, 0))],
        out_specs=pl.BlockSpec((BM, H), lambda i: (i, 0)),
        out_shape=jax.ShapeDtypeStruct((N, H), jnp.float32),
    )(degp)


def _mm_tc(x, W, dinv):

    def body(x_ref, w_ref, dinv_ref, o_ref):
        h = jnp.dot(x_ref[...], w_ref[...],
                    preferred_element_type=jnp.float32,
                    precision=lax.Precision.HIGHEST)
        o_ref[...] = h * dinv_ref[...]

    return pl.pallas_call(
        body,
        grid=(N // BM,),
        in_specs=[
            pl.BlockSpec((BM, H), lambda i: (i, 0)),
            pl.BlockSpec((H, H), lambda i: (0, 0)),
            pl.BlockSpec((BM, H), lambda i: (i, 0)),
        ],
        out_specs=pl.BlockSpec((BM, H), lambda i: (i, 0)),
        out_shape=jax.ShapeDtypeStruct((N, H), jnp.float32),
    )(x, W, dinv)


def _f1_tc(p, hs, dinv, b):

    def body(p_ref, hs_ref, dinv_ref, b_ref, t_ref, st_ref):
        i = pl.program_id(0)
        t = (p_ref[0] + p_ref[1] + hs_ref[...]) * dinv_ref[...] + b_ref[...]
        t_ref[...] = t

        @pl.when(i == 0)
        def _():
            st_ref[...] = jnp.zeros((8, H), jnp.float32)

        st_ref[0:1, :] += jnp.sum(t, axis=0, keepdims=True)
        st_ref[1:2, :] += jnp.sum(t * t, axis=0, keepdims=True)

    return pl.pallas_call(
        body,
        grid=(N // BM,),
        in_specs=[
            pl.BlockSpec((NC, BM, H), lambda i: (0, i, 0)),
            pl.BlockSpec((BM, H), lambda i: (i, 0)),
            pl.BlockSpec((BM, H), lambda i: (i, 0)),
            pl.BlockSpec((1, H), lambda i: (0, 0)),
        ],
        out_specs=[
            pl.BlockSpec((BM, H), lambda i: (i, 0)),
            pl.BlockSpec((8, H), lambda i: (0, 0)),
        ],
        out_shape=[
            jax.ShapeDtypeStruct((N, H), jnp.float32),
            jax.ShapeDtypeStruct((8, H), jnp.float32),
        ],
    )(p, hs, dinv, b)


def _f2_tc(t, stats, g, be, x):

    def body(t_ref, st_ref, g_ref, be_ref, x_ref, o_ref):
        m = st_ref[0:1, :] * (1.0 / N)
        ex2 = st_ref[1:2, :] * (1.0 / N)
        v = ex2 - m * m
        scale = lax.rsqrt(v + BN_EPS) * g_ref[...]
        h = (t_ref[...] - m) * scale + be_ref[...]
        o_ref[...] = x_ref[...] + jnp.maximum(h, 0.0)

    return pl.pallas_call(
        body,
        grid=(N // BM,),
        in_specs=[
            pl.BlockSpec((BM, H), lambda i: (i, 0)),
            pl.BlockSpec((8, H), lambda i: (0, 0)),
            pl.BlockSpec((1, H), lambda i: (0, 0)),
            pl.BlockSpec((1, H), lambda i: (0, 0)),
            pl.BlockSpec((BM, H), lambda i: (i, 0)),
        ],
        out_specs=pl.BlockSpec((BM, H), lambda i: (i, 0)),
        out_shape=jax.ShapeDtypeStruct((N, H), jnp.float32),
    )(t, stats, g, be, x)


def _f2mm_tc(t, stats, g, be, x, Wn, dinv):

    def body(t_ref, st_ref, g_ref, be_ref, x_ref, w_ref, dinv_ref, o_ref, hs_ref):
        m = st_ref[0:1, :] * (1.0 / N)
        ex2 = st_ref[1:2, :] * (1.0 / N)
        v = ex2 - m * m
        scale = lax.rsqrt(v + BN_EPS) * g_ref[...]
        h = (t_ref[...] - m) * scale + be_ref[...]
        xn = x_ref[...] + jnp.maximum(h, 0.0)
        o_ref[...] = xn
        hn = jnp.dot(xn, w_ref[...],
                     preferred_element_type=jnp.float32,
                     precision=lax.Precision.HIGHEST)
        hs_ref[...] = hn * dinv_ref[...]

    return pl.pallas_call(
        body,
        grid=(N // BM,),
        in_specs=[
            pl.BlockSpec((BM, H), lambda i: (i, 0)),
            pl.BlockSpec((8, H), lambda i: (0, 0)),
            pl.BlockSpec((1, H), lambda i: (0, 0)),
            pl.BlockSpec((1, H), lambda i: (0, 0)),
            pl.BlockSpec((BM, H), lambda i: (i, 0)),
            pl.BlockSpec((H, H), lambda i: (0, 0)),
            pl.BlockSpec((BM, H), lambda i: (i, 0)),
        ],
        out_specs=[
            pl.BlockSpec((BM, H), lambda i: (i, 0)),
            pl.BlockSpec((BM, H), lambda i: (i, 0)),
        ],
        out_shape=[
            jax.ShapeDtypeStruct((N, H), jnp.float32),
            jax.ShapeDtypeStruct((N, H), jnp.float32),
        ],
    )(t, stats, g, be, x, Wn, dinv)



def kernel(x, edge_index, W0, b0, g0, be0, W1, b1, g1, be1, W2, b2, g2, be2):
    pad_src = jnp.arange(PAD_PT, dtype=jnp.int32) % 128
    pad_dst = pad_src + N
    pad_blk = jnp.stack([jnp.broadcast_to(pad_src, (NW, PAD_PT)),
                         jnp.broadcast_to(pad_dst, (NW, PAD_PT))])
    e3 = jnp.concatenate([edge_index.reshape(2, NW, E // NW), pad_blk], axis=2)
    edges = e3.reshape(2, E_P)

    degp = _deg_sc(edges)
    dinv = _dinv_tc(degp)

    params = ((W0, b0, g0, be0), (W1, b1, g1, be1), (W2, b2, g2, be2))
    hs = _mm_tc(x, W0, dinv)
    for li, (W, b, g, be) in enumerate(params):
        p = _scatter_sc(hs, edges)
        t, stats = _f1_tc(p, hs, dinv, b.reshape(1, H))
        if li < 2:
            x, hs = _f2mm_tc(t, stats, g.reshape(1, H), be.reshape(1, H), x,
                             params[li + 1][0], dinv)
        else:
            x = _f2_tc(t, stats, g.reshape(1, H), be.reshape(1, H), x)
    return x

# --- scband reference (transcript-rebuilt; emitter-appended) ---
"""Pipeline reference for scband-universal-graph-stack-25211458028166 (READ-ONLY COPY).

The authoritative reference and input builder live on the scoring server;
editing this copy changes nothing except your own understanding.
"""

import jax, jax.numpy as jnp
import numpy as np

N = 10000
E = 320000
D = 128
H = 128


def _gcn_conv(x, edge_index, W, b):
    n = x.shape[0]
    src = edge_index[0]
    dst = edge_index[1]
    loop = jnp.arange(n, dtype=src.dtype)
    src_f = jnp.concatenate([src, loop])
    dst_f = jnp.concatenate([dst, loop])
    deg = jnp.zeros((n,), dtype=x.dtype).at[dst_f].add(1.0)
    dinv = jnp.where(deg > 0, 1.0 / jnp.sqrt(deg), 0.0)
    norm = dinv[src_f] * dinv[dst_f]
    h = x @ W
    msg = h[src_f] * norm[:, None]
    out = jnp.zeros((n, W.shape[1]), dtype=x.dtype).at[dst_f].add(msg)
    return out + b


def _batchnorm(h, gamma, beta, eps=1e-5):
    m = jnp.mean(h, axis=0)
    v = jnp.var(h, axis=0)
    return gamma * (h - m) / jnp.sqrt(v + eps) + beta


def setup_inputs(seed: int = 0):
    key = jax.random.key(seed)
    ks = jax.random.split(key, 8)
    inp = {}
    inp["x"] = jax.random.normal(ks[0], (N, D), dtype=jnp.float32)
    inp["edge_index"] = jax.random.randint(ks[1], (2, E), 0, N, dtype=jnp.int32)
    for i in range(3):
        din = D if i == 0 else H
        inp[f"W{i}"] = jax.random.normal(ks[2 + i], (din, H), dtype=jnp.float32) * (1.0 / np.sqrt(din))
        inp[f"b{i}"] = jnp.zeros((H,), dtype=jnp.float32)
        inp[f"g{i}"] = jnp.ones((H,), dtype=jnp.float32)
        inp[f"be{i}"] = jnp.zeros((H,), dtype=jnp.float32)
    return inp


def reference(x, edge_index, W0, b0, g0, be0, W1, b1, g1, be1, W2, b2, g2, be2):
    params = [(W0, b0, g0, be0), (W1, b1, g1, be1), (W2, b2, g2, be2)]
    for (W, b, g, be) in params:
        h = _gcn_conv(x, edge_index, W, b)
        h = _batchnorm(h, g, be)
        h = jax.nn.relu(h)
        if h.shape == x.shape:
            x = x + h
        else:
            x = h
    return x

if __name__ == "__main__":
    import jax
    _d = setup_inputs()
    print(jax.jit(kernel)(*tuple(_d.values())))

</pallas_src>

<mosaic_0001>
#map = affine_map<(d0, d1) -> (0, 0)>
#map1 = affine_map<(d0, d1) -> (0, 0, 0)>
module attributes {stable_mosaic.version = 14 : i64} {
  func.func @s_kernel(%arg0: i32, %arg1: i32, %arg2: memref<10000x128xf32, #tpu.memory_space<hbm>>, %arg3: memref<2x327680xi32, #tpu.memory_space<hbm>>, %arg4: memref<2x10240x128xf32, #tpu.memory_space<hbm>>, %arg5: memref<10240x128xf32, #tpu.memory_space<vmem_shared>>, %arg6: memref<2x128xi32, #tpu.memory_space<vmem>>, %arg7: memref<2x128xi32, #tpu.memory_space<vmem>>, %arg8: memref<128x128xf32, #tpu.memory_space<vmem>>, %arg9: memref<128x128xf32, #tpu.memory_space<vmem>>, %arg10: memref<64x128xf32, #tpu.memory_space<vmem>>, %arg11: memref<!tpu.dma_semaphore, #tpu.memory_space<semaphore_mem>>, %arg12: memref<!tpu.dma_semaphore, #tpu.memory_space<semaphore_mem>>, %arg13: memref<!tpu.dma_semaphore, #tpu.memory_space<semaphore_mem>>, %arg14: memref<!tpu.dma_semaphore, #tpu.memory_space<semaphore_mem>>) attributes {dimension_semantics = [#tpu.dimension_semantics<core_parallel>, #tpu.dimension_semantics<subcore_parallel>], iteration_bounds = array<i64: 2, 16>, scalar_prefetch = 0 : i64, scratch_operands = 10 : i64, tpu.core_type = #tpu.core_type<sc_vector_subcore>, window_params = [{transform_indices = #map}, {transform_indices = #map}, {transform_indices = #map1}]} {
    %mul3A = arith.constant 16 : i32
    %mul3A_0 = arith.muli %arg0, %mul3A : i32
    %add3A = arith.addi %mul3A_0, %arg1 : i32
    %mul3A_1 = arith.constant 10240 : i32
    %mul3A_2 = arith.muli %add3A, %mul3A_1 : i32
    %scan3A = arith.constant 0 : i32
    %scan3A_3 = arith.constant 0 : i32
    %scan3A_4 = arith.constant 64 : i32
    %scan3A_5 = arith.addi %scan3A_3, %scan3A_4 : i32
    %scan3A_6 = arith.constant 1 : i32
    scf.for %scan3A_96 = %scan3A_3 to %scan3A_5 step %scan3A_6  : i32 {
      %broadcast_in_dim3A = arith.constant 0.000000e+00 : f32
      %broadcast_in_dim3A_97 = vector.broadcast %broadcast_in_dim3A : f32 to vector<16xf32>
      %swap3A = arith.index_cast %scan3A_96 : i32 to index
      %swap3A_98 = arith.constant 0 : index
      %swap3A_99 = tpu.vector_load %arg10[%swap3A, %swap3A_98] {strides = array<i32>} : memref<64x128xf32, #tpu.memory_space<vmem>>, vector<1x16xf32>,
      %swap3A_100 = vector.shape_cast %swap3A_99 : vector<1x16xf32> to vector<16xf32>
      %swap3A_101 = vector.shape_cast %broadcast_in_dim3A_97 : vector<16xf32> to vector<1x16xf32>
      tpu.vector_store %arg10[%swap3A, %swap3A_98], %swap3A_101 {strides = array<i32>} : memref<64x128xf32, #tpu.memory_space<vmem>>, vector<1x16xf32>,
      %broadcast_in_dim3A_102 = arith.constant 0.000000e+00 : f32
      %broadcast_in_dim3A_103 = vector.broadcast %broadcast_in_dim3A_102 : f32 to vector<16xf32>
      %swap3A_104 = arith.index_cast %scan3A_96 : i32 to index
      %swap3A_105 = arith.constant 16 : index
      %swap3A_106 = tpu.vector_load %arg10[%swap3A_104, %swap3A_105] {strides = array<i32>} : memref<64x128xf32, #tpu.memory_space<vmem>>, vector<1x16xf32>,
      %swap3A_107 = vector.shape_cast %swap3A_106 : vector<1x16xf32> to vector<16xf32>
      %swap3A_108 = vector.shape_cast %broadcast_in_dim3A_103 : vector<16xf32> to vector<1x16xf32>
      tpu.vector_store %arg10[%swap3A_104, %swap3A_105], %swap3A_108 {strides = array<i32>} : memref<64x128xf32, #tpu.memory_space<vmem>>, vector<1x16xf32>,
      %broadcast_in_dim3A_109 = arith.constant 0.000000e+00 : f32
      %broadcast_in_dim3A_110 = vector.broadcast %broadcast_in_dim3A_109 : f32 to vector<16xf32>
      %swap3A_111 = arith.index_cast %scan3A_96 : i32 to index
      %swap3A_112 = arith.constant 32 : index
      %swap3A_113 = tpu.vector_load %arg10[%swap3A_111, %swap3A_112] {strides = array<i32>} : memref<64x128xf32, #tpu.memory_space<vmem>>, vector<1x16xf32>,
      %swap3A_114 = vector.shape_cast %swap3A_113 : vector<1x16xf32> to vector<16xf32>
      %swap3A_115 = vector.shape_cast %broadcast_in_dim3A_110 : vector<16xf32> to vector<1x16xf32>
      tpu.vector_store %arg10[%swap3A_111, %swap3A_112], %swap3A_115 {strides = array<i32>} : memref<64x128xf32, #tpu.memory_space<vmem>>, vector<1x16xf32>,
      %broadcast_in_dim3A_116 = arith.constant 0.000000e+00 : f32
      %broadcast_in_dim3A_117 = vector.broadcast %broadcast_in_dim3A_116 : f32 to vector<16xf32>
      %swap3A_118 = arith.index_cast %scan3A_96 : i32 to index
      %swap3A_119 = arith.constant 48 : index
      %swap3A_120 = tpu.vector_load %arg10[%swap3A_118, %swap3A_119] {strides = array<i32>} : memref<64x128xf32, #tpu.memory_space<vmem>>, vector<1x16xf32>,
      %swap3A_121 = vector.shape_cast %swap3A_120 : vector<1x16xf32> to vector<16xf32>
      %swap3A_122 = vector.shape_cast %broadcast_in_dim3A_117 : vector<16xf32> to vector<1x16xf32>
      tpu.vector_store %arg10[%swap3A_118, %swap3A_119], %swap3A_122 {strides = array<i32>} : memref<64x128xf32, #tpu.memory_space<vmem>>, vector<1x16xf32>,
      %broadcast_in_dim3A_123 = arith.constant 0.000000e+00 : f32
      %broadcast_in_dim3A_124 = vector.broadcast %broadcast_in_dim3A_123 : f32 to vector<16xf32>
      %swap3A_125 = arith.index_cast %scan3A_96 : i32 to index
      %swap3A_126 = arith.constant 64 : index
      %swap3A_127 = tpu.vector_load %arg10[%swap3A_125, %swap3A_126] {strides = array<i32>} : memref<64x128xf32, #tpu.memory_space<vmem>>, vector<1x16xf32>,
      %swap3A_128 = vector.shape_cast %swap3A_127 : vector<1x16xf32> to vector<16xf32>
      %swap3A_129 = vector.shape_cast %broadcast_in_dim3A_124 : vector<16xf32> to vector<1x16xf32>
      tpu.vector_store %arg10[%swap3A_125, %swap3A_126], %swap3A_129 {strides = array<i32>} : memref<64x128xf32, #tpu.memory_space<vmem>>, vector<1x16xf32>,
      %broadcast_in_dim3A_130 = arith.constant 0.000000e+00 : f32
      %broadcast_in_dim3A_131 = vector.broadcast %broadcast_in_dim3A_130 : f32 to vector<16xf32>
      %swap3A_132 = arith.index_cast %scan3A_96 : i32 to index
      %swap3A_133 = arith.constant 80 : index
      %swap3A_134 = tpu.vector_load %arg10[%swap3A_132, %swap3A_133] {strides = array<i32>} : memref<64x128xf32, #tpu.memory_space<vmem>>, vector<1x16xf32>,
      %swap3A_135 = vector.shape_cast %swap3A_134 : vector<1x16xf32> to vector<16xf32>
      %swap3A_136 = vector.shape_cast %broadcast_in_dim3A_131 : vector<16xf32> to vector<1x16xf32>
      tpu.vector_store %arg10[%swap3A_132, %swap3A_133], %swap3A_136 {strides = array<i32>} : memref<64x128xf32, #tpu.memory_space<vmem>>, vector<1x16xf32>,
      %broadcast_in_dim3A_137 = arith.constant 0.000000e+00 : f32
      %broadcast_in_dim3A_138 = vector.broadcast %broadcast_in_dim3A_137 : f32 to vector<16xf32>
      %swap3A_139 = arith.index_cast %scan3A_96 : i32 to index
      %swap3A_140 = arith.constant 96 : index
      %swap3A_141 = tpu.vector_load %arg10[%swap3A_139, %swap3A_140] {strides = array<i32>} : memref<64x128xf32, #tpu.memory_space<vmem>>, vector<1x16xf32>,
      %swap3A_142 = vector.shape_cast %swap3A_141 : vector<1x16xf32> to vector<16xf32>
      %swap3A_143 = vector.shape_cast %broadcast_in_dim3A_138 : vector<16xf32> to vector<1x16xf32>
      tpu.vector_store %arg10[%swap3A_139, %swap3A_140], %swap3A_143 {strides = array<i32>} : memref<64x128xf32, #tpu.memory_space<vmem>>, vector<1x16xf32>,
      %broadcast_in_dim3A_144 = arith.constant 0.000000e+00 : f32
      %broadcast_in_dim3A_145 = vector.broadcast %broadcast_in_dim3A_144 : f32 to vector<16xf32>
      %swap3A_146 = arith.index_cast %scan3A_96 : i32 to index
      %swap3A_147 = arith.constant 112 : index
      %swap3A_148 = tpu.vector_load %arg10[%swap3A_146, %swap3A_147] {strides = array<i32>} : memref<64x128xf32, #tpu.memory_space<vmem>>, vector<1x16xf32>,
      %swap3A_149 = vector.shape_cast %swap3A_148 : vector<1x16xf32> to vector<16xf32>
      %swap3A_150 = vector.shape_cast %broadcast_in_dim3A_145 : vector<16xf32> to vector<1x16xf32>
      tpu.vector_store %arg10[%swap3A_146, %swap3A_147], %swap3A_150 {strides = array<i32>} : memref<64x128xf32, #tpu.memory_space<vmem>>, vector<1x16xf32>,
    }
    %scan3A_7 = arith.constant 64 : i32
    %mul3A_8 = arith.constant 640 : i32
    %mul3A_9 = arith.muli %arg1, %mul3A_8 : i32
    %add3A_10 = arith.constant 0 : i32
    %add3A_11 = arith.addi %mul3A_9, %add3A_10 : i32
    "tpu.region"() ({
      %run_scoped3A_96 = tpu.sem_alloc : memref<!tpu.dma_semaphore, #tpu.memory_space<semaphore_mem>>
      %dma_start3A_97 = arith.constant 0 : i32
      %dma_start3A_98 = tpu.memref_slice %arg5[%add3A_11, %dma_start3A_97] : memref<10240x128xf32, #tpu.memory_space<vmem_shared>> -> memref<64x128xf32, #tpu.memory_space<vmem_shared>>
      %dma_start3A_99 = arith.constant 0 : i32
      %dma_start3A_100 = tpu.memref_slice %arg5[%add3A_11, %dma_start3A_99] : memref<10240x128xf32, #tpu.memory_space<vmem_shared>> -> memref<64x128xf32, #tpu.memory_space<vmem_shared>>
      tpu.enqueue_dma source(%arg10 : memref<64x128xf32, #tpu.memory_space<vmem>>) target(%dma_start3A_100 : memref<64x128xf32, #tpu.memory_space<vmem_shared>>) target_semaphore(%run_scoped3A_96 : memref<!tpu.dma_semaphore, #tpu.memory_space<semaphore_mem>>)
      %dma_wait3A_101 = arith.constant 0 : i32
      %dma_wait3A_102 = tpu.memref_slice %arg5[%add3A_11, %dma_wait3A_101] : memref<10240x128xf32, #tpu.memory_space<vmem_shared>> -> memref<64x128xf32, #tpu.memory_space<vmem_shared>>
      %dma_wait3A_103 = arith.constant 0 : i32
      %dma_wait3A_104 = tpu.memref_slice %arg5[%add3A_11, %dma_wait3A_103] : memref<10240x128xf32, #tpu.memory_space<vmem_shared>> -> memref<64x128xf32, #tpu.memory_space<vmem_shared>>
      tpu.wait_dma2 semaphore(%run_scoped3A_96 : memref<!tpu.dma_semaphore, #tpu.memory_space<semaphore_mem>>) src(%arg10 : memref<64x128xf32, #tpu.memory_space<vmem>>) dst(%dma_wait3A_104 : memref<64x128xf32, #tpu.memory_space<vmem_shared>>)
      tpu.yield
    }) : () -> ()
    %mul3A_12 = arith.constant 640 : i32
    %mul3A_13 = arith.muli %arg1, %mul3A_12 : i32
    %add3A_14 = arith.constant 64 : i32
    %add3A_15 = arith.addi %mul3A_13, %add3A_14 : i32
    "tpu.region"() ({
      %run_scoped3A_96 = tpu.sem_alloc : memref<!tpu.dma_semaphore, #tpu.memory_space<semaphore_mem>>
      %dma_start3A_97 = arith.constant 0 : i32
      %dma_start3A_98 = tpu.memref_slice %arg5[%add3A_15, %dma_start3A_97] : memref<10240x128xf32, #tpu.memory_space<vmem_shared>> -> memref<64x128xf32, #tpu.memory_space<vmem_shared>>
      %dma_start3A_99 = arith.constant 0 : i32
      %dma_start3A_100 = tpu.memref_slice %arg5[%add3A_15, %dma_start3A_99] : memref<10240x128xf32, #tpu.memory_space<vmem_shared>> -> memref<64x128xf32, #tpu.memory_space<vmem_shared>>
      tpu.enqueue_dma source(%arg10 : memref<64x128xf32, #tpu.memory_space<vmem>>) target(%dma_start3A_100 : memref<64x128xf32, #tpu.memory_space<vmem_shared>>) target_semaphore(%run_scoped3A_96 : memref<!tpu.dma_semaphore, #tpu.memory_space<semaphore_mem>>)
      %dma_wait3A_101 = arith.constant 0 : i32
      %dma_wait3A_102 = tpu.memref_slice %arg5[%add3A_15, %dma_wait3A_101] : memref<10240x128xf32, #tpu.memory_space<vmem_shared>> -> memref<64x128xf32, #tpu.memory_space<vmem_shared>>
      %dma_wait3A_103 = arith.constant 0 : i32
      %dma_wait3A_104 = tpu.memref_slice %arg5[%add3A_15, %dma_wait3A_103] : memref<10240x128xf32, #tpu.memory_space<vmem_shared>> -> memref<64x128xf32, #tpu.memory_space<vmem_shared>>
      tpu.wait_dma2 semaphore(%run_scoped3A_96 : memref<!tpu.dma_semaphore, #tpu.memory_space<semaphore_mem>>) src(%arg10 : memref<64x128xf32, #tpu.memory_space<vmem>>) dst(%dma_wait3A_104 : memref<64x128xf32, #tpu.memory_space<vmem_shared>>)
      tpu.yield
    }) : () -> ()
    %mul3A_16 = arith.constant 640 : i32
    %mul3A_17 = arith.muli %arg1, %mul3A_16 : i32
    %add3A_18 = arith.constant 128 : i32
    %add3A_19 = arith.addi %mul3A_17, %add3A_18 : i32
    "tpu.region"() ({
      %run_scoped3A_96 = tpu.sem_alloc : memref<!tpu.dma_semaphore, #tpu.memory_space<semaphore_mem>>
      %dma_start3A_97 = arith.constant 0 : i32
      %dma_start3A_98 = tpu.memref_slice %arg5[%add3A_19, %dma_start3A_97] : memref<10240x128xf32, #tpu.memory_space<vmem_shared>> -> memref<64x128xf32, #tpu.memory_space<vmem_shared>>
      %dma_start3A_99 = arith.constant 0 : i32
      %dma_start3A_100 = tpu.memref_slice %arg5[%add3A_19, %dma_start3A_99] : memref<10240x128xf32, #tpu.memory_space<vmem_shared>> -> memref<64x128xf32, #tpu.memory_space<vmem_shared>>
      tpu.enqueue_dma source(%arg10 : memref<64x128xf32, #tpu.memory_space<vmem>>) target(%dma_start3A_100 : memref<64x128xf32, #tpu.memory_space<vmem_shared>>) target_semaphore(%run_scoped3A_96 : memref<!tpu.dma_semaphore, #tpu.memory_space<semaphore_mem>>)
      %dma_wait3A_101 = arith.constant 0 : i32
      %dma_wait3A_102 = tpu.memref_slice %arg5[%add3A_19, %dma_wait3A_101] : memref<10240x128xf32, #tpu.memory_space<vmem_shared>> -> memref<64x128xf32, #tpu.memory_space<vmem_shared>>
      %dma_wait3A_103 = arith.constant 0 : i32
      %dma_wait3A_104 = tpu.memref_slice %arg5[%add3A_19, %dma_wait3A_103] : memref<10240x128xf32, #tpu.memory_space<vmem_shared>> -> memref<64x128xf32, #tpu.memory_space<vmem_shared>>
      tpu.wait_dma2 semaphore(%run_scoped3A_96 : memref<!tpu.dma_semaphore, #tpu.memory_space<semaphore_mem>>) src(%arg10 : memref<64x128xf32, #tpu.memory_space<vmem>>) dst(%dma_wait3A_104 : memref<64x128xf32, #tpu.memory_space<vmem_shared>>)
      tpu.yield
    }) : () -> ()
    %mul3A_20 = arith.constant 640 : i32
    %mul3A_21 = arith.muli %arg1, %mul3A_20 : i32
    %add3A_22 = arith.constant 192 : i32
    %add3A_23 = arith.addi %mul3A_21, %add3A_22 : i32
    "tpu.region"() ({
      %run_scoped3A_96 = tpu.sem_alloc : memref<!tpu.dma_semaphore, #tpu.memory_space<semaphore_mem>>
      %dma_start3A_97 = arith.constant 0 : i32
      %dma_start3A_98 = tpu.memref_slice %arg5[%add3A_23, %dma_start3A_97] : memref<10240x128xf32, #tpu.memory_space<vmem_shared>> -> memref<64x128xf32, #tpu.memory_space<vmem_shared>>
      %dma_start3A_99 = arith.constant 0 : i32
      %dma_start3A_100 = tpu.memref_slice %arg5[%add3A_23, %dma_start3A_99] : memref<10240x128xf32, #tpu.memory_space<vmem_shared>> -> memref<64x128xf32, #tpu.memory_space<vmem_shared>>
      tpu.enqueue_dma source(%arg10 : memref<64x128xf32, #tpu.memory_space<vmem>>) target(%dma_start3A_100 : memref<64x128xf32, #tpu.memory_space<vmem_shared>>) target_semaphore(%run_scoped3A_96 : memref<!tpu.dma_semaphore, #tpu.memory_space<semaphore_mem>>)
      %dma_wait3A_101 = arith.constant 0 : i32
      %dma_wait3A_102 = tpu.memref_slice %arg5[%add3A_23, %dma_wait3A_101] : memref<10240x128xf32, #tpu.memory_space<vmem_shared>> -> memref<64x128xf32, #tpu.memory_space<vmem_shared>>
      %dma_wait3A_103 = arith.constant 0 : i32
      %dma_wait3A_104 = tpu.memref_slice %arg5[%add3A_23, %dma_wait3A_103] : memref<10240x128xf32, #tpu.memory_space<vmem_shared>> -> memref<64x128xf32, #tpu.memory_space<vmem_shared>>
      tpu.wait_dma2 semaphore(%run_scoped3A_96 : memref<!tpu.dma_semaphore, #tpu.memory_space<semaphore_mem>>) src(%arg10 : memref<64x128xf32, #tpu.memory_space<vmem>>) dst(%dma_wait3A_104 : memref<64x128xf32, #tpu.memory_space<vmem_shared>>)
      tpu.yield
    }) : () -> ()
    %mul3A_24 = arith.constant 640 : i32
    %mul3A_25 = arith.muli %arg1, %mul3A_24 : i32
    %add3A_26 = arith.constant 256 : i32
    %add3A_27 = arith.addi %mul3A_25, %add3A_26 : i32
    "tpu.region"() ({
      %run_scoped3A_96 = tpu.sem_alloc : memref<!tpu.dma_semaphore, #tpu.memory_space<semaphore_mem>>
      %dma_start3A_97 = arith.constant 0 : i32
      %dma_start3A_98 = tpu.memref_slice %arg5[%add3A_27, %dma_start3A_97] : memref<10240x128xf32, #tpu.memory_space<vmem_shared>> -> memref<64x128xf32, #tpu.memory_space<vmem_shared>>
      %dma_start3A_99 = arith.constant 0 : i32
      %dma_start3A_100 = tpu.memref_slice %arg5[%add3A_27, %dma_start3A_99] : memref<10240x128xf32, #tpu.memory_space<vmem_shared>> -> memref<64x128xf32, #tpu.memory_space<vmem_shared>>
      tpu.enqueue_dma source(%arg10 : memref<64x128xf32, #tpu.memory_space<vmem>>) target(%dma_start3A_100 : memref<64x128xf32, #tpu.memory_space<vmem_shared>>) target_semaphore(%run_scoped3A_96 : memref<!tpu.dma_semaphore, #tpu.memory_space<semaphore_mem>>)
      %dma_wait3A_101 = arith.constant 0 : i32
      %dma_wait3A_102 = tpu.memref_slice %arg5[%add3A_27, %dma_wait3A_101] : memref<10240x128xf32, #tpu.memory_space<vmem_shared>> -> memref<64x128xf32, #tpu.memory_space<vmem_shared>>
      %dma_wait3A_103 = arith.constant 0 : i32
      %dma_wait3A_104 = tpu.memref_slice %arg5[%add3A_27, %dma_wait3A_103] : memref<10240x128xf32, #tpu.memory_space<vmem_shared>> -> memref<64x128xf32, #tpu.memory_space<vmem_shared>>
      tpu.wait_dma2 semaphore(%run_scoped3A_96 : memref<!tpu.dma_semaphore, #tpu.memory_space<semaphore_mem>>) src(%arg10 : memref<64x128xf32, #tpu.memory_space<vmem>>) dst(%dma_wait3A_104 : memref<64x128xf32, #tpu.memory_space<vmem_shared>>)
      tpu.yield
    }) : () -> ()
    %mul3A_28 = arith.constant 640 : i32
    %mul3A_29 = arith.muli %arg1, %mul3A_28 : i32
    %add3A_30 = arith.constant 320 : i32
    %add3A_31 = arith.addi %mul3A_29, %add3A_30 : i32
    "tpu.region"() ({
      %run_scoped3A_96 = tpu.sem_alloc : memref<!tpu.dma_semaphore, #tpu.memory_space<semaphore_mem>>
      %dma_start3A_97 = arith.constant 0 : i32
      %dma_start3A_98 = tpu.memref_slice %arg5[%add3A_31, %dma_start3A_97] : memref<10240x128xf32, #tpu.memory_space<vmem_shared>> -> memref<64x128xf32, #tpu.memory_space<vmem_shared>>
      %dma_start3A_99 = arith.constant 0 : i32
      %dma_start3A_100 = tpu.memref_slice %arg5[%add3A_31, %dma_start3A_99] : memref<10240x128xf32, #tpu.memory_space<vmem_shared>> -> memref<64x128xf32, #tpu.memory_space<vmem_shared>>
      tpu.enqueue_dma source(%arg10 : memref<64x128xf32, #tpu.memory_space<vmem>>) target(%dma_start3A_100 : memref<64x128xf32, #tpu.memory_space<vmem_shared>>) target_semaphore(%run_scoped3A_96 : memref<!tpu.dma_semaphore, #tpu.memory_space<semaphore_mem>>)
      %dma_wait3A_101 = arith.constant 0 : i32
      %dma_wait3A_102 = tpu.memref_slice %arg5[%add3A_31, %dma_wait3A_101] : memref<10240x128xf32, #tpu.memory_space<vmem_shared>> -> memref<64x128xf32, #tpu.memory_space<vmem_shared>>
      %dma_wait3A_103 = arith.constant 0 : i32
      %dma_wait3A_104 = tpu.memref_slice %arg5[%add3A_31, %dma_wait3A_103] : memref<10240x128xf32, #tpu.memory_space<vmem_shared>> -> memref<64x128xf32, #tpu.memory_space<vmem_shared>>
      tpu.wait_dma2 semaphore(%run_scoped3A_96 : memref<!tpu.dma_semaphore, #tpu.memory_space<semaphore_mem>>) src(%arg10 : memref<64x128xf32, #tpu.memory_space<vmem>>) dst(%dma_wait3A_104 : memref<64x128xf32, #tpu.memory_space<vmem_shared>>)
      tpu.yield
    }) : () -> ()
    %mul3A_32 = arith.constant 640 : i32
    %mul3A_33 = arith.muli %arg1, %mul3A_32 : i32
    %add3A_34 = arith.constant 384 : i32
    %add3A_35 = arith.addi %mul3A_33, %add3A_34 : i32
    "tpu.region"() ({
      %run_scoped3A_96 = tpu.sem_alloc : memref<!tpu.dma_semaphore, #tpu.memory_space<semaphore_mem>>
      %dma_start3A_97 = arith.constant 0 : i32
      %dma_start3A_98 = tpu.memref_slice %arg5[%add3A_35, %dma_start3A_97] : memref<10240x128xf32, #tpu.memory_space<vmem_shared>> -> memref<64x128xf32, #tpu.memory_space<vmem_shared>>
      %dma_start3A_99 = arith.constant 0 : i32
      %dma_start3A_100 = tpu.memref_slice %arg5[%add3A_35, %dma_start3A_99] : memref<10240x128xf32, #tpu.memory_space<vmem_shared>> -> memref<64x128xf32, #tpu.memory_space<vmem_shared>>
      tpu.enqueue_dma source(%arg10 : memref<64x128xf32, #tpu.memory_space<vmem>>) target(%dma_start3A_100 : memref<64x128xf32, #tpu.memory_space<vmem_shared>>) target_semaphore(%run_scoped3A_96 : memref<!tpu.dma_semaphore, #tpu.memory_space<semaphore_mem>>)
      %dma_wait3A_101 = arith.constant 0 : i32
      %dma_wait3A_102 = tpu.memref_slice %arg5[%add3A_35, %dma_wait3A_101] : memref<10240x128xf32, #tpu.memory_space<vmem_shared>> -> memref<64x128xf32, #tpu.memory_space<vmem_shared>>
      %dma_wait3A_103 = arith.constant 0 : i32
      %dma_wait3A_104 = tpu.memref_slice %arg5[%add3A_35, %dma_wait3A_103] : memref<10240x128xf32, #tpu.memory_space<vmem_shared>> -> memref<64x128xf32, #tpu.memory_space<vmem_shared>>
      tpu.wait_dma2 semaphore(%run_scoped3A_96 : memref<!tpu.dma_semaphore, #tpu.memory_space<semaphore_mem>>) src(%arg10 : memref<64x128xf32, #tpu.memory_space<vmem>>) dst(%dma_wait3A_104 : memref<64x128xf32, #tpu.memory_space<vmem_shared>>)
      tpu.yield
    }) : () -> ()
    %mul3A_36 = arith.constant 640 : i32
    %mul3A_37 = arith.muli %arg1, %mul3A_36 : i32
    %add3A_38 = arith.constant 448 : i32
    %add3A_39 = arith.addi %mul3A_37, %add3A_38 : i32
    "tpu.region"() ({
      %run_scoped3A_96 = tpu.sem_alloc : memref<!tpu.dma_semaphore, #tpu.memory_space<semaphore_mem>>
      %dma_start3A_97 = arith.constant 0 : i32
      %dma_start3A_98 = tpu.memref_slice %arg5[%add3A_39, %dma_start3A_97] : memref<10240x128xf32, #tpu.memory_space<vmem_shared>> -> memref<64x128xf32, #tpu.memory_space<vmem_shared>>
      %dma_start3A_99 = arith.constant 0 : i32
      %dma_start3A_100 = tpu.memref_slice %arg5[%add3A_39, %dma_start3A_99] : memref<10240x128xf32, #tpu.memory_space<vmem_shared>> -> memref<64x128xf32, #tpu.memory_space<vmem_shared>>
      tpu.enqueue_dma source(%arg10 : memref<64x128xf32, #tpu.memory_space<vmem>>) target(%dma_start3A_100 : memref<64x128xf32, #tpu.memory_space<vmem_shared>>) target_semaphore(%run_scoped3A_96 : memref<!tpu.dma_semaphore, #tpu.memory_space<semaphore_mem>>)
      %dma_wait3A_101 = arith.constant 0 : i32
      %dma_wait3A_102 = tpu.memref_slice %arg5[%add3A_39, %dma_wait3A_101] : memref<10240x128xf32, #tpu.memory_space<vmem_shared>> -> memref<64x128xf32, #tpu.memory_space<vmem_shared>>
      %dma_wait3A_103 = arith.constant 0 : i32
      %dma_wait3A_104 = tpu.memref_slice %arg5[%add3A_39, %dma_wait3A_103] : memref<10240x128xf32, #tpu.memory_space<vmem_shared>> -> memref<64x128xf32, #tpu.memory_space<vmem_shared>>
      tpu.wait_dma2 semaphore(%run_scoped3A_96 : memref<!tpu.dma_semaphore, #tpu.memory_space<semaphore_mem>>) src(%arg10 : memref<64x128xf32, #tpu.memory_space<vmem>>) dst(%dma_wait3A_104 : memref<64x128xf32, #tpu.memory_space<vmem_shared>>)
      tpu.yield
    }) : () -> ()
    %mul3A_40 = arith.constant 640 : i32
    %mul3A_41 = arith.muli %arg1, %mul3A_40 : i32
    %add3A_42 = arith.constant 512 : i32
    %add3A_43 = arith.addi %mul3A_41, %add3A_42 : i32
    "tpu.region"() ({
      %run_scoped3A_96 = tpu.sem_alloc : memref<!tpu.dma_semaphore, #tpu.memory_space<semaphore_mem>>
      %dma_start3A_97 = arith.constant 0 : i32
      %dma_start3A_98 = tpu.memref_slice %arg5[%add3A_43, %dma_start3A_97] : memref<10240x128xf32, #tpu.memory_space<vmem_shared>> -> memref<64x128xf32, #tpu.memory_space<vmem_shared>>
      %dma_start3A_99 = arith.constant 0 : i32
      %dma_start3A_100 = tpu.memref_slice %arg5[%add3A_43, %dma_start3A_99] : memref<10240x128xf32, #tpu.memory_space<vmem_shared>> -> memref<64x128xf32, #tpu.memory_space<vmem_shared>>
      tpu.enqueue_dma source(%arg10 : memref<64x128xf32, #tpu.memory_space<vmem>>) target(%dma_start3A_100 : memref<64x128xf32, #tpu.memory_space<vmem_shared>>) target_semaphore(%run_scoped3A_96 : memref<!tpu.dma_semaphore, #tpu.memory_space<semaphore_mem>>)
      %dma_wait3A_101 = arith.constant 0 : i32
      %dma_wait3A_102 = tpu.memref_slice %arg5[%add3A_43, %dma_wait3A_101] : memref<10240x128xf32, #tpu.memory_space<vmem_shared>> -> memref<64x128xf32, #tpu.memory_space<vmem_shared>>
      %dma_wait3A_103 = arith.constant 0 : i32
      %dma_wait3A_104 = tpu.memref_slice %arg5[%add3A_43, %dma_wait3A_103] : memref<10240x128xf32, #tpu.memory_space<vmem_shared>> -> memref<64x128xf32, #tpu.memory_space<vmem_shared>>
      tpu.wait_dma2 semaphore(%run_scoped3A_96 : memref<!tpu.dma_semaphore, #tpu.memory_space<semaphore_mem>>) src(%arg10 : memref<64x128xf32, #tpu.memory_space<vmem>>) dst(%dma_wait3A_104 : memref<64x128xf32, #tpu.memory_space<vmem_shared>>)
      tpu.yield
    }) : () -> ()
    %mul3A_44 = arith.constant 640 : i32
    %mul3A_45 = arith.muli %arg1, %mul3A_44 : i32
    %add3A_46 = arith.constant 576 : i32
    %add3A_47 = arith.addi %mul3A_45, %add3A_46 : i32
    "tpu.region"() ({
      %run_scoped3A_96 = tpu.sem_alloc : memref<!tpu.dma_semaphore, #tpu.memory_space<semaphore_mem>>
      %dma_start3A_97 = arith.constant 0 : i32
      %dma_start3A_98 = tpu.memref_slice %arg5[%add3A_47, %dma_start3A_97] : memref<10240x128xf32, #tpu.memory_space<vmem_shared>> -> memref<64x128xf32, #tpu.memory_space<vmem_shared>>
      %dma_start3A_99 = arith.constant 0 : i32
      %dma_start3A_100 = tpu.memref_slice %arg5[%add3A_47, %dma_start3A_99] : memref<10240x128xf32, #tpu.memory_space<vmem_shared>> -> memref<64x128xf32, #tpu.memory_space<vmem_shared>>
      tpu.enqueue_dma source(%arg10 : memref<64x128xf32, #tpu.memory_space<vmem>>) target(%dma_start3A_100 : memref<64x128xf32, #tpu.memory_space<vmem_shared>>) target_semaphore(%run_scoped3A_96 : memref<!tpu.dma_semaphore, #tpu.memory_space<semaphore_mem>>)
      %dma_wait3A_101 = arith.constant 0 : i32
      %dma_wait3A_102 = tpu.memref_slice %arg5[%add3A_47, %dma_wait3A_101] : memref<10240x128xf32, #tpu.memory_space<vmem_shared>> -> memref<64x128xf32, #tpu.memory_space<vmem_shared>>
      %dma_wait3A_103 = arith.constant 0 : i32
      %dma_wait3A_104 = tpu.memref_slice %arg5[%add3A_47, %dma_wait3A_103] : memref<10240x128xf32, #tpu.memory_space<vmem_shared>> -> memref<64x128xf32, #tpu.memory_space<vmem_shared>>
      tpu.wait_dma2 semaphore(%run_scoped3A_96 : memref<!tpu.dma_semaphore, #tpu.memory_space<semaphore_mem>>) src(%arg10 : memref<64x128xf32, #tpu.memory_space<vmem>>) dst(%dma_wait3A_104 : memref<64x128xf32, #tpu.memory_space<vmem_shared>>)
      tpu.yield
    }) : () -> ()
    %barrier3A = arith.constant 0 : index
    tpu.barrier barrier_id(%barrier3A)
    "tpu.region"() ({
      %run_scoped3A_96 = tpu.sem_alloc : memref<!tpu.dma_semaphore, #tpu.memory_space<semaphore_mem>>
      %dma_start3A_97 = arith.constant 0 : i32
      %dma_start3A_98 = tpu.memref_slice %arg3[%dma_start3A_97, %mul3A_2] : memref<2x327680xi32, #tpu.memory_space<hbm>> -> memref<2x128xi32, #tpu.memory_space<hbm>>
      %dma_start3A_99 = arith.constant 0 : i32
      %dma_start3A_100 = tpu.memref_slice %arg3[%dma_start3A_99, %mul3A_2] : memref<2x327680xi32, #tpu.memory_space<hbm>> -> memref<2x128xi32, #tpu.memory_space<hbm>>
      tpu.enqueue_dma source(%dma_start3A_100 : memref<2x128xi32, #tpu.memory_space<hbm>>) target(%arg6 : memref<2x128xi32, #tpu.memory_space<vmem>>) target_semaphore(%run_scoped3A_96 : memref<!tpu.dma_semaphore, #tpu.memory_space<semaphore_mem>>)
      %dma_wait3A_101 = arith.constant 0 : i32
      %dma_wait3A_102 = tpu.memref_slice %arg3[%dma_wait3A_101, %mul3A_2] : memref<2x327680xi32, #tpu.memory_space<hbm>> -> memref<2x128xi32, #tpu.memory_space<hbm>>
      %dma_wait3A_103 = arith.constant 0 : i32
      %dma_wait3A_104 = tpu.memref_slice %arg3[%dma_wait3A_103, %mul3A_2] : memref<2x327680xi32, #tpu.memory_space<hbm>> -> memref<2x128xi32, #tpu.memory_space<hbm>>
      tpu.wait_dma2 semaphore(%run_scoped3A_96 : memref<!tpu.dma_semaphore, #tpu.memory_space<semaphore_mem>>) src(%dma_wait3A_104 : memref<2x128xi32, #tpu.memory_space<hbm>>) dst(%arg6 : memref<2x128xi32, #tpu.memory_space<vmem>>)
      tpu.yield
    }) : () -> ()
    %dma_start3A = arith.constant 0 : i32
    %dma_start3A_48 = arith.constant 0 : i32
    %dma_start3A_49 = tpu.memref_slice %arg6[%dma_start3A, %dma_start3A_48] : memref<2x128xi32, #tpu.memory_space<vmem>> -> memref<1x128xi32, #tpu.memory_space<vmem>>
    %dma_start3A_50 = tpu.memref_squeeze %dma_start3A_49 : memref<1x128xi32, #tpu.memory_space<vmem>> -> memref<128xi32, #tpu.memory_space<vmem>>
    %dma_start3A_51 = arith.constant 0 : i32
    %dma_start3A_52 = arith.constant 0 : i32
    %dma_start3A_53 = tpu.memref_slice %arg2[%dma_start3A_51, %dma_start3A_52] : memref<10000x128xf32, #tpu.memory_space<hbm>> -> memref<10000x128xf32, #tpu.memory_space<hbm>>
    tpu.enqueue_indirect_dma source(%dma_start3A_53 : memref<10000x128xf32, #tpu.memory_space<hbm>>) target(%arg8 : memref<128x128xf32, #tpu.memory_space<vmem>>) offsets(%dma_start3A_50 : memref<128xi32, #tpu.memory_space<vmem>>) semaphore(%arg11 : memref<!tpu.dma_semaphore, #tpu.memory_space<semaphore_mem>>)
    %add3A_54 = arith.constant 128 : i32
    %add3A_55 = arith.addi %mul3A_2, %add3A_54 : i32
    %dma_start3A_56 = arith.constant 0 : i32
    %dma_start3A_57 = tpu.memref_slice %arg3[%dma_start3A_56, %add3A_55] : memref<2x327680xi32, #tpu.memory_space<hbm>> -> memref<2x128xi32, #tpu.memory_space<hbm>>
    %dma_start3A_58 = arith.constant 0 : i32
    %dma_start3A_59 = tpu.memref_slice %arg3[%dma_start3A_58, %add3A_55] : memref<2x327680xi32, #tpu.memory_space<hbm>> -> memref<2x128xi32, #tpu.memory_space<hbm>>
    tpu.enqueue_dma source(%dma_start3A_59 : memref<2x128xi32, #tpu.memory_space<hbm>>) target(%arg7 : memref<2x128xi32, #tpu.memory_space<vmem>>) target_semaphore(%arg14 : memref<!tpu.dma_semaphore, #tpu.memory_space<semaphore_mem>>)
    %scan3A_60 = arith.constant 0 : i32
    %scan3A_61 = arith.constant 0 : i32
    %scan3A_62 = arith.constant 39 : i32
    %scan3A_63 = arith.addi %scan3A_61, %scan3A_62 : i32
    %scan3A_64 = arith.constant 1 : i32
    scf.for %scan3A_96 = %scan3A_61 to %scan3A_63 step %scan3A_64  : i32 {
      %mul3A_97 = arith.constant 2 : i32
      %mul3A_98 = arith.muli %mul3A_97, %scan3A_96 : i32
      %dma_wait3A_99 = arith.constant 0 : i32
      %dma_wait3A_100 = arith.constant 0 : i32
      %dma_wait3A_101 = tpu.memref_slice %arg3[%dma_wait3A_99, %dma_wait3A_100] : memref<2x327680xi32, #tpu.memory_space<hbm>> -> memref<2x128xi32, #tpu.memory_space<hbm>>
      %dma_wait3A_102 = arith.constant 0 : i32
      %dma_wait3A_103 = arith.constant 0 : i32
      %dma_wait3A_104 = tpu.memref_slice %arg3[%dma_wait3A_102, %dma_wait3A_103] : memref<2x327680xi32, #tpu.memory_space<hbm>> -> memref<2x128xi32, #tpu.memory_space<hbm>>
      tpu.wait_dma2 semaphore(%arg14 : memref<!tpu.dma_semaphore, #tpu.memory_space<semaphore_mem>>) src(%dma_wait3A_104 : memref<2x128xi32, #tpu.memory_space<hbm>>) dst(%arg6 : memref<2x128xi32, #tpu.memory_space<vmem>>)
      %dma_wait3A_105 = arith.constant 0 : i32
      %dma_wait3A_106 = arith.constant 0 : i32
      %dma_wait3A_107 = tpu.memref_slice %arg2[%dma_wait3A_105, %dma_wait3A_106] : memref<10000x128xf32, #tpu.memory_space<hbm>> -> memref<128x128xf32, #tpu.memory_space<hbm>>
      %dma_wait3A_108 = arith.constant 0 : i32
      %dma_wait3A_109 = arith.constant 0 : i32
      %dma_wait3A_110 = tpu.memref_slice %arg2[%dma_wait3A_108, %dma_wait3A_109] : memref<10000x128xf32, #tpu.memory_space<hbm>> -> memref<128x128xf32, #tpu.memory_space<hbm>>
      tpu.wait_dma2 semaphore(%arg11 : memref<!tpu.dma_semaphore, #tpu.memory_space<semaphore_mem>>) src(%dma_wait3A_110 : memref<128x128xf32, #tpu.memory_space<hbm>>) dst(%arg8 : memref<128x128xf32, #tpu.memory_space<vmem>>)
      %dma_start3A_111 = arith.constant 0 : i32
      %dma_start3A_112 = arith.constant 0 : i32
      %dma_start3A_113 = tpu.memref_slice %arg7[%dma_start3A_111, %dma_start3A_112] : memref<2x128xi32, #tpu.memory_space<vmem>> -> memref<1x128xi32, #tpu.memory_space<vmem>>
      %dma_start3A_114 = tpu.memref_squeeze %dma_start3A_113 : memref<1x128xi32, #tpu.memory_space<vmem>> -> memref<128xi32, #tpu.memory_space<vmem>>
      %dma_start3A_115 = arith.constant 0 : i32
      %dma_start3A_116 = arith.constant 0 : i32
      %dma_start3A_117 = tpu.memref_slice %arg2[%dma_start3A_115, %dma_start3A_116] : memref<10000x128xf32, #tpu.memory_space<hbm>> -> memref<10000x128xf32, #tpu.memory_space<hbm>>
      tpu.enqueue_indirect_dma source(%dma_start3A_117 : memref<10000x128xf32, #tpu.memory_space<hbm>>) target(%arg9 : memref<128x128xf32, #tpu.memory_space<vmem>>) offsets(%dma_start3A_114 : memref<128xi32, #tpu.memory_space<vmem>>) semaphore(%arg12 : memref<!tpu.dma_semaphore, #tpu.memory_space<semaphore_mem>>)
      %run_scoped3A_118 = arith.constant 1 : i32
      "tpu.region"() ({
        %run_scoped3A_157 = tpu.sem_alloc : memref<!tpu.dma_semaphore, #tpu.memory_space<semaphore_mem>>
        %dma_start3A_158 = arith.constant 0 : i32
        %dma_start3A_159 = tpu.memref_slice %arg6[%run_scoped3A_118, %dma_start3A_158] : memref<2x128xi32, #tpu.memory_space<vmem>> -> memref<1x128xi32, #tpu.memory_space<vmem>>
        %dma_start3A_160 = tpu.memref_squeeze %dma_start3A_159 : memref<1x128xi32, #tpu.memory_space<vmem>> -> memref<128xi32, #tpu.memory_space<vmem>>
        %dma_start3A_161 = arith.constant 0 : i32
        %dma_start3A_162 = arith.constant 0 : i32
        %dma_start3A_163 = tpu.memref_slice %arg5[%dma_start3A_161, %dma_start3A_162] : memref<10240x128xf32, #tpu.memory_space<vmem_shared>> -> memref<10240x128xf32, #tpu.memory_space<vmem_shared>>
        tpu.enqueue_indirect_dma source(%arg8 : memref<128x128xf32, #tpu.memory_space<vmem>>) target(%dma_start3A_163 : memref<10240x128xf32, #tpu.memory_space<vmem_shared>>) offsets(%dma_start3A_160 : memref<128xi32, #tpu.memory_space<vmem>>) semaphore(%run_scoped3A_157 : memref<!tpu.dma_semaphore, #tpu.memory_space<semaphore_mem>>) {add = true}
        %dma_wait3A_164 = arith.constant 0 : i32
        %dma_wait3A_165 = tpu.memref_slice %arg6[%run_scoped3A_118, %dma_wait3A_164] : memref<2x128xi32, #tpu.memory_space<vmem>> -> memref<1x128xi32, #tpu.memory_space<vmem>>
        %dma_wait3A_166 = tpu.memref_squeeze %dma_wait3A_165 : memref<1x128xi32, #tpu.memory_space<vmem>> -> memref<128xi32, #tpu.memory_space<vmem>>
        %dma_wait3A_167 = arith.constant 0 : i32
        %dma_wait3A_168 = arith.constant 0 : i32
        %dma_wait3A_169 = tpu.memref_slice %arg5[%dma_wait3A_167, %dma_wait3A_168] : memref<10240x128xf32, #tpu.memory_space<vmem_shared>> -> memref<10240x128xf32, #tpu.memory_space<vmem_shared>>
        tpu.wait_indirect_dma semaphore(%run_scoped3A_157 : memref<!tpu.dma_semaphore, #tpu.memory_space<semaphore_mem>>) src(%arg8 : memref<128x128xf32, #tpu.memory_space<vmem>>) dst(%dma_wait3A_169 : memref<10240x128xf32, #tpu.memory_space<vmem_shared>>)
        tpu.yield
      }) : () -> ()
      %add3A_119 = arith.constant 2 : i32
      %add3A_120 = arith.addi %mul3A_98, %add3A_119 : i32
      %mul3A_121 = arith.constant 128 : i32
      %mul3A_122 = arith.muli %add3A_120, %mul3A_121 : i32
      %add3A_123 = arith.addi %mul3A_2, %mul3A_122 : i32
      %dma_start3A_124 = arith.constant 0 : i32
      %dma_start3A_125 = tpu.memref_slice %arg3[%dma_start3A_124, %add3A_123] : memref<2x327680xi32, #tpu.memory_space<hbm>> -> memref<2x128xi32, #tpu.memory_space<hbm>>
      %dma_start3A_126 = arith.constant 0 : i32
      %dma_start3A_127 = tpu.memref_slice %arg3[%dma_start3A_126, %add3A_123] : memref<2x327680xi32, #tpu.memory_space<hbm>> -> memref<2x128xi32, #tpu.memory_space<hbm>>
      tpu.enqueue_dma source(%dma_start3A_127 : memref<2x128xi32, #tpu.memory_space<hbm>>) target(%arg6 : memref<2x128xi32, #tpu.memory_space<vmem>>) target_semaphore(%arg13 : memref<!tpu.dma_semaphore, #tpu.memory_space<semaphore_mem>>)
      %dma_wait3A_128 = arith.constant 0 : i32
      %dma_wait3A_129 = arith.constant 0 : i32
      %dma_wait3A_130 = tpu.memref_slice %arg3[%dma_wait3A_128, %dma_wait3A_129] : memref<2x327680xi32, #tpu.memory_space<hbm>> -> memref<2x128xi32, #tpu.memory_space<hbm>>
      %dma_wait3A_131 = arith.constant 0 : i32
      %dma_wait3A_132 = arith.constant 0 : i32
      %dma_wait3A_133 = tpu.memref_slice %arg3[%dma_wait3A_131, %dma_wait3A_132] : memref<2x327680xi32, #tpu.memory_space<hbm>> -> memref<2x128xi32, #tpu.memory_space<hbm>>
      tpu.wait_dma2 semaphore(%arg13 : memref<!tpu.dma_semaphore, #tpu.memory_space<semaphore_mem>>) src(%dma_wait3A_133 : memref<2x128xi32, #tpu.memory_space<hbm>>) dst(%arg6 : memref<2x128xi32, #tpu.memory_space<vmem>>)
      %dma_wait3A_134 = arith.constant 0 : i32
      %dma_wait3A_135 = arith.constant 0 : i32
      %dma_wait3A_136 = tpu.memref_slice %arg2[%dma_wait3A_134, %dma_wait3A_135] : memref<10000x128xf32, #tpu.memory_space<hbm>> -> memref<128x128xf32, #tpu.memory_space<hbm>>
      %dma_wait3A_137 = arith.constant 0 : i32
      %dma_wait3A_138 = arith.constant 0 : i32
      %dma_wait3A_139 = tpu.memref_slice %arg2[%dma_wait3A_137, %dma_wait3A_138] : memref<10000x128xf32, #tpu.memory_space<hbm>> -> memref<128x128xf32, #tpu.memory_space<hbm>>
      tpu.wait_dma2 semaphore(%arg12 : memref<!tpu.dma_semaphore, #tpu.memory_space<semaphore_mem>>) src(%dma_wait3A_139 : memref<128x128xf32, #tpu.memory_space<hbm>>) dst(%arg8 : memref<128x128xf32, #tpu.memory_space<vmem>>)
      %dma_start3A_140 = arith.constant 0 : i32
      %dma_start3A_141 = arith.constant 0 : i32
      %dma_start3A_142 = tpu.memref_slice %arg6[%dma_start3A_140, %dma_start3A_141] : memref<2x128xi32, #tpu.memory_space<vmem>> -> memref<1x128xi32, #tpu.memory_space<vmem>>
      %dma_start3A_143 = tpu.memref_squeeze %dma_start3A_142 : memref<1x128xi32, #tpu.memory_space<vmem>> -> memref<128xi32, #tpu.memory_space<vmem>>
      %dma_start3A_144 = arith.constant 0 : i32
      %dma_start3A_145 = arith.constant 0 : i32
      %dma_start3A_146 = tpu.memref_slice %arg2[%dma_start3A_144, %dma_start3A_145] : memref<10000x128xf32, #tpu.memory_space<hbm>> -> memref<10000x128xf32, #tpu.memory_space<hbm>>
      tpu.enqueue_indirect_dma source(%dma_start3A_146 : memref<10000x128xf32, #tpu.memory_space<hbm>>) target(%arg8 : memref<128x128xf32, #tpu.memory_space<vmem>>) offsets(%dma_start3A_143 : memref<128xi32, #tpu.memory_space<vmem>>) semaphore(%arg11 : memref<!tpu.dma_semaphore, #tpu.memory_space<semaphore_mem>>)
      %run_scoped3A_147 = arith.constant 1 : i32
      "tpu.region"() ({
        %run_scoped3A_157 = tpu.sem_alloc : memref<!tpu.dma_semaphore, #tpu.memory_space<semaphore_mem>>
        %dma_start3A_158 = arith.constant 0 : i32
        %dma_start3A_159 = tpu.memref_slice %arg7[%run_scoped3A_147, %dma_start3A_158] : memref<2x128xi32, #tpu.memory_space<vmem>> -> memref<1x128xi32, #tpu.memory_space<vmem>>
        %dma_start3A_160 = tpu.memref_squeeze %dma_start3A_159 : memref<1x128xi32, #tpu.memory_space<vmem>> -> memref<128xi32, #tpu.memory_space<vmem>>
        %dma_start3A_161 = arith.constant 0 : i32
        %dma_start3A_162 = arith.constant 0 : i32
        %dma_start3A_163 = tpu.memref_slice %arg5[%dma_start3A_161, %dma_start3A_162] : memref<10240x128xf32, #tpu.memory_space<vmem_shared>> -> memref<10240x128xf32, #tpu.memory_space<vmem_shared>>
        tpu.enqueue_indirect_dma source(%arg9 : memref<128x128xf32, #tpu.memory_space<vmem>>) target(%dma_start3A_163 : memref<10240x128xf32, #tpu.memory_space<vmem_shared>>) offsets(%dma_start3A_160 : memref<128xi32, #tpu.memory_space<vmem>>) semaphore(%run_scoped3A_157 : memref<!tpu.dma_semaphore, #tpu.memory_space<semaphore_mem>>) {add = true}
        %dma_wait3A_164 = arith.constant 0 : i32
        %dma_wait3A_165 = tpu.memref_slice %arg7[%run_scoped3A_147, %dma_wait3A_164] : memref<2x128xi32, #tpu.memory_space<vmem>> -> memref<1x128xi32, #tpu.memory_space<vmem>>
        %dma_wait3A_166 = tpu.memref_squeeze %dma_wait3A_165 : memref<1x128xi32, #tpu.memory_space<vmem>> -> memref<128xi32, #tpu.memory_space<vmem>>
        %dma_wait3A_167 = arith.constant 0 : i32
        %dma_wait3A_168 = arith.constant 0 : i32
        %dma_wait3A_169 = tpu.memref_slice %arg5[%dma_wait3A_167, %dma_wait3A_168] : memref<10240x128xf32, #tpu.memory_space<vmem_shared>> -> memref<10240x128xf32, #tpu.memory_space<vmem_shared>>
        tpu.wait_indirect_dma semaphore(%run_scoped3A_157 : memref<!tpu.dma_semaphore, #tpu.memory_space<semaphore_mem>>) src(%arg9 : memref<128x128xf32, #tpu.memory_space<vmem>>) dst(%dma_wait3A_169 : memref<10240x128xf32, #tpu.memory_space<vmem_shared>>)
        tpu.yield
      }) : () -> ()
      %add3A_148 = arith.constant 3 : i32
      %add3A_149 = arith.addi %mul3A_98, %add3A_148 : i32
      %mul3A_150 = arith.constant 128 : i32
      %mul3A_151 = arith.muli %add3A_149, %mul3A_150 : i32
      %add3A_152 = arith.addi %mul3A_2, %mul3A_151 : i32
      %dma_start3A_153 = arith.constant 0 : i32
      %dma_start3A_154 = tpu.memref_slice %arg3[%dma_start3A_153, %add3A_152] : memref<2x327680xi32, #tpu.memory_space<hbm>> -> memref<2x128xi32, #tpu.memory_space<hbm>>
      %dma_start3A_155 = arith.constant 0 : i32
      %dma_start3A_156 = tpu.memref_slice %arg3[%dma_start3A_155, %add3A_152] : memref<2x327680xi32, #tpu.memory_space<hbm>> -> memref<2x128xi32, #tpu.memory_space<hbm>>
      tpu.enqueue_dma source(%dma_start3A_156 : memref<2x128xi32, #tpu.memory_space<hbm>>) target(%arg7 : memref<2x128xi32, #tpu.memory_space<vmem>>) target_semaphore(%arg14 : memref<!tpu.dma_semaphore, #tpu.memory_space<semaphore_mem>>)
    }
    %scan3A_65 = arith.constant 39 : i32
    %dma_wait3A = arith.constant 0 : i32
    %dma_wait3A_66 = arith.constant 0 : i32
    %dma_wait3A_67 = tpu.memref_slice %arg3[%dma_wait3A, %dma_wait3A_66] : memref<2x327680xi32, #tpu.memory_space<hbm>> -> memref<2x128xi32, #tpu.memory_space<hbm>>
    %dma_wait3A_68 = arith.constant 0 : i32
    %dma_wait3A_69 = arith.constant 0 : i32
    %dma_wait3A_70 = tpu.memref_slice %arg3[%dma_wait3A_68, %dma_wait3A_69] : memref<2x327680xi32, #tpu.memory_space<hbm>> -> memref<2x128xi32, #tpu.memory_space<hbm>>
    tpu.wait_dma2 semaphore(%arg14 : memref<!tpu.dma_semaphore, #tpu.memory_space<semaphore_mem>>) src(%dma_wait3A_70 : memref<2x128xi32, #tpu.memory_space<hbm>>) dst(%arg6 : memref<2x128xi32, #tpu.memory_space<vmem>>)
    %dma_wait3A_71 = arith.constant 0 : i32
    %dma_wait3A_72 = arith.constant 0 : i32
    %dma_wait3A_73 = tpu.memref_slice %arg2[%dma_wait3A_71, %dma_wait3A_72] : memref<10000x128xf32, #tpu.memory_space<hbm>> -> memref<128x128xf32, #tpu.memory_space<hbm>>
    %dma_wait3A_74 = arith.constant 0 : i32
    %dma_wait3A_75 = arith.constant 0 : i32
    %dma_wait3A_76 = tpu.memref_slice %arg2[%dma_wait3A_74, %dma_wait3A_75] : memref<10000x128xf32, #tpu.memory_space<hbm>> -> memref<128x128xf32, #tpu.memory_space<hbm>>
    tpu.wait_dma2 semaphore(%arg11 : memref<!tpu.dma_semaphore, #tpu.memory_space<semaphore_mem>>) src(%dma_wait3A_76 : memref<128x128xf32, #tpu.memory_space<hbm>>) dst(%arg8 : memref<128x128xf32, #tpu.memory_space<vmem>>)
    %dma_start3A_77 = arith.constant 0 : i32
    %dma_start3A_78 = arith.constant 0 : i32
    %dma_start3A_79 = tpu.memref_slice %arg7[%dma_start3A_77, %dma_start3A_78] : memref<2x128xi32, #tpu.memory_space<vmem>> -> memref<1x128xi32, #tpu.memory_space<vmem>>
    %dma_start3A_80 = tpu.memref_squeeze %dma_start3A_79 : memref<1x128xi32, #tpu.memory_space<vmem>> -> memref<128xi32, #tpu.memory_space<vmem>>
    %dma_start3A_81 = arith.constant 0 : i32
    %dma_start3A_82 = arith.constant 0 : i32
    %dma_start3A_83 = tpu.memref_slice %arg2[%dma_start3A_81, %dma_start3A_82] : memref<10000x128xf32, #tpu.memory_space<hbm>> -> memref<10000x128xf32, #tpu.memory_space<hbm>>
    tpu.enqueue_indirect_dma source(%dma_start3A_83 : memref<10000x128xf32, #tpu.memory_space<hbm>>) target(%arg9 : memref<128x128xf32, #tpu.memory_space<vmem>>) offsets(%dma_start3A_80 : memref<128xi32, #tpu.memory_space<vmem>>) semaphore(%arg12 : memref<!tpu.dma_semaphore, #tpu.memory_space<semaphore_mem>>)
    %run_scoped3A = arith.constant 1 : i32
    "tpu.region"() ({
      %run_scoped3A_96 = tpu.sem_alloc : memref<!tpu.dma_semaphore, #tpu.memory_space<semaphore_mem>>
      %dma_start3A_97 = arith.constant 0 : i32
      %dma_start3A_98 = tpu.memref_slice %arg6[%run_scoped3A, %dma_start3A_97] : memref<2x128xi32, #tpu.memory_space<vmem>> -> memref<1x128xi32, #tpu.memory_space<vmem>>
      %dma_start3A_99 = tpu.memref_squeeze %dma_start3A_98 : memref<1x128xi32, #tpu.memory_space<vmem>> -> memref<128xi32, #tpu.memory_space<vmem>>
      %dma_start3A_100 = arith.constant 0 : i32
      %dma_start3A_101 = arith.constant 0 : i32
      %dma_start3A_102 = tpu.memref_slice %arg5[%dma_start3A_100, %dma_start3A_101] : memref<10240x128xf32, #tpu.memory_space<vmem_shared>> -> memref<10240x128xf32, #tpu.memory_space<vmem_shared>>
      tpu.enqueue_indirect_dma source(%arg8 : memref<128x128xf32, #tpu.memory_space<vmem>>) target(%dma_start3A_102 : memref<10240x128xf32, #tpu.memory_space<vmem_shared>>) offsets(%dma_start3A_99 : memref<128xi32, #tpu.memory_space<vmem>>) semaphore(%run_scoped3A_96 : memref<!tpu.dma_semaphore, #tpu.memory_space<semaphore_mem>>) {add = true}
      %dma_wait3A_103 = arith.constant 0 : i32
      %dma_wait3A_104 = tpu.memref_slice %arg6[%run_scoped3A, %dma_wait3A_103] : memref<2x128xi32, #tpu.memory_space<vmem>> -> memref<1x128xi32, #tpu.memory_space<vmem>>
      %dma_wait3A_105 = tpu.memref_squeeze %dma_wait3A_104 : memref<1x128xi32, #tpu.memory_space<vmem>> -> memref<128xi32, #tpu.memory_space<vmem>>
      %dma_wait3A_106 = arith.constant 0 : i32
      %dma_wait3A_107 = arith.constant 0 : i32
      %dma_wait3A_108 = tpu.memref_slice %arg5[%dma_wait3A_106, %dma_wait3A_107] : memref<10240x128xf32, #tpu.memory_space<vmem_shared>> -> memref<10240x128xf32, #tpu.memory_space<vmem_shared>>
      tpu.wait_indirect_dma semaphore(%run_scoped3A_96 : memref<!tpu.dma_semaphore, #tpu.memory_space<semaphore_mem>>) src(%arg8 : memref<128x128xf32, #tpu.memory_space<vmem>>) dst(%dma_wait3A_108 : memref<10240x128xf32, #tpu.memory_space<vmem_shared>>)
      tpu.yield
    }) : () -> ()
    %dma_wait3A_84 = arith.constant 0 : i32
    %dma_wait3A_85 = arith.constant 0 : i32
    %dma_wait3A_86 = tpu.memref_slice %arg2[%dma_wait3A_84, %dma_wait3A_85] : memref<10000x128xf32, #tpu.memory_space<hbm>> -> memref<128x128xf32, #tpu.memory_space<hbm>>
    %dma_wait3A_87 = arith.constant 0 : i32
    %dma_wait3A_88 = arith.constant 0 : i32
    %dma_wait3A_89 = tpu.memref_slice %arg2[%dma_wait3A_87, %dma_wait3A_88] : memref<10000x128xf32, #tpu.memory_space<hbm>> -> memref<128x128xf32, #tpu.memory_space<hbm>>
    tpu.wait_dma2 semaphore(%arg12 : memref<!tpu.dma_semaphore, #tpu.memory_space<semaphore_mem>>) src(%dma_wait3A_89 : memref<128x128xf32, #tpu.memory_space<hbm>>) dst(%arg8 : memref<128x128xf32, #tpu.memory_space<vmem>>)
    %run_scoped3A_90 = arith.constant 1 : i32
    "tpu.region"() ({
      %run_scoped3A_96 = tpu.sem_alloc : memref<!tpu.dma_semaphore, #tpu.memory_space<semaphore_mem>>
      %dma_start3A_97 = arith.constant 0 : i32
      %dma_start3A_98 = tpu.memref_slice %arg7[%run_scoped3A_90, %dma_start3A_97] : memref<2x128xi32, #tpu.memory_space<vmem>> -> memref<1x128xi32, #tpu.memory_space<vmem>>
      %dma_start3A_99 = tpu.memref_squeeze %dma_start3A_98 : memref<1x128xi32, #tpu.memory_space<vmem>> -> memref<128xi32, #tpu.memory_space<vmem>>
      %dma_start3A_100 = arith.constant 0 : i32
      %dma_start3A_101 = arith.constant 0 : i32
      %dma_start3A_102 = tpu.memref_slice %arg5[%dma_start3A_100, %dma_start3A_101] : memref<10240x128xf32, #tpu.memory_space<vmem_shared>> -> memref<10240x128xf32, #tpu.memory_space<vmem_shared>>
      tpu.enqueue_indirect_dma source(%arg9 : memref<128x128xf32, #tpu.memory_space<vmem>>) target(%dma_start3A_102 : memref<10240x128xf32, #tpu.memory_space<vmem_shared>>) offsets(%dma_start3A_99 : memref<128xi32, #tpu.memory_space<vmem>>) semaphore(%run_scoped3A_96 : memref<!tpu.dma_semaphore, #tpu.memory_space<semaphore_mem>>) {add = true}
      %dma_wait3A_103 = arith.constant 0 : i32
      %dma_wait3A_104 = tpu.memref_slice %arg7[%run_scoped3A_90, %dma_wait3A_103] : memref<2x128xi32, #tpu.memory_space<vmem>> -> memref<1x128xi32, #tpu.memory_space<vmem>>
      %dma_wait3A_105 = tpu.memref_squeeze %dma_wait3A_104 : memref<1x128xi32, #tpu.memory_space<vmem>> -> memref<128xi32, #tpu.memory_space<vmem>>
      %dma_wait3A_106 = arith.constant 0 : i32
      %dma_wait3A_107 = arith.constant 0 : i32
      %dma_wait3A_108 = tpu.memref_slice %arg5[%dma_wait3A_106, %dma_wait3A_107] : memref<10240x128xf32, #tpu.memory_space<vmem_shared>> -> memref<10240x128xf32, #tpu.memory_space<vmem_shared>>
      tpu.wait_indirect_dma semaphore(%run_scoped3A_96 : memref<!tpu.dma_semaphore, #tpu.memory_space<semaphore_mem>>) src(%arg9 : memref<128x128xf32, #tpu.memory_space<vmem>>) dst(%dma_wait3A_108 : memref<10240x128xf32, #tpu.memory_space<vmem_shared>>)
      tpu.yield
    }) : () -> ()
    %barrier3A_91 = arith.constant 0 : index
    tpu.barrier barrier_id(%barrier3A_91)
    %mul3A_92 = arith.constant 640 : i32
    %mul3A_93 = arith.muli %arg1, %mul3A_92 : i32
    %mul3A_94 = arith.constant 640 : i32
    %mul3A_95 = arith.muli %arg1, %mul3A_94 : i32
    "tpu.region"() ({
      %run_scoped3A_96 = tpu.sem_alloc : memref<!tpu.dma_semaphore, #tpu.memory_space<semaphore_mem>>
      %dma_start3A_97 = arith.constant 0 : i32
      %dma_start3A_98 = tpu.memref_slice %arg4[%arg0, %mul3A_95, %dma_start3A_97] : memref<2x10240x128xf32, #tpu.memory_space<hbm>> -> memref<1x640x128xf32, #tpu.memory_space<hbm>>
      %dma_start3A_99 = tpu.memref_squeeze %dma_start3A_98 : memref<1x640x128xf32, #tpu.memory_space<hbm>> -> memref<640x128xf32, #tpu.memory_space<hbm>>
      %dma_start3A_100 = arith.constant 0 : i32
      %dma_start3A_101 = tpu.memref_slice %arg5[%mul3A_93, %dma_start3A_100] : memref<10240x128xf32, #tpu.memory_space<vmem_shared>> -> memref<640x128xf32, #tpu.memory_space<vmem_shared>>
      tpu.enqueue_dma source(%dma_start3A_101 : memref<640x128xf32, #tpu.memory_space<vmem_shared>>) target(%dma_start3A_99 : memref<640x128xf32, #tpu.memory_space<hbm>>) target_semaphore(%run_scoped3A_96 : memref<!tpu.dma_semaphore, #tpu.memory_space<semaphore_mem>>)
      %dma_wait3A_102 = arith.constant 0 : i32
      %dma_wait3A_103 = tpu.memref_slice %arg4[%arg0, %mul3A_95, %dma_wait3A_102] : memref<2x10240x128xf32, #tpu.memory_space<hbm>> -> memref<1x640x128xf32, #tpu.memory_space<hbm>>
      %dma_wait3A_104 = tpu.memref_squeeze %dma_wait3A_103 : memref<1x640x128xf32, #tpu.memory_space<hbm>> -> memref<640x128xf32, #tpu.memory_space<hbm>>
      %dma_wait3A_105 = arith.constant 0 : i32
      %dma_wait3A_106 = tpu.memref_slice %arg5[%mul3A_93, %dma_wait3A_105] : memref<10240x128xf32, #tpu.memory_space<vmem_shared>> -> memref<640x128xf32, #tpu.memory_space<vmem_shared>>
      tpu.wait_dma2 semaphore(%run_scoped3A_96 : memref<!tpu.dma_semaphore, #tpu.memory_space<semaphore_mem>>) src(%dma_wait3A_106 : memref<640x128xf32, #tpu.memory_space<vmem_shared>>) dst(%dma_wait3A_104 : memref<640x128xf32, #tpu.memory_space<hbm>>)
      tpu.yield
    }) : () -> ()
    return
  }
}

#map = affine_map<(d0, d1) -> (0, 0)>
#map1 = affine_map<(d0, d1) -> (0, 0, 0)>
module attributes {stable_mosaic.version = 14 : i64} {
  func.func @deg_kernel(%arg0: i32, %arg1: i32, %arg2: memref<2x327680xi32, #tpu.memory_space<hbm>>, %arg3: memref<2x10240x128xf32, #tpu.memory_space<hbm>>, %arg4: memref<10240x128xf32, #tpu.memory_space<vmem_shared>>, %arg5: memref<2x128xi32, #tpu.memory_space<vmem>>, %arg6: memref<2x128xi32, #tpu.memory_space<vmem>>, %arg7: memref<128x128xf32, #tpu.memory_space<vmem>>, %arg8: memref<64x128xf32, #tpu.memory_space<vmem>>, %arg9: memref<!tpu.dma_semaphore, #tpu.memory_space<semaphore_mem>>, %arg10: memref<!tpu.dma_semaphore, #tpu.memory_space<semaphore_mem>>) attributes {dimension_semantics = [#tpu.dimension_semantics<core_parallel>, #tpu.dimension_semantics<subcore_parallel>], iteration_bounds = array<i64: 2, 16>, scalar_prefetch = 0 : i64, scratch_operands = 7 : i64, tpu.core_type = #tpu.core_type<sc_vector_subcore>, window_params = [{transform_indices = #map}, {transform_indices = #map1}]} {
    %mul3A = arith.constant 16 : i32
    %mul3A_0 = arith.muli %arg0, %mul3A : i32
    %add3A = arith.addi %mul3A_0, %arg1 : i32
    %mul3A_1 = arith.constant 10240 : i32
    %mul3A_2 = arith.muli %add3A, %mul3A_1 : i32
    %scan3A = arith.constant 0 : i32
    %scan3A_3 = arith.constant 0 : i32
    %scan3A_4 = arith.constant 64 : i32
    %scan3A_5 = arith.addi %scan3A_3, %scan3A_4 : i32
    %scan3A_6 = arith.constant 1 : i32
    scf.for %scan3A_76 = %scan3A_3 to %scan3A_5 step %scan3A_6  : i32 {
      %broadcast_in_dim3A = arith.constant 0.000000e+00 : f32
      %broadcast_in_dim3A_77 = vector.broadcast %broadcast_in_dim3A : f32 to vector<16xf32>
      %swap3A = arith.index_cast %scan3A_76 : i32 to index
      %swap3A_78 = arith.constant 0 : index
      %swap3A_79 = tpu.vector_load %arg8[%swap3A, %swap3A_78] {strides = array<i32>} : memref<64x128xf32, #tpu.memory_space<vmem>>, vector<1x16xf32>,
      %swap3A_80 = vector.shape_cast %swap3A_79 : vector<1x16xf32> to vector<16xf32>
      %swap3A_81 = vector.shape_cast %broadcast_in_dim3A_77 : vector<16xf32> to vector<1x16xf32>
      tpu.vector_store %arg8[%swap3A, %swap3A_78], %swap3A_81 {strides = array<i32>} : memref<64x128xf32, #tpu.memory_space<vmem>>, vector<1x16xf32>,
      %broadcast_in_dim3A_82 = arith.constant 0.000000e+00 : f32
      %broadcast_in_dim3A_83 = vector.broadcast %broadcast_in_dim3A_82 : f32 to vector<16xf32>
      %swap3A_84 = arith.index_cast %scan3A_76 : i32 to index
      %swap3A_85 = arith.constant 16 : index
      %swap3A_86 = tpu.vector_load %arg8[%swap3A_84, %swap3A_85] {strides = array<i32>} : memref<64x128xf32, #tpu.memory_space<vmem>>, vector<1x16xf32>,
      %swap3A_87 = vector.shape_cast %swap3A_86 : vector<1x16xf32> to vector<16xf32>
      %swap3A_88 = vector.shape_cast %broadcast_in_dim3A_83 : vector<16xf32> to vector<1x16xf32>
      tpu.vector_store %arg8[%swap3A_84, %swap3A_85], %swap3A_88 {strides = array<i32>} : memref<64x128xf32, #tpu.memory_space<vmem>>, vector<1x16xf32>,
      %broadcast_in_dim3A_89 = arith.constant 0.000000e+00 : f32
      %broadcast_in_dim3A_90 = vector.broadcast %broadcast_in_dim3A_89 : f32 to vector<16xf32>
      %swap3A_91 = arith.index_cast %scan3A_76 : i32 to index
      %swap3A_92 = arith.constant 32 : index
      %swap3A_93 = tpu.vector_load %arg8[%swap3A_91, %swap3A_92] {strides = array<i32>} : memref<64x128xf32, #tpu.memory_space<vmem>>, vector<1x16xf32>,
      %swap3A_94 = vector.shape_cast %swap3A_93 : vector<1x16xf32> to vector<16xf32>
      %swap3A_95 = vector.shape_cast %broadcast_in_dim3A_90 : vector<16xf32> to vector<1x16xf32>
      tpu.vector_store %arg8[%swap3A_91, %swap3A_92], %swap3A_95 {strides = array<i32>} : memref<64x128xf32, #tpu.memory_space<vmem>>, vector<1x16xf32>,
      %broadcast_in_dim3A_96 = arith.constant 0.000000e+00 : f32
      %broadcast_in_dim3A_97 = vector.broadcast %broadcast_in_dim3A_96 : f32 to vector<16xf32>
      %swap3A_98 = arith.index_cast %scan3A_76 : i32 to index
      %swap3A_99 = arith.constant 48 : index
      %swap3A_100 = tpu.vector_load %arg8[%swap3A_98, %swap3A_99] {strides = array<i32>} : memref<64x128xf32, #tpu.memory_space<vmem>>, vector<1x16xf32>,
      %swap3A_101 = vector.shape_cast %swap3A_100 : vector<1x16xf32> to vector<16xf32>
      %swap3A_102 = vector.shape_cast %broadcast_in_dim3A_97 : vector<16xf32> to vector<1x16xf32>
      tpu.vector_store %arg8[%swap3A_98, %swap3A_99], %swap3A_102 {strides = array<i32>} : memref<64x128xf32, #tpu.memory_space<vmem>>, vector<1x16xf32>,
      %broadcast_in_dim3A_103 = arith.constant 0.000000e+00 : f32
      %broadcast_in_dim3A_104 = vector.broadcast %broadcast_in_dim3A_103 : f32 to vector<16xf32>
      %swap3A_105 = arith.index_cast %scan3A_76 : i32 to index
      %swap3A_106 = arith.constant 64 : index
      %swap3A_107 = tpu.vector_load %arg8[%swap3A_105, %swap3A_106] {strides = array<i32>} : memref<64x128xf32, #tpu.memory_space<vmem>>, vector<1x16xf32>,
      %swap3A_108 = vector.shape_cast %swap3A_107 : vector<1x16xf32> to vector<16xf32>
      %swap3A_109 = vector.shape_cast %broadcast_in_dim3A_104 : vector<16xf32> to vector<1x16xf32>
      tpu.vector_store %arg8[%swap3A_105, %swap3A_106], %swap3A_109 {strides = array<i32>} : memref<64x128xf32, #tpu.memory_space<vmem>>, vector<1x16xf32>,
      %broadcast_in_dim3A_110 = arith.constant 0.000000e+00 : f32
      %broadcast_in_dim3A_111 = vector.broadcast %broadcast_in_dim3A_110 : f32 to vector<16xf32>
      %swap3A_112 = arith.index_cast %scan3A_76 : i32 to index
      %swap3A_113 = arith.constant 80 : index
      %swap3A_114 = tpu.vector_load %arg8[%swap3A_112, %swap3A_113] {strides = array<i32>} : memref<64x128xf32, #tpu.memory_space<vmem>>, vector<1x16xf32>,
      %swap3A_115 = vector.shape_cast %swap3A_114 : vector<1x16xf32> to vector<16xf32>
      %swap3A_116 = vector.shape_cast %broadcast_in_dim3A_111 : vector<16xf32> to vector<1x16xf32>
      tpu.vector_store %arg8[%swap3A_112, %swap3A_113], %swap3A_116 {strides = array<i32>} : memref<64x128xf32, #tpu.memory_space<vmem>>, vector<1x16xf32>,
      %broadcast_in_dim3A_117 = arith.constant 0.000000e+00 : f32
      %broadcast_in_dim3A_118 = vector.broadcast %broadcast_in_dim3A_117 : f32 to vector<16xf32>
      %swap3A_119 = arith.index_cast %scan3A_76 : i32 to index
      %swap3A_120 = arith.constant 96 : index
      %swap3A_121 = tpu.vector_load %arg8[%swap3A_119, %swap3A_120] {strides = array<i32>} : memref<64x128xf32, #tpu.memory_space<vmem>>, vector<1x16xf32>,
      %swap3A_122 = vector.shape_cast %swap3A_121 : vector<1x16xf32> to vector<16xf32>
      %swap3A_123 = vector.shape_cast %broadcast_in_dim3A_118 : vector<16xf32> to vector<1x16xf32>
      tpu.vector_store %arg8[%swap3A_119, %swap3A_120], %swap3A_123 {strides = array<i32>} : memref<64x128xf32, #tpu.memory_space<vmem>>, vector<1x16xf32>,
      %broadcast_in_dim3A_124 = arith.constant 0.000000e+00 : f32
      %broadcast_in_dim3A_125 = vector.broadcast %broadcast_in_dim3A_124 : f32 to vector<16xf32>
      %swap3A_126 = arith.index_cast %scan3A_76 : i32 to index
      %swap3A_127 = arith.constant 112 : index
      %swap3A_128 = tpu.vector_load %arg8[%swap3A_126, %swap3A_127] {strides = array<i32>} : memref<64x128xf32, #tpu.memory_space<vmem>>, vector<1x16xf32>,
      %swap3A_129 = vector.shape_cast %swap3A_128 : vector<1x16xf32> to vector<16xf32>
      %swap3A_130 = vector.shape_cast %broadcast_in_dim3A_125 : vector<16xf32> to vector<1x16xf32>
      tpu.vector_store %arg8[%swap3A_126, %swap3A_127], %swap3A_130 {strides = array<i32>} : memref<64x128xf32, #tpu.memory_space<vmem>>, vector<1x16xf32>,
    }
    %scan3A_7 = arith.constant 64 : i32
    %scan3A_8 = arith.constant 0 : i32
    %scan3A_9 = arith.constant 0 : i32
    %scan3A_10 = arith.constant 128 : i32
    %scan3A_11 = arith.addi %scan3A_9, %scan3A_10 : i32
    %scan3A_12 = arith.constant 1 : i32
    scf.for %scan3A_76 = %scan3A_9 to %scan3A_11 step %scan3A_12  : i32 {
      %broadcast_in_dim3A = arith.constant 1.000000e+00 : f32
      %broadcast_in_dim3A_77 = vector.broadcast %broadcast_in_dim3A : f32 to vector<16xf32>
      %swap3A = arith.index_cast %scan3A_76 : i32 to index
      %swap3A_78 = arith.constant 0 : index
      %swap3A_79 = tpu.vector_load %arg7[%swap3A, %swap3A_78] {strides = array<i32>} : memref<128x128xf32, #tpu.memory_space<vmem>>, vector<1x16xf32>,
      %swap3A_80 = vector.shape_cast %swap3A_79 : vector<1x16xf32> to vector<16xf32>
      %swap3A_81 = vector.shape_cast %broadcast_in_dim3A_77 : vector<16xf32> to vector<1x16xf32>
      tpu.vector_store %arg7[%swap3A, %swap3A_78], %swap3A_81 {strides = array<i32>} : memref<128x128xf32, #tpu.memory_space<vmem>>, vector<1x16xf32>,
      %broadcast_in_dim3A_82 = arith.constant 1.000000e+00 : f32
      %broadcast_in_dim3A_83 = vector.broadcast %broadcast_in_dim3A_82 : f32 to vector<16xf32>
      %swap3A_84 = arith.index_cast %scan3A_76 : i32 to index
      %swap3A_85 = arith.constant 16 : index
      %swap3A_86 = tpu.vector_load %arg7[%swap3A_84, %swap3A_85] {strides = array<i32>} : memref<128x128xf32, #tpu.memory_space<vmem>>, vector<1x16xf32>,
      %swap3A_87 = vector.shape_cast %swap3A_86 : vector<1x16xf32> to vector<16xf32>
      %swap3A_88 = vector.shape_cast %broadcast_in_dim3A_83 : vector<16xf32> to vector<1x16xf32>
      tpu.vector_store %arg7[%swap3A_84, %swap3A_85], %swap3A_88 {strides = array<i32>} : memref<128x128xf32, #tpu.memory_space<vmem>>, vector<1x16xf32>,
      %broadcast_in_dim3A_89 = arith.constant 1.000000e+00 : f32
      %broadcast_in_dim3A_90 = vector.broadcast %broadcast_in_dim3A_89 : f32 to vector<16xf32>
      %swap3A_91 = arith.index_cast %scan3A_76 : i32 to index
      %swap3A_92 = arith.constant 32 : index
      %swap3A_93 = tpu.vector_load %arg7[%swap3A_91, %swap3A_92] {strides = array<i32>} : memref<128x128xf32, #tpu.memory_space<vmem>>, vector<1x16xf32>,
      %swap3A_94 = vector.shape_cast %swap3A_93 : vector<1x16xf32> to vector<16xf32>
      %swap3A_95 = vector.shape_cast %broadcast_in_dim3A_90 : vector<16xf32> to vector<1x16xf32>
      tpu.vector_store %arg7[%swap3A_91, %swap3A_92], %swap3A_95 {strides = array<i32>} : memref<128x128xf32, #tpu.memory_space<vmem>>, vector<1x16xf32>,
      %broadcast_in_dim3A_96 = arith.constant 1.000000e+00 : f32
      %broadcast_in_dim3A_97 = vector.broadcast %broadcast_in_dim3A_96 : f32 to vector<16xf32>
      %swap3A_98 = arith.index_cast %scan3A_76 : i32 to index
      %swap3A_99 = arith.constant 48 : index
      %swap3A_100 = tpu.vector_load %arg7[%swap3A_98, %swap3A_99] {strides = array<i32>} : memref<128x128xf32, #tpu.memory_space<vmem>>, vector<1x16xf32>,
      %swap3A_101 = vector.shape_cast %swap3A_100 : vector<1x16xf32> to vector<16xf32>
      %swap3A_102 = vector.shape_cast %broadcast_in_dim3A_97 : vector<16xf32> to vector<1x16xf32>
      tpu.vector_store %arg7[%swap3A_98, %swap3A_99], %swap3A_102 {strides = array<i32>} : memref<128x128xf32, #tpu.memory_space<vmem>>, vector<1x16xf32>,
      %broadcast_in_dim3A_103 = arith.constant 1.000000e+00 : f32
      %broadcast_in_dim3A_104 = vector.broadcast %broadcast_in_dim3A_103 : f32 to vector<16xf32>
      %swap3A_105 = arith.index_cast %scan3A_76 : i32 to index
      %swap3A_106 = arith.constant 64 : index
      %swap3A_107 = tpu.vector_load %arg7[%swap3A_105, %swap3A_106] {strides = array<i32>} : memref<128x128xf32, #tpu.memory_space<vmem>>, vector<1x16xf32>,
      %swap3A_108 = vector.shape_cast %swap3A_107 : vector<1x16xf32> to vector<16xf32>
      %swap3A_109 = vector.shape_cast %broadcast_in_dim3A_104 : vector<16xf32> to vector<1x16xf32>
      tpu.vector_store %arg7[%swap3A_105, %swap3A_106], %swap3A_109 {strides = array<i32>} : memref<128x128xf32, #tpu.memory_space<vmem>>, vector<1x16xf32>,
      %broadcast_in_dim3A_110 = arith.constant 1.000000e+00 : f32
      %broadcast_in_dim3A_111 = vector.broadcast %broadcast_in_dim3A_110 : f32 to vector<16xf32>
      %swap3A_112 = arith.index_cast %scan3A_76 : i32 to index
      %swap3A_113 = arith.constant 80 : index
      %swap3A_114 = tpu.vector_load %arg7[%swap3A_112, %swap3A_113] {strides = array<i32>} : memref<128x128xf32, #tpu.memory_space<vmem>>, vector<1x16xf32>,
      %swap3A_115 = vector.shape_cast %swap3A_114 : vector<1x16xf32> to vector<16xf32>
      %swap3A_116 = vector.shape_cast %broadcast_in_dim3A_111 : vector<16xf32> to vector<1x16xf32>
      tpu.vector_store %arg7[%swap3A_112, %swap3A_113], %swap3A_116 {strides = array<i32>} : memref<128x128xf32, #tpu.memory_space<vmem>>, vector<1x16xf32>,
      %broadcast_in_dim3A_117 = arith.constant 1.000000e+00 : f32
      %broadcast_in_dim3A_118 = vector.broadcast %broadcast_in_dim3A_117 : f32 to vector<16xf32>
      %swap3A_119 = arith.index_cast %scan3A_76 : i32 to index
      %swap3A_120 = arith.constant 96 : index
      %swap3A_121 = tpu.vector_load %arg7[%swap3A_119, %swap3A_120] {strides = array<i32>} : memref<128x128xf32, #tpu.memory_space<vmem>>, vector<1x16xf32>,
      %swap3A_122 = vector.shape_cast %swap3A_121 : vector<1x16xf32> to vector<16xf32>
      %swap3A_123 = vector.shape_cast %broadcast_in_dim3A_118 : vector<16xf32> to vector<1x16xf32>
      tpu.vector_store %arg7[%swap3A_119, %swap3A_120], %swap3A_123 {strides = array<i32>} : memref<128x128xf32, #tpu.memory_space<vmem>>, vector<1x16xf32>,
      %broadcast_in_dim3A_124 = arith.constant 1.000000e+00 : f32
      %broadcast_in_dim3A_125 = vector.broadcast %broadcast_in_dim3A_124 : f32 to vector<16xf32>
      %swap3A_126 = arith.index_cast %scan3A_76 : i32 to index
      %swap3A_127 = arith.constant 112 : index
      %swap3A_128 = tpu.vector_load %arg7[%swap3A_126, %swap3A_127] {strides = array<i32>} : memref<128x128xf32, #tpu.memory_space<vmem>>, vector<1x16xf32>,
      %swap3A_129 = vector.shape_cast %swap3A_128 : vector<1x16xf32> to vector<16xf32>
      %swap3A_130 = vector.shape_cast %broadcast_in_dim3A_125 : vector<16xf32> to vector<1x16xf32>
      tpu.vector_store %arg7[%swap3A_126, %swap3A_127], %swap3A_130 {strides = array<i32>} : memref<128x128xf32, #tpu.memory_space<vmem>>, vector<1x16xf32>,
    }
    %scan3A_13 = arith.constant 128 : i32
    %mul3A_14 = arith.constant 640 : i32
    %mul3A_15 = arith.muli %arg1, %mul3A_14 : i32
    %add3A_16 = arith.constant 0 : i32
    %add3A_17 = arith.addi %mul3A_15, %add3A_16 : i32
    "tpu.region"() ({
      %run_scoped3A_76 = tpu.sem_alloc : memref<!tpu.dma_semaphore, #tpu.memory_space<semaphore_mem>>
      %dma_start3A_77 = arith.constant 0 : i32
      %dma_start3A_78 = tpu.memref_slice %arg4[%add3A_17, %dma_start3A_77] : memref<10240x128xf32, #tpu.memory_space<vmem_shared>> -> memref<64x128xf32, #tpu.memory_space<vmem_shared>>
      %dma_start3A_79 = arith.constant 0 : i32
      %dma_start3A_80 = tpu.memref_slice %arg4[%add3A_17, %dma_start3A_79] : memref<10240x128xf32, #tpu.memory_space<vmem_shared>> -> memref<64x128xf32, #tpu.memory_space<vmem_shared>>
      tpu.enqueue_dma source(%arg8 : memref<64x128xf32, #tpu.memory_space<vmem>>) target(%dma_start3A_80 : memref<64x128xf32, #tpu.memory_space<vmem_shared>>) target_semaphore(%run_scoped3A_76 : memref<!tpu.dma_semaphore, #tpu.memory_space<semaphore_mem>>)
      %dma_wait3A_81 = arith.constant 0 : i32
      %dma_wait3A_82 = tpu.memref_slice %arg4[%add3A_17, %dma_wait3A_81] : memref<10240x128xf32, #tpu.memory_space<vmem_shared>> -> memref<64x128xf32, #tpu.memory_space<vmem_shared>>
      %dma_wait3A_83 = arith.constant 0 : i32
      %dma_wait3A_84 = tpu.memref_slice %arg4[%add3A_17, %dma_wait3A_83] : memref<10240x128xf32, #tpu.memory_space<vmem_shared>> -> memref<64x128xf32, #tpu.memory_space<vmem_shared>>
      tpu.wait_dma2 semaphore(%run_scoped3A_76 : memref<!tpu.dma_semaphore, #tpu.memory_space<semaphore_mem>>) src(%arg8 : memref<64x128xf32, #tpu.memory_space<vmem>>) dst(%dma_wait3A_84 : memref<64x128xf32, #tpu.memory_space<vmem_shared>>)
      tpu.yield
    }) : () -> ()
    %mul3A_18 = arith.constant 640 : i32
    %mul3A_19 = arith.muli %arg1, %mul3A_18 : i32
    %add3A_20 = arith.constant 64 : i32
    %add3A_21 = arith.addi %mul3A_19, %add3A_20 : i32
    "tpu.region"() ({
      %run_scoped3A_76 = tpu.sem_alloc : memref<!tpu.dma_semaphore, #tpu.memory_space<semaphore_mem>>
      %dma_start3A_77 = arith.constant 0 : i32
      %dma_start3A_78 = tpu.memref_slice %arg4[%add3A_21, %dma_start3A_77] : memref<10240x128xf32, #tpu.memory_space<vmem_shared>> -> memref<64x128xf32, #tpu.memory_space<vmem_shared>>
      %dma_start3A_79 = arith.constant 0 : i32
      %dma_start3A_80 = tpu.memref_slice %arg4[%add3A_21, %dma_start3A_79] : memref<10240x128xf32, #tpu.memory_space<vmem_shared>> -> memref<64x128xf32, #tpu.memory_space<vmem_shared>>
      tpu.enqueue_dma source(%arg8 : memref<64x128xf32, #tpu.memory_space<vmem>>) target(%dma_start3A_80 : memref<64x128xf32, #tpu.memory_space<vmem_shared>>) target_semaphore(%run_scoped3A_76 : memref<!tpu.dma_semaphore, #tpu.memory_space<semaphore_mem>>)
      %dma_wait3A_81 = arith.constant 0 : i32
      %dma_wait3A_82 = tpu.memref_slice %arg4[%add3A_21, %dma_wait3A_81] : memref<10240x128xf32, #tpu.memory_space<vmem_shared>> -> memref<64x128xf32, #tpu.memory_space<vmem_shared>>
      %dma_wait3A_83 = arith.constant 0 : i32
      %dma_wait3A_84 = tpu.memref_slice %arg4[%add3A_21, %dma_wait3A_83] : memref<10240x128xf32, #tpu.memory_space<vmem_shared>> -> memref<64x128xf32, #tpu.memory_space<vmem_shared>>
      tpu.wait_dma2 semaphore(%run_scoped3A_76 : memref<!tpu.dma_semaphore, #tpu.memory_space<semaphore_mem>>) src(%arg8 : memref<64x128xf32, #tpu.memory_space<vmem>>) dst(%dma_wait3A_84 : memref<64x128xf32, #tpu.memory_space<vmem_shared>>)
      tpu.yield
    }) : () -> ()
    %mul3A_22 = arith.constant 640 : i32
    %mul3A_23 = arith.muli %arg1, %mul3A_22 : i32
    %add3A_24 = arith.constant 128 : i32
    %add3A_25 = arith.addi %mul3A_23, %add3A_24 : i32
    "tpu.region"() ({
      %run_scoped3A_76 = tpu.sem_alloc : memref<!tpu.dma_semaphore, #tpu.memory_space<semaphore_mem>>
      %dma_start3A_77 = arith.constant 0 : i32
      %dma_start3A_78 = tpu.memref_slice %arg4[%add3A_25, %dma_start3A_77] : memref<10240x128xf32, #tpu.memory_space<vmem_shared>> -> memref<64x128xf32, #tpu.memory_space<vmem_shared>>
      %dma_start3A_79 = arith.constant 0 : i32
      %dma_start3A_80 = tpu.memref_slice %arg4[%add3A_25, %dma_start3A_79] : memref<10240x128xf32, #tpu.memory_space<vmem_shared>> -> memref<64x128xf32, #tpu.memory_space<vmem_shared>>
      tpu.enqueue_dma source(%arg8 : memref<64x128xf32, #tpu.memory_space<vmem>>) target(%dma_start3A_80 : memref<64x128xf32, #tpu.memory_space<vmem_shared>>) target_semaphore(%run_scoped3A_76 : memref<!tpu.dma_semaphore, #tpu.memory_space<semaphore_mem>>)
      %dma_wait3A_81 = arith.constant 0 : i32
      %dma_wait3A_82 = tpu.memref_slice %arg4[%add3A_25, %dma_wait3A_81] : memref<10240x128xf32, #tpu.memory_space<vmem_shared>> -> memref<64x128xf32, #tpu.memory_space<vmem_shared>>
      %dma_wait3A_83 = arith.constant 0 : i32
      %dma_wait3A_84 = tpu.memref_slice %arg4[%add3A_25, %dma_wait3A_83] : memref<10240x128xf32, #tpu.memory_space<vmem_shared>> -> memref<64x128xf32, #tpu.memory_space<vmem_shared>>
      tpu.wait_dma2 semaphore(%run_scoped3A_76 : memref<!tpu.dma_semaphore, #tpu.memory_space<semaphore_mem>>) src(%arg8 : memref<64x128xf32, #tpu.memory_space<vmem>>) dst(%dma_wait3A_84 : memref<64x128xf32, #tpu.memory_space<vmem_shared>>)
      tpu.yield
    }) : () -> ()
    %mul3A_26 = arith.constant 640 : i32
    %mul3A_27 = arith.muli %arg1, %mul3A_26 : i32
    %add3A_28 = arith.constant 192 : i32
    %add3A_29 = arith.addi %mul3A_27, %add3A_28 : i32
    "tpu.region"() ({
      %run_scoped3A_76 = tpu.sem_alloc : memref<!tpu.dma_semaphore, #tpu.memory_space<semaphore_mem>>
      %dma_start3A_77 = arith.constant 0 : i32
      %dma_start3A_78 = tpu.memref_slice %arg4[%add3A_29, %dma_start3A_77] : memref<10240x128xf32, #tpu.memory_space<vmem_shared>> -> memref<64x128xf32, #tpu.memory_space<vmem_shared>>
      %dma_start3A_79 = arith.constant 0 : i32
      %dma_start3A_80 = tpu.memref_slice %arg4[%add3A_29, %dma_start3A_79] : memref<10240x128xf32, #tpu.memory_space<vmem_shared>> -> memref<64x128xf32, #tpu.memory_space<vmem_shared>>
      tpu.enqueue_dma source(%arg8 : memref<64x128xf32, #tpu.memory_space<vmem>>) target(%dma_start3A_80 : memref<64x128xf32, #tpu.memory_space<vmem_shared>>) target_semaphore(%run_scoped3A_76 : memref<!tpu.dma_semaphore, #tpu.memory_space<semaphore_mem>>)
      %dma_wait3A_81 = arith.constant 0 : i32
      %dma_wait3A_82 = tpu.memref_slice %arg4[%add3A_29, %dma_wait3A_81] : memref<10240x128xf32, #tpu.memory_space<vmem_shared>> -> memref<64x128xf32, #tpu.memory_space<vmem_shared>>
      %dma_wait3A_83 = arith.constant 0 : i32
      %dma_wait3A_84 = tpu.memref_slice %arg4[%add3A_29, %dma_wait3A_83] : memref<10240x128xf32, #tpu.memory_space<vmem_shared>> -> memref<64x128xf32, #tpu.memory_space<vmem_shared>>
      tpu.wait_dma2 semaphore(%run_scoped3A_76 : memref<!tpu.dma_semaphore, #tpu.memory_space<semaphore_mem>>) src(%arg8 : memref<64x128xf32, #tpu.memory_space<vmem>>) dst(%dma_wait3A_84 : memref<64x128xf32, #tpu.memory_space<vmem_shared>>)
      tpu.yield
    }) : () -> ()
    %mul3A_30 = arith.constant 640 : i32
    %mul3A_31 = arith.muli %arg1, %mul3A_30 : i32
    %add3A_32 = arith.constant 256 : i32
    %add3A_33 = arith.addi %mul3A_31, %add3A_32 : i32
    "tpu.region"() ({
      %run_scoped3A_76 = tpu.sem_alloc : memref<!tpu.dma_semaphore, #tpu.memory_space<semaphore_mem>>
      %dma_start3A_77 = arith.constant 0 : i32
      %dma_start3A_78 = tpu.memref_slice %arg4[%add3A_33, %dma_start3A_77] : memref<10240x128xf32, #tpu.memory_space<vmem_shared>> -> memref<64x128xf32, #tpu.memory_space<vmem_shared>>
      %dma_start3A_79 = arith.constant 0 : i32
      %dma_start3A_80 = tpu.memref_slice %arg4[%add3A_33, %dma_start3A_79] : memref<10240x128xf32, #tpu.memory_space<vmem_shared>> -> memref<64x128xf32, #tpu.memory_space<vmem_shared>>
      tpu.enqueue_dma source(%arg8 : memref<64x128xf32, #tpu.memory_space<vmem>>) target(%dma_start3A_80 : memref<64x128xf32, #tpu.memory_space<vmem_shared>>) target_semaphore(%run_scoped3A_76 : memref<!tpu.dma_semaphore, #tpu.memory_space<semaphore_mem>>)
      %dma_wait3A_81 = arith.constant 0 : i32
      %dma_wait3A_82 = tpu.memref_slice %arg4[%add3A_33, %dma_wait3A_81] : memref<10240x128xf32, #tpu.memory_space<vmem_shared>> -> memref<64x128xf32, #tpu.memory_space<vmem_shared>>
      %dma_wait3A_83 = arith.constant 0 : i32
      %dma_wait3A_84 = tpu.memref_slice %arg4[%add3A_33, %dma_wait3A_83] : memref<10240x128xf32, #tpu.memory_space<vmem_shared>> -> memref<64x128xf32, #tpu.memory_space<vmem_shared>>
      tpu.wait_dma2 semaphore(%run_scoped3A_76 : memref<!tpu.dma_semaphore, #tpu.memory_space<semaphore_mem>>) src(%arg8 : memref<64x128xf32, #tpu.memory_space<vmem>>) dst(%dma_wait3A_84 : memref<64x128xf32, #tpu.memory_space<vmem_shared>>)
      tpu.yield
    }) : () -> ()
    %mul3A_34 = arith.constant 640 : i32
    %mul3A_35 = arith.muli %arg1, %mul3A_34 : i32
    %add3A_36 = arith.constant 320 : i32
    %add3A_37 = arith.addi %mul3A_35, %add3A_36 : i32
    "tpu.region"() ({
      %run_scoped3A_76 = tpu.sem_alloc : memref<!tpu.dma_semaphore, #tpu.memory_space<semaphore_mem>>
      %dma_start3A_77 = arith.constant 0 : i32
      %dma_start3A_78 = tpu.memref_slice %arg4[%add3A_37, %dma_start3A_77] : memref<10240x128xf32, #tpu.memory_space<vmem_shared>> -> memref<64x128xf32, #tpu.memory_space<vmem_shared>>
      %dma_start3A_79 = arith.constant 0 : i32
      %dma_start3A_80 = tpu.memref_slice %arg4[%add3A_37, %dma_start3A_79] : memref<10240x128xf32, #tpu.memory_space<vmem_shared>> -> memref<64x128xf32, #tpu.memory_space<vmem_shared>>
      tpu.enqueue_dma source(%arg8 : memref<64x128xf32, #tpu.memory_space<vmem>>) target(%dma_start3A_80 : memref<64x128xf32, #tpu.memory_space<vmem_shared>>) target_semaphore(%run_scoped3A_76 : memref<!tpu.dma_semaphore, #tpu.memory_space<semaphore_mem>>)
      %dma_wait3A_81 = arith.constant 0 : i32
      %dma_wait3A_82 = tpu.memref_slice %arg4[%add3A_37, %dma_wait3A_81] : memref<10240x128xf32, #tpu.memory_space<vmem_shared>> -> memref<64x128xf32, #tpu.memory_space<vmem_shared>>
      %dma_wait3A_83 = arith.constant 0 : i32
      %dma_wait3A_84 = tpu.memref_slice %arg4[%add3A_37, %dma_wait3A_83] : memref<10240x128xf32, #tpu.memory_space<vmem_shared>> -> memref<64x128xf32, #tpu.memory_space<vmem_shared>>
      tpu.wait_dma2 semaphore(%run_scoped3A_76 : memref<!tpu.dma_semaphore, #tpu.memory_space<semaphore_mem>>) src(%arg8 : memref<64x128xf32, #tpu.memory_space<vmem>>) dst(%dma_wait3A_84 : memref<64x128xf32, #tpu.memory_space<vmem_shared>>)
      tpu.yield
    }) : () -> ()
    %mul3A_38 = arith.constant 640 : i32
    %mul3A_39 = arith.muli %arg1, %mul3A_38 : i32
    %add3A_40 = arith.constant 384 : i32
    %add3A_41 = arith.addi %mul3A_39, %add3A_40 : i32
    "tpu.region"() ({
      %run_scoped3A_76 = tpu.sem_alloc : memref<!tpu.dma_semaphore, #tpu.memory_space<semaphore_mem>>
      %dma_start3A_77 = arith.constant 0 : i32
      %dma_start3A_78 = tpu.memref_slice %arg4[%add3A_41, %dma_start3A_77] : memref<10240x128xf32, #tpu.memory_space<vmem_shared>> -> memref<64x128xf32, #tpu.memory_space<vmem_shared>>
      %dma_start3A_79 = arith.constant 0 : i32
      %dma_start3A_80 = tpu.memref_slice %arg4[%add3A_41, %dma_start3A_79] : memref<10240x128xf32, #tpu.memory_space<vmem_shared>> -> memref<64x128xf32, #tpu.memory_space<vmem_shared>>
      tpu.enqueue_dma source(%arg8 : memref<64x128xf32, #tpu.memory_space<vmem>>) target(%dma_start3A_80 : memref<64x128xf32, #tpu.memory_space<vmem_shared>>) target_semaphore(%run_scoped3A_76 : memref<!tpu.dma_semaphore, #tpu.memory_space<semaphore_mem>>)
      %dma_wait3A_81 = arith.constant 0 : i32
      %dma_wait3A_82 = tpu.memref_slice %arg4[%add3A_41, %dma_wait3A_81] : memref<10240x128xf32, #tpu.memory_space<vmem_shared>> -> memref<64x128xf32, #tpu.memory_space<vmem_shared>>
      %dma_wait3A_83 = arith.constant 0 : i32
      %dma_wait3A_84 = tpu.memref_slice %arg4[%add3A_41, %dma_wait3A_83] : memref<10240x128xf32, #tpu.memory_space<vmem_shared>> -> memref<64x128xf32, #tpu.memory_space<vmem_shared>>
      tpu.wait_dma2 semaphore(%run_scoped3A_76 : memref<!tpu.dma_semaphore, #tpu.memory_space<semaphore_mem>>) src(%arg8 : memref<64x128xf32, #tpu.memory_space<vmem>>) dst(%dma_wait3A_84 : memref<64x128xf32, #tpu.memory_space<vmem_shared>>)
      tpu.yield
    }) : () -> ()
    %mul3A_42 = arith.constant 640 : i32
    %mul3A_43 = arith.muli %arg1, %mul3A_42 : i32
    %add3A_44 = arith.constant 448 : i32
    %add3A_45 = arith.addi %mul3A_43, %add3A_44 : i32
    "tpu.region"() ({
      %run_scoped3A_76 = tpu.sem_alloc : memref<!tpu.dma_semaphore, #tpu.memory_space<semaphore_mem>>
      %dma_start3A_77 = arith.constant 0 : i32
      %dma_start3A_78 = tpu.memref_slice %arg4[%add3A_45, %dma_start3A_77] : memref<10240x128xf32, #tpu.memory_space<vmem_shared>> -> memref<64x128xf32, #tpu.memory_space<vmem_shared>>
      %dma_start3A_79 = arith.constant 0 : i32
      %dma_start3A_80 = tpu.memref_slice %arg4[%add3A_45, %dma_start3A_79] : memref<10240x128xf32, #tpu.memory_space<vmem_shared>> -> memref<64x128xf32, #tpu.memory_space<vmem_shared>>
      tpu.enqueue_dma source(%arg8 : memref<64x128xf32, #tpu.memory_space<vmem>>) target(%dma_start3A_80 : memref<64x128xf32, #tpu.memory_space<vmem_shared>>) target_semaphore(%run_scoped3A_76 : memref<!tpu.dma_semaphore, #tpu.memory_space<semaphore_mem>>)
      %dma_wait3A_81 = arith.constant 0 : i32
      %dma_wait3A_82 = tpu.memref_slice %arg4[%add3A_45, %dma_wait3A_81] : memref<10240x128xf32, #tpu.memory_space<vmem_shared>> -> memref<64x128xf32, #tpu.memory_space<vmem_shared>>
      %dma_wait3A_83 = arith.constant 0 : i32
      %dma_wait3A_84 = tpu.memref_slice %arg4[%add3A_45, %dma_wait3A_83] : memref<10240x128xf32, #tpu.memory_space<vmem_shared>> -> memref<64x128xf32, #tpu.memory_space<vmem_shared>>
      tpu.wait_dma2 semaphore(%run_scoped3A_76 : memref<!tpu.dma_semaphore, #tpu.memory_space<semaphore_mem>>) src(%arg8 : memref<64x128xf32, #tpu.memory_space<vmem>>) dst(%dma_wait3A_84 : memref<64x128xf32, #tpu.memory_space<vmem_shared>>)
      tpu.yield
    }) : () -> ()
    %mul3A_46 = arith.constant 640 : i32
    %mul3A_47 = arith.muli %arg1, %mul3A_46 : i32
    %add3A_48 = arith.constant 512 : i32
    %add3A_49 = arith.addi %mul3A_47, %add3A_48 : i32
    "tpu.region"() ({
      %run_scoped3A_76 = tpu.sem_alloc : memref<!tpu.dma_semaphore, #tpu.memory_space<semaphore_mem>>
      %dma_start3A_77 = arith.constant 0 : i32
      %dma_start3A_78 = tpu.memref_slice %arg4[%add3A_49, %dma_start3A_77] : memref<10240x128xf32, #tpu.memory_space<vmem_shared>> -> memref<64x128xf32, #tpu.memory_space<vmem_shared>>
      %dma_start3A_79 = arith.constant 0 : i32
      %dma_start3A_80 = tpu.memref_slice %arg4[%add3A_49, %dma_start3A_79] : memref<10240x128xf32, #tpu.memory_space<vmem_shared>> -> memref<64x128xf32, #tpu.memory_space<vmem_shared>>
      tpu.enqueue_dma source(%arg8 : memref<64x128xf32, #tpu.memory_space<vmem>>) target(%dma_start3A_80 : memref<64x128xf32, #tpu.memory_space<vmem_shared>>) target_semaphore(%run_scoped3A_76 : memref<!tpu.dma_semaphore, #tpu.memory_space<semaphore_mem>>)
      %dma_wait3A_81 = arith.constant 0 : i32
      %dma_wait3A_82 = tpu.memref_slice %arg4[%add3A_49, %dma_wait3A_81] : memref<10240x128xf32, #tpu.memory_space<vmem_shared>> -> memref<64x128xf32, #tpu.memory_space<vmem_shared>>
      %dma_wait3A_83 = arith.constant 0 : i32
      %dma_wait3A_84 = tpu.memref_slice %arg4[%add3A_49, %dma_wait3A_83] : memref<10240x128xf32, #tpu.memory_space<vmem_shared>> -> memref<64x128xf32, #tpu.memory_space<vmem_shared>>
      tpu.wait_dma2 semaphore(%run_scoped3A_76 : memref<!tpu.dma_semaphore, #tpu.memory_space<semaphore_mem>>) src(%arg8 : memref<64x128xf32, #tpu.memory_space<vmem>>) dst(%dma_wait3A_84 : memref<64x128xf32, #tpu.memory_space<vmem_shared>>)
      tpu.yield
    }) : () -> ()
    %mul3A_50 = arith.constant 640 : i32
    %mul3A_51 = arith.muli %arg1, %mul3A_50 : i32
    %add3A_52 = arith.constant 576 : i32
    %add3A_53 = arith.addi %mul3A_51, %add3A_52 : i32
    "tpu.region"() ({
      %run_scoped3A_76 = tpu.sem_alloc : memref<!tpu.dma_semaphore, #tpu.memory_space<semaphore_mem>>
      %dma_start3A_77 = arith.constant 0 : i32
      %dma_start3A_78 = tpu.memref_slice %arg4[%add3A_53, %dma_start3A_77] : memref<10240x128xf32, #tpu.memory_space<vmem_shared>> -> memref<64x128xf32, #tpu.memory_space<vmem_shared>>
      %dma_start3A_79 = arith.constant 0 : i32
      %dma_start3A_80 = tpu.memref_slice %arg4[%add3A_53, %dma_start3A_79] : memref<10240x128xf32, #tpu.memory_space<vmem_shared>> -> memref<64x128xf32, #tpu.memory_space<vmem_shared>>
      tpu.enqueue_dma source(%arg8 : memref<64x128xf32, #tpu.memory_space<vmem>>) target(%dma_start3A_80 : memref<64x128xf32, #tpu.memory_space<vmem_shared>>) target_semaphore(%run_scoped3A_76 : memref<!tpu.dma_semaphore, #tpu.memory_space<semaphore_mem>>)
      %dma_wait3A_81 = arith.constant 0 : i32
      %dma_wait3A_82 = tpu.memref_slice %arg4[%add3A_53, %dma_wait3A_81] : memref<10240x128xf32, #tpu.memory_space<vmem_shared>> -> memref<64x128xf32, #tpu.memory_space<vmem_shared>>
      %dma_wait3A_83 = arith.constant 0 : i32
      %dma_wait3A_84 = tpu.memref_slice %arg4[%add3A_53, %dma_wait3A_83] : memref<10240x128xf32, #tpu.memory_space<vmem_shared>> -> memref<64x128xf32, #tpu.memory_space<vmem_shared>>
      tpu.wait_dma2 semaphore(%run_scoped3A_76 : memref<!tpu.dma_semaphore, #tpu.memory_space<semaphore_mem>>) src(%arg8 : memref<64x128xf32, #tpu.memory_space<vmem>>) dst(%dma_wait3A_84 : memref<64x128xf32, #tpu.memory_space<vmem_shared>>)
      tpu.yield
    }) : () -> ()
    %barrier3A = arith.constant 0 : index
    tpu.barrier barrier_id(%barrier3A)
    "tpu.region"() ({
      %run_scoped3A_76 = tpu.sem_alloc : memref<!tpu.dma_semaphore, #tpu.memory_space<semaphore_mem>>
      %dma_start3A_77 = arith.constant 0 : i32
      %dma_start3A_78 = tpu.memref_slice %arg2[%dma_start3A_77, %mul3A_2] : memref<2x327680xi32, #tpu.memory_space<hbm>> -> memref<2x128xi32, #tpu.memory_space<hbm>>
      %dma_start3A_79 = arith.constant 0 : i32
      %dma_start3A_80 = tpu.memref_slice %arg2[%dma_start3A_79, %mul3A_2] : memref<2x327680xi32, #tpu.memory_space<hbm>> -> memref<2x128xi32, #tpu.memory_space<hbm>>
      tpu.enqueue_dma source(%dma_start3A_80 : memref<2x128xi32, #tpu.memory_space<hbm>>) target(%arg5 : memref<2x128xi32, #tpu.memory_space<vmem>>) target_semaphore(%run_scoped3A_76 : memref<!tpu.dma_semaphore, #tpu.memory_space<semaphore_mem>>)
      %dma_wait3A_81 = arith.constant 0 : i32
      %dma_wait3A_82 = tpu.memref_slice %arg2[%dma_wait3A_81, %mul3A_2] : memref<2x327680xi32, #tpu.memory_space<hbm>> -> memref<2x128xi32, #tpu.memory_space<hbm>>
      %dma_wait3A_83 = arith.constant 0 : i32
      %dma_wait3A_84 = tpu.memref_slice %arg2[%dma_wait3A_83, %mul3A_2] : memref<2x327680xi32, #tpu.memory_space<hbm>> -> memref<2x128xi32, #tpu.memory_space<hbm>>
      tpu.wait_dma2 semaphore(%run_scoped3A_76 : memref<!tpu.dma_semaphore, #tpu.memory_space<semaphore_mem>>) src(%dma_wait3A_84 : memref<2x128xi32, #tpu.memory_space<hbm>>) dst(%arg5 : memref<2x128xi32, #tpu.memory_space<vmem>>)
      tpu.yield
    }) : () -> ()
    %add3A_54 = arith.constant 128 : i32
    %add3A_55 = arith.addi %mul3A_2, %add3A_54 : i32
    %dma_start3A = arith.constant 0 : i32
    %dma_start3A_56 = tpu.memref_slice %arg2[%dma_start3A, %add3A_55] : memref<2x327680xi32, #tpu.memory_space<hbm>> -> memref<2x128xi32, #tpu.memory_space<hbm>>
    %dma_start3A_57 = arith.constant 0 : i32
    %dma_start3A_58 = tpu.memref_slice %arg2[%dma_start3A_57, %add3A_55] : memref<2x327680xi32, #tpu.memory_space<hbm>> -> memref<2x128xi32, #tpu.memory_space<hbm>>
    tpu.enqueue_dma source(%dma_start3A_58 : memref<2x128xi32, #tpu.memory_space<hbm>>) target(%arg6 : memref<2x128xi32, #tpu.memory_space<vmem>>) target_semaphore(%arg10 : memref<!tpu.dma_semaphore, #tpu.memory_space<semaphore_mem>>)
    %scan3A_59 = arith.constant 0 : i32
    %scan3A_60 = arith.constant 0 : i32
    %scan3A_61 = arith.constant 39 : i32
    %scan3A_62 = arith.addi %scan3A_60, %scan3A_61 : i32
    %scan3A_63 = arith.constant 1 : i32
    scf.for %scan3A_76 = %scan3A_60 to %scan3A_62 step %scan3A_63  : i32 {
      %mul3A_77 = arith.constant 2 : i32
      %mul3A_78 = arith.muli %mul3A_77, %scan3A_76 : i32
      %run_scoped3A_79 = arith.constant 1 : i32
      "tpu.region"() ({
        %run_scoped3A_111 = tpu.sem_alloc : memref<!tpu.dma_semaphore, #tpu.memory_space<semaphore_mem>>
        %dma_start3A_112 = arith.constant 0 : i32
        %dma_start3A_113 = tpu.memref_slice %arg5[%run_scoped3A_79, %dma_start3A_112] : memref<2x128xi32, #tpu.memory_space<vmem>> -> memref<1x128xi32, #tpu.memory_space<vmem>>
        %dma_start3A_114 = tpu.memref_squeeze %dma_start3A_113 : memref<1x128xi32, #tpu.memory_space<vmem>> -> memref<128xi32, #tpu.memory_space<vmem>>
        %dma_start3A_115 = arith.constant 0 : i32
        %dma_start3A_116 = arith.constant 0 : i32
        %dma_start3A_117 = tpu.memref_slice %arg4[%dma_start3A_115, %dma_start3A_116] : memref<10240x128xf32, #tpu.memory_space<vmem_shared>> -> memref<10240x128xf32, #tpu.memory_space<vmem_shared>>
        tpu.enqueue_indirect_dma source(%arg7 : memref<128x128xf32, #tpu.memory_space<vmem>>) target(%dma_start3A_117 : memref<10240x128xf32, #tpu.memory_space<vmem_shared>>) offsets(%dma_start3A_114 : memref<128xi32, #tpu.memory_space<vmem>>) semaphore(%run_scoped3A_111 : memref<!tpu.dma_semaphore, #tpu.memory_space<semaphore_mem>>) {add = true}
        %dma_wait3A_118 = arith.constant 0 : i32
        %dma_wait3A_119 = tpu.memref_slice %arg5[%run_scoped3A_79, %dma_wait3A_118] : memref<2x128xi32, #tpu.memory_space<vmem>> -> memref<1x128xi32, #tpu.memory_space<vmem>>
        %dma_wait3A_120 = tpu.memref_squeeze %dma_wait3A_119 : memref<1x128xi32, #tpu.memory_space<vmem>> -> memref<128xi32, #tpu.memory_space<vmem>>
        %dma_wait3A_121 = arith.constant 0 : i32
        %dma_wait3A_122 = arith.constant 0 : i32
        %dma_wait3A_123 = tpu.memref_slice %arg4[%dma_wait3A_121, %dma_wait3A_122] : memref<10240x128xf32, #tpu.memory_space<vmem_shared>> -> memref<10240x128xf32, #tpu.memory_space<vmem_shared>>
        tpu.wait_indirect_dma semaphore(%run_scoped3A_111 : memref<!tpu.dma_semaphore, #tpu.memory_space<semaphore_mem>>) src(%arg7 : memref<128x128xf32, #tpu.memory_space<vmem>>) dst(%dma_wait3A_123 : memref<10240x128xf32, #tpu.memory_space<vmem_shared>>)
        tpu.yield
      }) : () -> ()
      %add3A_80 = arith.constant 2 : i32
      %add3A_81 = arith.addi %mul3A_78, %add3A_80 : i32
      %mul3A_82 = arith.constant 128 : i32
      %mul3A_83 = arith.muli %add3A_81, %mul3A_82 : i32
      %add3A_84 = arith.addi %mul3A_2, %mul3A_83 : i32
      %dma_start3A_85 = arith.constant 0 : i32
      %dma_start3A_86 = tpu.memref_slice %arg2[%dma_start3A_85, %add3A_84] : memref<2x327680xi32, #tpu.memory_space<hbm>> -> memref<2x128xi32, #tpu.memory_space<hbm>>
      %dma_start3A_87 = arith.constant 0 : i32
      %dma_start3A_88 = tpu.memref_slice %arg2[%dma_start3A_87, %add3A_84] : memref<2x327680xi32, #tpu.memory_space<hbm>> -> memref<2x128xi32, #tpu.memory_space<hbm>>
      tpu.enqueue_dma source(%dma_start3A_88 : memref<2x128xi32, #tpu.memory_space<hbm>>) target(%arg5 : memref<2x128xi32, #tpu.memory_space<vmem>>) target_semaphore(%arg9 : memref<!tpu.dma_semaphore, #tpu.memory_space<semaphore_mem>>)
      %dma_wait3A_89 = arith.constant 0 : i32
      %dma_wait3A_90 = arith.constant 0 : i32
      %dma_wait3A_91 = tpu.memref_slice %arg2[%dma_wait3A_89, %dma_wait3A_90] : memref<2x327680xi32, #tpu.memory_space<hbm>> -> memref<2x128xi32, #tpu.memory_space<hbm>>
      %dma_wait3A_92 = arith.constant 0 : i32
      %dma_wait3A_93 = arith.constant 0 : i32
      %dma_wait3A_94 = tpu.memref_slice %arg2[%dma_wait3A_92, %dma_wait3A_93] : memref<2x327680xi32, #tpu.memory_space<hbm>> -> memref<2x128xi32, #tpu.memory_space<hbm>>
      tpu.wait_dma2 semaphore(%arg10 : memref<!tpu.dma_semaphore, #tpu.memory_space<semaphore_mem>>) src(%dma_wait3A_94 : memref<2x128xi32, #tpu.memory_space<hbm>>) dst(%arg6 : memref<2x128xi32, #tpu.memory_space<vmem>>)
      %run_scoped3A_95 = arith.constant 1 : i32
      "tpu.region"() ({
        %run_scoped3A_111 = tpu.sem_alloc : memref<!tpu.dma_semaphore, #tpu.memory_space<semaphore_mem>>
        %dma_start3A_112 = arith.constant 0 : i32
        %dma_start3A_113 = tpu.memref_slice %arg6[%run_scoped3A_95, %dma_start3A_112] : memref<2x128xi32, #tpu.memory_space<vmem>> -> memref<1x128xi32, #tpu.memory_space<vmem>>
        %dma_start3A_114 = tpu.memref_squeeze %dma_start3A_113 : memref<1x128xi32, #tpu.memory_space<vmem>> -> memref<128xi32, #tpu.memory_space<vmem>>
        %dma_start3A_115 = arith.constant 0 : i32
        %dma_start3A_116 = arith.constant 0 : i32
        %dma_start3A_117 = tpu.memref_slice %arg4[%dma_start3A_115, %dma_start3A_116] : memref<10240x128xf32, #tpu.memory_space<vmem_shared>> -> memref<10240x128xf32, #tpu.memory_space<vmem_shared>>
        tpu.enqueue_indirect_dma source(%arg7 : memref<128x128xf32, #tpu.memory_space<vmem>>) target(%dma_start3A_117 : memref<10240x128xf32, #tpu.memory_space<vmem_shared>>) offsets(%dma_start3A_114 : memref<128xi32, #tpu.memory_space<vmem>>) semaphore(%run_scoped3A_111 : memref<!tpu.dma_semaphore, #tpu.memory_space<semaphore_mem>>) {add = true}
        %dma_wait3A_118 = arith.constant 0 : i32
        %dma_wait3A_119 = tpu.memref_slice %arg6[%run_scoped3A_95, %dma_wait3A_118] : memref<2x128xi32, #tpu.memory_space<vmem>> -> memref<1x128xi32, #tpu.memory_space<vmem>>
        %dma_wait3A_120 = tpu.memref_squeeze %dma_wait3A_119 : memref<1x128xi32, #tpu.memory_space<vmem>> -> memref<128xi32, #tpu.memory_space<vmem>>
        %dma_wait3A_121 = arith.constant 0 : i32
        %dma_wait3A_122 = arith.constant 0 : i32
        %dma_wait3A_123 = tpu.memref_slice %arg4[%dma_wait3A_121, %dma_wait3A_122] : memref<10240x128xf32, #tpu.memory_space<vmem_shared>> -> memref<10240x128xf32, #tpu.memory_space<vmem_shared>>
        tpu.wait_indirect_dma semaphore(%run_scoped3A_111 : memref<!tpu.dma_semaphore, #tpu.memory_space<semaphore_mem>>) src(%arg7 : memref<128x128xf32, #tpu.memory_space<vmem>>) dst(%dma_wait3A_123 : memref<10240x128xf32, #tpu.memory_space<vmem_shared>>)
        tpu.yield
      }) : () -> ()
      %add3A_96 = arith.constant 3 : i32
      %add3A_97 = arith.addi %mul3A_78, %add3A_96 : i32
      %mul3A_98 = arith.constant 128 : i32
      %mul3A_99 = arith.muli %add3A_97, %mul3A_98 : i32
      %add3A_100 = arith.addi %mul3A_2, %mul3A_99 : i32
      %dma_start3A_101 = arith.constant 0 : i32
      %dma_start3A_102 = tpu.memref_slice %arg2[%dma_start3A_101, %add3A_100] : memref<2x327680xi32, #tpu.memory_space<hbm>> -> memref<2x128xi32, #tpu.memory_space<hbm>>
      %dma_start3A_103 = arith.constant 0 : i32
      %dma_start3A_104 = tpu.memref_slice %arg2[%dma_start3A_103, %add3A_100] : memref<2x327680xi32, #tpu.memory_space<hbm>> -> memref<2x128xi32, #tpu.memory_space<hbm>>
      tpu.enqueue_dma source(%dma_start3A_104 : memref<2x128xi32, #tpu.memory_space<hbm>>) target(%arg6 : memref<2x128xi32, #tpu.memory_space<vmem>>) target_semaphore(%arg10 : memref<!tpu.dma_semaphore, #tpu.memory_space<semaphore_mem>>)
      %dma_wait3A_105 = arith.constant 0 : i32
      %dma_wait3A_106 = arith.constant 0 : i32
      %dma_wait3A_107 = tpu.memref_slice %arg2[%dma_wait3A_105, %dma_wait3A_106] : memref<2x327680xi32, #tpu.memory_space<hbm>> -> memref<2x128xi32, #tpu.memory_space<hbm>>
      %dma_wait3A_108 = arith.constant 0 : i32
      %dma_wait3A_109 = arith.constant 0 : i32
      %dma_wait3A_110 = tpu.memref_slice %arg2[%dma_wait3A_108, %dma_wait3A_109] : memref<2x327680xi32, #tpu.memory_space<hbm>> -> memref<2x128xi32, #tpu.memory_space<hbm>>
      tpu.wait_dma2 semaphore(%arg9 : memref<!tpu.dma_semaphore, #tpu.memory_space<semaphore_mem>>) src(%dma_wait3A_110 : memref<2x128xi32, #tpu.memory_space<hbm>>) dst(%arg5 : memref<2x128xi32, #tpu.memory_space<vmem>>)
    }
    %scan3A_64 = arith.constant 39 : i32
    %run_scoped3A = arith.constant 1 : i32
    "tpu.region"() ({
      %run_scoped3A_76 = tpu.sem_alloc : memref<!tpu.dma_semaphore, #tpu.memory_space<semaphore_mem>>
      %dma_start3A_77 = arith.constant 0 : i32
      %dma_start3A_78 = tpu.memref_slice %arg5[%run_scoped3A, %dma_start3A_77] : memref<2x128xi32, #tpu.memory_space<vmem>> -> memref<1x128xi32, #tpu.memory_space<vmem>>
      %dma_start3A_79 = tpu.memref_squeeze %dma_start3A_78 : memref<1x128xi32, #tpu.memory_space<vmem>> -> memref<128xi32, #tpu.memory_space<vmem>>
      %dma_start3A_80 = arith.constant 0 : i32
      %dma_start3A_81 = arith.constant 0 : i32
      %dma_start3A_82 = tpu.memref_slice %arg4[%dma_start3A_80, %dma_start3A_81] : memref<10240x128xf32, #tpu.memory_space<vmem_shared>> -> memref<10240x128xf32, #tpu.memory_space<vmem_shared>>
      tpu.enqueue_indirect_dma source(%arg7 : memref<128x128xf32, #tpu.memory_space<vmem>>) target(%dma_start3A_82 : memref<10240x128xf32, #tpu.memory_space<vmem_shared>>) offsets(%dma_start3A_79 : memref<128xi32, #tpu.memory_space<vmem>>) semaphore(%run_scoped3A_76 : memref<!tpu.dma_semaphore, #tpu.memory_space<semaphore_mem>>) {add = true}
      %dma_wait3A_83 = arith.constant 0 : i32
      %dma_wait3A_84 = tpu.memref_slice %arg5[%run_scoped3A, %dma_wait3A_83] : memref<2x128xi32, #tpu.memory_space<vmem>> -> memref<1x128xi32, #tpu.memory_space<vmem>>
      %dma_wait3A_85 = tpu.memref_squeeze %dma_wait3A_84 : memref<1x128xi32, #tpu.memory_space<vmem>> -> memref<128xi32, #tpu.memory_space<vmem>>
      %dma_wait3A_86 = arith.constant 0 : i32
      %dma_wait3A_87 = arith.constant 0 : i32
      %dma_wait3A_88 = tpu.memref_slice %arg4[%dma_wait3A_86, %dma_wait3A_87] : memref<10240x128xf32, #tpu.memory_space<vmem_shared>> -> memref<10240x128xf32, #tpu.memory_space<vmem_shared>>
      tpu.wait_indirect_dma semaphore(%run_scoped3A_76 : memref<!tpu.dma_semaphore, #tpu.memory_space<semaphore_mem>>) src(%arg7 : memref<128x128xf32, #tpu.memory_space<vmem>>) dst(%dma_wait3A_88 : memref<10240x128xf32, #tpu.memory_space<vmem_shared>>)
      tpu.yield
    }) : () -> ()
    %dma_wait3A = arith.constant 0 : i32
    %dma_wait3A_65 = arith.constant 0 : i32
    %dma_wait3A_66 = tpu.memref_slice %arg2[%dma_wait3A, %dma_wait3A_65] : memref<2x327680xi32, #tpu.memory_space<hbm>> -> memref<2x128xi32, #tpu.memory_space<hbm>>
    %dma_wait3A_67 = arith.constant 0 : i32
    %dma_wait3A_68 = arith.constant 0 : i32
    %dma_wait3A_69 = tpu.memref_slice %arg2[%dma_wait3A_67, %dma_wait3A_68] : memref<2x327680xi32, #tpu.memory_space<hbm>> -> memref<2x128xi32, #tpu.memory_space<hbm>>
    tpu.wait_dma2 semaphore(%arg10 : memref<!tpu.dma_semaphore, #tpu.memory_space<semaphore_mem>>) src(%dma_wait3A_69 : memref<2x128xi32, #tpu.memory_space<hbm>>) dst(%arg6 : memref<2x128xi32, #tpu.memory_space<vmem>>)
    %run_scoped3A_70 = arith.constant 1 : i32
    "tpu.region"() ({
      %run_scoped3A_76 = tpu.sem_alloc : memref<!tpu.dma_semaphore, #tpu.memory_space<semaphore_mem>>
      %dma_start3A_77 = arith.constant 0 : i32
      %dma_start3A_78 = tpu.memref_slice %arg6[%run_scoped3A_70, %dma_start3A_77] : memref<2x128xi32, #tpu.memory_space<vmem>> -> memref<1x128xi32, #tpu.memory_space<vmem>>
      %dma_start3A_79 = tpu.memref_squeeze %dma_start3A_78 : memref<1x128xi32, #tpu.memory_space<vmem>> -> memref<128xi32, #tpu.memory_space<vmem>>
      %dma_start3A_80 = arith.constant 0 : i32
      %dma_start3A_81 = arith.constant 0 : i32
      %dma_start3A_82 = tpu.memref_slice %arg4[%dma_start3A_80, %dma_start3A_81] : memref<10240x128xf32, #tpu.memory_space<vmem_shared>> -> memref<10240x128xf32, #tpu.memory_space<vmem_shared>>
      tpu.enqueue_indirect_dma source(%arg7 : memref<128x128xf32, #tpu.memory_space<vmem>>) target(%dma_start3A_82 : memref<10240x128xf32, #tpu.memory_space<vmem_shared>>) offsets(%dma_start3A_79 : memref<128xi32, #tpu.memory_space<vmem>>) semaphore(%run_scoped3A_76 : memref<!tpu.dma_semaphore, #tpu.memory_space<semaphore_mem>>) {add = true}
      %dma_wait3A_83 = arith.constant 0 : i32
      %dma_wait3A_84 = tpu.memref_slice %arg6[%run_scoped3A_70, %dma_wait3A_83] : memref<2x128xi32, #tpu.memory_space<vmem>> -> memref<1x128xi32, #tpu.memory_space<vmem>>
      %dma_wait3A_85 = tpu.memref_squeeze %dma_wait3A_84 : memref<1x128xi32, #tpu.memory_space<vmem>> -> memref<128xi32, #tpu.memory_space<vmem>>
      %dma_wait3A_86 = arith.constant 0 : i32
      %dma_wait3A_87 = arith.constant 0 : i32
      %dma_wait3A_88 = tpu.memref_slice %arg4[%dma_wait3A_86, %dma_wait3A_87] : memref<10240x128xf32, #tpu.memory_space<vmem_shared>> -> memref<10240x128xf32, #tpu.memory_space<vmem_shared>>
      tpu.wait_indirect_dma semaphore(%run_scoped3A_76 : memref<!tpu.dma_semaphore, #tpu.memory_space<semaphore_mem>>) src(%arg7 : memref<128x128xf32, #tpu.memory_space<vmem>>) dst(%dma_wait3A_88 : memref<10240x128xf32, #tpu.memory_space<vmem_shared>>)
      tpu.yield
    }) : () -> ()
    %barrier3A_71 = arith.constant 0 : index
    tpu.barrier barrier_id(%barrier3A_71)
    %mul3A_72 = arith.constant 640 : i32
    %mul3A_73 = arith.muli %arg1, %mul3A_72 : i32
    %mul3A_74 = arith.constant 640 : i32
    %mul3A_75 = arith.muli %arg1, %mul3A_74 : i32
    "tpu.region"() ({
      %run_scoped3A_76 = tpu.sem_alloc : memref<!tpu.dma_semaphore, #tpu.memory_space<semaphore_mem>>
      %dma_start3A_77 = arith.constant 0 : i32
      %dma_start3A_78 = tpu.memref_slice %arg3[%arg0, %mul3A_75, %dma_start3A_77] : memref<2x10240x128xf32, #tpu.memory_space<hbm>> -> memref<1x640x128xf32, #tpu.memory_space<hbm>>
      %dma_start3A_79 = tpu.memref_squeeze %dma_start3A_78 : memref<1x640x128xf32, #tpu.memory_space<hbm>> -> memref<640x128xf32, #tpu.memory_space<hbm>>
      %dma_start3A_80 = arith.constant 0 : i32
      %dma_start3A_81 = tpu.memref_slice %arg4[%mul3A_73, %dma_start3A_80] : memref<10240x128xf32, #tpu.memory_space<vmem_shared>> -> memref<640x128xf32, #tpu.memory_space<vmem_shared>>
      tpu.enqueue_dma source(%dma_start3A_81 : memref<640x128xf32, #tpu.memory_space<vmem_shared>>) target(%dma_start3A_79 : memref<640x128xf32, #tpu.memory_space<hbm>>) target_semaphore(%run_scoped3A_76 : memref<!tpu.dma_semaphore, #tpu.memory_space<semaphore_mem>>)
      %dma_wait3A_82 = arith.constant 0 : i32
      %dma_wait3A_83 = tpu.memref_slice %arg3[%arg0, %mul3A_75, %dma_wait3A_82] : memref<2x10240x128xf32, #tpu.memory_space<hbm>> -> memref<1x640x128xf32, #tpu.memory_space<hbm>>
      %dma_wait3A_84 = tpu.memref_squeeze %dma_wait3A_83 : memref<1x640x128xf32, #tpu.memory_space<hbm>> -> memref<640x128xf32, #tpu.memory_space<hbm>>
      %dma_wait3A_85 = arith.constant 0 : i32
      %dma_wait3A_86 = tpu.memref_slice %arg4[%mul3A_73, %dma_wait3A_85] : memref<10240x128xf32, #tpu.memory_space<vmem_shared>> -> memref<640x128xf32, #tpu.memory_space<vmem_shared>>
      tpu.wait_dma2 semaphore(%run_scoped3A_76 : memref<!tpu.dma_semaphore, #tpu.memory_space<semaphore_mem>>) src(%dma_wait3A_86 : memref<640x128xf32, #tpu.memory_space<vmem_shared>>) dst(%dma_wait3A_84 : memref<640x128xf32, #tpu.memory_space<hbm>>)
      tpu.yield
    }) : () -> ()
    return
  }
}

#map = affine_map<(d0, d1) -> (0, 0)>
#map1 = affine_map<(d0, d1) -> (0, 0, 0)>
module attributes {stable_mosaic.version = 14 : i64} {
  func.func @s_kernel(%arg0: i32, %arg1: i32, %arg2: memref<10000x128xf32, #tpu.memory_space<hbm>>, %arg3: memref<2x327680xi32, #tpu.memory_space<hbm>>, %arg4: memref<2x10240x128xf32, #tpu.memory_space<hbm>>, %arg5: memref<10240x128xf32, #tpu.memory_space<vmem_shared>>, %arg6: memref<2x128xi32, #tpu.memory_space<vmem>>, %arg7: memref<2x128xi32, #tpu.memory_space<vmem>>, %arg8: memref<128x128xf32, #tpu.memory_space<vmem>>, %arg9: memref<128x128xf32, #tpu.memory_space<vmem>>, %arg10: memref<64x128xf32, #tpu.memory_space<vmem>>, %arg11: memref<!tpu.dma_semaphore, #tpu.memory_space<semaphore_mem>>, %arg12: memref<!tpu.dma_semaphore, #tpu.memory_space<semaphore_mem>>, %arg13: memref<!tpu.dma_semaphore, #tpu.memory_space<semaphore_mem>>, %arg14: memref<!tpu.dma_semaphore, #tpu.memory_space<semaphore_mem>>) attributes {dimension_semantics = [#tpu.dimension_semantics<core_parallel>, #tpu.dimension_semantics<subcore_parallel>], iteration_bounds = array<i64: 2, 16>, scalar_prefetch = 0 : i64, scratch_operands = 10 : i64, tpu.core_type = #tpu.core_type<sc_vector_subcore>, window_params = [{transform_indices = #map}, {transform_indices = #map}, {transform_indices = #map1}]} {
    %mul3A = arith.constant 16 : i32
    %mul3A_0 = arith.muli %arg0, %mul3A : i32
    %add3A = arith.addi %mul3A_0, %arg1 : i32
    %mul3A_1 = arith.constant 10240 : i32
    %mul3A_2 = arith.muli %add3A, %mul3A_1 : i32
    %scan3A = arith.constant 0 : i32
    %scan3A_3 = arith.constant 0 : i32
    %scan3A_4 = arith.constant 64 : i32
    %scan3A_5 = arith.addi %scan3A_3, %scan3A_4 : i32
    %scan3A_6 = arith.constant 1 : i32
    scf.for %scan3A_96 = %scan3A_3 to %scan3A_5 step %scan3A_6  : i32 {
      %broadcast_in_dim3A = arith.constant 0.000000e+00 : f32
      %broadcast_in_dim3A_97 = vector.broadcast %broadcast_in_dim3A : f32 to vector<16xf32>
      %swap3A = arith.index_cast %scan3A_96 : i32 to index
      %swap3A_98 = arith.constant 0 : index
      %swap3A_99 = tpu.vector_load %arg10[%swap3A, %swap3A_98] {strides = array<i32>} : memref<64x128xf32, #tpu.memory_space<vmem>>, vector<1x16xf32>,
      %swap3A_100 = vector.shape_cast %swap3A_99 : vector<1x16xf32> to vector<16xf32>
      %swap3A_101 = vector.shape_cast %broadcast_in_dim3A_97 : vector<16xf32> to vector<1x16xf32>
      tpu.vector_store %arg10[%swap3A, %swap3A_98], %swap3A_101 {strides = array<i32>} : memref<64x128xf32, #tpu.memory_space<vmem>>, vector<1x16xf32>,
      %broadcast_in_dim3A_102 = arith.constant 0.000000e+00 : f32
      %broadcast_in_dim3A_103 = vector.broadcast %broadcast_in_dim3A_102 : f32 to vector<16xf32>
      %swap3A_104 = arith.index_cast %scan3A_96 : i32 to index
      %swap3A_105 = arith.constant 16 : index
      %swap3A_106 = tpu.vector_load %arg10[%swap3A_104, %swap3A_105] {strides = array<i32>} : memref<64x128xf32, #tpu.memory_space<vmem>>, vector<1x16xf32>,
      %swap3A_107 = vector.shape_cast %swap3A_106 : vector<1x16xf32> to vector<16xf32>
      %swap3A_108 = vector.shape_cast %broadcast_in_dim3A_103 : vector<16xf32> to vector<1x16xf32>
      tpu.vector_store %arg10[%swap3A_104, %swap3A_105], %swap3A_108 {strides = array<i32>} : memref<64x128xf32, #tpu.memory_space<vmem>>, vector<1x16xf32>,
      %broadcast_in_dim3A_109 = arith.constant 0.000000e+00 : f32
      %broadcast_in_dim3A_110 = vector.broadcast %broadcast_in_dim3A_109 : f32 to vector<16xf32>
      %swap3A_111 = arith.index_cast %scan3A_96 : i32 to index
      %swap3A_112 = arith.constant 32 : index
      %swap3A_113 = tpu.vector_load %arg10[%swap3A_111, %swap3A_112] {strides = array<i32>} : memref<64x128xf32, #tpu.memory_space<vmem>>, vector<1x16xf32>,
      %swap3A_114 = vector.shape_cast %swap3A_113 : vector<1x16xf32> to vector<16xf32>
      %swap3A_115 = vector.shape_cast %broadcast_in_dim3A_110 : vector<16xf32> to vector<1x16xf32>
      tpu.vector_store %arg10[%swap3A_111, %swap3A_112], %swap3A_115 {strides = array<i32>} : memref<64x128xf32, #tpu.memory_space<vmem>>, vector<1x16xf32>,
      %broadcast_in_dim3A_116 = arith.constant 0.000000e+00 : f32
      %broadcast_in_dim3A_117 = vector.broadcast %broadcast_in_dim3A_116 : f32 to vector<16xf32>
      %swap3A_118 = arith.index_cast %scan3A_96 : i32 to index
      %swap3A_119 = arith.constant 48 : index
      %swap3A_120 = tpu.vector_load %arg10[%swap3A_118, %swap3A_119] {strides = array<i32>} : memref<64x128xf32, #tpu.memory_space<vmem>>, vector<1x16xf32>,
      %swap3A_121 = vector.shape_cast %swap3A_120 : vector<1x16xf32> to vector<16xf32>
      %swap3A_122 = vector.shape_cast %broadcast_in_dim3A_117 : vector<16xf32> to vector<1x16xf32>
      tpu.vector_store %arg10[%swap3A_118, %swap3A_119], %swap3A_122 {strides = array<i32>} : memref<64x128xf32, #tpu.memory_space<vmem>>, vector<1x16xf32>,
      %broadcast_in_dim3A_123 = arith.constant 0.000000e+00 : f32
      %broadcast_in_dim3A_124 = vector.broadcast %broadcast_in_dim3A_123 : f32 to vector<16xf32>
      %swap3A_125 = arith.index_cast %scan3A_96 : i32 to index
      %swap3A_126 = arith.constant 64 : index
      %swap3A_127 = tpu.vector_load %arg10[%swap3A_125, %swap3A_126] {strides = array<i32>} : memref<64x128xf32, #tpu.memory_space<vmem>>, vector<1x16xf32>,
      %swap3A_128 = vector.shape_cast %swap3A_127 : vector<1x16xf32> to vector<16xf32>
      %swap3A_129 = vector.shape_cast %broadcast_in_dim3A_124 : vector<16xf32> to vector<1x16xf32>
      tpu.vector_store %arg10[%swap3A_125, %swap3A_126], %swap3A_129 {strides = array<i32>} : memref<64x128xf32, #tpu.memory_space<vmem>>, vector<1x16xf32>,
      %broadcast_in_dim3A_130 = arith.constant 0.000000e+00 : f32
      %broadcast_in_dim3A_131 = vector.broadcast %broadcast_in_dim3A_130 : f32 to vector<16xf32>
      %swap3A_132 = arith.index_cast %scan3A_96 : i32 to index
      %swap3A_133 = arith.constant 80 : index
      %swap3A_134 = tpu.vector_load %arg10[%swap3A_132, %swap3A_133] {strides = array<i32>} : memref<64x128xf32, #tpu.memory_space<vmem>>, vector<1x16xf32>,
      %swap3A_135 = vector.shape_cast %swap3A_134 : vector<1x16xf32> to vector<16xf32>
      %swap3A_136 = vector.shape_cast %broadcast_in_dim3A_131 : vector<16xf32> to vector<1x16xf32>
      tpu.vector_store %arg10[%swap3A_132, %swap3A_133], %swap3A_136 {strides = array<i32>} : memref<64x128xf32, #tpu.memory_space<vmem>>, vector<1x16xf32>,
      %broadcast_in_dim3A_137 = arith.constant 0.000000e+00 : f32
      %broadcast_in_dim3A_138 = vector.broadcast %broadcast_in_dim3A_137 : f32 to vector<16xf32>
      %swap3A_139 = arith.index_cast %scan3A_96 : i32 to index
      %swap3A_140 = arith.constant 96 : index
      %swap3A_141 = tpu.vector_load %arg10[%swap3A_139, %swap3A_140] {strides = array<i32>} : memref<64x128xf32, #tpu.memory_space<vmem>>, vector<1x16xf32>,
      %swap3A_142 = vector.shape_cast %swap3A_141 : vector<1x16xf32> to vector<16xf32>
      %swap3A_143 = vector.shape_cast %broadcast_in_dim3A_138 : vector<16xf32> to vector<1x16xf32>
      tpu.vector_store %arg10[%swap3A_139, %swap3A_140], %swap3A_143 {strides = array<i32>} : memref<64x128xf32, #tpu.memory_space<vmem>>, vector<1x16xf32>,
      %broadcast_in_dim3A_144 = arith.constant 0.000000e+00 : f32
      %broadcast_in_dim3A_145 = vector.broadcast %broadcast_in_dim3A_144 : f32 to vector<16xf32>
      %swap3A_146 = arith.index_cast %scan3A_96 : i32 to index
      %swap3A_147 = arith.constant 112 : index
      %swap3A_148 = tpu.vector_load %arg10[%swap3A_146, %swap3A_147] {strides = array<i32>} : memref<64x128xf32, #tpu.memory_space<vmem>>, vector<1x16xf32>,
      %swap3A_149 = vector.shape_cast %swap3A_148 : vector<1x16xf32> to vector<16xf32>
      %swap3A_150 = vector.shape_cast %broadcast_in_dim3A_145 : vector<16xf32> to vector<1x16xf32>
      tpu.vector_store %arg10[%swap3A_146, %swap3A_147], %swap3A_150 {strides = array<i32>} : memref<64x128xf32, #tpu.memory_space<vmem>>, vector<1x16xf32>,
    }
    %scan3A_7 = arith.constant 64 : i32
    %mul3A_8 = arith.constant 640 : i32
    %mul3A_9 = arith.muli %arg1, %mul3A_8 : i32
    %add3A_10 = arith.constant 0 : i32
    %add3A_11 = arith.addi %mul3A_9, %add3A_10 : i32
    "tpu.region"() ({
      %run_scoped3A_96 = tpu.sem_alloc : memref<!tpu.dma_semaphore, #tpu.memory_space<semaphore_mem>>
      %dma_start3A_97 = arith.constant 0 : i32
      %dma_start3A_98 = tpu.memref_slice %arg5[%add3A_11, %dma_start3A_97] : memref<10240x128xf32, #tpu.memory_space<vmem_shared>> -> memref<64x128xf32, #tpu.memory_space<vmem_shared>>
      %dma_start3A_99 = arith.constant 0 : i32
      %dma_start3A_100 = tpu.memref_slice %arg5[%add3A_11, %dma_start3A_99] : memref<10240x128xf32, #tpu.memory_space<vmem_shared>> -> memref<64x128xf32, #tpu.memory_space<vmem_shared>>
      tpu.enqueue_dma source(%arg10 : memref<64x128xf32, #tpu.memory_space<vmem>>) target(%dma_start3A_100 : memref<64x128xf32, #tpu.memory_space<vmem_shared>>) target_semaphore(%run_scoped3A_96 : memref<!tpu.dma_semaphore, #tpu.memory_space<semaphore_mem>>)
      %dma_wait3A_101 = arith.constant 0 : i32
      %dma_wait3A_102 = tpu.memref_slice %arg5[%add3A_11, %dma_wait3A_101] : memref<10240x128xf32, #tpu.memory_space<vmem_shared>> -> memref<64x128xf32, #tpu.memory_space<vmem_shared>>
      %dma_wait3A_103 = arith.constant 0 : i32
      %dma_wait3A_104 = tpu.memref_slice %arg5[%add3A_11, %dma_wait3A_103] : memref<10240x128xf32, #tpu.memory_space<vmem_shared>> -> memref<64x128xf32, #tpu.memory_space<vmem_shared>>
      tpu.wait_dma2 semaphore(%run_scoped3A_96 : memref<!tpu.dma_semaphore, #tpu.memory_space<semaphore_mem>>) src(%arg10 : memref<64x128xf32, #tpu.memory_space<vmem>>) dst(%dma_wait3A_104 : memref<64x128xf32, #tpu.memory_space<vmem_shared>>)
      tpu.yield
    }) : () -> ()
    %mul3A_12 = arith.constant 640 : i32
    %mul3A_13 = arith.muli %arg1, %mul3A_12 : i32
    %add3A_14 = arith.constant 64 : i32
    %add3A_15 = arith.addi %mul3A_13, %add3A_14 : i32
    "tpu.region"() ({
      %run_scoped3A_96 = tpu.sem_alloc : memref<!tpu.dma_semaphore, #tpu.memory_space<semaphore_mem>>
      %dma_start3A_97 = arith.constant 0 : i32
      %dma_start3A_98 = tpu.memref_slice %arg5[%add3A_15, %dma_start3A_97] : memref<10240x128xf32, #tpu.memory_space<vmem_shared>> -> memref<64x128xf32, #tpu.memory_space<vmem_shared>>
      %dma_start3A_99 = arith.constant 0 : i32
      %dma_start3A_100 = tpu.memref_slice %arg5[%add3A_15, %dma_start3A_99] : memref<10240x128xf32, #tpu.memory_space<vmem_shared>> -> memref<64x128xf32, #tpu.memory_space<vmem_shared>>
      tpu.enqueue_dma source(%arg10 : memref<64x128xf32, #tpu.memory_space<vmem>>) target(%dma_start3A_100 : memref<64x128xf32, #tpu.memory_space<vmem_shared>>) target_semaphore(%run_scoped3A_96 : memref<!tpu.dma_semaphore, #tpu.memory_space<semaphore_mem>>)
      %dma_wait3A_101 = arith.constant 0 : i32
      %dma_wait3A_102 = tpu.memref_slice %arg5[%add3A_15, %dma_wait3A_101] : memref<10240x128xf32, #tpu.memory_space<vmem_shared>> -> memref<64x128xf32, #tpu.memory_space<vmem_shared>>
      %dma_wait3A_103 = arith.constant 0 : i32
      %dma_wait3A_104 = tpu.memref_slice %arg5[%add3A_15, %dma_wait3A_103] : memref<10240x128xf32, #tpu.memory_space<vmem_shared>> -> memref<64x128xf32, #tpu.memory_space<vmem_shared>>
      tpu.wait_dma2 semaphore(%run_scoped3A_96 : memref<!tpu.dma_semaphore, #tpu.memory_space<semaphore_mem>>) src(%arg10 : memref<64x128xf32, #tpu.memory_space<vmem>>) dst(%dma_wait3A_104 : memref<64x128xf32, #tpu.memory_space<vmem_shared>>)
      tpu.yield
    }) : () -> ()
    %mul3A_16 = arith.constant 640 : i32
    %mul3A_17 = arith.muli %arg1, %mul3A_16 : i32
    %add3A_18 = arith.constant 128 : i32
    %add3A_19 = arith.addi %mul3A_17, %add3A_18 : i32
    "tpu.region"() ({
      %run_scoped3A_96 = tpu.sem_alloc : memref<!tpu.dma_semaphore, #tpu.memory_space<semaphore_mem>>
      %dma_start3A_97 = arith.constant 0 : i32
      %dma_start3A_98 = tpu.memref_slice %arg5[%add3A_19, %dma_start3A_97] : memref<10240x128xf32, #tpu.memory_space<vmem_shared>> -> memref<64x128xf32, #tpu.memory_space<vmem_shared>>
      %dma_start3A_99 = arith.constant 0 : i32
      %dma_start3A_100 = tpu.memref_slice %arg5[%add3A_19, %dma_start3A_99] : memref<10240x128xf32, #tpu.memory_space<vmem_shared>> -> memref<64x128xf32, #tpu.memory_space<vmem_shared>>
      tpu.enqueue_dma source(%arg10 : memref<64x128xf32, #tpu.memory_space<vmem>>) target(%dma_start3A_100 : memref<64x128xf32, #tpu.memory_space<vmem_shared>>) target_semaphore(%run_scoped3A_96 : memref<!tpu.dma_semaphore, #tpu.memory_space<semaphore_mem>>)
      %dma_wait3A_101 = arith.constant 0 : i32
      %dma_wait3A_102 = tpu.memref_slice %arg5[%add3A_19, %dma_wait3A_101] : memref<10240x128xf32, #tpu.memory_space<vmem_shared>> -> memref<64x128xf32, #tpu.memory_space<vmem_shared>>
      %dma_wait3A_103 = arith.constant 0 : i32
      %dma_wait3A_104 = tpu.memref_slice %arg5[%add3A_19, %dma_wait3A_103] : memref<10240x128xf32, #tpu.memory_space<vmem_shared>> -> memref<64x128xf32, #tpu.memory_space<vmem_shared>>
      tpu.wait_dma2 semaphore(%run_scoped3A_96 : memref<!tpu.dma_semaphore, #tpu.memory_space<semaphore_mem>>) src(%arg10 : memref<64x128xf32, #tpu.memory_space<vmem>>) dst(%dma_wait3A_104 : memref<64x128xf32, #tpu.memory_space<vmem_shared>>)
      tpu.yield
    }) : () -> ()
    %mul3A_20 = arith.constant 640 : i32
    %mul3A_21 = arith.muli %arg1, %mul3A_20 : i32
    %add3A_22 = arith.constant 192 : i32
    %add3A_23 = arith.addi %mul3A_21, %add3A_22 : i32
    "tpu.region"() ({
      %run_scoped3A_96 = tpu.sem_alloc : memref<!tpu.dma_semaphore, #tpu.memory_space<semaphore_mem>>
      %dma_start3A_97 = arith.constant 0 : i32
      %dma_start3A_98 = tpu.memref_slice %arg5[%add3A_23, %dma_start3A_97] : memref<10240x128xf32, #tpu.memory_space<vmem_shared>> -> memref<64x128xf32, #tpu.memory_space<vmem_shared>>
      %dma_start3A_99 = arith.constant 0 : i32
      %dma_start3A_100 = tpu.memref_slice %arg5[%add3A_23, %dma_start3A_99] : memref<10240x128xf32, #tpu.memory_space<vmem_shared>> -> memref<64x128xf32, #tpu.memory_space<vmem_shared>>
      tpu.enqueue_dma source(%arg10 : memref<64x128xf32, #tpu.memory_space<vmem>>) target(%dma_start3A_100 : memref<64x128xf32, #tpu.memory_space<vmem_shared>>) target_semaphore(%run_scoped3A_96 : memref<!tpu.dma_semaphore, #tpu.memory_space<semaphore_mem>>)
      %dma_wait3A_101 = arith.constant 0 : i32
      %dma_wait3A_102 = tpu.memref_slice %arg5[%add3A_23, %dma_wait3A_101] : memref<10240x128xf32, #tpu.memory_space<vmem_shared>> -> memref<64x128xf32, #tpu.memory_space<vmem_shared>>
      %dma_wait3A_103 = arith.constant 0 : i32
      %dma_wait3A_104 = tpu.memref_slice %arg5[%add3A_23, %dma_wait3A_103] : memref<10240x128xf32, #tpu.memory_space<vmem_shared>> -> memref<64x128xf32, #tpu.memory_space<vmem_shared>>
      tpu.wait_dma2 semaphore(%run_scoped3A_96 : memref<!tpu.dma_semaphore, #tpu.memory_space<semaphore_mem>>) src(%arg10 : memref<64x128xf32, #tpu.memory_space<vmem>>) dst(%dma_wait3A_104 : memref<64x128xf32, #tpu.memory_space<vmem_shared>>)
      tpu.yield
    }) : () -> ()
    %mul3A_24 = arith.constant 640 : i32
    %mul3A_25 = arith.muli %arg1, %mul3A_24 : i32
    %add3A_26 = arith.constant 256 : i32
    %add3A_27 = arith.addi %mul3A_25, %add3A_26 : i32
    "tpu.region"() ({
      %run_scoped3A_96 = tpu.sem_alloc : memref<!tpu.dma_semaphore, #tpu.memory_space<semaphore_mem>>
      %dma_start3A_97 = arith.constant 0 : i32
      %dma_start3A_98 = tpu.memref_slice %arg5[%add3A_27, %dma_start3A_97] : memref<10240x128xf32, #tpu.memory_space<vmem_shared>> -> memref<64x128xf32, #tpu.memory_space<vmem_shared>>
      %dma_start3A_99 = arith.constant 0 : i32
      %dma_start3A_100 = tpu.memref_slice %arg5[%add3A_27, %dma_start3A_99] : memref<10240x128xf32, #tpu.memory_space<vmem_shared>> -> memref<64x128xf32, #tpu.memory_space<vmem_shared>>
      tpu.enqueue_dma source(%arg10 : memref<64x128xf32, #tpu.memory_space<vmem>>) target(%dma_start3A_100 : memref<64x128xf32, #tpu.memory_space<vmem_shared>>) target_semaphore(%run_scoped3A_96 : memref<!tpu.dma_semaphore, #tpu.memory_space<semaphore_mem>>)
      %dma_wait3A_101 = arith.constant 0 : i32
      %dma_wait3A_102 = tpu.memref_slice %arg5[%add3A_27, %dma_wait3A_101] : memref<10240x128xf32, #tpu.memory_space<vmem_shared>> -> memref<64x128xf32, #tpu.memory_space<vmem_shared>>
      %dma_wait3A_103 = arith.constant 0 : i32
      %dma_wait3A_104 = tpu.memref_slice %arg5[%add3A_27, %dma_wait3A_103] : memref<10240x128xf32, #tpu.memory_space<vmem_shared>> -> memref<64x128xf32, #tpu.memory_space<vmem_shared>>
      tpu.wait_dma2 semaphore(%run_scoped3A_96 : memref<!tpu.dma_semaphore, #tpu.memory_space<semaphore_mem>>) src(%arg10 : memref<64x128xf32, #tpu.memory_space<vmem>>) dst(%dma_wait3A_104 : memref<64x128xf32, #tpu.memory_space<vmem_shared>>)
      tpu.yield
    }) : () -> ()
    %mul3A_28 = arith.constant 640 : i32
    %mul3A_29 = arith.muli %arg1, %mul3A_28 : i32
    %add3A_30 = arith.constant 320 : i32
    %add3A_31 = arith.addi %mul3A_29, %add3A_30 : i32
    "tpu.region"() ({
      %run_scoped3A_96 = tpu.sem_alloc : memref<!tpu.dma_semaphore, #tpu.memory_space<semaphore_mem>>
      %dma_start3A_97 = arith.constant 0 : i32
      %dma_start3A_98 = tpu.memref_slice %arg5[%add3A_31, %dma_start3A_97] : memref<10240x128xf32, #tpu.memory_space<vmem_shared>> -> memref<64x128xf32, #tpu.memory_space<vmem_shared>>
      %dma_start3A_99 = arith.constant 0 : i32
      %dma_start3A_100 = tpu.memref_slice %arg5[%add3A_31, %dma_start3A_99] : memref<10240x128xf32, #tpu.memory_space<vmem_shared>> -> memref<64x128xf32, #tpu.memory_space<vmem_shared>>
      tpu.enqueue_dma source(%arg10 : memref<64x128xf32, #tpu.memory_space<vmem>>) target(%dma_start3A_100 : memref<64x128xf32, #tpu.memory_space<vmem_shared>>) target_semaphore(%run_scoped3A_96 : memref<!tpu.dma_semaphore, #tpu.memory_space<semaphore_mem>>)
      %dma_wait3A_101 = arith.constant 0 : i32
      %dma_wait3A_102 = tpu.memref_slice %arg5[%add3A_31, %dma_wait3A_101] : memref<10240x128xf32, #tpu.memory_space<vmem_shared>> -> memref<64x128xf32, #tpu.memory_space<vmem_shared>>
      %dma_wait3A_103 = arith.constant 0 : i32
      %dma_wait3A_104 = tpu.memref_slice %arg5[%add3A_31, %dma_wait3A_103] : memref<10240x128xf32, #tpu.memory_space<vmem_shared>> -> memref<64x128xf32, #tpu.memory_space<vmem_shared>>
      tpu.wait_dma2 semaphore(%run_scoped3A_96 : memref<!tpu.dma_semaphore, #tpu.memory_space<semaphore_mem>>) src(%arg10 : memref<64x128xf32, #tpu.memory_space<vmem>>) dst(%dma_wait3A_104 : memref<64x128xf32, #tpu.memory_space<vmem_shared>>)
      tpu.yield
    }) : () -> ()
    %mul3A_32 = arith.constant 640 : i32
    %mul3A_33 = arith.muli %arg1, %mul3A_32 : i32
    %add3A_34 = arith.constant 384 : i32
    %add3A_35 = arith.addi %mul3A_33, %add3A_34 : i32
    "tpu.region"() ({
      %run_scoped3A_96 = tpu.sem_alloc : memref<!tpu.dma_semaphore, #tpu.memory_space<semaphore_mem>>
      %dma_start3A_97 = arith.constant 0 : i32
      %dma_start3A_98 = tpu.memref_slice %arg5[%add3A_35, %dma_start3A_97] : memref<10240x128xf32, #tpu.memory_space<vmem_shared>> -> memref<64x128xf32, #tpu.memory_space<vmem_shared>>
      %dma_start3A_99 = arith.constant 0 : i32
      %dma_start3A_100 = tpu.memref_slice %arg5[%add3A_35, %dma_start3A_99] : memref<10240x128xf32, #tpu.memory_space<vmem_shared>> -> memref<64x128xf32, #tpu.memory_space<vmem_shared>>
      tpu.enqueue_dma source(%arg10 : memref<64x128xf32, #tpu.memory_space<vmem>>) target(%dma_start3A_100 : memref<64x128xf32, #tpu.memory_space<vmem_shared>>) target_semaphore(%run_scoped3A_96 : memref<!tpu.dma_semaphore, #tpu.memory_space<semaphore_mem>>)
      %dma_wait3A_101 = arith.constant 0 : i32
      %dma_wait3A_102 = tpu.memref_slice %arg5[%add3A_35, %dma_wait3A_101] : memref<10240x128xf32, #tpu.memory_space<vmem_shared>> -> memref<64x128xf32, #tpu.memory_space<vmem_shared>>
      %dma_wait3A_103 = arith.constant 0 : i32
      %dma_wait3A_104 = tpu.memref_slice %arg5[%add3A_35, %dma_wait3A_103] : memref<10240x128xf32, #tpu.memory_space<vmem_shared>> -> memref<64x128xf32, #tpu.memory_space<vmem_shared>>
      tpu.wait_dma2 semaphore(%run_scoped3A_96 : memref<!tpu.dma_semaphore, #tpu.memory_space<semaphore_mem>>) src(%arg10 : memref<64x128xf32, #tpu.memory_space<vmem>>) dst(%dma_wait3A_104 : memref<64x128xf32, #tpu.memory_space<vmem_shared>>)
      tpu.yield
    }) : () -> ()
    %mul3A_36 = arith.constant 640 : i32
    %mul3A_37 = arith.muli %arg1, %mul3A_36 : i32
    %add3A_38 = arith.constant 448 : i32
    %add3A_39 = arith.addi %mul3A_37, %add3A_38 : i32
    "tpu.region"() ({
      %run_scoped3A_96 = tpu.sem_alloc : memref<!tpu.dma_semaphore, #tpu.memory_space<semaphore_mem>>
      %dma_start3A_97 = arith.constant 0 : i32
      %dma_start3A_98 = tpu.memref_slice %arg5[%add3A_39, %dma_start3A_97] : memref<10240x128xf32, #tpu.memory_space<vmem_shared>> -> memref<64x128xf32, #tpu.memory_space<vmem_shared>>
      %dma_start3A_99 = arith.constant 0 : i32
      %dma_start3A_100 = tpu.memref_slice %arg5[%add3A_39, %dma_start3A_99] : memref<10240x128xf32, #tpu.memory_space<vmem_shared>> -> memref<64x128xf32, #tpu.memory_space<vmem_shared>>
      tpu.enqueue_dma source(%arg10 : memref<64x128xf32, #tpu.memory_space<vmem>>) target(%dma_start3A_100 : memref<64x128xf32, #tpu.memory_space<vmem_shared>>) target_semaphore(%run_scoped3A_96 : memref<!tpu.dma_semaphore, #tpu.memory_space<semaphore_mem>>)
      %dma_wait3A_101 = arith.constant 0 : i32
      %dma_wait3A_102 = tpu.memref_slice %arg5[%add3A_39, %dma_wait3A_101] : memref<10240x128xf32, #tpu.memory_space<vmem_shared>> -> memref<64x128xf32, #tpu.memory_space<vmem_shared>>
      %dma_wait3A_103 = arith.constant 0 : i32
      %dma_wait3A_104 = tpu.memref_slice %arg5[%add3A_39, %dma_wait3A_103] : memref<10240x128xf32, #tpu.memory_space<vmem_shared>> -> memref<64x128xf32, #tpu.memory_space<vmem_shared>>
      tpu.wait_dma2 semaphore(%run_scoped3A_96 : memref<!tpu.dma_semaphore, #tpu.memory_space<semaphore_mem>>) src(%arg10 : memref<64x128xf32, #tpu.memory_space<vmem>>) dst(%dma_wait3A_104 : memref<64x128xf32, #tpu.memory_space<vmem_shared>>)
      tpu.yield
    }) : () -> ()
    %mul3A_40 = arith.constant 640 : i32
    %mul3A_41 = arith.muli %arg1, %mul3A_40 : i32
    %add3A_42 = arith.constant 512 : i32
    %add3A_43 = arith.addi %mul3A_41, %add3A_42 : i32
    "tpu.region"() ({
      %run_scoped3A_96 = tpu.sem_alloc : memref<!tpu.dma_semaphore, #tpu.memory_space<semaphore_mem>>
      %dma_start3A_97 = arith.constant 0 : i32
      %dma_start3A_98 = tpu.memref_slice %arg5[%add3A_43, %dma_start3A_97] : memref<10240x128xf32, #tpu.memory_space<vmem_shared>> -> memref<64x128xf32, #tpu.memory_space<vmem_shared>>
      %dma_start3A_99 = arith.constant 0 : i32
      %dma_start3A_100 = tpu.memref_slice %arg5[%add3A_43, %dma_start3A_99] : memref<10240x128xf32, #tpu.memory_space<vmem_shared>> -> memref<64x128xf32, #tpu.memory_space<vmem_shared>>
      tpu.enqueue_dma source(%arg10 : memref<64x128xf32, #tpu.memory_space<vmem>>) target(%dma_start3A_100 : memref<64x128xf32, #tpu.memory_space<vmem_shared>>) target_semaphore(%run_scoped3A_96 : memref<!tpu.dma_semaphore, #tpu.memory_space<semaphore_mem>>)
      %dma_wait3A_101 = arith.constant 0 : i32
      %dma_wait3A_102 = tpu.memref_slice %arg5[%add3A_43, %dma_wait3A_101] : memref<10240x128xf32, #tpu.memory_space<vmem_shared>> -> memref<64x128xf32, #tpu.memory_space<vmem_shared>>
      %dma_wait3A_103 = arith.constant 0 : i32
      %dma_wait3A_104 = tpu.memref_slice %arg5[%add3A_43, %dma_wait3A_103] : memref<10240x128xf32, #tpu.memory_space<vmem_shared>> -> memref<64x128xf32, #tpu.memory_space<vmem_shared>>
      tpu.wait_dma2 semaphore(%run_scoped3A_96 : memref<!tpu.dma_semaphore, #tpu.memory_space<semaphore_mem>>) src(%arg10 : memref<64x128xf32, #tpu.memory_space<vmem>>) dst(%dma_wait3A_104 : memref<64x128xf32, #tpu.memory_space<vmem_shared>>)
      tpu.yield
    }) : () -> ()
    %mul3A_44 = arith.constant 640 : i32
    %mul3A_45 = arith.muli %arg1, %mul3A_44 : i32
    %add3A_46 = arith.constant 576 : i32
    %add3A_47 = arith.addi %mul3A_45, %add3A_46 : i32
    "tpu.region"() ({
      %run_scoped3A_96 = tpu.sem_alloc : memref<!tpu.dma_semaphore, #tpu.memory_space<semaphore_mem>>
      %dma_start3A_97 = arith.constant 0 : i32
      %dma_start3A_98 = tpu.memref_slice %arg5[%add3A_47, %dma_start3A_97] : memref<10240x128xf32, #tpu.memory_space<vmem_shared>> -> memref<64x128xf32, #tpu.memory_space<vmem_shared>>
      %dma_start3A_99 = arith.constant 0 : i32
      %dma_start3A_100 = tpu.memref_slice %arg5[%add3A_47, %dma_start3A_99] : memref<10240x128xf32, #tpu.memory_space<vmem_shared>> -> memref<64x128xf32, #tpu.memory_space<vmem_shared>>
      tpu.enqueue_dma source(%arg10 : memref<64x128xf32, #tpu.memory_space<vmem>>) target(%dma_start3A_100 : memref<64x128xf32, #tpu.memory_space<vmem_shared>>) target_semaphore(%run_scoped3A_96 : memref<!tpu.dma_semaphore, #tpu.memory_space<semaphore_mem>>)
      %dma_wait3A_101 = arith.constant 0 : i32
      %dma_wait3A_102 = tpu.memref_slice %arg5[%add3A_47, %dma_wait3A_101] : memref<10240x128xf32, #tpu.memory_space<vmem_shared>> -> memref<64x128xf32, #tpu.memory_space<vmem_shared>>
      %dma_wait3A_103 = arith.constant 0 : i32
      %dma_wait3A_104 = tpu.memref_slice %arg5[%add3A_47, %dma_wait3A_103] : memref<10240x128xf32, #tpu.memory_space<vmem_shared>> -> memref<64x128xf32, #tpu.memory_space<vmem_shared>>
      tpu.wait_dma2 semaphore(%run_scoped3A_96 : memref<!tpu.dma_semaphore, #tpu.memory_space<semaphore_mem>>) src(%arg10 : memref<64x128xf32, #tpu.memory_space<vmem>>) dst(%dma_wait3A_104 : memref<64x128xf32, #tpu.memory_space<vmem_shared>>)
      tpu.yield
    }) : () -> ()
    %barrier3A = arith.constant 0 : index
    tpu.barrier barrier_id(%barrier3A)
    "tpu.region"() ({
      %run_scoped3A_96 = tpu.sem_alloc : memref<!tpu.dma_semaphore, #tpu.memory_space<semaphore_mem>>
      %dma_start3A_97 = arith.constant 0 : i32
      %dma_start3A_98 = tpu.memref_slice %arg3[%dma_start3A_97, %mul3A_2] : memref<2x327680xi32, #tpu.memory_space<hbm>> -> memref<2x128xi32, #tpu.memory_space<hbm>>
      %dma_start3A_99 = arith.constant 0 : i32
      %dma_start3A_100 = tpu.memref_slice %arg3[%dma_start3A_99, %mul3A_2] : memref<2x327680xi32, #tpu.memory_space<hbm>> -> memref<2x128xi32, #tpu.memory_space<hbm>>
      tpu.enqueue_dma source(%dma_start3A_100 : memref<2x128xi32, #tpu.memory_space<hbm>>) target(%arg6 : memref<2x128xi32, #tpu.memory_space<vmem>>) target_semaphore(%run_scoped3A_96 : memref<!tpu.dma_semaphore, #tpu.memory_space<semaphore_mem>>)
      %dma_wait3A_101 = arith.constant 0 : i32
      %dma_wait3A_102 = tpu.memref_slice %arg3[%dma_wait3A_101, %mul3A_2] : memref<2x327680xi32, #tpu.memory_space<hbm>> -> memref<2x128xi32, #tpu.memory_space<hbm>>
      %dma_wait3A_103 = arith.constant 0 : i32
      %dma_wait3A_104 = tpu.memref_slice %arg3[%dma_wait3A_103, %mul3A_2] : memref<2x327680xi32, #tpu.memory_space<hbm>> -> memref<2x128xi32, #tpu.memory_space<hbm>>
      tpu.wait_dma2 semaphore(%run_scoped3A_96 : memref<!tpu.dma_semaphore, #tpu.memory_space<semaphore_mem>>) src(%dma_wait3A_104 : memref<2x128xi32, #tpu.memory_space<hbm>>) dst(%arg6 : memref<2x128xi32, #tpu.memory_space<vmem>>)
      tpu.yield
    }) : () -> ()
    %dma_start3A = arith.constant 0 : i32
    %dma_start3A_48 = arith.constant 0 : i32
    %dma_start3A_49 = tpu.memref_slice %arg6[%dma_start3A, %dma_start3A_48] : memref<2x128xi32, #tpu.memory_space<vmem>> -> memref<1x128xi32, #tpu.memory_space<vmem>>
    %dma_start3A_50 = tpu.memref_squeeze %dma_start3A_49 : memref<1x128xi32, #tpu.memory_space<vmem>> -> memref<128xi32, #tpu.memory_space<vmem>>
    %dma_start3A_51 = arith.constant 0 : i32
    %dma_start3A_52 = arith.constant 0 : i32
    %dma_start3A_53 = tpu.memref_slice %arg2[%dma_start3A_51, %dma_start3A_52] : memref<10000x128xf32, #tpu.memory_space<hbm>> -> memref<10000x128xf32, #tpu.memory_space<hbm>>
    tpu.enqueue_indirect_dma source(%dma_start3A_53 : memref<10000x128xf32, #tpu.memory_space<hbm>>) target(%arg8 : memref<128x128xf32, #tpu.memory_space<vmem>>) offsets(%dma_start3A_50 : memref<128xi32, #tpu.memory_space<vmem>>) semaphore(%arg11 : memref<!tpu.dma_semaphore, #tpu.memory_space<semaphore_mem>>)
    %add3A_54 = arith.constant 128 : i32
    %add3A_55 = arith.addi %mul3A_2, %add3A_54 : i32
    %dma_start3A_56 = arith.constant 0 : i32
    %dma_start3A_57 = tpu.memref_slice %arg3[%dma_start3A_56, %add3A_55] : memref<2x327680xi32, #tpu.memory_space<hbm>> -> memref<2x128xi32, #tpu.memory_space<hbm>>
    %dma_start3A_58 = arith.constant 0 : i32
    %dma_start3A_59 = tpu.memref_slice %arg3[%dma_start3A_58, %add3A_55] : memref<2x327680xi32, #tpu.memory_space<hbm>> -> memref<2x128xi32, #tpu.memory_space<hbm>>
    tpu.enqueue_dma source(%dma_start3A_59 : memref<2x128xi32, #tpu.memory_space<hbm>>) target(%arg7 : memref<2x128xi32, #tpu.memory_space<vmem>>) target_semaphore(%arg14 : memref<!tpu.dma_semaphore, #tpu.memory_space<semaphore_mem>>)
    %scan3A_60 = arith.constant 0 : i32
    %scan3A_61 = arith.constant 0 : i32
    %scan3A_62 = arith.constant 39 : i32
    %scan3A_63 = arith.addi %scan3A_61, %scan3A_62 : i32
    %scan3A_64 = arith.constant 1 : i32
    scf.for %scan3A_96 = %scan3A_61 to %scan3A_63 step %scan3A_64  : i32 {
      %mul3A_97 = arith.constant 2 : i32
      %mul3A_98 = arith.muli %mul3A_97, %scan3A_96 : i32
      %dma_wait3A_99 = arith.constant 0 : i32
      %dma_wait3A_100 = arith.constant 0 : i32
      %dma_wait3A_101 = tpu.memref_slice %arg3[%dma_wait3A_99, %dma_wait3A_100] : memref<2x327680xi32, #tpu.memory_space<hbm>> -> memref<2x128xi32, #tpu.memory_space<hbm>>
      %dma_wait3A_102 = arith.constant 0 : i32
      %dma_wait3A_103 = arith.constant 0 : i32
      %dma_wait3A_104 = tpu.memref_slice %arg3[%dma_wait3A_102, %dma_wait3A_103] : memref<2x327680xi32, #tpu.memory_space<hbm>> -> memref<2x128xi32, #tpu.memory_space<hbm>>
      tpu.wait_dma2 semaphore(%arg14 : memref<!tpu.dma_semaphore, #tpu.memory_space<semaphore_mem>>) src(%dma_wait3A_104 : memref<2x128xi32, #tpu.memory_space<hbm>>) dst(%arg6 : memref<2x128xi32, #tpu.memory_space<vmem>>)
      %dma_wait3A_105 = arith.constant 0 : i32
      %dma_wait3A_106 = arith.constant 0 : i32
      %dma_wait3A_107 = tpu.memref_slice %arg2[%dma_wait3A_105, %dma_wait3A_106] : memref<10000x128xf32, #tpu.memory_space<hbm>> -> memref<128x128xf32, #tpu.memory_space<hbm>>
      %dma_wait3A_108 = arith.constant 0 : i32
      %dma_wait3A_109 = arith.constant 0 : i32
      %dma_wait3A_110 = tpu.memref_slice %arg2[%dma_wait3A_108, %dma_wait3A_109] : memref<10000x128xf32, #tpu.memory_space<hbm>> -> memref<128x128xf32, #tpu.memory_space<hbm>>
      tpu.wait_dma2 semaphore(%arg11 : memref<!tpu.dma_semaphore, #tpu.memory_space<semaphore_mem>>) src(%dma_wait3A_110 : memref<128x128xf32, #tpu.memory_space<hbm>>) dst(%arg8 : memref<128x128xf32, #tpu.memory_space<vmem>>)
      %dma_start3A_111 = arith.constant 0 : i32
      %dma_start3A_112 = arith.constant 0 : i32
      %dma_start3A_113 = tpu.memref_slice %arg7[%dma_start3A_111, %dma_start3A_112] : memref<2x128xi32, #tpu.memory_space<vmem>> -> memref<1x128xi32, #tpu.memory_space<vmem>>
      %dma_start3A_114 = tpu.memref_squeeze %dma_start3A_113 : memref<1x128xi32, #tpu.memory_space<vmem>> -> memref<128xi32, #tpu.memory_space<vmem>>
      %dma_start3A_115 = arith.constant 0 : i32
      %dma_start3A_116 = arith.constant 0 : i32
      %dma_start3A_117 = tpu.memref_slice %arg2[%dma_start3A_115, %dma_start3A_116] : memref<10000x128xf32, #tpu.memory_space<hbm>> -> memref<10000x128xf32, #tpu.memory_space<hbm>>
      tpu.enqueue_indirect_dma source(%dma_start3A_117 : memref<10000x128xf32, #tpu.memory_space<hbm>>) target(%arg9 : memref<128x128xf32, #tpu.memory_space<vmem>>) offsets(%dma_start3A_114 : memref<128xi32, #tpu.memory_space<vmem>>) semaphore(%arg12 : memref<!tpu.dma_semaphore, #tpu.memory_space<semaphore_mem>>)
      %run_scoped3A_118 = arith.constant 1 : i32
      "tpu.region"() ({
        %run_scoped3A_157 = tpu.sem_alloc : memref<!tpu.dma_semaphore, #tpu.memory_space<semaphore_mem>>
        %dma_start3A_158 = arith.constant 0 : i32
        %dma_start3A_159 = tpu.memref_slice %arg6[%run_scoped3A_118, %dma_start3A_158] : memref<2x128xi32, #tpu.memory_space<vmem>> -> memref<1x128xi32, #tpu.memory_space<vmem>>
        %dma_start3A_160 = tpu.memref_squeeze %dma_start3A_159 : memref<1x128xi32, #tpu.memory_space<vmem>> -> memref<128xi32, #tpu.memory_space<vmem>>
        %dma_start3A_161 = arith.constant 0 : i32
        %dma_start3A_162 = arith.constant 0 : i32
        %dma_start3A_163 = tpu.memref_slice %arg5[%dma_start3A_161, %dma_start3A_162] : memref<10240x128xf32, #tpu.memory_space<vmem_shared>> -> memref<10240x128xf32, #tpu.memory_space<vmem_shared>>
        tpu.enqueue_indirect_dma source(%arg8 : memref<128x128xf32, #tpu.memory_space<vmem>>) target(%dma_start3A_163 : memref<10240x128xf32, #tpu.memory_space<vmem_shared>>) offsets(%dma_start3A_160 : memref<128xi32, #tpu.memory_space<vmem>>) semaphore(%run_scoped3A_157 : memref<!tpu.dma_semaphore, #tpu.memory_space<semaphore_mem>>) {add = true}
        %dma_wait3A_164 = arith.constant 0 : i32
        %dma_wait3A_165 = tpu.memref_slice %arg6[%run_scoped3A_118, %dma_wait3A_164] : memref<2x128xi32, #tpu.memory_space<vmem>> -> memref<1x128xi32, #tpu.memory_space<vmem>>
        %dma_wait3A_166 = tpu.memref_squeeze %dma_wait3A_165 : memref<1x128xi32, #tpu.memory_space<vmem>> -> memref<128xi32, #tpu.memory_space<vmem>>
        %dma_wait3A_167 = arith.constant 0 : i32
        %dma_wait3A_168 = arith.constant 0 : i32
        %dma_wait3A_169 = tpu.memref_slice %arg5[%dma_wait3A_167, %dma_wait3A_168] : memref<10240x128xf32, #tpu.memory_space<vmem_shared>> -> memref<10240x128xf32, #tpu.memory_space<vmem_shared>>
        tpu.wait_indirect_dma semaphore(%run_scoped3A_157 : memref<!tpu.dma_semaphore, #tpu.memory_space<semaphore_mem>>) src(%arg8 : memref<128x128xf32, #tpu.memory_space<vmem>>) dst(%dma_wait3A_169 : memref<10240x128xf32, #tpu.memory_space<vmem_shared>>)
        tpu.yield
      }) : () -> ()
      %add3A_119 = arith.constant 2 : i32
      %add3A_120 = arith.addi %mul3A_98, %add3A_119 : i32
      %mul3A_121 = arith.constant 128 : i32
      %mul3A_122 = arith.muli %add3A_120, %mul3A_121 : i32
      %add3A_123 = arith.addi %mul3A_2, %mul3A_122 : i32
      %dma_start3A_124 = arith.constant 0 : i32
      %dma_start3A_125 = tpu.memref_slice %arg3[%dma_start3A_124, %add3A_123] : memref<2x327680xi32, #tpu.memory_space<hbm>> -> memref<2x128xi32, #tpu.memory_space<hbm>>
      %dma_start3A_126 = arith.constant 0 : i32
      %dma_start3A_127 = tpu.memref_slice %arg3[%dma_start3A_126, %add3A_123] : memref<2x327680xi32, #tpu.memory_space<hbm>> -> memref<2x128xi32, #tpu.memory_space<hbm>>
      tpu.enqueue_dma source(%dma_start3A_127 : memref<2x128xi32, #tpu.memory_space<hbm>>) target(%arg6 : memref<2x128xi32, #tpu.memory_space<vmem>>) target_semaphore(%arg13 : memref<!tpu.dma_semaphore, #tpu.memory_space<semaphore_mem>>)
      %dma_wait3A_128 = arith.constant 0 : i32
      %dma_wait3A_129 = arith.constant 0 : i32
      %dma_wait3A_130 = tpu.memref_slice %arg3[%dma_wait3A_128, %dma_wait3A_129] : memref<2x327680xi32, #tpu.memory_space<hbm>> -> memref<2x128xi32, #tpu.memory_space<hbm>>
      %dma_wait3A_131 = arith.constant 0 : i32
      %dma_wait3A_132 = arith.constant 0 : i32
      %dma_wait3A_133 = tpu.memref_slice %arg3[%dma_wait3A_131, %dma_wait3A_132] : memref<2x327680xi32, #tpu.memory_space<hbm>> -> memref<2x128xi32, #tpu.memory_space<hbm>>
      tpu.wait_dma2 semaphore(%arg13 : memref<!tpu.dma_semaphore, #tpu.memory_space<semaphore_mem>>) src(%dma_wait3A_133 : memref<2x128xi32, #tpu.memory_space<hbm>>) dst(%arg6 : memref<2x128xi32, #tpu.memory_space<vmem>>)
      %dma_wait3A_134 = arith.constant 0 : i32
      %dma_wait3A_135 = arith.constant 0 : i32
      %dma_wait3A_136 = tpu.memref_slice %arg2[%dma_wait3A_134, %dma_wait3A_135] : memref<10000x128xf32, #tpu.memory_space<hbm>> -> memref<128x128xf32, #tpu.memory_space<hbm>>
      %dma_wait3A_137 = arith.constant 0 : i32
      %dma_wait3A_138 = arith.constant 0 : i32
      %dma_wait3A_139 = tpu.memref_slice %arg2[%dma_wait3A_137, %dma_wait3A_138] : memref<10000x128xf32, #tpu.memory_space<hbm>> -> memref<128x128xf32, #tpu.memory_space<hbm>>
      tpu.wait_dma2 semaphore(%arg12 : memref<!tpu.dma_semaphore, #tpu.memory_space<semaphore_mem>>) src(%dma_wait3A_139 : memref<128x128xf32, #tpu.memory_space<hbm>>) dst(%arg8 : memref<128x128xf32, #tpu.memory_space<vmem>>)
      %dma_start3A_140 = arith.constant 0 : i32
      %dma_start3A_141 = arith.constant 0 : i32
      %dma_start3A_142 = tpu.memref_slice %arg6[%dma_start3A_140, %dma_start3A_141] : memref<2x128xi32, #tpu.memory_space<vmem>> -> memref<1x128xi32, #tpu.memory_space<vmem>>
      %dma_start3A_143 = tpu.memref_squeeze %dma_start3A_142 : memref<1x128xi32, #tpu.memory_space<vmem>> -> memref<128xi32, #tpu.memory_space<vmem>>
      %dma_start3A_144 = arith.constant 0 : i32
      %dma_start3A_145 = arith.constant 0 : i32
      %dma_start3A_146 = tpu.memref_slice %arg2[%dma_start3A_144, %dma_start3A_145] : memref<10000x128xf32, #tpu.memory_space<hbm>> -> memref<10000x128xf32, #tpu.memory_space<hbm>>
      tpu.enqueue_indirect_dma source(%dma_start3A_146 : memref<10000x128xf32, #tpu.memory_space<hbm>>) target(%arg8 : memref<128x128xf32, #tpu.memory_space<vmem>>) offsets(%dma_start3A_143 : memref<128xi32, #tpu.memory_space<vmem>>) semaphore(%arg11 : memref<!tpu.dma_semaphore, #tpu.memory_space<semaphore_mem>>)
      %run_scoped3A_147 = arith.constant 1 : i32
      "tpu.region"() ({
        %run_scoped3A_157 = tpu.sem_alloc : memref<!tpu.dma_semaphore, #tpu.memory_space<semaphore_mem>>
        %dma_start3A_158 = arith.constant 0 : i32
        %dma_start3A_159 = tpu.memref_slice %arg7[%run_scoped3A_147, %dma_start3A_158] : memref<2x128xi32, #tpu.memory_space<vmem>> -> memref<1x128xi32, #tpu.memory_space<vmem>>
        %dma_start3A_160 = tpu.memref_squeeze %dma_start3A_159 : memref<1x128xi32, #tpu.memory_space<vmem>> -> memref<128xi32, #tpu.memory_space<vmem>>
        %dma_start3A_161 = arith.constant 0 : i32
        %dma_start3A_162 = arith.constant 0 : i32
        %dma_start3A_163 = tpu.memref_slice %arg5[%dma_start3A_161, %dma_start3A_162] : memref<10240x128xf32, #tpu.memory_space<vmem_shared>> -> memref<10240x128xf32, #tpu.memory_space<vmem_shared>>
        tpu.enqueue_indirect_dma source(%arg9 : memref<128x128xf32, #tpu.memory_space<vmem>>) target(%dma_start3A_163 : memref<10240x128xf32, #tpu.memory_space<vmem_shared>>) offsets(%dma_start3A_160 : memref<128xi32, #tpu.memory_space<vmem>>) semaphore(%run_scoped3A_157 : memref<!tpu.dma_semaphore, #tpu.memory_space<semaphore_mem>>) {add = true}
        %dma_wait3A_164 = arith.constant 0 : i32
        %dma_wait3A_165 = tpu.memref_slice %arg7[%run_scoped3A_147, %dma_wait3A_164] : memref<2x128xi32, #tpu.memory_space<vmem>> -> memref<1x128xi32, #tpu.memory_space<vmem>>
        %dma_wait3A_166 = tpu.memref_squeeze %dma_wait3A_165 : memref<1x128xi32, #tpu.memory_space<vmem>> -> memref<128xi32, #tpu.memory_space<vmem>>
        %dma_wait3A_167 = arith.constant 0 : i32
        %dma_wait3A_168 = arith.constant 0 : i32
        %dma_wait3A_169 = tpu.memref_slice %arg5[%dma_wait3A_167, %dma_wait3A_168] : memref<10240x128xf32, #tpu.memory_space<vmem_shared>> -> memref<10240x128xf32, #tpu.memory_space<vmem_shared>>
        tpu.wait_indirect_dma semaphore(%run_scoped3A_157 : memref<!tpu.dma_semaphore, #tpu.memory_space<semaphore_mem>>) src(%arg9 : memref<128x128xf32, #tpu.memory_space<vmem>>) dst(%dma_wait3A_169 : memref<10240x128xf32, #tpu.memory_space<vmem_shared>>)
        tpu.yield
      }) : () -> ()
      %add3A_148 = arith.constant 3 : i32
      %add3A_149 = arith.addi %mul3A_98, %add3A_148 : i32
      %mul3A_150 = arith.constant 128 : i32
      %mul3A_151 = arith.muli %add3A_149, %mul3A_150 : i32
      %add3A_152 = arith.addi %mul3A_2, %mul3A_151 : i32
      %dma_start3A_153 = arith.constant 0 : i32
      %dma_start3A_154 = tpu.memref_slice %arg3[%dma_start3A_153, %add3A_152] : memref<2x327680xi32, #tpu.memory_space<hbm>> -> memref<2x128xi32, #tpu.memory_space<hbm>>
      %dma_start3A_155 = arith.constant 0 : i32
      %dma_start3A_156 = tpu.memref_slice %arg3[%dma_start3A_155, %add3A_152] : memref<2x327680xi32, #tpu.memory_space<hbm>> -> memref<2x128xi32, #tpu.memory_space<hbm>>
      tpu.enqueue_dma source(%dma_start3A_156 : memref<2x128xi32, #tpu.memory_space<hbm>>) target(%arg7 : memref<2x128xi32, #tpu.memory_space<vmem>>) target_semaphore(%arg14 : memref<!tpu.dma_semaphore, #tpu.memory_space<semaphore_mem>>)
    }
    %scan3A_65 = arith.constant 39 : i32
    %dma_wait3A = arith.constant 0 : i32
    %dma_wait3A_66 = arith.constant 0 : i32
    %dma_wait3A_67 = tpu.memref_slice %arg3[%dma_wait3A, %dma_wait3A_66] : memref<2x327680xi32, #tpu.memory_space<hbm>> -> memref<2x128xi32, #tpu.memory_space<hbm>>
    %dma_wait3A_68 = arith.constant 0 : i32
    %dma_wait3A_69 = arith.constant 0 : i32
    %dma_wait3A_70 = tpu.memref_slice %arg3[%dma_wait3A_68, %dma_wait3A_69] : memref<2x327680xi32, #tpu.memory_space<hbm>> -> memref<2x128xi32, #tpu.memory_space<hbm>>
    tpu.wait_dma2 semaphore(%arg14 : memref<!tpu.dma_semaphore, #tpu.memory_space<semaphore_mem>>) src(%dma_wait3A_70 : memref<2x128xi32, #tpu.memory_space<hbm>>) dst(%arg6 : memref<2x128xi32, #tpu.memory_space<vmem>>)
    %dma_wait3A_71 = arith.constant 0 : i32
    %dma_wait3A_72 = arith.constant 0 : i32
    %dma_wait3A_73 = tpu.memref_slice %arg2[%dma_wait3A_71, %dma_wait3A_72] : memref<10000x128xf32, #tpu.memory_space<hbm>> -> memref<128x128xf32, #tpu.memory_space<hbm>>
    %dma_wait3A_74 = arith.constant 0 : i32
    %dma_wait3A_75 = arith.constant 0 : i32
    %dma_wait3A_76 = tpu.memref_slice %arg2[%dma_wait3A_74, %dma_wait3A_75] : memref<10000x128xf32, #tpu.memory_space<hbm>> -> memref<128x128xf32, #tpu.memory_space<hbm>>
    tpu.wait_dma2 semaphore(%arg11 : memref<!tpu.dma_semaphore, #tpu.memory_space<semaphore_mem>>) src(%dma_wait3A_76 : memref<128x128xf32, #tpu.memory_space<hbm>>) dst(%arg8 : memref<128x128xf32, #tpu.memory_space<vmem>>)
    %dma_start3A_77 = arith.constant 0 : i32
    %dma_start3A_78 = arith.constant 0 : i32
    %dma_start3A_79 = tpu.memref_slice %arg7[%dma_start3A_77, %dma_start3A_78] : memref<2x128xi32, #tpu.memory_space<vmem>> -> memref<1x128xi32, #tpu.memory_space<vmem>>
    %dma_start3A_80 = tpu.memref_squeeze %dma_start3A_79 : memref<1x128xi32, #tpu.memory_space<vmem>> -> memref<128xi32, #tpu.memory_space<vmem>>
    %dma_start3A_81 = arith.constant 0 : i32
    %dma_start3A_82 = arith.constant 0 : i32
    %dma_start3A_83 = tpu.memref_slice %arg2[%dma_start3A_81, %dma_start3A_82] : memref<10000x128xf32, #tpu.memory_space<hbm>> -> memref<10000x128xf32, #tpu.memory_space<hbm>>
    tpu.enqueue_indirect_dma source(%dma_start3A_83 : memref<10000x128xf32, #tpu.memory_space<hbm>>) target(%arg9 : memref<128x128xf32, #tpu.memory_space<vmem>>) offsets(%dma_start3A_80 : memref<128xi32, #tpu.memory_space<vmem>>) semaphore(%arg12 : memref<!tpu.dma_semaphore, #tpu.memory_space<semaphore_mem>>)
    %run_scoped3A = arith.constant 1 : i32
    "tpu.region"() ({
      %run_scoped3A_96 = tpu.sem_alloc : memref<!tpu.dma_semaphore, #tpu.memory_space<semaphore_mem>>
      %dma_start3A_97 = arith.constant 0 : i32
      %dma_start3A_98 = tpu.memref_slice %arg6[%run_scoped3A, %dma_start3A_97] : memref<2x128xi32, #tpu.memory_space<vmem>> -> memref<1x128xi32, #tpu.memory_space<vmem>>
      %dma_start3A_99 = tpu.memref_squeeze %dma_start3A_98 : memref<1x128xi32, #tpu.memory_space<vmem>> -> memref<128xi32, #tpu.memory_space<vmem>>
      %dma_start3A_100 = arith.constant 0 : i32
      %dma_start3A_101 = arith.constant 0 : i32
      %dma_start3A_102 = tpu.memref_slice %arg5[%dma_start3A_100, %dma_start3A_101] : memref<10240x128xf32, #tpu.memory_space<vmem_shared>> -> memref<10240x128xf32, #tpu.memory_space<vmem_shared>>
      tpu.enqueue_indirect_dma source(%arg8 : memref<128x128xf32, #tpu.memory_space<vmem>>) target(%dma_start3A_102 : memref<10240x128xf32, #tpu.memory_space<vmem_shared>>) offsets(%dma_start3A_99 : memref<128xi32, #tpu.memory_space<vmem>>) semaphore(%run_scoped3A_96 : memref<!tpu.dma_semaphore, #tpu.memory_space<semaphore_mem>>) {add = true}
      %dma_wait3A_103 = arith.constant 0 : i32
      %dma_wait3A_104 = tpu.memref_slice %arg6[%run_scoped3A, %dma_wait3A_103] : memref<2x128xi32, #tpu.memory_space<vmem>> -> memref<1x128xi32, #tpu.memory_space<vmem>>
      %dma_wait3A_105 = tpu.memref_squeeze %dma_wait3A_104 : memref<1x128xi32, #tpu.memory_space<vmem>> -> memref<128xi32, #tpu.memory_space<vmem>>
      %dma_wait3A_106 = arith.constant 0 : i32
      %dma_wait3A_107 = arith.constant 0 : i32
      %dma_wait3A_108 = tpu.memref_slice %arg5[%dma_wait3A_106, %dma_wait3A_107] : memref<10240x128xf32, #tpu.memory_space<vmem_shared>> -> memref<10240x128xf32, #tpu.memory_space<vmem_shared>>
      tpu.wait_indirect_dma semaphore(%run_scoped3A_96 : memref<!tpu.dma_semaphore, #tpu.memory_space<semaphore_mem>>) src(%arg8 : memref<128x128xf32, #tpu.memory_space<vmem>>) dst(%dma_wait3A_108 : memref<10240x128xf32, #tpu.memory_space<vmem_shared>>)
      tpu.yield
    }) : () -> ()
    %dma_wait3A_84 = arith.constant 0 : i32
    %dma_wait3A_85 = arith.constant 0 : i32
    %dma_wait3A_86 = tpu.memref_slice %arg2[%dma_wait3A_84, %dma_wait3A_85] : memref<10000x128xf32, #tpu.memory_space<hbm>> -> memref<128x128xf32, #tpu.memory_space<hbm>>
    %dma_wait3A_87 = arith.constant 0 : i32
    %dma_wait3A_88 = arith.constant 0 : i32
    %dma_wait3A_89 = tpu.memref_slice %arg2[%dma_wait3A_87, %dma_wait3A_88] : memref<10000x128xf32, #tpu.memory_space<hbm>> -> memref<128x128xf32, #tpu.memory_space<hbm>>
    tpu.wait_dma2 semaphore(%arg12 : memref<!tpu.dma_semaphore, #tpu.memory_space<semaphore_mem>>) src(%dma_wait3A_89 : memref<128x128xf32, #tpu.memory_space<hbm>>) dst(%arg8 : memref<128x128xf32, #tpu.memory_space<vmem>>)
    %run_scoped3A_90 = arith.constant 1 : i32
    "tpu.region"() ({
      %run_scoped3A_96 = tpu.sem_alloc : memref<!tpu.dma_semaphore, #tpu.memory_space<semaphore_mem>>
      %dma_start3A_97 = arith.constant 0 : i32
      %dma_start3A_98 = tpu.memref_slice %arg7[%run_scoped3A_90, %dma_start3A_97] : memref<2x128xi32, #tpu.memory_space<vmem>> -> memref<1x128xi32, #tpu.memory_space<vmem>>
      %dma_start3A_99 = tpu.memref_squeeze %dma_start3A_98 : memref<1x128xi32, #tpu.memory_space<vmem>> -> memref<128xi32, #tpu.memory_space<vmem>>
      %dma_start3A_100 = arith.constant 0 : i32
      %dma_start3A_101 = arith.constant 0 : i32
      %dma_start3A_102 = tpu.memref_slice %arg5[%dma_start3A_100, %dma_start3A_101] : memref<10240x128xf32, #tpu.memory_space<vmem_shared>> -> memref<10240x128xf32, #tpu.memory_space<vmem_shared>>
      tpu.enqueue_indirect_dma source(%arg9 : memref<128x128xf32, #tpu.memory_space<vmem>>) target(%dma_start3A_102 : memref<10240x128xf32, #tpu.memory_space<vmem_shared>>) offsets(%dma_start3A_99 : memref<128xi32, #tpu.memory_space<vmem>>) semaphore(%run_scoped3A_96 : memref<!tpu.dma_semaphore, #tpu.memory_space<semaphore_mem>>) {add = true}
      %dma_wait3A_103 = arith.constant 0 : i32
      %dma_wait3A_104 = tpu.memref_slice %arg7[%run_scoped3A_90, %dma_wait3A_103] : memref<2x128xi32, #tpu.memory_space<vmem>> -> memref<1x128xi32, #tpu.memory_space<vmem>>
      %dma_wait3A_105 = tpu.memref_squeeze %dma_wait3A_104 : memref<1x128xi32, #tpu.memory_space<vmem>> -> memref<128xi32, #tpu.memory_space<vmem>>
      %dma_wait3A_106 = arith.constant 0 : i32
      %dma_wait3A_107 = arith.constant 0 : i32
      %dma_wait3A_108 = tpu.memref_slice %arg5[%dma_wait3A_106, %dma_wait3A_107] : memref<10240x128xf32, #tpu.memory_space<vmem_shared>> -> memref<10240x128xf32, #tpu.memory_space<vmem_shared>>
      tpu.wait_indirect_dma semaphore(%run_scoped3A_96 : memref<!tpu.dma_semaphore, #tpu.memory_space<semaphore_mem>>) src(%arg9 : memref<128x128xf32, #tpu.memory_space<vmem>>) dst(%dma_wait3A_108 : memref<10240x128xf32, #tpu.memory_space<vmem_shared>>)
      tpu.yield
    }) : () -> ()
    %barrier3A_91 = arith.constant 0 : index
    tpu.barrier barrier_id(%barrier3A_91)
    %mul3A_92 = arith.constant 640 : i32
    %mul3A_93 = arith.muli %arg1, %mul3A_92 : i32
    %mul3A_94 = arith.constant 640 : i32
    %mul3A_95 = arith.muli %arg1, %mul3A_94 : i32
    "tpu.region"() ({
      %run_scoped3A_96 = tpu.sem_alloc : memref<!tpu.dma_semaphore, #tpu.memory_space<semaphore_mem>>
      %dma_start3A_97 = arith.constant 0 : i32
      %dma_start3A_98 = tpu.memref_slice %arg4[%arg0, %mul3A_95, %dma_start3A_97] : memref<2x10240x128xf32, #tpu.memory_space<hbm>> -> memref<1x640x128xf32, #tpu.memory_space<hbm>>
      %dma_start3A_99 = tpu.memref_squeeze %dma_start3A_98 : memref<1x640x128xf32, #tpu.memory_space<hbm>> -> memref<640x128xf32, #tpu.memory_space<hbm>>
      %dma_start3A_100 = arith.constant 0 : i32
      %dma_start3A_101 = tpu.memref_slice %arg5[%mul3A_93, %dma_start3A_100] : memref<10240x128xf32, #tpu.memory_space<vmem_shared>> -> memref<640x128xf32, #tpu.memory_space<vmem_shared>>
      tpu.enqueue_dma source(%dma_start3A_101 : memref<640x128xf32, #tpu.memory_space<vmem_shared>>) target(%dma_start3A_99 : memref<640x128xf32, #tpu.memory_space<hbm>>) target_semaphore(%run_scoped3A_96 : memref<!tpu.dma_semaphore, #tpu.memory_space<semaphore_mem>>)
      %dma_wait3A_102 = arith.constant 0 : i32
      %dma_wait3A_103 = tpu.memref_slice %arg4[%arg0, %mul3A_95, %dma_wait3A_102] : memref<2x10240x128xf32, #tpu.memory_space<hbm>> -> memref<1x640x128xf32, #tpu.memory_space<hbm>>
      %dma_wait3A_104 = tpu.memref_squeeze %dma_wait3A_103 : memref<1x640x128xf32, #tpu.memory_space<hbm>> -> memref<640x128xf32, #tpu.memory_space<hbm>>
      %dma_wait3A_105 = arith.constant 0 : i32
      %dma_wait3A_106 = tpu.memref_slice %arg5[%mul3A_93, %dma_wait3A_105] : memref<10240x128xf32, #tpu.memory_space<vmem_shared>> -> memref<640x128xf32, #tpu.memory_space<vmem_shared>>
      tpu.wait_dma2 semaphore(%run_scoped3A_96 : memref<!tpu.dma_semaphore, #tpu.memory_space<semaphore_mem>>) src(%dma_wait3A_106 : memref<640x128xf32, #tpu.memory_space<vmem_shared>>) dst(%dma_wait3A_104 : memref<640x128xf32, #tpu.memory_space<hbm>>)
      tpu.yield
    }) : () -> ()
    return
  }
}

#map = affine_map<(d0, d1) -> (0, 0)>
#map1 = affine_map<(d0, d1) -> (0, 0, 0)>
module attributes {stable_mosaic.version = 14 : i64} {
  func.func @s_kernel(%arg0: i32, %arg1: i32, %arg2: memref<10000x128xf32, #tpu.memory_space<hbm>>, %arg3: memref<2x327680xi32, #tpu.memory_space<hbm>>, %arg4: memref<2x10240x128xf32, #tpu.memory_space<hbm>>, %arg5: memref<10240x128xf32, #tpu.memory_space<vmem_shared>>, %arg6: memref<2x128xi32, #tpu.memory_space<vmem>>, %arg7: memref<2x128xi32, #tpu.memory_space<vmem>>, %arg8: memref<128x128xf32, #tpu.memory_space<vmem>>, %arg9: memref<128x128xf32, #tpu.memory_space<vmem>>, %arg10: memref<64x128xf32, #tpu.memory_space<vmem>>, %arg11: memref<!tpu.dma_semaphore, #tpu.memory_space<semaphore_mem>>, %arg12: memref<!tpu.dma_semaphore, #tpu.memory_space<semaphore_mem>>, %arg13: memref<!tpu.dma_semaphore, #tpu.memory_space<semaphore_mem>>, %arg14: memref<!tpu.dma_semaphore, #tpu.memory_space<semaphore_mem>>) attributes {dimension_semantics = [#tpu.dimension_semantics<core_parallel>, #tpu.dimension_semantics<subcore_parallel>], iteration_bounds = array<i64: 2, 16>, scalar_prefetch = 0 : i64, scratch_operands = 10 : i64, tpu.core_type = #tpu.core_type<sc_vector_subcore>, window_params = [{transform_indices = #map}, {transform_indices = #map}, {transform_indices = #map1}]} {
    %mul3A = arith.constant 16 : i32
    %mul3A_0 = arith.muli %arg0, %mul3A : i32
    %add3A = arith.addi %mul3A_0, %arg1 : i32
    %mul3A_1 = arith.constant 10240 : i32
    %mul3A_2 = arith.muli %add3A, %mul3A_1 : i32
    %scan3A = arith.constant 0 : i32
    %scan3A_3 = arith.constant 0 : i32
    %scan3A_4 = arith.constant 64 : i32
    %scan3A_5 = arith.addi %scan3A_3, %scan3A_4 : i32
    %scan3A_6 = arith.constant 1 : i32
    scf.for %scan3A_96 = %scan3A_3 to %scan3A_5 step %scan3A_6  : i32 {
      %broadcast_in_dim3A = arith.constant 0.000000e+00 : f32
      %broadcast_in_dim3A_97 = vector.broadcast %broadcast_in_dim3A : f32 to vector<16xf32>
      %swap3A = arith.index_cast %scan3A_96 : i32 to index
      %swap3A_98 = arith.constant 0 : index
      %swap3A_99 = tpu.vector_load %arg10[%swap3A, %swap3A_98] {strides = array<i32>} : memref<64x128xf32, #tpu.memory_space<vmem>>, vector<1x16xf32>,
      %swap3A_100 = vector.shape_cast %swap3A_99 : vector<1x16xf32> to vector<16xf32>
      %swap3A_101 = vector.shape_cast %broadcast_in_dim3A_97 : vector<16xf32> to vector<1x16xf32>
      tpu.vector_store %arg10[%swap3A, %swap3A_98], %swap3A_101 {strides = array<i32>} : memref<64x128xf32, #tpu.memory_space<vmem>>, vector<1x16xf32>,
      %broadcast_in_dim3A_102 = arith.constant 0.000000e+00 : f32
      %broadcast_in_dim3A_103 = vector.broadcast %broadcast_in_dim3A_102 : f32 to vector<16xf32>
      %swap3A_104 = arith.index_cast %scan3A_96 : i32 to index
      %swap3A_105 = arith.constant 16 : index
      %swap3A_106 = tpu.vector_load %arg10[%swap3A_104, %swap3A_105] {strides = array<i32>} : memref<64x128xf32, #tpu.memory_space<vmem>>, vector<1x16xf32>,
      %swap3A_107 = vector.shape_cast %swap3A_106 : vector<1x16xf32> to vector<16xf32>
      %swap3A_108 = vector.shape_cast %broadcast_in_dim3A_103 : vector<16xf32> to vector<1x16xf32>
      tpu.vector_store %arg10[%swap3A_104, %swap3A_105], %swap3A_108 {strides = array<i32>} : memref<64x128xf32, #tpu.memory_space<vmem>>, vector<1x16xf32>,
      %broadcast_in_dim3A_109 = arith.constant 0.000000e+00 : f32
      %broadcast_in_dim3A_110 = vector.broadcast %broadcast_in_dim3A_109 : f32 to vector<16xf32>
      %swap3A_111 = arith.index_cast %scan3A_96 : i32 to index
      %swap3A_112 = arith.constant 32 : index
      %swap3A_113 = tpu.vector_load %arg10[%swap3A_111, %swap3A_112] {strides = array<i32>} : memref<64x128xf32, #tpu.memory_space<vmem>>, vector<1x16xf32>,
      %swap3A_114 = vector.shape_cast %swap3A_113 : vector<1x16xf32> to vector<16xf32>
      %swap3A_115 = vector.shape_cast %broadcast_in_dim3A_110 : vector<16xf32> to vector<1x16xf32>
      tpu.vector_store %arg10[%swap3A_111, %swap3A_112], %swap3A_115 {strides = array<i32>} : memref<64x128xf32, #tpu.memory_space<vmem>>, vector<1x16xf32>,
      %broadcast_in_dim3A_116 = arith.constant 0.000000e+00 : f32
      %broadcast_in_dim3A_117 = vector.broadcast %broadcast_in_dim3A_116 : f32 to vector<16xf32>
      %swap3A_118 = arith.index_cast %scan3A_96 : i32 to index
      %swap3A_119 = arith.constant 48 : index
      %swap3A_120 = tpu.vector_load %arg10[%swap3A_118, %swap3A_119] {strides = array<i32>} : memref<64x128xf32, #tpu.memory_space<vmem>>, vector<1x16xf32>,
      %swap3A_121 = vector.shape_cast %swap3A_120 : vector<1x16xf32> to vector<16xf32>
      %swap3A_122 = vector.shape_cast %broadcast_in_dim3A_117 : vector<16xf32> to vector<1x16xf32>
      tpu.vector_store %arg10[%swap3A_118, %swap3A_119], %swap3A_122 {strides = array<i32>} : memref<64x128xf32, #tpu.memory_space<vmem>>, vector<1x16xf32>,
      %broadcast_in_dim3A_123 = arith.constant 0.000000e+00 : f32
      %broadcast_in_dim3A_124 = vector.broadcast %broadcast_in_dim3A_123 : f32 to vector<16xf32>
      %swap3A_125 = arith.index_cast %scan3A_96 : i32 to index
      %swap3A_126 = arith.constant 64 : index
      %swap3A_127 = tpu.vector_load %arg10[%swap3A_125, %swap3A_126] {strides = array<i32>} : memref<64x128xf32, #tpu.memory_space<vmem>>, vector<1x16xf32>,
      %swap3A_128 = vector.shape_cast %swap3A_127 : vector<1x16xf32> to vector<16xf32>
      %swap3A_129 = vector.shape_cast %broadcast_in_dim3A_124 : vector<16xf32> to vector<1x16xf32>
      tpu.vector_store %arg10[%swap3A_125, %swap3A_126], %swap3A_129 {strides = array<i32>} : memref<64x128xf32, #tpu.memory_space<vmem>>, vector<1x16xf32>,
      %broadcast_in_dim3A_130 = arith.constant 0.000000e+00 : f32
      %broadcast_in_dim3A_131 = vector.broadcast %broadcast_in_dim3A_130 : f32 to vector<16xf32>
      %swap3A_132 = arith.index_cast %scan3A_96 : i32 to index
      %swap3A_133 = arith.constant 80 : index
      %swap3A_134 = tpu.vector_load %arg10[%swap3A_132, %swap3A_133] {strides = array<i32>} : memref<64x128xf32, #tpu.memory_space<vmem>>, vector<1x16xf32>,
      %swap3A_135 = vector.shape_cast %swap3A_134 : vector<1x16xf32> to vector<16xf32>
      %swap3A_136 = vector.shape_cast %broadcast_in_dim3A_131 : vector<16xf32> to vector<1x16xf32>
      tpu.vector_store %arg10[%swap3A_132, %swap3A_133], %swap3A_136 {strides = array<i32>} : memref<64x128xf32, #tpu.memory_space<vmem>>, vector<1x16xf32>,
      %broadcast_in_dim3A_137 = arith.constant 0.000000e+00 : f32
      %broadcast_in_dim3A_138 = vector.broadcast %broadcast_in_dim3A_137 : f32 to vector<16xf32>
      %swap3A_139 = arith.index_cast %scan3A_96 : i32 to index
      %swap3A_140 = arith.constant 96 : index
      %swap3A_141 = tpu.vector_load %arg10[%swap3A_139, %swap3A_140] {strides = array<i32>} : memref<64x128xf32, #tpu.memory_space<vmem>>, vector<1x16xf32>,
      %swap3A_142 = vector.shape_cast %swap3A_141 : vector<1x16xf32> to vector<16xf32>
      %swap3A_143 = vector.shape_cast %broadcast_in_dim3A_138 : vector<16xf32> to vector<1x16xf32>
      tpu.vector_store %arg10[%swap3A_139, %swap3A_140], %swap3A_143 {strides = array<i32>} : memref<64x128xf32, #tpu.memory_space<vmem>>, vector<1x16xf32>,
      %broadcast_in_dim3A_144 = arith.constant 0.000000e+00 : f32
      %broadcast_in_dim3A_145 = vector.broadcast %broadcast_in_dim3A_144 : f32 to vector<16xf32>
      %swap3A_146 = arith.index_cast %scan3A_96 : i32 to index
      %swap3A_147 = arith.constant 112 : index
      %swap3A_148 = tpu.vector_load %arg10[%swap3A_146, %swap3A_147] {strides = array<i32>} : memref<64x128xf32, #tpu.memory_space<vmem>>, vector<1x16xf32>,
      %swap3A_149 = vector.shape_cast %swap3A_148 : vector<1x16xf32> to vector<16xf32>
      %swap3A_150 = vector.shape_cast %broadcast_in_dim3A_145 : vector<16xf32> to vector<1x16xf32>
      tpu.vector_store %arg10[%swap3A_146, %swap3A_147], %swap3A_150 {strides = array<i32>} : memref<64x128xf32, #tpu.memory_space<vmem>>, vector<1x16xf32>,
    }
    %scan3A_7 = arith.constant 64 : i32
    %mul3A_8 = arith.constant 640 : i32
    %mul3A_9 = arith.muli %arg1, %mul3A_8 : i32
    %add3A_10 = arith.constant 0 : i32
    %add3A_11 = arith.addi %mul3A_9, %add3A_10 : i32
    "tpu.region"() ({
      %run_scoped3A_96 = tpu.sem_alloc : memref<!tpu.dma_semaphore, #tpu.memory_space<semaphore_mem>>
      %dma_start3A_97 = arith.constant 0 : i32
      %dma_start3A_98 = tpu.memref_slice %arg5[%add3A_11, %dma_start3A_97] : memref<10240x128xf32, #tpu.memory_space<vmem_shared>> -> memref<64x128xf32, #tpu.memory_space<vmem_shared>>
      %dma_start3A_99 = arith.constant 0 : i32
      %dma_start3A_100 = tpu.memref_slice %arg5[%add3A_11, %dma_start3A_99] : memref<10240x128xf32, #tpu.memory_space<vmem_shared>> -> memref<64x128xf32, #tpu.memory_space<vmem_shared>>
      tpu.enqueue_dma source(%arg10 : memref<64x128xf32, #tpu.memory_space<vmem>>) target(%dma_start3A_100 : memref<64x128xf32, #tpu.memory_space<vmem_shared>>) target_semaphore(%run_scoped3A_96 : memref<!tpu.dma_semaphore, #tpu.memory_space<semaphore_mem>>)
      %dma_wait3A_101 = arith.constant 0 : i32
      %dma_wait3A_102 = tpu.memref_slice %arg5[%add3A_11, %dma_wait3A_101] : memref<10240x128xf32, #tpu.memory_space<vmem_shared>> -> memref<64x128xf32, #tpu.memory_space<vmem_shared>>
      %dma_wait3A_103 = arith.constant 0 : i32
      %dma_wait3A_104 = tpu.memref_slice %arg5[%add3A_11, %dma_wait3A_103] : memref<10240x128xf32, #tpu.memory_space<vmem_shared>> -> memref<64x128xf32, #tpu.memory_space<vmem_shared>>
      tpu.wait_dma2 semaphore(%run_scoped3A_96 : memref<!tpu.dma_semaphore, #tpu.memory_space<semaphore_mem>>) src(%arg10 : memref<64x128xf32, #tpu.memory_space<vmem>>) dst(%dma_wait3A_104 : memref<64x128xf32, #tpu.memory_space<vmem_shared>>)
      tpu.yield
    }) : () -> ()
    %mul3A_12 = arith.constant 640 : i32
    %mul3A_13 = arith.muli %arg1, %mul3A_12 : i32
    %add3A_14 = arith.constant 64 : i32
    %add3A_15 = arith.addi %mul3A_13, %add3A_14 : i32
    "tpu.region"() ({
      %run_scoped3A_96 = tpu.sem_alloc : memref<!tpu.dma_semaphore, #tpu.memory_space<semaphore_mem>>
      %dma_start3A_97 = arith.constant 0 : i32
      %dma_start3A_98 = tpu.memref_slice %arg5[%add3A_15, %dma_start3A_97] : memref<10240x128xf32, #tpu.memory_space<vmem_shared>> -> memref<64x128xf32, #tpu.memory_space<vmem_shared>>
      %dma_start3A_99 = arith.constant 0 : i32
      %dma_start3A_100 = tpu.memref_slice %arg5[%add3A_15, %dma_start3A_99] : memref<10240x128xf32, #tpu.memory_space<vmem_shared>> -> memref<64x128xf32, #tpu.memory_space<vmem_shared>>
      tpu.enqueue_dma source(%arg10 : memref<64x128xf32, #tpu.memory_space<vmem>>) target(%dma_start3A_100 : memref<64x128xf32, #tpu.memory_space<vmem_shared>>) target_semaphore(%run_scoped3A_96 : memref<!tpu.dma_semaphore, #tpu.memory_space<semaphore_mem>>)
      %dma_wait3A_101 = arith.constant 0 : i32
      %dma_wait3A_102 = tpu.memref_slice %arg5[%add3A_15, %dma_wait3A_101] : memref<10240x128xf32, #tpu.memory_space<vmem_shared>> -> memref<64x128xf32, #tpu.memory_space<vmem_shared>>
      %dma_wait3A_103 = arith.constant 0 : i32
      %dma_wait3A_104 = tpu.memref_slice %arg5[%add3A_15, %dma_wait3A_103] : memref<10240x128xf32, #tpu.memory_space<vmem_shared>> -> memref<64x128xf32, #tpu.memory_space<vmem_shared>>
      tpu.wait_dma2 semaphore(%run_scoped3A_96 : memref<!tpu.dma_semaphore, #tpu.memory_space<semaphore_mem>>) src(%arg10 : memref<64x128xf32, #tpu.memory_space<vmem>>) dst(%dma_wait3A_104 : memref<64x128xf32, #tpu.memory_space<vmem_shared>>)
      tpu.yield
    }) : () -> ()
    %mul3A_16 = arith.constant 640 : i32
    %mul3A_17 = arith.muli %arg1, %mul3A_16 : i32
    %add3A_18 = arith.constant 128 : i32
    %add3A_19 = arith.addi %mul3A_17, %add3A_18 : i32
    "tpu.region"() ({
      %run_scoped3A_96 = tpu.sem_alloc : memref<!tpu.dma_semaphore, #tpu.memory_space<semaphore_mem>>
      %dma_start3A_97 = arith.constant 0 : i32
      %dma_start3A_98 = tpu.memref_slice %arg5[%add3A_19, %dma_start3A_97] : memref<10240x128xf32, #tpu.memory_space<vmem_shared>> -> memref<64x128xf32, #tpu.memory_space<vmem_shared>>
      %dma_start3A_99 = arith.constant 0 : i32
      %dma_start3A_100 = tpu.memref_slice %arg5[%add3A_19, %dma_start3A_99] : memref<10240x128xf32, #tpu.memory_space<vmem_shared>> -> memref<64x128xf32, #tpu.memory_space<vmem_shared>>
      tpu.enqueue_dma source(%arg10 : memref<64x128xf32, #tpu.memory_space<vmem>>) target(%dma_start3A_100 : memref<64x128xf32, #tpu.memory_space<vmem_shared>>) target_semaphore(%run_scoped3A_96 : memref<!tpu.dma_semaphore, #tpu.memory_space<semaphore_mem>>)
      %dma_wait3A_101 = arith.constant 0 : i32
      %dma_wait3A_102 = tpu.memref_slice %arg5[%add3A_19, %dma_wait3A_101] : memref<10240x128xf32, #tpu.memory_space<vmem_shared>> -> memref<64x128xf32, #tpu.memory_space<vmem_shared>>
      %dma_wait3A_103 = arith.constant 0 : i32
      %dma_wait3A_104 = tpu.memref_slice %arg5[%add3A_19, %dma_wait3A_103] : memref<10240x128xf32, #tpu.memory_space<vmem_shared>> -> memref<64x128xf32, #tpu.memory_space<vmem_shared>>
      tpu.wait_dma2 semaphore(%run_scoped3A_96 : memref<!tpu.dma_semaphore, #tpu.memory_space<semaphore_mem>>) src(%arg10 : memref<64x128xf32, #tpu.memory_space<vmem>>) dst(%dma_wait3A_104 : memref<64x128xf32, #tpu.memory_space<vmem_shared>>)
      tpu.yield
    }) : () -> ()
    %mul3A_20 = arith.constant 640 : i32
    %mul3A_21 = arith.muli %arg1, %mul3A_20 : i32
    %add3A_22 = arith.constant 192 : i32
    %add3A_23 = arith.addi %mul3A_21, %add3A_22 : i32
    "tpu.region"() ({
      %run_scoped3A_96 = tpu.sem_alloc : memref<!tpu.dma_semaphore, #tpu.memory_space<semaphore_mem>>
      %dma_start3A_97 = arith.constant 0 : i32
      %dma_start3A_98 = tpu.memref_slice %arg5[%add3A_23, %dma_start3A_97] : memref<10240x128xf32, #tpu.memory_space<vmem_shared>> -> memref<64x128xf32, #tpu.memory_space<vmem_shared>>
      %dma_start3A_99 = arith.constant 0 : i32
      %dma_start3A_100 = tpu.memref_slice %arg5[%add3A_23, %dma_start3A_99] : memref<10240x128xf32, #tpu.memory_space<vmem_shared>> -> memref<64x128xf32, #tpu.memory_space<vmem_shared>>
      tpu.enqueue_dma source(%arg10 : memref<64x128xf32, #tpu.memory_space<vmem>>) target(%dma_start3A_100 : memref<64x128xf32, #tpu.memory_space<vmem_shared>>) target_semaphore(%run_scoped3A_96 : memref<!tpu.dma_semaphore, #tpu.memory_space<semaphore_mem>>)
      %dma_wait3A_101 = arith.constant 0 : i32
      %dma_wait3A_102 = tpu.memref_slice %arg5[%add3A_23, %dma_wait3A_101] : memref<10240x128xf32, #tpu.memory_space<vmem_shared>> -> memref<64x128xf32, #tpu.memory_space<vmem_shared>>
      %dma_wait3A_103 = arith.constant 0 : i32
      %dma_wait3A_104 = tpu.memref_slice %arg5[%add3A_23, %dma_wait3A_103] : memref<10240x128xf32, #tpu.memory_space<vmem_shared>> -> memref<64x128xf32, #tpu.memory_space<vmem_shared>>
      tpu.wait_dma2 semaphore(%run_scoped3A_96 : memref<!tpu.dma_semaphore, #tpu.memory_space<semaphore_mem>>) src(%arg10 : memref<64x128xf32, #tpu.memory_space<vmem>>) dst(%dma_wait3A_104 : memref<64x128xf32, #tpu.memory_space<vmem_shared>>)
      tpu.yield
    }) : () -> ()
    %mul3A_24 = arith.constant 640 : i32
    %mul3A_25 = arith.muli %arg1, %mul3A_24 : i32
    %add3A_26 = arith.constant 256 : i32
    %add3A_27 = arith.addi %mul3A_25, %add3A_26 : i32
    "tpu.region"() ({
      %run_scoped3A_96 = tpu.sem_alloc : memref<!tpu.dma_semaphore, #tpu.memory_space<semaphore_mem>>
      %dma_start3A_97 = arith.constant 0 : i32
      %dma_start3A_98 = tpu.memref_slice %arg5[%add3A_27, %dma_start3A_97] : memref<10240x128xf32, #tpu.memory_space<vmem_shared>> -> memref<64x128xf32, #tpu.memory_space<vmem_shared>>
      %dma_start3A_99 = arith.constant 0 : i32
      %dma_start3A_100 = tpu.memref_slice %arg5[%add3A_27, %dma_start3A_99] : memref<10240x128xf32, #tpu.memory_space<vmem_shared>> -> memref<64x128xf32, #tpu.memory_space<vmem_shared>>
      tpu.enqueue_dma source(%arg10 : memref<64x128xf32, #tpu.memory_space<vmem>>) target(%dma_start3A_100 : memref<64x128xf32, #tpu.memory_space<vmem_shared>>) target_semaphore(%run_scoped3A_96 : memref<!tpu.dma_semaphore, #tpu.memory_space<semaphore_mem>>)
      %dma_wait3A_101 = arith.constant 0 : i32
      %dma_wait3A_102 = tpu.memref_slice %arg5[%add3A_27, %dma_wait3A_101] : memref<10240x128xf32, #tpu.memory_space<vmem_shared>> -> memref<64x128xf32, #tpu.memory_space<vmem_shared>>
      %dma_wait3A_103 = arith.constant 0 : i32
      %dma_wait3A_104 = tpu.memref_slice %arg5[%add3A_27, %dma_wait3A_103] : memref<10240x128xf32, #tpu.memory_space<vmem_shared>> -> memref<64x128xf32, #tpu.memory_space<vmem_shared>>
      tpu.wait_dma2 semaphore(%run_scoped3A_96 : memref<!tpu.dma_semaphore, #tpu.memory_space<semaphore_mem>>) src(%arg10 : memref<64x128xf32, #tpu.memory_space<vmem>>) dst(%dma_wait3A_104 : memref<64x128xf32, #tpu.memory_space<vmem_shared>>)
      tpu.yield
    }) : () -> ()
    %mul3A_28 = arith.constant 640 : i32
    %mul3A_29 = arith.muli %arg1, %mul3A_28 : i32
    %add3A_30 = arith.constant 320 : i32
    %add3A_31 = arith.addi %mul3A_29, %add3A_30 : i32
    "tpu.region"() ({
      %run_scoped3A_96 = tpu.sem_alloc : memref<!tpu.dma_semaphore, #tpu.memory_space<semaphore_mem>>
      %dma_start3A_97 = arith.constant 0 : i32
      %dma_start3A_98 = tpu.memref_slice %arg5[%add3A_31, %dma_start3A_97] : memref<10240x128xf32, #tpu.memory_space<vmem_shared>> -> memref<64x128xf32, #tpu.memory_space<vmem_shared>>
      %dma_start3A_99 = arith.constant 0 : i32
      %dma_start3A_100 = tpu.memref_slice %arg5[%add3A_31, %dma_start3A_99] : memref<10240x128xf32, #tpu.memory_space<vmem_shared>> -> memref<64x128xf32, #tpu.memory_space<vmem_shared>>
      tpu.enqueue_dma source(%arg10 : memref<64x128xf32, #tpu.memory_space<vmem>>) target(%dma_start3A_100 : memref<64x128xf32, #tpu.memory_space<vmem_shared>>) target_semaphore(%run_scoped3A_96 : memref<!tpu.dma_semaphore, #tpu.memory_space<semaphore_mem>>)
      %dma_wait3A_101 = arith.constant 0 : i32
      %dma_wait3A_102 = tpu.memref_slice %arg5[%add3A_31, %dma_wait3A_101] : memref<10240x128xf32, #tpu.memory_space<vmem_shared>> -> memref<64x128xf32, #tpu.memory_space<vmem_shared>>
      %dma_wait3A_103 = arith.constant 0 : i32
      %dma_wait3A_104 = tpu.memref_slice %arg5[%add3A_31, %dma_wait3A_103] : memref<10240x128xf32, #tpu.memory_space<vmem_shared>> -> memref<64x128xf32, #tpu.memory_space<vmem_shared>>
      tpu.wait_dma2 semaphore(%run_scoped3A_96 : memref<!tpu.dma_semaphore, #tpu.memory_space<semaphore_mem>>) src(%arg10 : memref<64x128xf32, #tpu.memory_space<vmem>>) dst(%dma_wait3A_104 : memref<64x128xf32, #tpu.memory_space<vmem_shared>>)
      tpu.yield
    }) : () -> ()
    %mul3A_32 = arith.constant 640 : i32
    %mul3A_33 = arith.muli %arg1, %mul3A_32 : i32
    %add3A_34 = arith.constant 384 : i32
    %add3A_35 = arith.addi %mul3A_33, %add3A_34 : i32
    "tpu.region"() ({
      %run_scoped3A_96 = tpu.sem_alloc : memref<!tpu.dma_semaphore, #tpu.memory_space<semaphore_mem>>
      %dma_start3A_97 = arith.constant 0 : i32
      %dma_start3A_98 = tpu.memref_slice %arg5[%add3A_35, %dma_start3A_97] : memref<10240x128xf32, #tpu.memory_space<vmem_shared>> -> memref<64x128xf32, #tpu.memory_space<vmem_shared>>
      %dma_start3A_99 = arith.constant 0 : i32
      %dma_start3A_100 = tpu.memref_slice %arg5[%add3A_35, %dma_start3A_99] : memref<10240x128xf32, #tpu.memory_space<vmem_shared>> -> memref<64x128xf32, #tpu.memory_space<vmem_shared>>
      tpu.enqueue_dma source(%arg10 : memref<64x128xf32, #tpu.memory_space<vmem>>) target(%dma_start3A_100 : memref<64x128xf32, #tpu.memory_space<vmem_shared>>) target_semaphore(%run_scoped3A_96 : memref<!tpu.dma_semaphore, #tpu.memory_space<semaphore_mem>>)
      %dma_wait3A_101 = arith.constant 0 : i32
      %dma_wait3A_102 = tpu.memref_slice %arg5[%add3A_35, %dma_wait3A_101] : memref<10240x128xf32, #tpu.memory_space<vmem_shared>> -> memref<64x128xf32, #tpu.memory_space<vmem_shared>>
      %dma_wait3A_103 = arith.constant 0 : i32
      %dma_wait3A_104 = tpu.memref_slice %arg5[%add3A_35, %dma_wait3A_103] : memref<10240x128xf32, #tpu.memory_space<vmem_shared>> -> memref<64x128xf32, #tpu.memory_space<vmem_shared>>
      tpu.wait_dma2 semaphore(%run_scoped3A_96 : memref<!tpu.dma_semaphore, #tpu.memory_space<semaphore_mem>>) src(%arg10 : memref<64x128xf32, #tpu.memory_space<vmem>>) dst(%dma_wait3A_104 : memref<64x128xf32, #tpu.memory_space<vmem_shared>>)
      tpu.yield
    }) : () -> ()
    %mul3A_36 = arith.constant 640 : i32
    %mul3A_37 = arith.muli %arg1, %mul3A_36 : i32
    %add3A_38 = arith.constant 448 : i32
    %add3A_39 = arith.addi %mul3A_37, %add3A_38 : i32
    "tpu.region"() ({
      %run_scoped3A_96 = tpu.sem_alloc : memref<!tpu.dma_semaphore, #tpu.memory_space<semaphore_mem>>
      %dma_start3A_97 = arith.constant 0 : i32
      %dma_start3A_98 = tpu.memref_slice %arg5[%add3A_39, %dma_start3A_97] : memref<10240x128xf32, #tpu.memory_space<vmem_shared>> -> memref<64x128xf32, #tpu.memory_space<vmem_shared>>
      %dma_start3A_99 = arith.constant 0 : i32
      %dma_start3A_100 = tpu.memref_slice %arg5[%add3A_39, %dma_start3A_99] : memref<10240x128xf32, #tpu.memory_space<vmem_shared>> -> memref<64x128xf32, #tpu.memory_space<vmem_shared>>
      tpu.enqueue_dma source(%arg10 : memref<64x128xf32, #tpu.memory_space<vmem>>) target(%dma_start3A_100 : memref<64x128xf32, #tpu.memory_space<vmem_shared>>) target_semaphore(%run_scoped3A_96 : memref<!tpu.dma_semaphore, #tpu.memory_space<semaphore_mem>>)
      %dma_wait3A_101 = arith.constant 0 : i32
      %dma_wait3A_102 = tpu.memref_slice %arg5[%add3A_39, %dma_wait3A_101] : memref<10240x128xf32, #tpu.memory_space<vmem_shared>> -> memref<64x128xf32, #tpu.memory_space<vmem_shared>>
      %dma_wait3A_103 = arith.constant 0 : i32
      %dma_wait3A_104 = tpu.memref_slice %arg5[%add3A_39, %dma_wait3A_103] : memref<10240x128xf32, #tpu.memory_space<vmem_shared>> -> memref<64x128xf32, #tpu.memory_space<vmem_shared>>
      tpu.wait_dma2 semaphore(%run_scoped3A_96 : memref<!tpu.dma_semaphore, #tpu.memory_space<semaphore_mem>>) src(%arg10 : memref<64x128xf32, #tpu.memory_space<vmem>>) dst(%dma_wait3A_104 : memref<64x128xf32, #tpu.memory_space<vmem_shared>>)
      tpu.yield
    }) : () -> ()
    %mul3A_40 = arith.constant 640 : i32
    %mul3A_41 = arith.muli %arg1, %mul3A_40 : i32
    %add3A_42 = arith.constant 512 : i32
    %add3A_43 = arith.addi %mul3A_41, %add3A_42 : i32
    "tpu.region"() ({
      %run_scoped3A_96 = tpu.sem_alloc : memref<!tpu.dma_semaphore, #tpu.memory_space<semaphore_mem>>
      %dma_start3A_97 = arith.constant 0 : i32
      %dma_start3A_98 = tpu.memref_slice %arg5[%add3A_43, %dma_start3A_97] : memref<10240x128xf32, #tpu.memory_space<vmem_shared>> -> memref<64x128xf32, #tpu.memory_space<vmem_shared>>
      %dma_start3A_99 = arith.constant 0 : i32
      %dma_start3A_100 = tpu.memref_slice %arg5[%add3A_43, %dma_start3A_99] : memref<10240x128xf32, #tpu.memory_space<vmem_shared>> -> memref<64x128xf32, #tpu.memory_space<vmem_shared>>
      tpu.enqueue_dma source(%arg10 : memref<64x128xf32, #tpu.memory_space<vmem>>) target(%dma_start3A_100 : memref<64x128xf32, #tpu.memory_space<vmem_shared>>) target_semaphore(%run_scoped3A_96 : memref<!tpu.dma_semaphore, #tpu.memory_space<semaphore_mem>>)
      %dma_wait3A_101 = arith.constant 0 : i32
      %dma_wait3A_102 = tpu.memref_slice %arg5[%add3A_43, %dma_wait3A_101] : memref<10240x128xf32, #tpu.memory_space<vmem_shared>> -> memref<64x128xf32, #tpu.memory_space<vmem_shared>>
      %dma_wait3A_103 = arith.constant 0 : i32
      %dma_wait3A_104 = tpu.memref_slice %arg5[%add3A_43, %dma_wait3A_103] : memref<10240x128xf32, #tpu.memory_space<vmem_shared>> -> memref<64x128xf32, #tpu.memory_space<vmem_shared>>
      tpu.wait_dma2 semaphore(%run_scoped3A_96 : memref<!tpu.dma_semaphore, #tpu.memory_space<semaphore_mem>>) src(%arg10 : memref<64x128xf32, #tpu.memory_space<vmem>>) dst(%dma_wait3A_104 : memref<64x128xf32, #tpu.memory_space<vmem_shared>>)
      tpu.yield
    }) : () -> ()
    %mul3A_44 = arith.constant 640 : i32
    %mul3A_45 = arith.muli %arg1, %mul3A_44 : i32
    %add3A_46 = arith.constant 576 : i32
    %add3A_47 = arith.addi %mul3A_45, %add3A_46 : i32
    "tpu.region"() ({
      %run_scoped3A_96 = tpu.sem_alloc : memref<!tpu.dma_semaphore, #tpu.memory_space<semaphore_mem>>
      %dma_start3A_97 = arith.constant 0 : i32
      %dma_start3A_98 = tpu.memref_slice %arg5[%add3A_47, %dma_start3A_97] : memref<10240x128xf32, #tpu.memory_space<vmem_shared>> -> memref<64x128xf32, #tpu.memory_space<vmem_shared>>
      %dma_start3A_99 = arith.constant 0 : i32
      %dma_start3A_100 = tpu.memref_slice %arg5[%add3A_47, %dma_start3A_99] : memref<10240x128xf32, #tpu.memory_space<vmem_shared>> -> memref<64x128xf32, #tpu.memory_space<vmem_shared>>
      tpu.enqueue_dma source(%arg10 : memref<64x128xf32, #tpu.memory_space<vmem>>) target(%dma_start3A_100 : memref<64x128xf32, #tpu.memory_space<vmem_shared>>) target_semaphore(%run_scoped3A_96 : memref<!tpu.dma_semaphore, #tpu.memory_space<semaphore_mem>>)
      %dma_wait3A_101 = arith.constant 0 : i32
      %dma_wait3A_102 = tpu.memref_slice %arg5[%add3A_47, %dma_wait3A_101] : memref<10240x128xf32, #tpu.memory_space<vmem_shared>> -> memref<64x128xf32, #tpu.memory_space<vmem_shared>>
      %dma_wait3A_103 = arith.constant 0 : i32
      %dma_wait3A_104 = tpu.memref_slice %arg5[%add3A_47, %dma_wait3A_103] : memref<10240x128xf32, #tpu.memory_space<vmem_shared>> -> memref<64x128xf32, #tpu.memory_space<vmem_shared>>
      tpu.wait_dma2 semaphore(%run_scoped3A_96 : memref<!tpu.dma_semaphore, #tpu.memory_space<semaphore_mem>>) src(%arg10 : memref<64x128xf32, #tpu.memory_space<vmem>>) dst(%dma_wait3A_104 : memref<64x128xf32, #tpu.memory_space<vmem_shared>>)
      tpu.yield
    }) : () -> ()
    %barrier3A = arith.constant 0 : index
    tpu.barrier barrier_id(%barrier3A)
    "tpu.region"() ({
      %run_scoped3A_96 = tpu.sem_alloc : memref<!tpu.dma_semaphore, #tpu.memory_space<semaphore_mem>>
      %dma_start3A_97 = arith.constant 0 : i32
      %dma_start3A_98 = tpu.memref_slice %arg3[%dma_start3A_97, %mul3A_2] : memref<2x327680xi32, #tpu.memory_space<hbm>> -> memref<2x128xi32, #tpu.memory_space<hbm>>
      %dma_start3A_99 = arith.constant 0 : i32
      %dma_start3A_100 = tpu.memref_slice %arg3[%dma_start3A_99, %mul3A_2] : memref<2x327680xi32, #tpu.memory_space<hbm>> -> memref<2x128xi32, #tpu.memory_space<hbm>>
      tpu.enqueue_dma source(%dma_start3A_100 : memref<2x128xi32, #tpu.memory_space<hbm>>) target(%arg6 : memref<2x128xi32, #tpu.memory_space<vmem>>) target_semaphore(%run_scoped3A_96 : memref<!tpu.dma_semaphore, #tpu.memory_space<semaphore_mem>>)
      %dma_wait3A_101 = arith.constant 0 : i32
      %dma_wait3A_102 = tpu.memref_slice %arg3[%dma_wait3A_101, %mul3A_2] : memref<2x327680xi32, #tpu.memory_space<hbm>> -> memref<2x128xi32, #tpu.memory_space<hbm>>
      %dma_wait3A_103 = arith.constant 0 : i32
      %dma_wait3A_104 = tpu.memref_slice %arg3[%dma_wait3A_103, %mul3A_2] : memref<2x327680xi32, #tpu.memory_space<hbm>> -> memref<2x128xi32, #tpu.memory_space<hbm>>
      tpu.wait_dma2 semaphore(%run_scoped3A_96 : memref<!tpu.dma_semaphore, #tpu.memory_space<semaphore_mem>>) src(%dma_wait3A_104 : memref<2x128xi32, #tpu.memory_space<hbm>>) dst(%arg6 : memref<2x128xi32, #tpu.memory_space<vmem>>)
      tpu.yield
    }) : () -> ()
    %dma_start3A = arith.constant 0 : i32
    %dma_start3A_48 = arith.constant 0 : i32
    %dma_start3A_49 = tpu.memref_slice %arg6[%dma_start3A, %dma_start3A_48] : memref<2x128xi32, #tpu.memory_space<vmem>> -> memref<1x128xi32, #tpu.memory_space<vmem>>
    %dma_start3A_50 = tpu.memref_squeeze %dma_start3A_49 : memref<1x128xi32, #tpu.memory_space<vmem>> -> memref<128xi32, #tpu.memory_space<vmem>>
    %dma_start3A_51 = arith.constant 0 : i32
    %dma_start3A_52 = arith.constant 0 : i32
    %dma_start3A_53 = tpu.memref_slice %arg2[%dma_start3A_51, %dma_start3A_52] : memref<10000x128xf32, #tpu.memory_space<hbm>> -> memref<10000x128xf32, #tpu.memory_space<hbm>>
    tpu.enqueue_indirect_dma source(%dma_start3A_53 : memref<10000x128xf32, #tpu.memory_space<hbm>>) target(%arg8 : memref<128x128xf32, #tpu.memory_space<vmem>>) offsets(%dma_start3A_50 : memref<128xi32, #tpu.memory_space<vmem>>) semaphore(%arg11 : memref<!tpu.dma_semaphore, #tpu.memory_space<semaphore_mem>>)
    %add3A_54 = arith.constant 128 : i32
    %add3A_55 = arith.addi %mul3A_2, %add3A_54 : i32
    %dma_start3A_56 = arith.constant 0 : i32
    %dma_start3A_57 = tpu.memref_slice %arg3[%dma_start3A_56, %add3A_55] : memref<2x327680xi32, #tpu.memory_space<hbm>> -> memref<2x128xi32, #tpu.memory_space<hbm>>
    %dma_start3A_58 = arith.constant 0 : i32
    %dma_start3A_59 = tpu.memref_slice %arg3[%dma_start3A_58, %add3A_55] : memref<2x327680xi32, #tpu.memory_space<hbm>> -> memref<2x128xi32, #tpu.memory_space<hbm>>
    tpu.enqueue_dma source(%dma_start3A_59 : memref<2x128xi32, #tpu.memory_space<hbm>>) target(%arg7 : memref<2x128xi32, #tpu.memory_space<vmem>>) target_semaphore(%arg14 : memref<!tpu.dma_semaphore, #tpu.memory_space<semaphore_mem>>)
    %scan3A_60 = arith.constant 0 : i32
    %scan3A_61 = arith.constant 0 : i32
    %scan3A_62 = arith.constant 39 : i32
    %scan3A_63 = arith.addi %scan3A_61, %scan3A_62 : i32
    %scan3A_64 = arith.constant 1 : i32
    scf.for %scan3A_96 = %scan3A_61 to %scan3A_63 step %scan3A_64  : i32 {
      %mul3A_97 = arith.constant 2 : i32
      %mul3A_98 = arith.muli %mul3A_97, %scan3A_96 : i32
      %dma_wait3A_99 = arith.constant 0 : i32
      %dma_wait3A_100 = arith.constant 0 : i32
      %dma_wait3A_101 = tpu.memref_slice %arg3[%dma_wait3A_99, %dma_wait3A_100] : memref<2x327680xi32, #tpu.memory_space<hbm>> -> memref<2x128xi32, #tpu.memory_space<hbm>>
      %dma_wait3A_102 = arith.constant 0 : i32
      %dma_wait3A_103 = arith.constant 0 : i32
      %dma_wait3A_104 = tpu.memref_slice %arg3[%dma_wait3A_102, %dma_wait3A_103] : memref<2x327680xi32, #tpu.memory_space<hbm>> -> memref<2x128xi32, #tpu.memory_space<hbm>>
      tpu.wait_dma2 semaphore(%arg14 : memref<!tpu.dma_semaphore, #tpu.memory_space<semaphore_mem>>) src(%dma_wait3A_104 : memref<2x128xi32, #tpu.memory_space<hbm>>) dst(%arg6 : memref<2x128xi32, #tpu.memory_space<vmem>>)
      %dma_wait3A_105 = arith.constant 0 : i32
      %dma_wait3A_106 = arith.constant 0 : i32
      %dma_wait3A_107 = tpu.memref_slice %arg2[%dma_wait3A_105, %dma_wait3A_106] : memref<10000x128xf32, #tpu.memory_space<hbm>> -> memref<128x128xf32, #tpu.memory_space<hbm>>
      %dma_wait3A_108 = arith.constant 0 : i32
      %dma_wait3A_109 = arith.constant 0 : i32
      %dma_wait3A_110 = tpu.memref_slice %arg2[%dma_wait3A_108, %dma_wait3A_109] : memref<10000x128xf32, #tpu.memory_space<hbm>> -> memref<128x128xf32, #tpu.memory_space<hbm>>
      tpu.wait_dma2 semaphore(%arg11 : memref<!tpu.dma_semaphore, #tpu.memory_space<semaphore_mem>>) src(%dma_wait3A_110 : memref<128x128xf32, #tpu.memory_space<hbm>>) dst(%arg8 : memref<128x128xf32, #tpu.memory_space<vmem>>)
      %dma_start3A_111 = arith.constant 0 : i32
      %dma_start3A_112 = arith.constant 0 : i32
      %dma_start3A_113 = tpu.memref_slice %arg7[%dma_start3A_111, %dma_start3A_112] : memref<2x128xi32, #tpu.memory_space<vmem>> -> memref<1x128xi32, #tpu.memory_space<vmem>>
      %dma_start3A_114 = tpu.memref_squeeze %dma_start3A_113 : memref<1x128xi32, #tpu.memory_space<vmem>> -> memref<128xi32, #tpu.memory_space<vmem>>
      %dma_start3A_115 = arith.constant 0 : i32
      %dma_start3A_116 = arith.constant 0 : i32
      %dma_start3A_117 = tpu.memref_slice %arg2[%dma_start3A_115, %dma_start3A_116] : memref<10000x128xf32, #tpu.memory_space<hbm>> -> memref<10000x128xf32, #tpu.memory_space<hbm>>
      tpu.enqueue_indirect_dma source(%dma_start3A_117 : memref<10000x128xf32, #tpu.memory_space<hbm>>) target(%arg9 : memref<128x128xf32, #tpu.memory_space<vmem>>) offsets(%dma_start3A_114 : memref<128xi32, #tpu.memory_space<vmem>>) semaphore(%arg12 : memref<!tpu.dma_semaphore, #tpu.memory_space<semaphore_mem>>)
      %run_scoped3A_118 = arith.constant 1 : i32
      "tpu.region"() ({
        %run_scoped3A_157 = tpu.sem_alloc : memref<!tpu.dma_semaphore, #tpu.memory_space<semaphore_mem>>
        %dma_start3A_158 = arith.constant 0 : i32
        %dma_start3A_159 = tpu.memref_slice %arg6[%run_scoped3A_118, %dma_start3A_158] : memref<2x128xi32, #tpu.memory_space<vmem>> -> memref<1x128xi32, #tpu.memory_space<vmem>>
        %dma_start3A_160 = tpu.memref_squeeze %dma_start3A_159 : memref<1x128xi32, #tpu.memory_space<vmem>> -> memref<128xi32, #tpu.memory_space<vmem>>
        %dma_start3A_161 = arith.constant 0 : i32
        %dma_start3A_162 = arith.constant 0 : i32
        %dma_start3A_163 = tpu.memref_slice %arg5[%dma_start3A_161, %dma_start3A_162] : memref<10240x128xf32, #tpu.memory_space<vmem_shared>> -> memref<10240x128xf32, #tpu.memory_space<vmem_shared>>
        tpu.enqueue_indirect_dma source(%arg8 : memref<128x128xf32, #tpu.memory_space<vmem>>) target(%dma_start3A_163 : memref<10240x128xf32, #tpu.memory_space<vmem_shared>>) offsets(%dma_start3A_160 : memref<128xi32, #tpu.memory_space<vmem>>) semaphore(%run_scoped3A_157 : memref<!tpu.dma_semaphore, #tpu.memory_space<semaphore_mem>>) {add = true}
        %dma_wait3A_164 = arith.constant 0 : i32
        %dma_wait3A_165 = tpu.memref_slice %arg6[%run_scoped3A_118, %dma_wait3A_164] : memref<2x128xi32, #tpu.memory_space<vmem>> -> memref<1x128xi32, #tpu.memory_space<vmem>>
        %dma_wait3A_166 = tpu.memref_squeeze %dma_wait3A_165 : memref<1x128xi32, #tpu.memory_space<vmem>> -> memref<128xi32, #tpu.memory_space<vmem>>
        %dma_wait3A_167 = arith.constant 0 : i32
        %dma_wait3A_168 = arith.constant 0 : i32
        %dma_wait3A_169 = tpu.memref_slice %arg5[%dma_wait3A_167, %dma_wait3A_168] : memref<10240x128xf32, #tpu.memory_space<vmem_shared>> -> memref<10240x128xf32, #tpu.memory_space<vmem_shared>>
        tpu.wait_indirect_dma semaphore(%run_scoped3A_157 : memref<!tpu.dma_semaphore, #tpu.memory_space<semaphore_mem>>) src(%arg8 : memref<128x128xf32, #tpu.memory_space<vmem>>) dst(%dma_wait3A_169 : memref<10240x128xf32, #tpu.memory_space<vmem_shared>>)
        tpu.yield
      }) : () -> ()
      %add3A_119 = arith.constant 2 : i32
      %add3A_120 = arith.addi %mul3A_98, %add3A_119 : i32
      %mul3A_121 = arith.constant 128 : i32
      %mul3A_122 = arith.muli %add3A_120, %mul3A_121 : i32
      %add3A_123 = arith.addi %mul3A_2, %mul3A_122 : i32
      %dma_start3A_124 = arith.constant 0 : i32
      %dma_start3A_125 = tpu.memref_slice %arg3[%dma_start3A_124, %add3A_123] : memref<2x327680xi32, #tpu.memory_space<hbm>> -> memref<2x128xi32, #tpu.memory_space<hbm>>
      %dma_start3A_126 = arith.constant 0 : i32
      %dma_start3A_127 = tpu.memref_slice %arg3[%dma_start3A_126, %add3A_123] : memref<2x327680xi32, #tpu.memory_space<hbm>> -> memref<2x128xi32, #tpu.memory_space<hbm>>
      tpu.enqueue_dma source(%dma_start3A_127 : memref<2x128xi32, #tpu.memory_space<hbm>>) target(%arg6 : memref<2x128xi32, #tpu.memory_space<vmem>>) target_semaphore(%arg13 : memref<!tpu.dma_semaphore, #tpu.memory_space<semaphore_mem>>)
      %dma_wait3A_128 = arith.constant 0 : i32
      %dma_wait3A_129 = arith.constant 0 : i32
      %dma_wait3A_130 = tpu.memref_slice %arg3[%dma_wait3A_128, %dma_wait3A_129] : memref<2x327680xi32, #tpu.memory_space<hbm>> -> memref<2x128xi32, #tpu.memory_space<hbm>>
      %dma_wait3A_131 = arith.constant 0 : i32
      %dma_wait3A_132 = arith.constant 0 : i32
      %dma_wait3A_133 = tpu.memref_slice %arg3[%dma_wait3A_131, %dma_wait3A_132] : memref<2x327680xi32, #tpu.memory_space<hbm>> -> memref<2x128xi32, #tpu.memory_space<hbm>>
      tpu.wait_dma2 semaphore(%arg13 : memref<!tpu.dma_semaphore, #tpu.memory_space<semaphore_mem>>) src(%dma_wait3A_133 : memref<2x128xi32, #tpu.memory_space<hbm>>) dst(%arg6 : memref<2x128xi32, #tpu.memory_space<vmem>>)
      %dma_wait3A_134 = arith.constant 0 : i32
      %dma_wait3A_135 = arith.constant 0 : i32
      %dma_wait3A_136 = tpu.memref_slice %arg2[%dma_wait3A_134, %dma_wait3A_135] : memref<10000x128xf32, #tpu.memory_space<hbm>> -> memref<128x128xf32, #tpu.memory_space<hbm>>
      %dma_wait3A_137 = arith.constant 0 : i32
      %dma_wait3A_138 = arith.constant 0 : i32
      %dma_wait3A_139 = tpu.memref_slice %arg2[%dma_wait3A_137, %dma_wait3A_138] : memref<10000x128xf32, #tpu.memory_space<hbm>> -> memref<128x128xf32, #tpu.memory_space<hbm>>
      tpu.wait_dma2 semaphore(%arg12 : memref<!tpu.dma_semaphore, #tpu.memory_space<semaphore_mem>>) src(%dma_wait3A_139 : memref<128x128xf32, #tpu.memory_space<hbm>>) dst(%arg8 : memref<128x128xf32, #tpu.memory_space<vmem>>)
      %dma_start3A_140 = arith.constant 0 : i32
      %dma_start3A_141 = arith.constant 0 : i32
      %dma_start3A_142 = tpu.memref_slice %arg6[%dma_start3A_140, %dma_start3A_141] : memref<2x128xi32, #tpu.memory_space<vmem>> -> memref<1x128xi32, #tpu.memory_space<vmem>>
      %dma_start3A_143 = tpu.memref_squeeze %dma_start3A_142 : memref<1x128xi32, #tpu.memory_space<vmem>> -> memref<128xi32, #tpu.memory_space<vmem>>
      %dma_start3A_144 = arith.constant 0 : i32
      %dma_start3A_145 = arith.constant 0 : i32
      %dma_start3A_146 = tpu.memref_slice %arg2[%dma_start3A_144, %dma_start3A_145] : memref<10000x128xf32, #tpu.memory_space<hbm>> -> memref<10000x128xf32, #tpu.memory_space<hbm>>
      tpu.enqueue_indirect_dma source(%dma_start3A_146 : memref<10000x128xf32, #tpu.memory_space<hbm>>) target(%arg8 : memref<128x128xf32, #tpu.memory_space<vmem>>) offsets(%dma_start3A_143 : memref<128xi32, #tpu.memory_space<vmem>>) semaphore(%arg11 : memref<!tpu.dma_semaphore, #tpu.memory_space<semaphore_mem>>)
      %run_scoped3A_147 = arith.constant 1 : i32
      "tpu.region"() ({
        %run_scoped3A_157 = tpu.sem_alloc : memref<!tpu.dma_semaphore, #tpu.memory_space<semaphore_mem>>
        %dma_start3A_158 = arith.constant 0 : i32
        %dma_start3A_159 = tpu.memref_slice %arg7[%run_scoped3A_147, %dma_start3A_158] : memref<2x128xi32, #tpu.memory_space<vmem>> -> memref<1x128xi32, #tpu.memory_space<vmem>>
        %dma_start3A_160 = tpu.memref_squeeze %dma_start3A_159 : memref<1x128xi32, #tpu.memory_space<vmem>> -> memref<128xi32, #tpu.memory_space<vmem>>
        %dma_start3A_161 = arith.constant 0 : i32
        %dma_start3A_162 = arith.constant 0 : i32
        %dma_start3A_163 = tpu.memref_slice %arg5[%dma_start3A_161, %dma_start3A_162] : memref<10240x128xf32, #tpu.memory_space<vmem_shared>> -> memref<10240x128xf32, #tpu.memory_space<vmem_shared>>
        tpu.enqueue_indirect_dma source(%arg9 : memref<128x128xf32, #tpu.memory_space<vmem>>) target(%dma_start3A_163 : memref<10240x128xf32, #tpu.memory_space<vmem_shared>>) offsets(%dma_start3A_160 : memref<128xi32, #tpu.memory_space<vmem>>) semaphore(%run_scoped3A_157 : memref<!tpu.dma_semaphore, #tpu.memory_space<semaphore_mem>>) {add = true}
        %dma_wait3A_164 = arith.constant 0 : i32
        %dma_wait3A_165 = tpu.memref_slice %arg7[%run_scoped3A_147, %dma_wait3A_164] : memref<2x128xi32, #tpu.memory_space<vmem>> -> memref<1x128xi32, #tpu.memory_space<vmem>>
        %dma_wait3A_166 = tpu.memref_squeeze %dma_wait3A_165 : memref<1x128xi32, #tpu.memory_space<vmem>> -> memref<128xi32, #tpu.memory_space<vmem>>
        %dma_wait3A_167 = arith.constant 0 : i32
        %dma_wait3A_168 = arith.constant 0 : i32
        %dma_wait3A_169 = tpu.memref_slice %arg5[%dma_wait3A_167, %dma_wait3A_168] : memref<10240x128xf32, #tpu.memory_space<vmem_shared>> -> memref<10240x128xf32, #tpu.memory_space<vmem_shared>>
        tpu.wait_indirect_dma semaphore(%run_scoped3A_157 : memref<!tpu.dma_semaphore, #tpu.memory_space<semaphore_mem>>) src(%arg9 : memref<128x128xf32, #tpu.memory_space<vmem>>) dst(%dma_wait3A_169 : memref<10240x128xf32, #tpu.memory_space<vmem_shared>>)
        tpu.yield
      }) : () -> ()
      %add3A_148 = arith.constant 3 : i32
      %add3A_149 = arith.addi %mul3A_98, %add3A_148 : i32
      %mul3A_150 = arith.constant 128 : i32
      %mul3A_151 = arith.muli %add3A_149, %mul3A_150 : i32
      %add3A_152 = arith.addi %mul3A_2, %mul3A_151 : i32
      %dma_start3A_153 = arith.constant 0 : i32
      %dma_start3A_154 = tpu.memref_slice %arg3[%dma_start3A_153, %add3A_152] : memref<2x327680xi32, #tpu.memory_space<hbm>> -> memref<2x128xi32, #tpu.memory_space<hbm>>
      %dma_start3A_155 = arith.constant 0 : i32
      %dma_start3A_156 = tpu.memref_slice %arg3[%dma_start3A_155, %add3A_152] : memref<2x327680xi32, #tpu.memory_space<hbm>> -> memref<2x128xi32, #tpu.memory_space<hbm>>
      tpu.enqueue_dma source(%dma_start3A_156 : memref<2x128xi32, #tpu.memory_space<hbm>>) target(%arg7 : memref<2x128xi32, #tpu.memory_space<vmem>>) target_semaphore(%arg14 : memref<!tpu.dma_semaphore, #tpu.memory_space<semaphore_mem>>)
    }
    %scan3A_65 = arith.constant 39 : i32
    %dma_wait3A = arith.constant 0 : i32
    %dma_wait3A_66 = arith.constant 0 : i32
    %dma_wait3A_67 = tpu.memref_slice %arg3[%dma_wait3A, %dma_wait3A_66] : memref<2x327680xi32, #tpu.memory_space<hbm>> -> memref<2x128xi32, #tpu.memory_space<hbm>>
    %dma_wait3A_68 = arith.constant 0 : i32
    %dma_wait3A_69 = arith.constant 0 : i32
    %dma_wait3A_70 = tpu.memref_slice %arg3[%dma_wait3A_68, %dma_wait3A_69] : memref<2x327680xi32, #tpu.memory_space<hbm>> -> memref<2x128xi32, #tpu.memory_space<hbm>>
    tpu.wait_dma2 semaphore(%arg14 : memref<!tpu.dma_semaphore, #tpu.memory_space<semaphore_mem>>) src(%dma_wait3A_70 : memref<2x128xi32, #tpu.memory_space<hbm>>) dst(%arg6 : memref<2x128xi32, #tpu.memory_space<vmem>>)
    %dma_wait3A_71 = arith.constant 0 : i32
    %dma_wait3A_72 = arith.constant 0 : i32
    %dma_wait3A_73 = tpu.memref_slice %arg2[%dma_wait3A_71, %dma_wait3A_72] : memref<10000x128xf32, #tpu.memory_space<hbm>> -> memref<128x128xf32, #tpu.memory_space<hbm>>
    %dma_wait3A_74 = arith.constant 0 : i32
    %dma_wait3A_75 = arith.constant 0 : i32
    %dma_wait3A_76 = tpu.memref_slice %arg2[%dma_wait3A_74, %dma_wait3A_75] : memref<10000x128xf32, #tpu.memory_space<hbm>> -> memref<128x128xf32, #tpu.memory_space<hbm>>
    tpu.wait_dma2 semaphore(%arg11 : memref<!tpu.dma_semaphore, #tpu.memory_space<semaphore_mem>>) src(%dma_wait3A_76 : memref<128x128xf32, #tpu.memory_space<hbm>>) dst(%arg8 : memref<128x128xf32, #tpu.memory_space<vmem>>)
    %dma_start3A_77 = arith.constant 0 : i32
    %dma_start3A_78 = arith.constant 0 : i32
    %dma_start3A_79 = tpu.memref_slice %arg7[%dma_start3A_77, %dma_start3A_78] : memref<2x128xi32, #tpu.memory_space<vmem>> -> memref<1x128xi32, #tpu.memory_space<vmem>>
    %dma_start3A_80 = tpu.memref_squeeze %dma_start3A_79 : memref<1x128xi32, #tpu.memory_space<vmem>> -> memref<128xi32, #tpu.memory_space<vmem>>
    %dma_start3A_81 = arith.constant 0 : i32
    %dma_start3A_82 = arith.constant 0 : i32
    %dma_start3A_83 = tpu.memref_slice %arg2[%dma_start3A_81, %dma_start3A_82] : memref<10000x128xf32, #tpu.memory_space<hbm>> -> memref<10000x128xf32, #tpu.memory_space<hbm>>
    tpu.enqueue_indirect_dma source(%dma_start3A_83 : memref<10000x128xf32, #tpu.memory_space<hbm>>) target(%arg9 : memref<128x128xf32, #tpu.memory_space<vmem>>) offsets(%dma_start3A_80 : memref<128xi32, #tpu.memory_space<vmem>>) semaphore(%arg12 : memref<!tpu.dma_semaphore, #tpu.memory_space<semaphore_mem>>)
    %run_scoped3A = arith.constant 1 : i32
    "tpu.region"() ({
      %run_scoped3A_96 = tpu.sem_alloc : memref<!tpu.dma_semaphore, #tpu.memory_space<semaphore_mem>>
      %dma_start3A_97 = arith.constant 0 : i32
      %dma_start3A_98 = tpu.memref_slice %arg6[%run_scoped3A, %dma_start3A_97] : memref<2x128xi32, #tpu.memory_space<vmem>> -> memref<1x128xi32, #tpu.memory_space<vmem>>
      %dma_start3A_99 = tpu.memref_squeeze %dma_start3A_98 : memref<1x128xi32, #tpu.memory_space<vmem>> -> memref<128xi32, #tpu.memory_space<vmem>>
      %dma_start3A_100 = arith.constant 0 : i32
      %dma_start3A_101 = arith.constant 0 : i32
      %dma_start3A_102 = tpu.memref_slice %arg5[%dma_start3A_100, %dma_start3A_101] : memref<10240x128xf32, #tpu.memory_space<vmem_shared>> -> memref<10240x128xf32, #tpu.memory_space<vmem_shared>>
      tpu.enqueue_indirect_dma source(%arg8 : memref<128x128xf32, #tpu.memory_space<vmem>>) target(%dma_start3A_102 : memref<10240x128xf32, #tpu.memory_space<vmem_shared>>) offsets(%dma_start3A_99 : memref<128xi32, #tpu.memory_space<vmem>>) semaphore(%run_scoped3A_96 : memref<!tpu.dma_semaphore, #tpu.memory_space<semaphore_mem>>) {add = true}
      %dma_wait3A_103 = arith.constant 0 : i32
      %dma_wait3A_104 = tpu.memref_slice %arg6[%run_scoped3A, %dma_wait3A_103] : memref<2x128xi32, #tpu.memory_space<vmem>> -> memref<1x128xi32, #tpu.memory_space<vmem>>
      %dma_wait3A_105 = tpu.memref_squeeze %dma_wait3A_104 : memref<1x128xi32, #tpu.memory_space<vmem>> -> memref<128xi32, #tpu.memory_space<vmem>>
      %dma_wait3A_106 = arith.constant 0 : i32
      %dma_wait3A_107 = arith.constant 0 : i32
      %dma_wait3A_108 = tpu.memref_slice %arg5[%dma_wait3A_106, %dma_wait3A_107] : memref<10240x128xf32, #tpu.memory_space<vmem_shared>> -> memref<10240x128xf32, #tpu.memory_space<vmem_shared>>
      tpu.wait_indirect_dma semaphore(%run_scoped3A_96 : memref<!tpu.dma_semaphore, #tpu.memory_space<semaphore_mem>>) src(%arg8 : memref<128x128xf32, #tpu.memory_space<vmem>>) dst(%dma_wait3A_108 : memref<10240x128xf32, #tpu.memory_space<vmem_shared>>)
      tpu.yield
    }) : () -> ()
    %dma_wait3A_84 = arith.constant 0 : i32
    %dma_wait3A_85 = arith.constant 0 : i32
    %dma_wait3A_86 = tpu.memref_slice %arg2[%dma_wait3A_84, %dma_wait3A_85] : memref<10000x128xf32, #tpu.memory_space<hbm>> -> memref<128x128xf32, #tpu.memory_space<hbm>>
    %dma_wait3A_87 = arith.constant 0 : i32
    %dma_wait3A_88 = arith.constant 0 : i32
    %dma_wait3A_89 = tpu.memref_slice %arg2[%dma_wait3A_87, %dma_wait3A_88] : memref<10000x128xf32, #tpu.memory_space<hbm>> -> memref<128x128xf32, #tpu.memory_space<hbm>>
    tpu.wait_dma2 semaphore(%arg12 : memref<!tpu.dma_semaphore, #tpu.memory_space<semaphore_mem>>) src(%dma_wait3A_89 : memref<128x128xf32, #tpu.memory_space<hbm>>) dst(%arg8 : memref<128x128xf32, #tpu.memory_space<vmem>>)
    %run_scoped3A_90 = arith.constant 1 : i32
    "tpu.region"() ({
      %run_scoped3A_96 = tpu.sem_alloc : memref<!tpu.dma_semaphore, #tpu.memory_space<semaphore_mem>>
      %dma_start3A_97 = arith.constant 0 : i32
      %dma_start3A_98 = tpu.memref_slice %arg7[%run_scoped3A_90, %dma_start3A_97] : memref<2x128xi32, #tpu.memory_space<vmem>> -> memref<1x128xi32, #tpu.memory_space<vmem>>
      %dma_start3A_99 = tpu.memref_squeeze %dma_start3A_98 : memref<1x128xi32, #tpu.memory_space<vmem>> -> memref<128xi32, #tpu.memory_space<vmem>>
      %dma_start3A_100 = arith.constant 0 : i32
      %dma_start3A_101 = arith.constant 0 : i32
      %dma_start3A_102 = tpu.memref_slice %arg5[%dma_start3A_100, %dma_start3A_101] : memref<10240x128xf32, #tpu.memory_space<vmem_shared>> -> memref<10240x128xf32, #tpu.memory_space<vmem_shared>>
      tpu.enqueue_indirect_dma source(%arg9 : memref<128x128xf32, #tpu.memory_space<vmem>>) target(%dma_start3A_102 : memref<10240x128xf32, #tpu.memory_space<vmem_shared>>) offsets(%dma_start3A_99 : memref<128xi32, #tpu.memory_space<vmem>>) semaphore(%run_scoped3A_96 : memref<!tpu.dma_semaphore, #tpu.memory_space<semaphore_mem>>) {add = true}
      %dma_wait3A_103 = arith.constant 0 : i32
      %dma_wait3A_104 = tpu.memref_slice %arg7[%run_scoped3A_90, %dma_wait3A_103] : memref<2x128xi32, #tpu.memory_space<vmem>> -> memref<1x128xi32, #tpu.memory_space<vmem>>
      %dma_wait3A_105 = tpu.memref_squeeze %dma_wait3A_104 : memref<1x128xi32, #tpu.memory_space<vmem>> -> memref<128xi32, #tpu.memory_space<vmem>>
      %dma_wait3A_106 = arith.constant 0 : i32
      %dma_wait3A_107 = arith.constant 0 : i32
      %dma_wait3A_108 = tpu.memref_slice %arg5[%dma_wait3A_106, %dma_wait3A_107] : memref<10240x128xf32, #tpu.memory_space<vmem_shared>> -> memref<10240x128xf32, #tpu.memory_space<vmem_shared>>
      tpu.wait_indirect_dma semaphore(%run_scoped3A_96 : memref<!tpu.dma_semaphore, #tpu.memory_space<semaphore_mem>>) src(%arg9 : memref<128x128xf32, #tpu.memory_space<vmem>>) dst(%dma_wait3A_108 : memref<10240x128xf32, #tpu.memory_space<vmem_shared>>)
      tpu.yield
    }) : () -> ()
    %barrier3A_91 = arith.constant 0 : index
    tpu.barrier barrier_id(%barrier3A_91)
    %mul3A_92 = arith.constant 640 : i32
    %mul3A_93 = arith.muli %arg1, %mul3A_92 : i32
    %mul3A_94 = arith.constant 640 : i32
    %mul3A_95 = arith.muli %arg1, %mul3A_94 : i32
    "tpu.region"() ({
      %run_scoped3A_96 = tpu.sem_alloc : memref<!tpu.dma_semaphore, #tpu.memory_space<semaphore_mem>>
      %dma_start3A_97 = arith.constant 0 : i32
      %dma_start3A_98 = tpu.memref_slice %arg4[%arg0, %mul3A_95, %dma_start3A_97] : memref<2x10240x128xf32, #tpu.memory_space<hbm>> -> memref<1x640x128xf32, #tpu.memory_space<hbm>>
      %dma_start3A_99 = tpu.memref_squeeze %dma_start3A_98 : memref<1x640x128xf32, #tpu.memory_space<hbm>> -> memref<640x128xf32, #tpu.memory_space<hbm>>
      %dma_start3A_100 = arith.constant 0 : i32
      %dma_start3A_101 = tpu.memref_slice %arg5[%mul3A_93, %dma_start3A_100] : memref<10240x128xf32, #tpu.memory_space<vmem_shared>> -> memref<640x128xf32, #tpu.memory_space<vmem_shared>>
      tpu.enqueue_dma source(%dma_start3A_101 : memref<640x128xf32, #tpu.memory_space<vmem_shared>>) target(%dma_start3A_99 : memref<640x128xf32, #tpu.memory_space<hbm>>) target_semaphore(%run_scoped3A_96 : memref<!tpu.dma_semaphore, #tpu.memory_space<semaphore_mem>>)
      %dma_wait3A_102 = arith.constant 0 : i32
      %dma_wait3A_103 = tpu.memref_slice %arg4[%arg0, %mul3A_95, %dma_wait3A_102] : memref<2x10240x128xf32, #tpu.memory_space<hbm>> -> memref<1x640x128xf32, #tpu.memory_space<hbm>>
      %dma_wait3A_104 = tpu.memref_squeeze %dma_wait3A_103 : memref<1x640x128xf32, #tpu.memory_space<hbm>> -> memref<640x128xf32, #tpu.memory_space<hbm>>
      %dma_wait3A_105 = arith.constant 0 : i32
      %dma_wait3A_106 = tpu.memref_slice %arg5[%mul3A_93, %dma_wait3A_105] : memref<10240x128xf32, #tpu.memory_space<vmem_shared>> -> memref<640x128xf32, #tpu.memory_space<vmem_shared>>
      tpu.wait_dma2 semaphore(%run_scoped3A_96 : memref<!tpu.dma_semaphore, #tpu.memory_space<semaphore_mem>>) src(%dma_wait3A_106 : memref<640x128xf32, #tpu.memory_space<vmem_shared>>) dst(%dma_wait3A_104 : memref<640x128xf32, #tpu.memory_space<hbm>>)
      tpu.yield
    }) : () -> ()
    return
  }
}

module attributes {stable_mosaic.version = 14 : i64} {
  func.func @body(%arg0: i32, %arg1: memref<2x2000x128xf32, #tpu.memory_space<vmem>>, %arg2: memref<2000x128xf32, #tpu.memory_space<vmem>>) attributes {dimension_semantics = [#tpu.dimension_semantics<arbitrary>], iteration_bounds = array<i64: 5>, scalar_prefetch = 0 : i64, scratch_operands = 0 : i64, tpu.core_type = #tpu.core_type<tc>, window_params = [{transform_indices = @transform_0, window_bounds = array<i64: 2, 2000, 128>}, {transform_indices = @transform_1, window_bounds = array<i64: 2000, 128>}]} {
    %get3A = arith.constant 0 : index
    %get3A_0 = arith.constant 0 : index
    %get3A_1 = arith.constant 0 : index
    %get3A_2 = vector.load %arg1[%get3A, %get3A_0, %get3A_1] : memref<2x2000x128xf32, #tpu.memory_space<vmem>>, vector<1x2000x1xf32>
    %get3A_3 = vector.shape_cast %get3A_2 : vector<1x2000x1xf32> to vector<2000x1xf32>
    %get3A_4 = arith.constant 1 : index
    %get3A_5 = arith.constant 0 : index
    %get3A_6 = arith.constant 0 : index
    %get3A_7 = vector.load %arg1[%get3A_4, %get3A_5, %get3A_6] : memref<2x2000x128xf32, #tpu.memory_space<vmem>>, vector<1x2000x1xf32>
    %get3A_8 = vector.shape_cast %get3A_7 : vector<1x2000x1xf32> to vector<2000x1xf32>
    %add3A = arith.addf %get3A_3, %get3A_8 : vector<2000x1xf32>
    %add3A_9 = arith.constant 1.000000e+00 : f32
    %add3A_10 = vector.broadcast %add3A_9 : f32 to vector<2000x1xf32>
    %add3A_11 = arith.addf %add3A, %add3A_10 : vector<2000x1xf32>
    %rsqrt3A = math.rsqrt %add3A_11 : vector<2000x1xf32>
    %broadcast_in_dim3A = vector.shape_cast %rsqrt3A : vector<2000x1xf32> to vector<2000x1xf32>
    %broadcast_in_dim3A_12 = vector.broadcast %broadcast_in_dim3A : vector<2000x1xf32> to vector<2000x128xf32>
    %swap3A = arith.constant 0 : index
    %swap3A_13 = arith.constant 0 : index
    %swap3A_14 = vector.load %arg2[%swap3A, %swap3A_13] : memref<2000x128xf32, #tpu.memory_space<vmem>>, vector<2000x128xf32>
    tpu.vector_store %arg2[%swap3A, %swap3A_13], %broadcast_in_dim3A_12 {strides = array<i32>} : memref<2000x128xf32, #tpu.memory_space<vmem>>, vector<2000x128xf32>,
    return
  }
  func.func @transform_0(%arg0: i32) -> (i32, i32, i32) {
    %c0_i32 = arith.constant 0 : i32
    %c0_i32_0 = arith.constant 0 : i32
    %c0_i32_1 = arith.constant 0 : i32
    return %c0_i32, %arg0, %c0_i32_0 : i32, i32, i32
  }
  func.func @transform_1(%arg0: i32) -> (i32, i32) {
    %c0_i32 = arith.constant 0 : i32
    %c0_i32_0 = arith.constant 0 : i32
    return %arg0, %c0_i32 : i32, i32
  }
}

module attributes {stable_mosaic.version = 14 : i64} {
  func.func @body(%arg0: i32, %arg1: memref<2000x128xf32, #tpu.memory_space<vmem>>, %arg2: memref<128x128xf32, #tpu.memory_space<vmem>>, %arg3: memref<2000x128xf32, #tpu.memory_space<vmem>>, %arg4: memref<2000x128xf32, #tpu.memory_space<vmem>>) attributes {dimension_semantics = [#tpu.dimension_semantics<arbitrary>], iteration_bounds = array<i64: 5>, scalar_prefetch = 0 : i64, scratch_operands = 0 : i64, tpu.core_type = #tpu.core_type<tc>, window_params = [{transform_indices = @transform_0, window_bounds = array<i64: 2000, 128>}, {pipeline_mode = #tpu.pipeline_mode<synchronous>, transform_indices = @transform_1, window_bounds = array<i64: 128, 128>}, {transform_indices = @transform_2, window_bounds = array<i64: 2000, 128>}, {transform_indices = @transform_3, window_bounds = array<i64: 2000, 128>}]} {
    %get3A = arith.constant 0 : index
    %get3A_0 = arith.constant 0 : index
    %get3A_1 = vector.load %arg1[%get3A, %get3A_0] : memref<2000x128xf32, #tpu.memory_space<vmem>>, vector<2000x128xf32>
    %get3A_2 = arith.constant 0 : index
    %get3A_3 = arith.constant 0 : index
    %get3A_4 = vector.load %arg2[%get3A_2, %get3A_3] : memref<128x128xf32, #tpu.memory_space<vmem>>, vector<128x128xf32>
    %dot_general3A = arith.constant dense<0.000000e+00> : vector<2000x128xf32>
    %dot_general3A_5 = tpu.matmul %get3A_1, %get3A_4, %dot_general3A {dimension_numbers = #tpu.dot_dimension_numbers<[1], [0], [0], [1], [0, 0, 1, 1], [], []>, precision = #tpu.contract_precision<fp32>, transpose_lhs_hint = false} : vector<2000x128xf32>, vector<128x128xf32>, vector<2000x128xf32> -> vector<2000x128xf32>
    %get3A_6 = arith.constant 0 : index
    %get3A_7 = arith.constant 0 : index
    %get3A_8 = vector.load %arg3[%get3A_6, %get3A_7] : memref<2000x128xf32, #tpu.memory_space<vmem>>, vector<2000x128xf32>
    %mul3A = arith.mulf %dot_general3A_5, %get3A_8 : vector<2000x128xf32>
    %swap3A = arith.constant 0 : index
    %swap3A_9 = arith.constant 0 : index
    %swap3A_10 = vector.load %arg4[%swap3A, %swap3A_9] : memref<2000x128xf32, #tpu.memory_space<vmem>>, vector<2000x128xf32>
    tpu.vector_store %arg4[%swap3A, %swap3A_9], %mul3A {strides = array<i32>} : memref<2000x128xf32, #tpu.memory_space<vmem>>, vector<2000x128xf32>,
    return
  }
  func.func @transform_0(%arg0: i32) -> (i32, i32) {
    %c0_i32 = arith.constant 0 : i32
    %c0_i32_0 = arith.constant 0 : i32
    return %arg0, %c0_i32 : i32, i32
  }
  func.func @transform_1(%arg0: i32) -> (i32, i32) {
    %c0_i32 = arith.constant 0 : i32
    %c0_i32_0 = arith.constant 0 : i32
    %c0_i32_1 = arith.constant 0 : i32
    return %c0_i32, %c0_i32_0 : i32, i32
  }
  func.func @transform_2(%arg0: i32) -> (i32, i32) {
    %c0_i32 = arith.constant 0 : i32
    %c0_i32_0 = arith.constant 0 : i32
    return %arg0, %c0_i32 : i32, i32
  }
  func.func @transform_3(%arg0: i32) -> (i32, i32) {
    %c0_i32 = arith.constant 0 : i32
    %c0_i32_0 = arith.constant 0 : i32
    return %arg0, %c0_i32 : i32, i32
  }
}

module attributes {stable_mosaic.version = 14 : i64} {
  func.func @body(%arg0: i32, %arg1: memref<2x2000x128xf32, #tpu.memory_space<vmem>>, %arg2: memref<2000x128xf32, #tpu.memory_space<vmem>>, %arg3: memref<2000x128xf32, #tpu.memory_space<vmem>>, %arg4: memref<1x128xf32, #tpu.memory_space<vmem>>, %arg5: memref<2000x128xf32, #tpu.memory_space<vmem>>, %arg6: memref<8x128xf32, #tpu.memory_space<vmem>>) attributes {dimension_semantics = [#tpu.dimension_semantics<arbitrary>], iteration_bounds = array<i64: 5>, scalar_prefetch = 0 : i64, scratch_operands = 0 : i64, tpu.core_type = #tpu.core_type<tc>, window_params = [{transform_indices = @transform_0, window_bounds = array<i64: 2, 2000, 128>}, {transform_indices = @transform_1, window_bounds = array<i64: 2000, 128>}, {transform_indices = @transform_2, window_bounds = array<i64: 2000, 128>}, {pipeline_mode = #tpu.pipeline_mode<synchronous>, transform_indices = @transform_3, window_bounds = array<i64: 1, 128>}, {transform_indices = @transform_4, window_bounds = array<i64: 2000, 128>}, {pipeline_mode = #tpu.pipeline_mode<synchronous>, transform_indices = @transform_5, window_bounds = array<i64: 8, 128>}]} {
    %get3A = arith.constant 0 : index
    %get3A_0 = arith.constant 0 : index
    %get3A_1 = arith.constant 0 : index
    %get3A_2 = vector.load %arg1[%get3A, %get3A_0, %get3A_1] : memref<2x2000x128xf32, #tpu.memory_space<vmem>>, vector<1x2000x128xf32>
    %get3A_3 = vector.shape_cast %get3A_2 : vector<1x2000x128xf32> to vector<2000x128xf32>
    %get3A_4 = arith.constant 1 : index
    %get3A_5 = arith.constant 0 : index
    %get3A_6 = arith.constant 0 : index
    %get3A_7 = vector.load %arg1[%get3A_4, %get3A_5, %get3A_6] : memref<2x2000x128xf32, #tpu.memory_space<vmem>>, vector<1x2000x128xf32>
    %get3A_8 = vector.shape_cast %get3A_7 : vector<1x2000x128xf32> to vector<2000x128xf32>
    %add3A = arith.addf %get3A_3, %get3A_8 : vector<2000x128xf32>
    %get3A_9 = arith.constant 0 : index
    %get3A_10 = arith.constant 0 : index
    %get3A_11 = vector.load %arg2[%get3A_9, %get3A_10] : memref<2000x128xf32, #tpu.memory_space<vmem>>, vector<2000x128xf32>
    %add3A_12 = arith.addf %add3A, %get3A_11 : vector<2000x128xf32>
    %get3A_13 = arith.constant 0 : index
    %get3A_14 = arith.constant 0 : index
    %get3A_15 = vector.load %arg3[%get3A_13, %get3A_14] : memref<2000x128xf32, #tpu.memory_space<vmem>>, vector<2000x128xf32>
    %mul3A = arith.mulf %add3A_12, %get3A_15 : vector<2000x128xf32>
    %get3A_16 = arith.constant 0 : index
    %get3A_17 = arith.constant 0 : index
    %get3A_18 = vector.load %arg4[%get3A_16, %get3A_17] : memref<1x128xf32, #tpu.memory_space<vmem>>, vector<1x128xf32>
    %add3A_19 = vector.broadcast %get3A_18 : vector<1x128xf32> to vector<2000x128xf32>
    %add3A_20 = arith.addf %mul3A, %add3A_19 : vector<2000x128xf32>
    %swap3A = arith.constant 0 : index
    %swap3A_21 = arith.constant 0 : index
    %swap3A_22 = vector.load %arg5[%swap3A, %swap3A_21] : memref<2000x128xf32, #tpu.memory_space<vmem>>, vector<2000x128xf32>
    tpu.vector_store %arg5[%swap3A, %swap3A_21], %add3A_20 {strides = array<i32>} : memref<2000x128xf32, #tpu.memory_space<vmem>>, vector<2000x128xf32>,
    %eq3A = arith.constant 0 : i32
    %eq3A_23 = arith.cmpi eq, %arg0, %eq3A : i32
    %convert_element_type3A = arith.extui %eq3A_23 : i1 to i32
    %cond3A = arith.constant 0 : i32
    %cond3A_24 = arith.cmpi ne, %convert_element_type3A, %cond3A : i32
    scf.if %cond3A_24 {
      %broadcast_in_dim3A_44 = arith.constant 0.000000e+00 : f32
      %broadcast_in_dim3A_45 = vector.broadcast %broadcast_in_dim3A_44 : f32 to vector<8x128xf32>
      %swap3A_46 = arith.constant 0 : index
      %swap3A_47 = arith.constant 0 : index
      %swap3A_48 = vector.load %arg6[%swap3A_46, %swap3A_47] : memref<8x128xf32, #tpu.memory_space<vmem>>, vector<8x128xf32>
      tpu.vector_store %arg6[%swap3A_46, %swap3A_47], %broadcast_in_dim3A_45 {strides = array<i32>} : memref<8x128xf32, #tpu.memory_space<vmem>>, vector<8x128xf32>,
    } else {
    }
    %get3A_25 = arith.constant 0 : index
    %get3A_26 = arith.constant 0 : index
    %get3A_27 = vector.load %arg6[%get3A_25, %get3A_26] : memref<8x128xf32, #tpu.memory_space<vmem>>, vector<1x128xf32>
    %reduce_sum3A = arith.constant dense<0.000000e+00> : vector<128xf32>
    %reduce_sum3A_28 = vector.multi_reduction <add>, %add3A_20, %reduce_sum3A [0] : vector<2000x128xf32> to vector<128xf32>
    %broadcast_in_dim3A = vector.shape_cast %reduce_sum3A_28 : vector<128xf32> to vector<1x128xf32>
    %add3A_29 = arith.addf %get3A_27, %broadcast_in_dim3A : vector<1x128xf32>
    %swap3A_30 = arith.constant 0 : index
    %swap3A_31 = arith.constant 0 : index
    %swap3A_32 = vector.load %arg6[%swap3A_30, %swap3A_31] : memref<8x128xf32, #tpu.memory_space<vmem>>, vector<1x128xf32>
    tpu.vector_store %arg6[%swap3A_30, %swap3A_31], %add3A_29 {strides = array<i32>} : memref<8x128xf32, #tpu.memory_space<vmem>>, vector<1x128xf32>,
    %get3A_33 = arith.constant 1 : index
    %get3A_34 = arith.constant 0 : index
    %get3A_35 = vector.load %arg6[%get3A_33, %get3A_34] : memref<8x128xf32, #tpu.memory_space<vmem>>, vector<1x128xf32>
    %mul3A_36 = arith.mulf %add3A_20, %add3A_20 : vector<2000x128xf32>
    %reduce_sum3A_37 = arith.constant dense<0.000000e+00> : vector<128xf32>
    %reduce_sum3A_38 = vector.multi_reduction <add>, %mul3A_36, %reduce_sum3A_37 [0] : vector<2000x128xf32> to vector<128xf32>
    %broadcast_in_dim3A_39 = vector.shape_cast %reduce_sum3A_38 : vector<128xf32> to vector<1x128xf32>
    %add3A_40 = arith.addf %get3A_35, %broadcast_in_dim3A_39 : vector<1x128xf32>
    %swap3A_41 = arith.constant 1 : index
    %swap3A_42 = arith.constant 0 : index
    %swap3A_43 = vector.load %arg6[%swap3A_41, %swap3A_42] : memref<8x128xf32, #tpu.memory_space<vmem>>, vector<1x128xf32>
    tpu.vector_store %arg6[%swap3A_41, %swap3A_42], %add3A_40 {strides = array<i32>} : memref<8x128xf32, #tpu.memory_space<vmem>>, vector<1x128xf32>,
    return
  }
  func.func @transform_0(%arg0: i32) -> (i32, i32, i32) {
    %c0_i32 = arith.constant 0 : i32
    %c0_i32_0 = arith.constant 0 : i32
    %c0_i32_1 = arith.constant 0 : i32
    return %c0_i32, %arg0, %c0_i32_0 : i32, i32, i32
  }
  func.func @transform_1(%arg0: i32) -> (i32, i32) {
    %c0_i32 = arith.constant 0 : i32
    %c0_i32_0 = arith.constant 0 : i32
    return %arg0, %c0_i32 : i32, i32
  }
  func.func @transform_2(%arg0: i32) -> (i32, i32) {
    %c0_i32 = arith.constant 0 : i32
    %c0_i32_0 = arith.constant 0 : i32
    return %arg0, %c0_i32 : i32, i32
  }
  func.func @transform_3(%arg0: i32) -> (i32, i32) {
    %c0_i32 = arith.constant 0 : i32
    %c0_i32_0 = arith.constant 0 : i32
    %c0_i32_1 = arith.constant 0 : i32
    return %c0_i32, %c0_i32_0 : i32, i32
  }
  func.func @transform_4(%arg0: i32) -> (i32, i32) {
    %c0_i32 = arith.constant 0 : i32
    %c0_i32_0 = arith.constant 0 : i32
    return %arg0, %c0_i32 : i32, i32
  }
  func.func @transform_5(%arg0: i32) -> (i32, i32) {
    %c0_i32 = arith.constant 0 : i32
    %c0_i32_0 = arith.constant 0 : i32
    %c0_i32_1 = arith.constant 0 : i32
    return %c0_i32, %c0_i32_0 : i32, i32
  }
}

module attributes {stable_mosaic.version = 14 : i64} {
  func.func @body(%arg0: i32, %arg1: memref<2000x128xf32, #tpu.memory_space<vmem>>, %arg2: memref<8x128xf32, #tpu.memory_space<vmem>>, %arg3: memref<1x128xf32, #tpu.memory_space<vmem>>, %arg4: memref<1x128xf32, #tpu.memory_space<vmem>>, %arg5: memref<2000x128xf32, #tpu.memory_space<vmem>>, %arg6: memref<128x128xf32, #tpu.memory_space<vmem>>, %arg7: memref<2000x128xf32, #tpu.memory_space<vmem>>, %arg8: memref<2000x128xf32, #tpu.memory_space<vmem>>, %arg9: memref<2000x128xf32, #tpu.memory_space<vmem>>) attributes {dimension_semantics = [#tpu.dimension_semantics<arbitrary>], iteration_bounds = array<i64: 5>, scalar_prefetch = 0 : i64, scratch_operands = 0 : i64, tpu.core_type = #tpu.core_type<tc>, window_params = [{transform_indices = @transform_0, window_bounds = array<i64: 2000, 128>}, {pipeline_mode = #tpu.pipeline_mode<synchronous>, transform_indices = @transform_1, window_bounds = array<i64: 8, 128>}, {pipeline_mode = #tpu.pipeline_mode<synchronous>, transform_indices = @transform_2, window_bounds = array<i64: 1, 128>}, {pipeline_mode = #tpu.pipeline_mode<synchronous>, transform_indices = @transform_3, window_bounds = array<i64: 1, 128>}, {transform_indices = @transform_4, window_bounds = array<i64: 2000, 128>}, {pipeline_mode = #tpu.pipeline_mode<synchronous>, transform_indices = @transform_5, window_bounds = array<i64: 128, 128>}, {transform_indices = @transform_6, window_bounds = array<i64: 2000, 128>}, {transform_indices = @transform_7, window_bounds = array<i64: 2000, 128>}, {transform_indices = @transform_8, window_bounds = array<i64: 2000, 128>}]} {
    %get3A = arith.constant 0 : index
    %get3A_0 = arith.constant 0 : index
    %get3A_1 = vector.load %arg2[%get3A, %get3A_0] : memref<8x128xf32, #tpu.memory_space<vmem>>, vector<1x128xf32>
    %mul3A = arith.constant 9.99999974E-5 : f32
    %mul3A_2 = vector.broadcast %mul3A : f32 to vector<1x128xf32>
    %mul3A_3 = arith.mulf %get3A_1, %mul3A_2 : vector<1x128xf32>
    %get3A_4 = arith.constant 1 : index
    %get3A_5 = arith.constant 0 : index
    %get3A_6 = vector.load %arg2[%get3A_4, %get3A_5] : memref<8x128xf32, #tpu.memory_space<vmem>>, vector<1x128xf32>
    %mul3A_7 = arith.constant 9.99999974E-5 : f32
    %mul3A_8 = vector.broadcast %mul3A_7 : f32 to vector<1x128xf32>
    %mul3A_9 = arith.mulf %get3A_6, %mul3A_8 : vector<1x128xf32>
    %mul3A_10 = arith.mulf %mul3A_3, %mul3A_3 : vector<1x128xf32>
    %sub3A = arith.subf %mul3A_9, %mul3A_10 : vector<1x128xf32>
    %add3A = arith.constant 9.99999974E-6 : f32
    %add3A_11 = vector.broadcast %add3A : f32 to vector<1x128xf32>
    %add3A_12 = arith.addf %sub3A, %add3A_11 : vector<1x128xf32>
    %rsqrt3A = math.rsqrt %add3A_12 : vector<1x128xf32>
    %get3A_13 = arith.constant 0 : index
    %get3A_14 = arith.constant 0 : index
    %get3A_15 = vector.load %arg3[%get3A_13, %get3A_14] : memref<1x128xf32, #tpu.memory_space<vmem>>, vector<1x128xf32>
    %mul3A_16 = arith.mulf %rsqrt3A, %get3A_15 : vector<1x128xf32>
    %get3A_17 = arith.constant 0 : index
    %get3A_18 = arith.constant 0 : index
    %get3A_19 = vector.load %arg1[%get3A_17, %get3A_18] : memref<2000x128xf32, #tpu.memory_space<vmem>>, vector<2000x128xf32>
    %sub3A_20 = vector.broadcast %mul3A_3 : vector<1x128xf32> to vector<2000x128xf32>
    %sub3A_21 = arith.subf %get3A_19, %sub3A_20 : vector<2000x128xf32>
    %mul3A_22 = vector.broadcast %mul3A_16 : vector<1x128xf32> to vector<2000x128xf32>
    %mul3A_23 = arith.mulf %sub3A_21, %mul3A_22 : vector<2000x128xf32>
    %get3A_24 = arith.constant 0 : index
    %get3A_25 = arith.constant 0 : index
    %get3A_26 = vector.load %arg4[%get3A_24, %get3A_25] : memref<1x128xf32, #tpu.memory_space<vmem>>, vector<1x128xf32>
    %add3A_27 = vector.broadcast %get3A_26 : vector<1x128xf32> to vector<2000x128xf32>
    %add3A_28 = arith.addf %mul3A_23, %add3A_27 : vector<2000x128xf32>
    %get3A_29 = arith.constant 0 : index
    %get3A_30 = arith.constant 0 : index
    %get3A_31 = vector.load %arg5[%get3A_29, %get3A_30] : memref<2000x128xf32, #tpu.memory_space<vmem>>, vector<2000x128xf32>
    %max3A = arith.constant 0.000000e+00 : f32
    %max3A_32 = vector.broadcast %max3A : f32 to vector<2000x128xf32>
    %max3A_33 = arith.maximumf %add3A_28, %max3A_32 : vector<2000x128xf32>
    %add3A_34 = arith.addf %get3A_31, %max3A_33 : vector<2000x128xf32>
    %swap3A = arith.constant 0 : index
    %swap3A_35 = arith.constant 0 : index
    %swap3A_36 = vector.load %arg8[%swap3A, %swap3A_35] : memref<2000x128xf32, #tpu.memory_space<vmem>>, vector<2000x128xf32>
    tpu.vector_store %arg8[%swap3A, %swap3A_35], %add3A_34 {strides = array<i32>} : memref<2000x128xf32, #tpu.memory_space<vmem>>, vector<2000x128xf32>,
    %get3A_37 = arith.constant 0 : index
    %get3A_38 = arith.constant 0 : index
    %get3A_39 = vector.load %arg6[%get3A_37, %get3A_38] : memref<128x128xf32, #tpu.memory_space<vmem>>, vector<128x128xf32>
    %dot_general3A = arith.constant dense<0.000000e+00> : vector<2000x128xf32>
    %dot_general3A_40 = tpu.matmul %add3A_34, %get3A_39, %dot_general3A {dimension_numbers = #tpu.dot_dimension_numbers<[1], [0], [0], [1], [0, 0, 1, 1], [], []>, precision = #tpu.contract_precision<fp32>, transpose_lhs_hint = false} : vector<2000x128xf32>, vector<128x128xf32>, vector<2000x128xf32> -> vector<2000x128xf32>
    %get3A_41 = arith.constant 0 : index
    %get3A_42 = arith.constant 0 : index
    %get3A_43 = vector.load %arg7[%get3A_41, %get3A_42] : memref<2000x128xf32, #tpu.memory_space<vmem>>, vector<2000x128xf32>
    %mul3A_44 = arith.mulf %dot_general3A_40, %get3A_43 : vector<2000x128xf32>
    %swap3A_45 = arith.constant 0 : index
    %swap3A_46 = arith.constant 0 : index
    %swap3A_47 = vector.load %arg9[%swap3A_45, %swap3A_46] : memref<2000x128xf32, #tpu.memory_space<vmem>>, vector<2000x128xf32>
    tpu.vector_store %arg9[%swap3A_45, %swap3A_46], %mul3A_44 {strides = array<i32>} : memref<2000x128xf32, #tpu.memory_space<vmem>>, vector<2000x128xf32>,
    return
  }
  func.func @transform_0(%arg0: i32) -> (i32, i32) {
    %c0_i32 = arith.constant 0 : i32
    %c0_i32_0 = arith.constant 0 : i32
    return %arg0, %c0_i32 : i32, i32
  }
  func.func @transform_1(%arg0: i32) -> (i32, i32) {
    %c0_i32 = arith.constant 0 : i32
    %c0_i32_0 = arith.constant 0 : i32
    %c0_i32_1 = arith.constant 0 : i32
    return %c0_i32, %c0_i32_0 : i32, i32
  }
  func.func @transform_2(%arg0: i32) -> (i32, i32) {
    %c0_i32 = arith.constant 0 : i32
    %c0_i32_0 = arith.constant 0 : i32
    %c0_i32_1 = arith.constant 0 : i32
    return %c0_i32, %c0_i32_0 : i32, i32
  }
  func.func @transform_3(%arg0: i32) -> (i32, i32) {
    %c0_i32 = arith.constant 0 : i32
    %c0_i32_0 = arith.constant 0 : i32
    %c0_i32_1 = arith.constant 0 : i32
    return %c0_i32, %c0_i32_0 : i32, i32
  }
  func.func @transform_4(%arg0: i32) -> (i32, i32) {
    %c0_i32 = arith.constant 0 : i32
    %c0_i32_0 = arith.constant 0 : i32
    return %arg0, %c0_i32 : i32, i32
  }
  func.func @transform_5(%arg0: i32) -> (i32, i32) {
    %c0_i32 = arith.constant 0 : i32
    %c0_i32_0 = arith.constant 0 : i32
    %c0_i32_1 = arith.constant 0 : i32
    return %c0_i32, %c0_i32_0 : i32, i32
  }
  func.func @transform_6(%arg0: i32) -> (i32, i32) {
    %c0_i32 = arith.constant 0 : i32
    %c0_i32_0 = arith.constant 0 : i32
    return %arg0, %c0_i32 : i32, i32
  }
  func.func @transform_7(%arg0: i32) -> (i32, i32) {
    %c0_i32 = arith.constant 0 : i32
    %c0_i32_0 = arith.constant 0 : i32
    return %arg0, %c0_i32 : i32, i32
  }
  func.func @transform_8(%arg0: i32) -> (i32, i32) {
    %c0_i32 = arith.constant 0 : i32
    %c0_i32_0 = arith.constant 0 : i32
    return %arg0, %c0_i32 : i32, i32
  }
}

module attributes {stable_mosaic.version = 14 : i64} {
  func.func @body(%arg0: i32, %arg1: memref<2000x128xf32, #tpu.memory_space<vmem>>, %arg2: memref<8x128xf32, #tpu.memory_space<vmem>>, %arg3: memref<1x128xf32, #tpu.memory_space<vmem>>, %arg4: memref<1x128xf32, #tpu.memory_space<vmem>>, %arg5: memref<2000x128xf32, #tpu.memory_space<vmem>>, %arg6: memref<2000x128xf32, #tpu.memory_space<vmem>>) attributes {dimension_semantics = [#tpu.dimension_semantics<arbitrary>], iteration_bounds = array<i64: 5>, scalar_prefetch = 0 : i64, scratch_operands = 0 : i64, tpu.core_type = #tpu.core_type<tc>, window_params = [{transform_indices = @transform_0, window_bounds = array<i64: 2000, 128>}, {pipeline_mode = #tpu.pipeline_mode<synchronous>, transform_indices = @transform_1, window_bounds = array<i64: 8, 128>}, {pipeline_mode = #tpu.pipeline_mode<synchronous>, transform_indices = @transform_2, window_bounds = array<i64: 1, 128>}, {pipeline_mode = #tpu.pipeline_mode<synchronous>, transform_indices = @transform_3, window_bounds = array<i64: 1, 128>}, {transform_indices = @transform_4, window_bounds = array<i64: 2000, 128>}, {transform_indices = @transform_5, window_bounds = array<i64: 2000, 128>}]} {
    %get3A = arith.constant 0 : index
    %get3A_0 = arith.constant 0 : index
    %get3A_1 = vector.load %arg2[%get3A, %get3A_0] : memref<8x128xf32, #tpu.memory_space<vmem>>, vector<1x128xf32>
    %mul3A = arith.constant 9.99999974E-5 : f32
    %mul3A_2 = vector.broadcast %mul3A : f32 to vector<1x128xf32>
    %mul3A_3 = arith.mulf %get3A_1, %mul3A_2 : vector<1x128xf32>
    %get3A_4 = arith.constant 1 : index
    %get3A_5 = arith.constant 0 : index
    %get3A_6 = vector.load %arg2[%get3A_4, %get3A_5] : memref<8x128xf32, #tpu.memory_space<vmem>>, vector<1x128xf32>
    %mul3A_7 = arith.constant 9.99999974E-5 : f32
    %mul3A_8 = vector.broadcast %mul3A_7 : f32 to vector<1x128xf32>
    %mul3A_9 = arith.mulf %get3A_6, %mul3A_8 : vector<1x128xf32>
    %mul3A_10 = arith.mulf %mul3A_3, %mul3A_3 : vector<1x128xf32>
    %sub3A = arith.subf %mul3A_9, %mul3A_10 : vector<1x128xf32>
    %add3A = arith.constant 9.99999974E-6 : f32
    %add3A_11 = vector.broadcast %add3A : f32 to vector<1x128xf32>
    %add3A_12 = arith.addf %sub3A, %add3A_11 : vector<1x128xf32>
    %rsqrt3A = math.rsqrt %add3A_12 : vector<1x128xf32>
    %get3A_13 = arith.constant 0 : index
    %get3A_14 = arith.constant 0 : index
    %get3A_15 = vector.load %arg3[%get3A_13, %get3A_14] : memref<1x128xf32, #tpu.memory_space<vmem>>, vector<1x128xf32>
    %mul3A_16 = arith.mulf %rsqrt3A, %get3A_15 : vector<1x128xf32>
    %get3A_17 = arith.constant 0 : index
    %get3A_18 = arith.constant 0 : index
    %get3A_19 = vector.load %arg1[%get3A_17, %get3A_18] : memref<2000x128xf32, #tpu.memory_space<vmem>>, vector<2000x128xf32>
    %sub3A_20 = vector.broadcast %mul3A_3 : vector<1x128xf32> to vector<2000x128xf32>
    %sub3A_21 = arith.subf %get3A_19, %sub3A_20 : vector<2000x128xf32>
    %mul3A_22 = vector.broadcast %mul3A_16 : vector<1x128xf32> to vector<2000x128xf32>
    %mul3A_23 = arith.mulf %sub3A_21, %mul3A_22 : vector<2000x128xf32>
    %get3A_24 = arith.constant 0 : index
    %get3A_25 = arith.constant 0 : index
    %get3A_26 = vector.load %arg4[%get3A_24, %get3A_25] : memref<1x128xf32, #tpu.memory_space<vmem>>, vector<1x128xf32>
    %add3A_27 = vector.broadcast %get3A_26 : vector<1x128xf32> to vector<2000x128xf32>
    %add3A_28 = arith.addf %mul3A_23, %add3A_27 : vector<2000x128xf32>
    %get3A_29 = arith.constant 0 : index
    %get3A_30 = arith.constant 0 : index
    %get3A_31 = vector.load %arg5[%get3A_29, %get3A_30] : memref<2000x128xf32, #tpu.memory_space<vmem>>, vector<2000x128xf32>
    %max3A = arith.constant 0.000000e+00 : f32
    %max3A_32 = vector.broadcast %max3A : f32 to vector<2000x128xf32>
    %max3A_33 = arith.maximumf %add3A_28, %max3A_32 : vector<2000x128xf32>
    %add3A_34 = arith.addf %get3A_31, %max3A_33 : vector<2000x128xf32>
    %swap3A = arith.constant 0 : index
    %swap3A_35 = arith.constant 0 : index
    %swap3A_36 = vector.load %arg6[%swap3A, %swap3A_35] : memref<2000x128xf32, #tpu.memory_space<vmem>>, vector<2000x128xf32>
    tpu.vector_store %arg6[%swap3A, %swap3A_35], %add3A_34 {strides = array<i32>} : memref<2000x128xf32, #tpu.memory_space<vmem>>, vector<2000x128xf32>,
    return
  }
  func.func @transform_0(%arg0: i32) -> (i32, i32) {
    %c0_i32 = arith.constant 0 : i32
    %c0_i32_0 = arith.constant 0 : i32
    return %arg0, %c0_i32 : i32, i32
  }
  func.func @transform_1(%arg0: i32) -> (i32, i32) {
    %c0_i32 = arith.constant 0 : i32
    %c0_i32_0 = arith.constant 0 : i32
    %c0_i32_1 = arith.constant 0 : i32
    return %c0_i32, %c0_i32_0 : i32, i32
  }
  func.func @transform_2(%arg0: i32) -> (i32, i32) {
    %c0_i32 = arith.constant 0 : i32
    %c0_i32_0 = arith.constant 0 : i32
    %c0_i32_1 = arith.constant 0 : i32
    return %c0_i32, %c0_i32_0 : i32, i32
  }
  func.func @transform_3(%arg0: i32) -> (i32, i32) {
    %c0_i32 = arith.constant 0 : i32
    %c0_i32_0 = arith.constant 0 : i32
    %c0_i32_1 = arith.constant 0 : i32
    return %c0_i32, %c0_i32_0 : i32, i32
  }
  func.func @transform_4(%arg0: i32) -> (i32, i32) {
    %c0_i32 = arith.constant 0 : i32
    %c0_i32_0 = arith.constant 0 : i32
    return %arg0, %c0_i32 : i32, i32
  }
  func.func @transform_5(%arg0: i32) -> (i32, i32) {
    %c0_i32 = arith.constant 0 : i32
    %c0_i32_0 = arith.constant 0 : i32
    return %arg0, %c0_i32 : i32, i32
  }
}

</mosaic_0001>

<sc_bundles>
// kernel: kernel.14.cloned.1.call-start
scs
__scs_entry_jumppad:
0x0: {  	(pc) =	sbr.rel $0x88, $3  }
0x1: {  	(tag) =	ssettag $0x0;
	lr =	simm.s32 $0x1  }
0x2: {  	[smem:$0x3F93] =	sst lr;
	_ =	strace $0xD0000000  }
0x3: {  	_ = 	snop  }
0x4: {  	_ = 	snop  }
0x5: {  	_ = 	snop  }
0x6: {  	_ = 	snop  }
0x7: {  	_ = 	snop  }
__scs_overlays_trampoline_lowered:
0x8: {  	[smem:$0x3FA2] =	sst s0  }
0x9: {  	[smem:$0x3FA3] =	sst s1  }
0xa: {  	[smem:$0x3FA4] =	sst s2  }
0xb: {  	[smem:$0x3FA5] =	sst s3  }
0xc: {  	[smem:$0x3FA6] =	sst s4  }
0xd: {  	[smem:$0x3FA7] =	sst s5  }
0xe: {  	[smem:$0x3FA8] =	sst s6  }
0xf: {  	[smem:$0x3FA9] =	sst s7  }
0x10: {  	[smem:$0x3FAA] =	sst s8  }
0x11: {  	[smem:$0x3FAB] =	sst s9;
	s0 =	simm.s32 @!p0 $0x0  }
0x12: {  	s1 =	sld [smem:$0x3F91];
	s0 =	simm.s32 @p0 $0x1  }
0x13: {  	[smem:$0x3FAC] =	sst s0;
	s0 =	simm.s32 @!p1 $0x0  }
0x14: {  	s2 =	sld [smem:$0x3F90];
	s0 =	simm.s32 @p1 $0x1  }
0x15: {  	[smem:$0x3FAD] =	sst s0;
	s0 =	simm.s32 @!p2 $0x0  }
0x16: {  	s3 =	sld [smem:$0x3FDB];
	s0 =	simm.s32 @p2 $0x1  }
0x17: {  	s4 =	simm.s32 $0x1BF5;
	[smem:$0x3FAF] =	sst s0  }
0x18: {  	s0 =	sld [smem:$0x3F92];
	_ =	swait.ge [sflag:s4], $0x0  }
0x19: {  	s7 =	sld [smem:$0x3F93]  }
0x1a: {  	s8 =	sadd.s32 $0xFFFFE003, lr  }
0x1b: {  	s9 =	sadd.s32 $0xFFFFFEF7, lr;
	s5 =	simm.s32 $0xFFFFFFFF;
	p2 =	slt.u32 s8, $0xFFFFF086  }
0x1c: {  	p1 =	slt.u32 s9, $0xF7A;
	s5 =	simm.s32 @!p2 $0x0  }
0x1d: {  	s5 =	simm.s32 @p1 $0x1;
	p0 =	seq.s32 s7, s2  }
0x1e: {  	s7 =	smul.u32 @!p0 $0xF7A, s2;
	p2 =	seq.s32 @!p0 s5, $0x0  }
0x1f: {  	s9 =	smul.u32 $0xF7A, s1;
	s8 =	simm.s32 @!p0 $0x1BF5;
	p2 =	por !p2, p0  }
0x20: {  	[sflag:s8] =	ssyncset.s32 @!p0 $0xFFFFF086;
	s6 =	sadd.s32 @!p0 s3, s7;
	s7 =	simm.s32 @!p0 $0x108  }
0x21: {  	s3 =	sadd.s32 s3, s9;
	s6 =	sadd.s32 @!p0 $0x88, s6;
	s7 =	simm.s32 @p2 $0x1082  }
0x22: {  	[simem:s7], [sflag:s8] =	dma.local @!p0 [hbm:s6], $0xF7A  }
0x23: {  	s9 =	sor.u32 $0xD0000000, s2;
	s6 =	simm.s32 $0x108;
	_ =	swait.ge @!p0 [sflag:s8], $0x0  }
0x24: {  	s3 =	sadd.s32 $0x88, s3;
	s6 =	simm.s32 @!p1 $0x1082;
	[sflag:s4] =	ssyncset.s32 $0xFFFFF086  }
0x25: {  	[simem:s6], [sflag:s4] =	dma.local [hbm:s3], $0xF7A  }
0x26: {  	[smem:$0x3F93] =	sst s1;
	(tag) =	ssettag s2;
	_ =	strace s9  }
0x27: {  	s1 =	sld [smem:$0x3FA3]  }
0x28: {  	s2 =	sld [smem:$0x3FA4]  }
0x29: {  	s4 =	sld [smem:$0x3FA6]  }
0x2a: {  	p0 =	seq.s32 s5, $0x0;
	s5 =	sld [smem:$0x3FA7]  }
0x2b: {  	s6 =	sld [smem:$0x3FA8]  }
0x2c: {  	s7 =	sld [smem:$0x3FA9]  }
0x2d: {  	s3 =	simm.s32 $0x108;
	s8 =	sld [smem:$0x3FAA]  }
0x2e: {  	s3 =	simm.s32 @!p0 $0x1082;
	s9 =	sld [smem:$0x3FAB]  }
0x2f: {  	lr =	sadd.s32 s0, s3;
	s0 =	sld [smem:$0x3FA2]  }
0x30: {  	s3 =	sld [smem:$0x3FA5]  }
0x31: {  	[smem:$0x3FAE] =	sst s10  }
0x32: {  	s10 =	sld [smem:$0x3FAC];
	_ =	sdelay $0x3  }
0x33: {  	p0 =	seq.s32 s10, $0x1;
	s10 =	sld [smem:$0x3FAE];
	_ =	sdelay $0x3  }
0x34: {  	[smem:$0x3FAE] =	sst s10  }
0x35: {  	s10 =	sld [smem:$0x3FAD];
	_ =	sdelay $0x3  }
0x36: {  	p1 =	seq.s32 s10, $0x1;
	s10 =	sld [smem:$0x3FAE];
	_ =	sdelay $0x3  }
0x37: {  	[smem:$0x3FAE] =	sst s10  }
0x38: {  	s10 =	sld [smem:$0x3FAF]  }
0x39: {  	_ = 	snop;
	(pc) =	sbr.ind lr, $3  }
0x3a: {  	_ = 	snop  }
0x3b: {  	_ = 	snop  }
0x3c: {  	p2 =	seq.s32 s10, $0x1;
	s10 =	sld [smem:$0x3FAE]  }
0x3d: {  	_ =	shalt  }
0x3e: {  	_ =	shalt  }
0x3f: {  	_ =	shalt  }
0x40: {  	_ =	shalt  }
0x41: {  	_ =	shalt  }
0x42: {  	_ =	shalt  }
0x43: {  	_ =	shalt  }
0x44: {  	_ =	shalt  }
0x45: {  	_ =	shalt  }
0x46: {  	_ =	shalt  }
0x47: {  	_ =	shalt  }
0x48: {  	_ =	shalt  }
0x49: {  	_ =	shalt  }
0x4a: {  	_ =	shalt  }
0x4b: {  	_ =	shalt  }
0x4c: {  	_ =	shalt  }
0x4d: {  	_ =	shalt  }
0x4e: {  	_ =	shalt  }
0x4f: {  	_ =	shalt  }
0x50: {  	_ =	shalt  }
0x51: {  	_ =	shalt  }
0x52: {  	_ =	shalt  }
0x53: {  	_ =	shalt  }
0x54: {  	_ =	shalt  }
0x55: {  	_ =	shalt  }
0x56: {  	_ =	shalt  }
0x57: {  	_ =	shalt  }
0x58: {  	_ =	shalt  }
0x59: {  	_ =	shalt  }
0x5a: {  	_ =	shalt  }
0x5b: {  	_ =	shalt  }
0x5c: {  	_ =	shalt  }
0x5d: {  	_ =	shalt  }
0x5e: {  	_ =	shalt  }
0x5f: {  	_ =	shalt  }
0x60: {  	_ =	shalt  }
0x61: {  	_ =	shalt  }
0x62: {  	_ =	shalt  }
0x63: {  	_ =	shalt  }
0x64: {  	_ =	shalt  }
0x65: {  	_ =	shalt  }
0x66: {  	_ =	shalt  }
0x67: {  	_ =	shalt  }
0x68: {  	_ =	shalt  }
0x69: {  	_ =	shalt  }
0x6a: {  	_ =	shalt  }
0x6b: {  	_ =	shalt  }
0x6c: {  	_ =	shalt  }
0x6d: {  	_ =	shalt  }
0x6e: {  	_ =	shalt  }
0x6f: {  	_ =	shalt  }
0x70: {  	_ =	shalt  }
0x71: {  	_ =	shalt  }
0x72: {  	_ =	shalt  }
0x73: {  	_ =	shalt  }
0x74: {  	_ =	shalt  }
0x75: {  	_ =	shalt  }
0x76: {  	_ =	shalt  }
0x77: {  	_ =	shalt  }
0x78: {  	_ =	shalt  }
0x79: {  	_ =	shalt  }
0x7a: {  	_ =	shalt  }
0x7b: {  	_ =	shalt  }
0x7c: {  	_ =	shalt  }
0x7d: {  	_ =	shalt  }
0x7e: {  	_ =	shalt  }
0x7f: {  	_ =	shalt  }
0x80: {  	_ =	shalt  }
0x81: {  	_ =	shalt  }
0x82: {  	_ =	shalt  }
0x83: {  	_ =	shalt  }
0x84: {  	_ =	shalt  }
0x85: {  	_ =	shalt  }
0x86: {  	_ =	shalt  }
0x87: {  	_ =	shalt  }
.Lfunc_end0:
.L_simem_size_0:
called_computation_lowered:
.L_overlay_start_0:
0x88: {  	s2 =	sld [smem:$0x3FD9]  }
0x89: {  	s3 =	sld [smem:$0x3FFE];
	_ =	sdelay $0x1  }
0x8a: {  	s1 =	srdreg.scid  }
0x8b: {  	s0 =	sand.u32 $0x1, s1  }
0x8c: {  	s16 =	sshll.u32 s0, $0xA;
	s2 =	sadd.s32 s3, s2  }
0x8d: {  	s2 =	sadd.s32 s2, s16  }
0x8e: {  	[smem:$0x3FBA] =	sst s2  }
0x8f: {  	_ = 	snop  }
0x90: {  	(tm) =	ssettm $0x1  }
0x91: {  	s17 =	sld [smem:$0x3FFB];
	_ =	sdelay $0x3  }
0x92: {  	_ =	strace s17  }
0x93: {  	s2 =	sld [smem:$0x3FFC];
	_ =	sdelay $0x3  }
0x94: {  	_ =	strace s2  }
0x95: {  	s2 =	sld [smem:$0x3FFD];
	_ =	sdelay $0x3  }
0x96: {  	_ =	strace s2  }
0x97: {  	_ =	strace $0x8FFFFFFF  }
0x98: {  	s18 =	sld [smem:$0x3FDB];
	_ =	sdelay $0x1  }
0x99: {  	s19 =	simm.s32 $_scs_section_size  }
0x9a: {  	s4 =	simm.s32 $_size__tile_overlayer_lowered;
	s5 =	simm.s32 $_tile_overlayer_lowered  }
0x9b: {  	s22 =	simm.s32 $0x1BFF;
	s21 =	sshll.u32 s5, $0x1;
	s2 =	sadd.s32 s19, s18  }
0x9c: {  	s6 =	simm.s32 $0x0;
	s20 =	sshll.u32 s4, $0x1;
	s4 =	sadd.s32 s21, s2  }
0x9d: {  	[timem:s6], [sflag:s22] =	dma.local [hbm:s4], s20  }
0x9e: {  	_ =	swait.ge [sflag:s22], s20  }
0x9f: {  	s3 =	ssub.s32 $0x0, s20;
	[sflag:s22] =	ssyncset.done $0x0  }
0xa0: {  	[sflag:s22] =	ssyncadd.s32 s3;
	_ =	sdelay $0x1  }
0xa1: {  	s23 =	simm.s32 $0x1B8B  }
0xa2: {  	_ =	swait.ge [sflag:s23], $0x1  }
0xa3: {  	[sflag:s23] =	ssyncset.done $0x0  }
0xa4: {  	s25 =	simm.s32 $0x1B8E;
	s24 =	sld [smem:$0x3FFE];
	[sflag:s23] =	ssyncadd.s32 $0xFFFFFFFF  }
0xa5: {  	s26 =	simm.s32 $execute0_lowered;
	[smem:$0x3FD2] =	sst s25  }
0xa6: {  	s4 =	sshll.u32 s26, $0x1;
	_ =	strace $0x80000046;
	[dreg:$0x1] =	wrdreg $0xFFFFFFFF  }
0xa7: {  	s28 =	simm.s32 $_size_execute0_lowered;
	s2 =	sadd.s32 s2, s4;
	[dreg:$0x0] =	wrdreg $0x0  }
0xa8: {  	s4 =	sshll.u32 s28, $0x1;
	[dreg:$0x2] =	wrdreg s2  }
0xa9: {  	[dreg:$0x3] =	wrdreg s4  }
0xaa: {  	[dreg:$0x4] =	wrdreg $0xC0  }
0xab: {  	_ =	task [dreg:s6], $0x5FFFF  }
0xac: {  	[dreg:$0x1] =	wrdreg $0xFFFFFFFF  }
0xad: {  	[dreg:$0x0] =	wrdreg $0x60  }
0xae: {  	[dreg:$0x2] =	wrdreg s24  }
0xaf: {  	[dreg:$0x3] =	wrdreg $0x0  }
0xb0: {  	[dreg:$0x4] =	wrdreg $0x9  }
0xb1: {  	_ =	task.clear_ibuf [dreg:s6], $0x5FFFF;
	_ =	strace $0x90000046  }
0xb2: {  	s29 =	simm.s32 $0x9;
	_ =	strace $0x80000048  }
0xb3: {  	_ =	swait.ge [sflag:s29], $0x1  }
0xb4: {  	[sflag:s29] =	ssyncadd.s32 $0xFFFFFFFF  }
0xb5: {  	_ =	strace $0x90000048  }
0xb6: {  	_ =	sfence  }
0xb7: {  	s30 =	sld [smem:$0x0];
	_ =	sdelay $0x2  }
0xb8: {  	s31 =	sshll.u32 s1, $0xD;
	s1 =	sshrl.u32 s1, $0x2  }
0xb9: {  	s3 =	sand.u32 $0x4000, s31;
	s1 =	sadd.s32 s1, s30  }
0xba: {  	s0 =	sor.u32 s3, s0;
	s1 =	sshll.u32 s1, $0x11  }
0xbb: {  	s0 =	sor.u32 s1, s0  }
0xbc: {  	s0 =	sadd.s32 $0x8F2B, s0  }
0xbd: {  	[sflag:s0] =	ssyncadd.remote.s32 $0x1  }
0xbe: {  	_ =	sfence.sel $0xFFFF  }
0xbf: {  	[dreg:$0x0] =	wrdreg $0xFFFFFFFF;
	(pc) =	sbr.abs _section_cstart, $3  }
0xc0: {  	[dreg:$0x1] =	wrdreg $0xFFFFFFFF  }
0xc1: {  	_ =	task.clear_ibuf [dreg:s6], $0x2FFFF;
	_ =	strace $0x9FFFFFFF  }
0xc2: {  	(tm) =	ssettm $0x7FFFFFFF  }
0xc3: {  	_ =	shalt  }
tec
execute0_lowered:
.L_overlay_start_1:
0x0: {  	(tag) =	ssettag $0x1  }
0x1: {  	s0 =	rddreg [dreg:$0x0]  }
0x2: {  	s1 =	srdreg.scid;
	s2 =	rddreg [dreg:$0x1]  }
0x3: {  	s9 =	stileid.u32;
	s3 =	simm.s32 $0x0;
	s20 =	simm.s32 $0x18200  }
0x4: {  	s21 =	simm.s32 $0x3;
	s22 =	simm.s32 $0x14000;
	s28 =	simm.s32 $0x2  }
0x5: {  	s29 =	simm.s32 $0x14180;
	s30 =	simm.s32 $0x1;
	s5 =	smul.u32 $0x14000, s9  }
0x6: {  	s31 =	simm.s32 $0x0;
	s1 =	sand.u32 $0x1, s1;
	s23 =	smul.u32 $0x50000, s9  }
0x7: {  	[smem:$0x7FF] =	sst s3;
	s19 =	sadd.s32 $0x5E00, s0;
	s14 =	smul.u32 $0x2800, s9  }
0x8: {  	s4 =	smul.u32 $0x140000, s1;
	_ =	strace $0x80000047;
	s24 =	ssub.s32 $0x2, s1  }
0x9: {  	s6 =	sshll.u32 s1, $0x4;
	s1 =	smul.u32 $0x28000, s1;
	s7 =	sshrl.u32 s24, $0x1  }
0xa: {  	s6 =	sor.u32 s9, s6;
	s4 =	sadd.s32 s5, s4;
	s5 =	sshrl.u32 s23, $0x2  }
0xb: {  	s17 =	ssub.s32 s24, s7;
	s13 =	smul.u32 $0xA00, s6;
	s1 =	sadd.s32 s14, s1  }
0xc: {  	s23 =	simm.s32 $0x14100;
	s24 =	simm.s32 $0x80;
	s4 =	sshrl.u32 s4, $0x3  }
0xd: {  	s18 =	sor.u32 $0x180, s1;
	s1 =	sor.u32 $0x100, s1;
	s17 =	smax.u32 s17, $0x1  }
0xe: {  	s0 =	sadd.s32 s4, s0;
	s4 =	sadd.s32 s5, s2;
	s13 =	sadd.s32 s19, s13  }
0xf: {  	s25 =	sshrl.u32 s18, $0x2;
	s26 =	sshrl.u32 s1, $0x2;
	s5 =	sadd.s32 $0x2000, s4  }
0x10: {  	s6 =	sadd.s32 $0x4000, s4;
	s7 =	sadd.s32 $0x6000, s4;
	s8 =	sadd.s32 $0x8000, s4  }
0x11: {  	s9 =	sadd.s32 $0xA000, s4;
	s10 =	sadd.s32 $0xC000, s4;
	s11 =	sadd.s32 $0xE000, s4  }
0x12: {  	s12 =	sadd.s32 $0x10000, s4;
	s14 =	sadd.s32 $0x12000, s4;
	s15 =	sadd.s32 $0x20, s13  }
0x13: {  	s16 =	sadd.s32 $0x19E00, s0;
	s18 =	sadd.s32 s25, s19;
	s19 =	sadd.s32 s26, s19  }
0x14: {  	v0 =	vimm.f32 $0.0e+00;
	v1 =	vimm.f32 $1.000000000e+00;
	s25 =	simm.s32 $0x14080;
	s26 =	simm.s32 $0x14200;
	[dreg:$0x3] =	wrdreg s5  }
.LBB2_1:
0x15: {  	s0 =	simm.s32 $0x0;
	s1 =	simm.s32 $0x200  }
.LBB2_2:
0x16: {  	p0 =	sne.s32 s1, $0x7E00;
	[tilespmem:s0+$0x18270] =	vst v0  }
0x17: {  	[tilespmem:s0+$0x18200] =	vst v0  }
0x18: {  	[tilespmem:s0+$0x18210] =	vst v0  }
.Ltmp0:
0x19: {  	[tilespmem:s0+$0x18220] =	vst v0;
	(pc) =	sbr.rel @p0 .LBB2_2-.Ltmp0, $4  }
0x1a: {  	[tilespmem:s0+$0x18230] =	vst v0  }
0x1b: {  	[tilespmem:s0+$0x18240] =	vst v0  }
0x1c: {  	[tilespmem:s0+$0x18250] =	vst v0  }
0x1d: {  	[tilespmem:s0+$0x18260] =	vst v0;
	s0 =	sshra.s32 s1, $0x2;
	s1 =	sadd.s32 $0x200, s1  }
0x1e: {  	[tilespmem:s0+$0x18270] =	vst v0  }
0x1f: {  	[tilespmem:s0+$0x18200] =	vst v0  }
0x20: {  	[tilespmem:s0+$0x18210] =	vst v0  }
0x21: {  	[tilespmem:s0+$0x18220] =	vst v0  }
0x22: {  	[tilespmem:s0+$0x18230] =	vst v0  }
0x23: {  	[tilespmem:s0+$0x18240] =	vst v0  }
0x24: {  	[tilespmem:s0+$0x18250] =	vst v0  }
0x25: {  	[tilespmem:s0+$0x18260] =	vst v0;
	s0 =	simm.s32 $0x0;
	s1 =	simm.s32 $0x200  }
.LBB2_4:
0x26: {  	p0 =	sne.s32 s1, $0xFE00;
	[tilespmem:s0+$0x14270] =	vst v1  }
0x27: {  	[tilespmem:s0+$0x14200] =	vst v1  }
0x28: {  	[tilespmem:s0+$0x14210] =	vst v1  }
.Ltmp1:
0x29: {  	[tilespmem:s0+$0x14220] =	vst v1;
	(pc) =	sbr.rel @p0 .LBB2_4-.Ltmp1, $4  }
0x2a: {  	[tilespmem:s0+$0x14230] =	vst v1  }
0x2b: {  	[tilespmem:s0+$0x14240] =	vst v1  }
0x2c: {  	[tilespmem:s0+$0x14250] =	vst v1  }
0x2d: {  	[tilespmem:s0+$0x14260] =	vst v1;
	s0 =	sshra.s32 s1, $0x2;
	s1 =	sadd.s32 $0x200, s1  }
0x2e: {  	[tilespmem:s0+$0x14270] =	vst v1  }
0x2f: {  	[tilespmem:s0+$0x14200] =	vst v1  }
0x30: {  	[tilespmem:s0+$0x14210] =	vst v1  }
0x31: {  	[tilespmem:s0+$0x14220] =	vst v1  }
0x32: {  	[tilespmem:s0+$0x14230] =	vst v1  }
0x33: {  	[tilespmem:s0+$0x14240] =	vst v1  }
0x34: {  	[tilespmem:s0+$0x14250] =	vst v1  }
0x35: {  	[tilespmem:s0+$0x14260] =	vst v1  }
0x36: {  	[spmem:s4] =	stream.linear.scatter [tilespmem:s20], [sflag:$0x3], $0x2000, $0x38;
	[tilespmem:$0x1A200] =	vst v63  }
0x37: {  	_ =	swait.ge [sflag:s21], $0x2000  }
0x38: {  	[sflag:s21] =	ssyncset.done $0x0  }
0x39: {  	s1 =	rddreg [dreg:$0x3];
	[sflag:s21] =	ssyncadd.s32 $0xFFFFE000  }
0x3a: {  	[spmem:s1] =	stream.linear.scatter [tilespmem:s20], [sflag:$0x3], $0x2000, $0x38;
	[tilespmem:$0x1A200] =	vst v63  }
0x3b: {  	_ =	swait.ge [sflag:s21], $0x2000  }
0x3c: {  	[sflag:s21] =	ssyncset.done $0x0  }
0x3d: {  	[sflag:s21] =	ssyncadd.s32 $0xFFFFE000  }
0x3e: {  	[spmem:s6] =	stream.linear.scatter [tilespmem:s20], [sflag:$0x3], $0x2000, $0x38;
	[tilespmem:$0x1A200] =	vst v63  }
0x3f: {  	_ =	swait.ge [sflag:s21], $0x2000  }
0x40: {  	[sflag:s21] =	ssyncset.done $0x0  }
0x41: {  	[sflag:s21] =	ssyncadd.s32 $0xFFFFE000  }
0x42: {  	[spmem:s7] =	stream.linear.scatter [tilespmem:s20], [sflag:$0x3], $0x2000, $0x38;
	[tilespmem:$0x1A200] =	vst v63  }
0x43: {  	_ =	swait.ge [sflag:s21], $0x2000  }
0x44: {  	[sflag:s21] =	ssyncset.done $0x0  }
0x45: {  	[sflag:s21] =	ssyncadd.s32 $0xFFFFE000  }
0x46: {  	[spmem:s8] =	stream.linear.scatter [tilespmem:s20], [sflag:$0x3], $0x2000, $0x38;
	[tilespmem:$0x1A200] =	vst v63  }
0x47: {  	_ =	swait.ge [sflag:s21], $0x2000  }
0x48: {  	[sflag:s21] =	ssyncset.done $0x0  }
0x49: {  	[sflag:s21] =	ssyncadd.s32 $0xFFFFE000  }
0x4a: {  	[spmem:s9] =	stream.linear.scatter [tilespmem:s20], [sflag:$0x3], $0x2000, $0x38;
	[tilespmem:$0x1A200] =	vst v63  }
0x4b: {  	_ =	swait.ge [sflag:s21], $0x2000  }
0x4c: {  	[sflag:s21] =	ssyncset.done $0x0  }
0x4d: {  	[sflag:s21] =	ssyncadd.s32 $0xFFFFE000  }
0x4e: {  	[spmem:s10] =	stream.linear.scatter [tilespmem:s20], [sflag:$0x3], $0x2000, $0x38;
	[tilespmem:$0x1A200] =	vst v63  }
0x4f: {  	_ =	swait.ge [sflag:s21], $0x2000  }
0x50: {  	[sflag:s21] =	ssyncset.done $0x0  }
0x51: {  	[sflag:s21] =	ssyncadd.s32 $0xFFFFE000  }
0x52: {  	[spmem:s11] =	stream.linear.scatter [tilespmem:s20], [sflag:$0x3], $0x2000, $0x38;
	[tilespmem:$0x1A200] =	vst v63  }
0x53: {  	_ =	swait.ge [sflag:s21], $0x2000  }
0x54: {  	[sflag:s21] =	ssyncset.done $0x0  }
0x55: {  	[sflag:s21] =	ssyncadd.s32 $0xFFFFE000  }
0x56: {  	[spmem:s12] =	stream.linear.scatter [tilespmem:s20], [sflag:$0x3], $0x2000, $0x38;
	[tilespmem:$0x1A200] =	vst v63  }
0x57: {  	_ =	swait.ge [sflag:s21], $0x2000  }
0x58: {  	[sflag:s21] =	ssyncset.done $0x0  }
0x59: {  	[sflag:s21] =	ssyncadd.s32 $0xFFFFE000  }
0x5a: {  	[spmem:s14] =	stream.linear.scatter [tilespmem:s20], [sflag:$0x3], $0x2000, $0x38;
	[tilespmem:$0x1A200] =	vst v63  }
0x5b: {  	_ =	swait.ge [sflag:s21], $0x2000  }
0x5c: {  	[sflag:s21] =	ssyncset.done $0x0  }
0x5d: {  	[sflag:s21] =	ssyncadd.s32 $0xFFFFE000  }
0x5e: {  	s5 =	simm.s32 $0x0;
	[bflag:$0x0] =	sbarrier.arrive $0xFFFF  }
0x5f: {  	[tilespmem:s22], [sflag:$0x3] =	stream.linear.gather [hbm4b:s13+s5], $0x100, $0x38;
	[tilespmem:$0x1A200] =	vst v63  }
0x60: {  	_ =	swait.ge [sflag:s21], $0x100  }
0x61: {  	[sflag:s21] =	ssyncset.done $0x0  }
0x62: {  	[sflag:s21] =	ssyncadd.s32 $0xFFFFFF00  }
0x63: {  	[tilespmem:s23], [sflag:$0x2] =	stream.linear.gather [hbm4b:s15+s5], $0x100, $0x38;
	[tilespmem:$0x1A200] =	vst v63  }
0x64: {  	_ = 	snop  }
0x65: {  	[spmem:s2] =	stream.indirect.scatter.add.f32 [tilespmem:s26], [sflag:$0x3], $0x80, s25, s24, $0xb8;
	[tilespmem:$0x1A200] =	vst v63  }
0x66: {  	_ =	swait.ge [sflag:s21], $0x4000  }
0x67: {  	[sflag:s21] =	ssyncset.done $0x0  }
0x68: {  	s1 =	sadd.s32 $0x0, s19;
	[sflag:s21] =	ssyncadd.s32 $0xFFFFC000  }
0x69: {  	[tilespmem:s22], [sflag:$0x1] =	stream.linear.gather [hbm4b:s1+s3], $0x100, $0x38;
	[tilespmem:$0x1A200] =	vst v63  }
0x6a: {  	_ =	swait.ge [sflag:s28], $0x100  }
0x6b: {  	[sflag:s28] =	ssyncset.done $0x0  }
0x6c: {  	[sflag:s28] =	ssyncadd.s32 $0xFFFFFF00  }
0x6d: {  	[spmem:s2] =	stream.indirect.scatter.add.f32 [tilespmem:s26], [sflag:$0x3], $0x80, s29, s24, $0xb8;
	[tilespmem:$0x1A200] =	vst v63  }
0x6e: {  	_ =	swait.ge [sflag:s21], $0x4000  }
0x6f: {  	[sflag:s21] =	ssyncset.done $0x0  }
0x70: {  	s5 =	sadd.s32 $0x0, s18;
	[sflag:s21] =	ssyncadd.s32 $0xFFFFC000  }
0x71: {  	[tilespmem:s23], [sflag:$0x2] =	stream.linear.gather [hbm4b:s5+s3], $0x100, $0x38;
	[tilespmem:$0x1A200] =	vst v63  }
0x72: {  	_ =	swait.ge [sflag:s30], $0x100  }
0x73: {  	s0 =	simm.s32 $0x40;
	[sflag:s30] =	ssyncset.done $0x0  }
.LBB2_6:
0x74: {  	p0 =	sne.s32 s0, $0x980  }
0x75: {  	[sflag:s30] =	ssyncadd.s32 $0xFFFFFF00;
	s1 =	smov.u32 s0;
	s0 =	sadd.s32 $0x40, s0  }
0x76: {  	[spmem:s2] =	stream.indirect.scatter.add.f32 [tilespmem:s26], [sflag:$0x3], $0x80, s25, s24, $0xb8;
	[tilespmem:$0x1A200] =	vst v63  }
0x77: {  	_ =	swait.ge [sflag:s21], $0x4000  }
0x78: {  	[sflag:s21] =	ssyncset.done $0x0  }
0x79: {  	s5 =	sadd.s32 s1, s19;
	[sflag:s21] =	ssyncadd.s32 $0xFFFFC000  }
0x7a: {  	[tilespmem:s22], [sflag:$0x1] =	stream.linear.gather [hbm4b:s5+s3], $0x100, $0x38;
	[tilespmem:$0x1A200] =	vst v63  }
0x7b: {  	_ =	swait.ge [sflag:s28], $0x100  }
0x7c: {  	[sflag:s28] =	ssyncset.done $0x0  }
0x7d: {  	[sflag:s28] =	ssyncadd.s32 $0xFFFFFF00  }
0x7e: {  	[spmem:s2] =	stream.indirect.scatter.add.f32 [tilespmem:s26], [sflag:$0x3], $0x80, s29, s24, $0xb8;
	[tilespmem:$0x1A200] =	vst v63  }
0x7f: {  	_ =	swait.ge [sflag:s21], $0x4000  }
.Ltmp2:
0x80: {  	[sflag:s21] =	ssyncset.done $0x0;
	(pc) =	sbr.rel @p0 .LBB2_6-.Ltmp2, $4  }
0x81: {  	s1 =	sadd.s32 s1, s18;
	[sflag:s21] =	ssyncadd.s32 $0xFFFFC000  }
0x82: {  	[tilespmem:s23], [sflag:$0x2] =	stream.linear.gather [hbm4b:s1+s3], $0x100, $0x38;
	[tilespmem:$0x1A200] =	vst v63  }
0x83: {  	_ =	swait.ge [sflag:s30], $0x100  }
0x84: {  	[sflag:s30] =	ssyncset.done $0x0  }
0x85: {  	[sflag:s30] =	ssyncadd.s32 $0xFFFFFF00  }
0x86: {  	[spmem:s2] =	stream.indirect.scatter.add.f32 [tilespmem:s26], [sflag:$0x3], $0x80, s25, s24, $0xb8;
	[tilespmem:$0x1A200] =	vst v63  }
0x87: {  	_ =	swait.ge [sflag:s21], $0x4000  }
0x88: {  	[sflag:s21] =	ssyncset.done $0x0  }
0x89: {  	[sflag:s21] =	ssyncadd.s32 $0xFFFFC000  }
0x8a: {  	_ =	swait.ge [sflag:s28], $0x100  }
0x8b: {  	[sflag:s28] =	ssyncset.done $0x0  }
0x8c: {  	[sflag:s28] =	ssyncadd.s32 $0xFFFFFF00  }
0x8d: {  	[spmem:s2] =	stream.indirect.scatter.add.f32 [tilespmem:s26], [sflag:$0x3], $0x80, s29, s24, $0xb8;
	[tilespmem:$0x1A200] =	vst v63  }
0x8e: {  	s0 =	stileid.u32;
	_ =	swait.ge [sflag:s21], $0x4000  }
0x8f: {  	s1 =	sshrl.u32 s4, $0x3;
	s31 =	sadd.s32 $0x1, s31;
	[sflag:s21] =	ssyncset.done $0x0  }
0x90: {  	s0 =	sshll.u32 s0, $0x6;
	p0 =	sne.s32 s31, s17;
	[sflag:s21] =	ssyncadd.s32 $0xFFFFC000  }
.Ltmp3:
0x91: {  	s0 =	sor.u32 $0x1C03, s0;
	[bflag:$0x0] =	sbarrier.arrive $0xFFFF;
	(pc) =	sbr.rel @p0 .LBB2_1-.Ltmp3, $4  }
0x92: {  	[hbm:s16], [sflag:s0] =	dma.local [spmem:s1], $0x2800  }
0x93: {  	_ =	swait.ge [sflag:s21], $0x2800  }
0x94: {  	[sflag:s21] =	ssyncset.done $0x0  }
0x95: {  	[sflag:s21] =	ssyncadd.s32 $0xFFFFD800  }
0x96: {  	_ =	sfence.sel $0x180000  }
0x97: {  	[bflag:$0x0] =	sbarrier.arrive $0xFFFF  }
0x98: {  	_ =	strace $0x90000047  }
0x99: {  	s0 =	stileid.u32;
	[bflag:$0x2] =	sbarrier.arrive $0xFFFF  }
0x9a: {  	p0 =	sne.s32 s0, $0x0;
	s0 =	rddreg [dreg:$0x2]  }
0x9b: {  	s0 =	sadd.s32 @!p0 $0x100000, s0  }
0x9c: {  	[sflag:s0] =	ssyncadd.tile.s32 @!p0 $0x1;
	_ =	shalt  }
.Lfunc_end2:
_tile_overlayer_lowered:
.L_overlay_start_2:
0x9d: {  	(tag) =	ssettag $0x2  }
0x9e: {  	s0 =	rddreg [dreg:$0x0];
	s2 =	stileid.u32  }
0x9f: {  	s1 =	rddreg [dreg:$0x1];
	p0 =	sne.s32 s2, $0x0  }
0xa0: {  	s3 =	rddreg [dreg:$0x2];
	[bflag:$0x3] =	sbarrier.arrive $0xFFFF;
	s2 =	simm.s32 @!p0 $0x1C03  }
0xa1: {  	[timem:s3], [sflag:s2] =	dma.local @!p0 [hbm:s0], s1  }
0xa2: {  	s0 =	simm.s32 @!p0 $0x3  }
0xa3: {  	_ =	swait.ge @!p0 [sflag:s0], s1  }
0xa4: {  	s1 =	ssub.s32 @!p0 $0x0, s1;
	[sflag:s0] =	ssyncset.done @!p0 $0x0  }
0xa5: {  	[sflag:s0] =	ssyncadd.s32 @!p0 s1  }
0xa6: {  	[bflag:$0x3] =	sbarrier.arrive $0xFFFF  }
0xa7: {  	_ =	shalt  }

// kernel: kernel.17.cloned.1.call-start
scs
__scs_entry_jumppad:
0x0: {  	(pc) =	sbr.rel $0x88, $3  }
0x1: {  	(tag) =	ssettag $0x0;
	lr =	simm.s32 $0x1  }
0x2: {  	[smem:$0x3F93] =	sst lr;
	_ =	strace $0xD0000000  }
0x3: {  	_ = 	snop  }
0x4: {  	_ = 	snop  }
0x5: {  	_ = 	snop  }
0x6: {  	_ = 	snop  }
0x7: {  	_ = 	snop  }
__scs_overlays_trampoline_lowered:
0x8: {  	[smem:$0x3FA2] =	sst s0  }
0x9: {  	[smem:$0x3FA3] =	sst s1  }
0xa: {  	[smem:$0x3FA4] =	sst s2  }
0xb: {  	[smem:$0x3FA5] =	sst s3  }
0xc: {  	[smem:$0x3FA6] =	sst s4  }
0xd: {  	[smem:$0x3FA7] =	sst s5  }
0xe: {  	[smem:$0x3FA8] =	sst s6  }
0xf: {  	[smem:$0x3FA9] =	sst s7  }
0x10: {  	[smem:$0x3FAA] =	sst s8  }
0x11: {  	[smem:$0x3FAB] =	sst s9;
	s0 =	simm.s32 @!p0 $0x0  }
0x12: {  	s1 =	sld [smem:$0x3F91];
	s0 =	simm.s32 @p0 $0x1  }
0x13: {  	[smem:$0x3FAC] =	sst s0;
	s0 =	simm.s32 @!p1 $0x0  }
0x14: {  	s2 =	sld [smem:$0x3F90];
	s0 =	simm.s32 @p1 $0x1  }
0x15: {  	[smem:$0x3FAD] =	sst s0;
	s0 =	simm.s32 @!p2 $0x0  }
0x16: {  	s3 =	sld [smem:$0x3FDB];
	s0 =	simm.s32 @p2 $0x1  }
0x17: {  	s4 =	simm.s32 $0x1BF5;
	[smem:$0x3FAF] =	sst s0  }
0x18: {  	s0 =	sld [smem:$0x3F92];
	_ =	swait.ge [sflag:s4], $0x0  }
0x19: {  	s7 =	sld [smem:$0x3F93]  }
0x1a: {  	s8 =	sadd.s32 $0xFFFFE003, lr  }
0x1b: {  	s9 =	sadd.s32 $0xFFFFFEF7, lr;
	s5 =	simm.s32 $0xFFFFFFFF;
	p2 =	slt.u32 s8, $0xFFFFF086  }
0x1c: {  	p1 =	slt.u32 s9, $0xF7A;
	s5 =	simm.s32 @!p2 $0x0  }
0x1d: {  	s5 =	simm.s32 @p1 $0x1;
	p0 =	seq.s32 s7, s2  }
0x1e: {  	s7 =	smul.u32 @!p0 $0xF7A, s2;
	p2 =	seq.s32 @!p0 s5, $0x0  }
0x1f: {  	s9 =	smul.u32 $0xF7A, s1;
	s8 =	simm.s32 @!p0 $0x1BF5;
	p2 =	por !p2, p0  }
0x20: {  	[sflag:s8] =	ssyncset.s32 @!p0 $0xFFFFF086;
	s6 =	sadd.s32 @!p0 s3, s7;
	s7 =	simm.s32 @!p0 $0x108  }
0x21: {  	s3 =	sadd.s32 s3, s9;
	s6 =	sadd.s32 @!p0 $0x88, s6;
	s7 =	simm.s32 @p2 $0x1082  }
0x22: {  	[simem:s7], [sflag:s8] =	dma.local @!p0 [hbm:s6], $0xF7A  }
0x23: {  	s9 =	sor.u32 $0xD0000000, s2;
	s6 =	simm.s32 $0x108;
	_ =	swait.ge @!p0 [sflag:s8], $0x0  }
0x24: {  	s3 =	sadd.s32 $0x88, s3;
	s6 =	simm.s32 @!p1 $0x1082;
	[sflag:s4] =	ssyncset.s32 $0xFFFFF086  }
0x25: {  	[simem:s6], [sflag:s4] =	dma.local [hbm:s3], $0xF7A  }
0x26: {  	[smem:$0x3F93] =	sst s1;
	(tag) =	ssettag s2;
	_ =	strace s9  }
0x27: {  	s1 =	sld [smem:$0x3FA3]  }
0x28: {  	s2 =	sld [smem:$0x3FA4]  }
0x29: {  	s4 =	sld [smem:$0x3FA6]  }
0x2a: {  	p0 =	seq.s32 s5, $0x0;
	s5 =	sld [smem:$0x3FA7]  }
0x2b: {  	s6 =	sld [smem:$0x3FA8]  }
0x2c: {  	s7 =	sld [smem:$0x3FA9]  }
0x2d: {  	s3 =	simm.s32 $0x108;
	s8 =	sld [smem:$0x3FAA]  }
0x2e: {  	s3 =	simm.s32 @!p0 $0x1082;
	s9 =	sld [smem:$0x3FAB]  }
0x2f: {  	lr =	sadd.s32 s0, s3;
	s0 =	sld [smem:$0x3FA2]  }
0x30: {  	s3 =	sld [smem:$0x3FA5]  }
0x31: {  	[smem:$0x3FAE] =	sst s10  }
0x32: {  	s10 =	sld [smem:$0x3FAC];
	_ =	sdelay $0x3  }
0x33: {  	p0 =	seq.s32 s10, $0x1;
	s10 =	sld [smem:$0x3FAE];
	_ =	sdelay $0x3  }
0x34: {  	[smem:$0x3FAE] =	sst s10  }
0x35: {  	s10 =	sld [smem:$0x3FAD];
	_ =	sdelay $0x3  }
0x36: {  	p1 =	seq.s32 s10, $0x1;
	s10 =	sld [smem:$0x3FAE];
	_ =	sdelay $0x3  }
0x37: {  	[smem:$0x3FAE] =	sst s10  }
0x38: {  	s10 =	sld [smem:$0x3FAF]  }
0x39: {  	_ = 	snop;
	(pc) =	sbr.ind lr, $3  }
0x3a: {  	_ = 	snop  }
0x3b: {  	_ = 	snop  }
0x3c: {  	p2 =	seq.s32 s10, $0x1;
	s10 =	sld [smem:$0x3FAE]  }
0x3d: {  	_ =	shalt  }
0x3e: {  	_ =	shalt  }
0x3f: {  	_ =	shalt  }
0x40: {  	_ =	shalt  }
0x41: {  	_ =	shalt  }
0x42: {  	_ =	shalt  }
0x43: {  	_ =	shalt  }
0x44: {  	_ =	shalt  }
0x45: {  	_ =	shalt  }
0x46: {  	_ =	shalt  }
0x47: {  	_ =	shalt  }
0x48: {  	_ =	shalt  }
0x49: {  	_ =	shalt  }
0x4a: {  	_ =	shalt  }
0x4b: {  	_ =	shalt  }
0x4c: {  	_ =	shalt  }
0x4d: {  	_ =	shalt  }
0x4e: {  	_ =	shalt  }
0x4f: {  	_ =	shalt  }
0x50: {  	_ =	shalt  }
0x51: {  	_ =	shalt  }
0x52: {  	_ =	shalt  }
0x53: {  	_ =	shalt  }
0x54: {  	_ =	shalt  }
0x55: {  	_ =	shalt  }
0x56: {  	_ =	shalt  }
0x57: {  	_ =	shalt  }
0x58: {  	_ =	shalt  }
0x59: {  	_ =	shalt  }
0x5a: {  	_ =	shalt  }
0x5b: {  	_ =	shalt  }
0x5c: {  	_ =	shalt  }
0x5d: {  	_ =	shalt  }
0x5e: {  	_ =	shalt  }
0x5f: {  	_ =	shalt  }
0x60: {  	_ =	shalt  }
0x61: {  	_ =	shalt  }
0x62: {  	_ =	shalt  }
0x63: {  	_ =	shalt  }
0x64: {  	_ =	shalt  }
0x65: {  	_ =	shalt  }
0x66: {  	_ =	shalt  }
0x67: {  	_ =	shalt  }
0x68: {  	_ =	shalt  }
0x69: {  	_ =	shalt  }
0x6a: {  	_ =	shalt  }
0x6b: {  	_ =	shalt  }
0x6c: {  	_ =	shalt  }
0x6d: {  	_ =	shalt  }
0x6e: {  	_ =	shalt  }
0x6f: {  	_ =	shalt  }
0x70: {  	_ =	shalt  }
0x71: {  	_ =	shalt  }
0x72: {  	_ =	shalt  }
0x73: {  	_ =	shalt  }
0x74: {  	_ =	shalt  }
0x75: {  	_ =	shalt  }
0x76: {  	_ =	shalt  }
0x77: {  	_ =	shalt  }
0x78: {  	_ =	shalt  }
0x79: {  	_ =	shalt  }
0x7a: {  	_ =	shalt  }
0x7b: {  	_ =	shalt  }
0x7c: {  	_ =	shalt  }
0x7d: {  	_ =	shalt  }
0x7e: {  	_ =	shalt  }
0x7f: {  	_ =	shalt  }
0x80: {  	_ =	shalt  }
0x81: {  	_ =	shalt  }
0x82: {  	_ =	shalt  }
0x83: {  	_ =	shalt  }
0x84: {  	_ =	shalt  }
0x85: {  	_ =	shalt  }
0x86: {  	_ =	shalt  }
0x87: {  	_ =	shalt  }
.Lfunc_end0:
.L_simem_size_0:
called_computation.1_lowered:
.L_overlay_start_0:
0x88: {  	s2 =	sld [smem:$0x3FD9]  }
0x89: {  	s3 =	sld [smem:$0x3FFE];
	_ =	sdelay $0x1  }
0x8a: {  	s1 =	srdreg.scid  }
0x8b: {  	s0 =	sand.u32 $0x1, s1  }
0x8c: {  	s17 =	sshll.u32 s0, $0xA;
	s2 =	sadd.s32 s3, s2  }
0x8d: {  	s2 =	sadd.s32 s2, s17  }
0x8e: {  	[smem:$0x3FBA] =	sst s2  }
0x8f: {  	_ = 	snop  }
0x90: {  	s2 =	sld [smem:$0x3FD0];
	(tm) =	ssettm $0x1  }
0x91: {  	s18 =	sld [smem:$0x3FFB];
	_ =	sdelay $0x3  }
0x92: {  	_ =	strace s18  }
0x93: {  	s3 =	sld [smem:$0x3FFC];
	_ =	sdelay $0x3  }
0x94: {  	_ =	strace s3  }
0x95: {  	s3 =	sld [smem:$0x3FFD];
	_ =	sdelay $0x3  }
0x96: {  	_ =	strace s3  }
0x97: {  	_ =	strace $0x8FFFFFFF  }
0x98: {  	s19 =	sld [smem:$0x3FDB];
	_ =	sdelay $0x1  }
0x99: {  	s4 =	simm.s32 $_scs_section_size  }
0x9a: {  	s5 =	simm.s32 $_size__tile_overlayer_lowered;
	s6 =	simm.s32 $_tile_overlayer_lowered  }
0x9b: {  	s22 =	simm.s32 $0x1BFF;
	s21 =	sshll.u32 s6, $0x1;
	s3 =	sadd.s32 s4, s19  }
0x9c: {  	s7 =	simm.s32 $0x0;
	s20 =	sshll.u32 s5, $0x1;
	s5 =	sadd.s32 s21, s3  }
0x9d: {  	[timem:s7], [sflag:s22] =	dma.local [hbm:s5], s20  }
0x9e: {  	_ =	swait.ge [sflag:s22], s20  }
0x9f: {  	s4 =	ssub.s32 $0x0, s20;
	[sflag:s22] =	ssyncset.done $0x0  }
0xa0: {  	[sflag:s22] =	ssyncadd.s32 s4;
	_ =	sdelay $0x1  }
0xa1: {  	s23 =	simm.s32 $0x1B8B  }
0xa2: {  	_ =	swait.ge [sflag:s23], $0x1  }
0xa3: {  	[sflag:s23] =	ssyncset.done $0x0  }
0xa4: {  	s25 =	simm.s32 $0x1B8E;
	s24 =	sld [smem:$0x3FFE];
	[sflag:s23] =	ssyncadd.s32 $0xFFFFFFFF  }
0xa5: {  	s26 =	simm.s32 $execute0_lowered;
	[smem:$0x3FD2] =	sst s25  }
0xa6: {  	s5 =	sshll.u32 s26, $0x1;
	_ =	strace $0x80000049;
	[dreg:$0x1] =	wrdreg $0xFFFFFFFF  }
0xa7: {  	s28 =	simm.s32 $_size_execute0_lowered;
	s3 =	sadd.s32 s3, s5;
	[dreg:$0x0] =	wrdreg $0x0  }
0xa8: {  	s5 =	sshll.u32 s28, $0x1;
	[dreg:$0x2] =	wrdreg s3  }
0xa9: {  	[dreg:$0x3] =	wrdreg s5  }
0xaa: {  	[dreg:$0x4] =	wrdreg $0xC0  }
0xab: {  	_ =	task [dreg:s7], $0x5FFFF  }
0xac: {  	[dreg:$0x1] =	wrdreg $0xFFFFFFFF  }
0xad: {  	[dreg:$0x0] =	wrdreg $0x60  }
0xae: {  	[dreg:$0x2] =	wrdreg s2  }
0xaf: {  	[dreg:$0x3] =	wrdreg s24  }
0xb0: {  	[dreg:$0x4] =	wrdreg $0x0  }
0xb1: {  	[dreg:$0x5] =	wrdreg $0x9  }
0xb2: {  	_ =	task.clear_ibuf [dreg:s7], $0x6FFFF;
	_ =	strace $0x90000049  }
0xb3: {  	s29 =	simm.s32 $0x9;
	_ =	strace $0x8000004B  }
0xb4: {  	_ =	swait.ge [sflag:s29], $0x1  }
0xb5: {  	[sflag:s29] =	ssyncadd.s32 $0xFFFFFFFF  }
0xb6: {  	_ =	strace $0x9000004B  }
0xb7: {  	_ =	sfence  }
0xb8: {  	s30 =	sld [smem:$0x0];
	_ =	sdelay $0x2  }
0xb9: {  	s31 =	sshll.u32 s1, $0xD;
	s1 =	sshrl.u32 s1, $0x2  }
0xba: {  	s3 =	sand.u32 $0x4000, s31;
	s1 =	sadd.s32 s1, s30  }
0xbb: {  	s0 =	sor.u32 s3, s0;
	s1 =	sshll.u32 s1, $0x11  }
0xbc: {  	s0 =	sor.u32 s1, s0  }
0xbd: {  	s0 =	sadd.s32 $0x8F2B, s0  }
0xbe: {  	[sflag:s0] =	ssyncadd.remote.s32 $0x1  }
0xbf: {  	_ =	sfence.sel $0xFFFF  }
0xc0: {  	[dreg:$0x0] =	wrdreg $0xFFFFFFFF;
	(pc) =	sbr.abs _section_cstart, $3  }
0xc1: {  	[dreg:$0x1] =	wrdreg $0xFFFFFFFF  }
0xc2: {  	_ =	task.clear_ibuf [dreg:s7], $0x2FFFF;
	_ =	strace $0x9FFFFFFF  }
0xc3: {  	(tm) =	ssettm $0x7FFFFFFF  }
tec
execute0_lowered:
.L_overlay_start_1:
0x0: {  	(tag) =	ssettag $0x1  }
0x1: {  	s0 =	rddreg [dreg:$0x0]  }
0x2: {  	s1 =	rddreg [dreg:$0x1];
	s2 =	srdreg.scid  }
0x3: {  	s3 =	rddreg [dreg:$0x2];
	s10 =	stileid.u32  }
0x4: {  	s4 =	simm.s32 $0x0;
	s28 =	simm.s32 $0x4;
	s6 =	smul.u32 $0x14000, s10  }
0x5: {  	s29 =	simm.s32 $0x1;
	s30 =	simm.s32 $0x18200;
	s7 =	smul.u32 $0x50000, s10  }
0x6: {  	s2 =	sand.u32 $0x1, s2;
	[smem:$0x7FF] =	sst s4;
	s22 =	smul.u32 $0x2800, s10  }
0x7: {  	s31 =	simm.s32 $0x14080;
	s5 =	smul.u32 $0x140000, s2;
	_ =	strace $0x8000004A  }
0x8: {  	s16 =	ssub.s32 $0x2, s2;
	s8 =	sshll.u32 s2, $0x4;
	s2 =	smul.u32 $0x28000, s2  }
0x9: {  	s9 =	sshrl.u32 s16, $0x1;
	s8 =	sor.u32 s10, s8;
	s7 =	sshrl.u32 s7, $0x2  }
0xa: {  	s5 =	sadd.s32 s6, s5;
	s6 =	sadd.s32 $0x5E00, s1;
	s9 =	ssub.s32 s16, s9  }
0xb: {  	s17 =	smul.u32 $0xA00, s8;
	s2 =	sadd.s32 s22, s2;
	s22 =	simm.s32 $0x5  }
0xc: {  	s5 =	sshrl.u32 s5, $0x3;
	s24 =	sor.u32 $0x180, s2;
	s2 =	sor.u32 $0x100, s2  }
0xd: {  	s1 =	sadd.s32 s5, s1;
	s5 =	sadd.s32 s7, s3;
	s14 =	sadd.s32 s6, s17  }
0xe: {  	s25 =	sshrl.u32 s24, $0x2;
	s26 =	sshrl.u32 s2, $0x2;
	s24 =	simm.s32 $0x80  }
0xf: {  	s2 =	simm.s32 $0x2;
	s7 =	simm.s32 $0x0;
	s18 =	sadd.s32 $0x2000, s5  }
0x10: {  	s19 =	sadd.s32 $0x4000, s5;
	s20 =	sadd.s32 $0x6000, s5;
	s21 =	sadd.s32 $0x8000, s5  }
0x11: {  	s23 =	sadd.s32 $0xA000, s5;
	s11 =	sadd.s32 $0xC000, s5;
	[dreg:$0x4] =	wrdreg s18  }
0x12: {  	s12 =	sadd.s32 $0xE000, s5;
	s13 =	sadd.s32 $0x10000, s5;
	[dreg:$0x5] =	wrdreg s19  }
0x13: {  	s15 =	sadd.s32 $0x12000, s5;
	s16 =	sadd.s32 $0x20, s14;
	[dreg:$0x6] =	wrdreg s20  }
0x14: {  	s17 =	sadd.s32 $0x41000, s1;
	s1 =	simm.s32 $0x3;
	[dreg:$0x7] =	wrdreg s21  }
0x15: {  	[dreg:$0x8] =	wrdreg s23;
	s18 =	smax.u32 s9, $0x1;
	s19 =	sadd.s32 s25, s6  }
0x16: {  	s20 =	sadd.s32 s26, s6;
	s21 =	simm.s32 $0x1C200;
	s23 =	simm.s32 $0x14000  }
0x17: {  	v0 =	vimm.f32 $0.0e+00;
	s25 =	simm.s32 $0x14200;
	s26 =	simm.s32 $0x14100;
	s6 =	simm.s32 $0x14180  }
.LBB2_1:
0x18: {  	s8 =	simm.s32 $0x0;
	s9 =	simm.s32 $0x200  }
.LBB2_2:
0x19: {  	p0 =	sne.s32 s9, $0x7E00;
	[tilespmem:s8+$0x1C270] =	vst v0  }
0x1a: {  	[tilespmem:s8+$0x1C200] =	vst v0  }
0x1b: {  	[tilespmem:s8+$0x1C210] =	vst v0  }
.Ltmp0:
0x1c: {  	[tilespmem:s8+$0x1C220] =	vst v0;
	(pc) =	sbr.rel @p0 .LBB2_2-.Ltmp0, $4  }
0x1d: {  	[tilespmem:s8+$0x1C230] =	vst v0  }
0x1e: {  	[tilespmem:s8+$0x1C240] =	vst v0  }
0x1f: {  	[tilespmem:s8+$0x1C250] =	vst v0  }
0x20: {  	[tilespmem:s8+$0x1C260] =	vst v0;
	s8 =	sshra.s32 s9, $0x2;
	s9 =	sadd.s32 $0x200, s9  }
0x21: {  	[tilespmem:s8+$0x1C270] =	vst v0  }
0x22: {  	[tilespmem:s8+$0x1C200] =	vst v0  }
0x23: {  	[tilespmem:s8+$0x1C210] =	vst v0  }
0x24: {  	[tilespmem:s8+$0x1C220] =	vst v0  }
0x25: {  	[tilespmem:s8+$0x1C230] =	vst v0  }
0x26: {  	[tilespmem:s8+$0x1C240] =	vst v0  }
0x27: {  	[tilespmem:s8+$0x1C250] =	vst v0  }
0x28: {  	[tilespmem:s8+$0x1C260] =	vst v0  }
0x29: {  	[spmem:s5] =	stream.linear.scatter [tilespmem:s21], [sflag:$0x5], $0x2000, $0x38;
	[tilespmem:$0x1E200] =	vst v63  }
0x2a: {  	_ =	swait.ge [sflag:s22], $0x2000  }
0x2b: {  	[sflag:s22] =	ssyncset.done $0x0  }
0x2c: {  	s10 =	rddreg [dreg:$0x4];
	[sflag:s22] =	ssyncadd.s32 $0xFFFFE000  }
0x2d: {  	[spmem:s10] =	stream.linear.scatter [tilespmem:s21], [sflag:$0x5], $0x2000, $0x38;
	[tilespmem:$0x1E200] =	vst v63  }
0x2e: {  	_ =	swait.ge [sflag:s22], $0x2000  }
0x2f: {  	[sflag:s22] =	ssyncset.done $0x0  }
0x30: {  	s9 =	rddreg [dreg:$0x5];
	[sflag:s22] =	ssyncadd.s32 $0xFFFFE000  }
0x31: {  	[spmem:s9] =	stream.linear.scatter [tilespmem:s21], [sflag:$0x5], $0x2000, $0x38;
	[tilespmem:$0x1E200] =	vst v63  }
0x32: {  	_ =	swait.ge [sflag:s22], $0x2000  }
0x33: {  	[sflag:s22] =	ssyncset.done $0x0  }
0x34: {  	s10 =	rddreg [dreg:$0x6];
	[sflag:s22] =	ssyncadd.s32 $0xFFFFE000  }
0x35: {  	[spmem:s10] =	stream.linear.scatter [tilespmem:s21], [sflag:$0x5], $0x2000, $0x38;
	[tilespmem:$0x1E200] =	vst v63  }
0x36: {  	_ =	swait.ge [sflag:s22], $0x2000  }
0x37: {  	[sflag:s22] =	ssyncset.done $0x0  }
0x38: {  	s9 =	rddreg [dreg:$0x7];
	[sflag:s22] =	ssyncadd.s32 $0xFFFFE000  }
0x39: {  	[spmem:s9] =	stream.linear.scatter [tilespmem:s21], [sflag:$0x5], $0x2000, $0x38;
	[tilespmem:$0x1E200] =	vst v63  }
0x3a: {  	_ =	swait.ge [sflag:s22], $0x2000  }
0x3b: {  	[sflag:s22] =	ssyncset.done $0x0  }
0x3c: {  	s10 =	rddreg [dreg:$0x8];
	[sflag:s22] =	ssyncadd.s32 $0xFFFFE000  }
0x3d: {  	[spmem:s10] =	stream.linear.scatter [tilespmem:s21], [sflag:$0x5], $0x2000, $0x38;
	[tilespmem:$0x1E200] =	vst v63  }
0x3e: {  	_ =	swait.ge [sflag:s22], $0x2000  }
0x3f: {  	[sflag:s22] =	ssyncset.done $0x0  }
0x40: {  	[sflag:s22] =	ssyncadd.s32 $0xFFFFE000  }
0x41: {  	[spmem:s11] =	stream.linear.scatter [tilespmem:s21], [sflag:$0x5], $0x2000, $0x38;
	[tilespmem:$0x1E200] =	vst v63  }
0x42: {  	_ =	swait.ge [sflag:s22], $0x2000  }
0x43: {  	[sflag:s22] =	ssyncset.done $0x0  }
0x44: {  	[sflag:s22] =	ssyncadd.s32 $0xFFFFE000  }
0x45: {  	[spmem:s12] =	stream.linear.scatter [tilespmem:s21], [sflag:$0x5], $0x2000, $0x38;
	[tilespmem:$0x1E200] =	vst v63  }
0x46: {  	_ =	swait.ge [sflag:s22], $0x2000  }
0x47: {  	[sflag:s22] =	ssyncset.done $0x0  }
0x48: {  	[sflag:s22] =	ssyncadd.s32 $0xFFFFE000  }
0x49: {  	[spmem:s13] =	stream.linear.scatter [tilespmem:s21], [sflag:$0x5], $0x2000, $0x38;
	[tilespmem:$0x1E200] =	vst v63  }
0x4a: {  	_ =	swait.ge [sflag:s22], $0x2000  }
0x4b: {  	[sflag:s22] =	ssyncset.done $0x0  }
0x4c: {  	[sflag:s22] =	ssyncadd.s32 $0xFFFFE000  }
0x4d: {  	[spmem:s15] =	stream.linear.scatter [tilespmem:s21], [sflag:$0x5], $0x2000, $0x38;
	[tilespmem:$0x1E200] =	vst v63  }
0x4e: {  	_ =	swait.ge [sflag:s22], $0x2000  }
0x4f: {  	[sflag:s22] =	ssyncset.done $0x0  }
0x50: {  	[sflag:s22] =	ssyncadd.s32 $0xFFFFE000  }
0x51: {  	s9 =	simm.s32 $0x0;
	[bflag:$0x0] =	sbarrier.arrive $0xFFFF  }
0x52: {  	[tilespmem:s23], [sflag:$0x5] =	stream.linear.gather [hbm4b:s14+s9], $0x100, $0x38;
	[tilespmem:$0x1E200] =	vst v63  }
0x53: {  	_ =	swait.ge [sflag:s22], $0x100  }
0x54: {  	[sflag:s22] =	ssyncset.done $0x0  }
0x55: {  	[sflag:s22] =	ssyncadd.s32 $0xFFFFFF00  }
0x56: {  	[tilespmem:s25], [sflag:$0x1] =	stream.indirect.gather [hbm4b:s0+s24], $0x80, s23, s24, $0xb8;
	[tilespmem:$0x1E200] =	vst v63  }
0x57: {  	_ = 	snop  }
0x58: {  	[tilespmem:s26], [sflag:$0x4] =	stream.linear.gather [hbm4b:s16+s9], $0x100, $0x38;
	[tilespmem:$0x1E200] =	vst v63  }
0x59: {  	_ =	swait.ge [sflag:s28], $0x100  }
0x5a: {  	[sflag:s28] =	ssyncset.done $0x0  }
0x5b: {  	[sflag:s28] =	ssyncadd.s32 $0xFFFFFF00  }
0x5c: {  	_ =	swait.ge [sflag:s29], $0x4000  }
0x5d: {  	[sflag:s29] =	ssyncset.done $0x0  }
0x5e: {  	[sflag:s29] =	ssyncadd.s32 $0xFFFFC000  }
0x5f: {  	[tilespmem:s30], [sflag:$0x2] =	stream.indirect.gather [hbm4b:s0+s24], $0x80, s26, s24, $0xb8;
	[tilespmem:$0x1E200] =	vst v63  }
0x60: {  	_ = 	snop  }
0x61: {  	[spmem:s3] =	stream.indirect.scatter.add.f32 [tilespmem:s25], [sflag:$0x5], $0x80, s31, s24, $0xb8;
	[tilespmem:$0x1E200] =	vst v63  }
0x62: {  	_ =	swait.ge [sflag:s22], $0x4000  }
0x63: {  	[sflag:s22] =	ssyncset.done $0x0  }
0x64: {  	s10 =	sadd.s32 $0x0, s20;
	[sflag:s22] =	ssyncadd.s32 $0xFFFFC000  }
0x65: {  	[tilespmem:s23], [sflag:$0x3] =	stream.linear.gather [hbm4b:s10+s4], $0x100, $0x38;
	[tilespmem:$0x1E200] =	vst v63  }
0x66: {  	_ =	swait.ge [sflag:s1], $0x100  }
0x67: {  	[sflag:s1] =	ssyncset.done $0x0  }
0x68: {  	[sflag:s1] =	ssyncadd.s32 $0xFFFFFF00  }
0x69: {  	_ =	swait.ge [sflag:s2], $0x4000  }
0x6a: {  	[sflag:s2] =	ssyncset.done $0x0  }
0x6b: {  	[sflag:s2] =	ssyncadd.s32 $0xFFFFC000  }
0x6c: {  	[tilespmem:s25], [sflag:$0x1] =	stream.indirect.gather [hbm4b:s0+s24], $0x80, s23, s24, $0xb8;
	[tilespmem:$0x1E200] =	vst v63  }
0x6d: {  	_ = 	snop  }
0x6e: {  	[spmem:s3] =	stream.indirect.scatter.add.f32 [tilespmem:s30], [sflag:$0x5], $0x80, s6, s24, $0xb8;
	[tilespmem:$0x1E200] =	vst v63  }
0x6f: {  	_ =	swait.ge [sflag:s22], $0x4000  }
0x70: {  	[sflag:s22] =	ssyncset.done $0x0  }
0x71: {  	s8 =	simm.s32 $0x40;
	s9 =	sadd.s32 $0x0, s19;
	[sflag:s22] =	ssyncadd.s32 $0xFFFFC000  }
.LBB2_4:
0x72: {  	[tilespmem:s26], [sflag:$0x4] =	stream.linear.gather [hbm4b:s9+s4], $0x100, $0x38;
	[tilespmem:$0x1E200] =	vst v63  }
0x73: {  	s9 =	smov.u32 s8  }
0x74: {  	p0 =	sne.s32 s8, $0x980;
	s8 =	sadd.s32 $0x40, s8;
	_ =	swait.ge [sflag:s28], $0x100  }
0x75: {  	[sflag:s28] =	ssyncset.done $0x0  }
0x76: {  	[sflag:s28] =	ssyncadd.s32 $0xFFFFFF00  }
0x77: {  	_ =	swait.ge [sflag:s29], $0x4000  }
0x78: {  	[sflag:s29] =	ssyncset.done $0x0  }
0x79: {  	[sflag:s29] =	ssyncadd.s32 $0xFFFFC000  }
0x7a: {  	[tilespmem:s30], [sflag:$0x2] =	stream.indirect.gather [hbm4b:s0+s24], $0x80, s26, s24, $0xb8;
	[tilespmem:$0x1E200] =	vst v63  }
0x7b: {  	_ = 	snop  }
0x7c: {  	[spmem:s3] =	stream.indirect.scatter.add.f32 [tilespmem:s25], [sflag:$0x5], $0x80, s31, s24, $0xb8;
	[tilespmem:$0x1E200] =	vst v63  }
0x7d: {  	_ =	swait.ge [sflag:s22], $0x4000  }
0x7e: {  	[sflag:s22] =	ssyncset.done $0x0  }
0x7f: {  	s10 =	sadd.s32 s9, s20;
	[sflag:s22] =	ssyncadd.s32 $0xFFFFC000  }
0x80: {  	[tilespmem:s23], [sflag:$0x3] =	stream.linear.gather [hbm4b:s10+s4], $0x100, $0x38;
	[tilespmem:$0x1E200] =	vst v63  }
0x81: {  	_ =	swait.ge [sflag:s1], $0x100  }
0x82: {  	[sflag:s1] =	ssyncset.done $0x0  }
0x83: {  	[sflag:s1] =	ssyncadd.s32 $0xFFFFFF00  }
0x84: {  	_ =	swait.ge [sflag:s2], $0x4000  }
0x85: {  	[sflag:s2] =	ssyncset.done $0x0  }
0x86: {  	[sflag:s2] =	ssyncadd.s32 $0xFFFFC000  }
0x87: {  	[tilespmem:s25], [sflag:$0x1] =	stream.indirect.gather [hbm4b:s0+s24], $0x80, s23, s24, $0xb8;
	[tilespmem:$0x1E200] =	vst v63  }
.Ltmp1:
0x88: {  	(pc) =	sbr.rel @p0 .LBB2_4-.Ltmp1, $4  }
0x89: {  	[spmem:s3] =	stream.indirect.scatter.add.f32 [tilespmem:s30], [sflag:$0x5], $0x80, s6, s24, $0xb8;
	[tilespmem:$0x1E200] =	vst v63  }
0x8a: {  	_ =	swait.ge [sflag:s22], $0x4000  }
0x8b: {  	[sflag:s22] =	ssyncset.done $0x0  }
0x8c: {  	s9 =	sadd.s32 s9, s19;
	[sflag:s22] =	ssyncadd.s32 $0xFFFFC000  }
0x8d: {  	[tilespmem:s26], [sflag:$0x4] =	stream.linear.gather [hbm4b:s9+s4], $0x100, $0x38;
	[tilespmem:$0x1E200] =	vst v63  }
0x8e: {  	_ =	swait.ge [sflag:s28], $0x100  }
0x8f: {  	[sflag:s28] =	ssyncset.done $0x0  }
0x90: {  	[sflag:s28] =	ssyncadd.s32 $0xFFFFFF00  }
0x91: {  	_ =	swait.ge [sflag:s29], $0x4000  }
0x92: {  	[sflag:s29] =	ssyncset.done $0x0  }
0x93: {  	[sflag:s29] =	ssyncadd.s32 $0xFFFFC000  }
0x94: {  	[tilespmem:s30], [sflag:$0x2] =	stream.indirect.gather [hbm4b:s0+s24], $0x80, s26, s24, $0xb8;
	[tilespmem:$0x1E200] =	vst v63  }
0x95: {  	_ = 	snop  }
0x96: {  	[spmem:s3] =	stream.indirect.scatter.add.f32 [tilespmem:s25], [sflag:$0x5], $0x80, s31, s24, $0xb8;
	[tilespmem:$0x1E200] =	vst v63  }
0x97: {  	_ =	swait.ge [sflag:s22], $0x4000  }
0x98: {  	[sflag:s22] =	ssyncset.done $0x0  }
0x99: {  	[sflag:s22] =	ssyncadd.s32 $0xFFFFC000  }
0x9a: {  	_ =	swait.ge [sflag:s2], $0x4000  }
0x9b: {  	[sflag:s2] =	ssyncset.done $0x0  }
0x9c: {  	[sflag:s2] =	ssyncadd.s32 $0xFFFFC000  }
0x9d: {  	[spmem:s3] =	stream.indirect.scatter.add.f32 [tilespmem:s30], [sflag:$0x5], $0x80, s6, s24, $0xb8;
	[tilespmem:$0x1E200] =	vst v63  }
0x9e: {  	s8 =	stileid.u32;
	_ =	swait.ge [sflag:s22], $0x4000  }
0x9f: {  	s10 =	sshrl.u32 s5, $0x3;
	s7 =	sadd.s32 $0x1, s7;
	[sflag:s22] =	ssyncset.done $0x0  }
0xa0: {  	s8 =	sshll.u32 s8, $0x6;
	p0 =	sne.s32 s7, s18;
	[sflag:s22] =	ssyncadd.s32 $0xFFFFC000  }
.Ltmp2:
0xa1: {  	s8 =	sor.u32 $0x1C05, s8;
	[bflag:$0x0] =	sbarrier.arrive $0xFFFF;
	(pc) =	sbr.rel @p0 .LBB2_1-.Ltmp2, $4  }
0xa2: {  	[hbm:s17], [sflag:s8] =	dma.local [spmem:s10], $0x2800  }
0xa3: {  	_ =	swait.ge [sflag:s22], $0x2800  }
0xa4: {  	[sflag:s22] =	ssyncset.done $0x0  }
0xa5: {  	[sflag:s22] =	ssyncadd.s32 $0xFFFFD800  }
0xa6: {  	_ =	sfence.sel $0x180000  }
0xa7: {  	[bflag:$0x0] =	sbarrier.arrive $0xFFFF  }
0xa8: {  	_ =	strace $0x9000004A  }
0xa9: {  	s0 =	stileid.u32;
	[bflag:$0x2] =	sbarrier.arrive $0xFFFF  }
0xaa: {  	p0 =	sne.s32 s0, $0x0;
	s0 =	rddreg [dreg:$0x3]  }
0xab: {  	s0 =	sadd.s32 @!p0 $0x100000, s0  }
0xac: {  	[sflag:s0] =	ssyncadd.tile.s32 @!p0 $0x1;
	_ =	shalt  }
.Lfunc_end2:
_tile_overlayer_lowered:
.L_overlay_start_2:
0xad: {  	(tag) =	ssettag $0x2  }
0xae: {  	s0 =	rddreg [dreg:$0x0];
	s2 =	stileid.u32  }
0xaf: {  	s1 =	rddreg [dreg:$0x1];
	p0 =	sne.s32 s2, $0x0  }
0xb0: {  	s3 =	rddreg [dreg:$0x2];
	[bflag:$0x3] =	sbarrier.arrive $0xFFFF;
	s2 =	simm.s32 @!p0 $0x1C05  }
0xb1: {  	[timem:s3], [sflag:s2] =	dma.local @!p0 [hbm:s0], s1  }
0xb2: {  	s0 =	simm.s32 @!p0 $0x5  }
0xb3: {  	_ =	swait.ge @!p0 [sflag:s0], s1  }
0xb4: {  	s1 =	ssub.s32 @!p0 $0x0, s1;
	[sflag:s0] =	ssyncset.done @!p0 $0x0  }
0xb5: {  	[sflag:s0] =	ssyncadd.s32 @!p0 s1  }
0xb6: {  	[bflag:$0x3] =	sbarrier.arrive $0xFFFF  }
0xb7: {  	_ =	shalt  }

// kernel: kernel.20.cloned.1.call-start
scs
__scs_entry_jumppad:
0x0: {  	(pc) =	sbr.rel $0x88, $3  }
0x1: {  	(tag) =	ssettag $0x0;
	lr =	simm.s32 $0x1  }
0x2: {  	[smem:$0x3F93] =	sst lr;
	_ =	strace $0xD0000000  }
0x3: {  	_ = 	snop  }
0x4: {  	_ = 	snop  }
0x5: {  	_ = 	snop  }
0x6: {  	_ = 	snop  }
0x7: {  	_ = 	snop  }
__scs_overlays_trampoline_lowered:
0x8: {  	[smem:$0x3FA2] =	sst s0  }
0x9: {  	[smem:$0x3FA3] =	sst s1  }
0xa: {  	[smem:$0x3FA4] =	sst s2  }
0xb: {  	[smem:$0x3FA5] =	sst s3  }
0xc: {  	[smem:$0x3FA6] =	sst s4  }
0xd: {  	[smem:$0x3FA7] =	sst s5  }
0xe: {  	[smem:$0x3FA8] =	sst s6  }
0xf: {  	[smem:$0x3FA9] =	sst s7  }
0x10: {  	[smem:$0x3FAA] =	sst s8  }
0x11: {  	[smem:$0x3FAB] =	sst s9;
	s0 =	simm.s32 @!p0 $0x0  }
0x12: {  	s1 =	sld [smem:$0x3F91];
	s0 =	simm.s32 @p0 $0x1  }
0x13: {  	[smem:$0x3FAC] =	sst s0;
	s0 =	simm.s32 @!p1 $0x0  }
0x14: {  	s2 =	sld [smem:$0x3F90];
	s0 =	simm.s32 @p1 $0x1  }
0x15: {  	[smem:$0x3FAD] =	sst s0;
	s0 =	simm.s32 @!p2 $0x0  }
0x16: {  	s3 =	sld [smem:$0x3FDB];
	s0 =	simm.s32 @p2 $0x1  }
0x17: {  	s4 =	simm.s32 $0x1BF5;
	[smem:$0x3FAF] =	sst s0  }
0x18: {  	s0 =	sld [smem:$0x3F92];
	_ =	swait.ge [sflag:s4], $0x0  }
0x19: {  	s7 =	sld [smem:$0x3F93]  }
0x1a: {  	s8 =	sadd.s32 $0xFFFFE003, lr  }
0x1b: {  	s9 =	sadd.s32 $0xFFFFFEF7, lr;
	s5 =	simm.s32 $0xFFFFFFFF;
	p2 =	slt.u32 s8, $0xFFFFF086  }
0x1c: {  	p1 =	slt.u32 s9, $0xF7A;
	s5 =	simm.s32 @!p2 $0x0  }
0x1d: {  	s5 =	simm.s32 @p1 $0x1;
	p0 =	seq.s32 s7, s2  }
0x1e: {  	s7 =	smul.u32 @!p0 $0xF7A, s2;
	p2 =	seq.s32 @!p0 s5, $0x0  }
0x1f: {  	s9 =	smul.u32 $0xF7A, s1;
	s8 =	simm.s32 @!p0 $0x1BF5;
	p2 =	por !p2, p0  }
0x20: {  	[sflag:s8] =	ssyncset.s32 @!p0 $0xFFFFF086;
	s6 =	sadd.s32 @!p0 s3, s7;
	s7 =	simm.s32 @!p0 $0x108  }
0x21: {  	s3 =	sadd.s32 s3, s9;
	s6 =	sadd.s32 @!p0 $0x88, s6;
	s7 =	simm.s32 @p2 $0x1082  }
0x22: {  	[simem:s7], [sflag:s8] =	dma.local @!p0 [hbm:s6], $0xF7A  }
0x23: {  	s9 =	sor.u32 $0xD0000000, s2;
	s6 =	simm.s32 $0x108;
	_ =	swait.ge @!p0 [sflag:s8], $0x0  }
0x24: {  	s3 =	sadd.s32 $0x88, s3;
	s6 =	simm.s32 @!p1 $0x1082;
	[sflag:s4] =	ssyncset.s32 $0xFFFFF086  }
0x25: {  	[simem:s6], [sflag:s4] =	dma.local [hbm:s3], $0xF7A  }
0x26: {  	[smem:$0x3F93] =	sst s1;
	(tag) =	ssettag s2;
	_ =	strace s9  }
0x27: {  	s1 =	sld [smem:$0x3FA3]  }
0x28: {  	s2 =	sld [smem:$0x3FA4]  }
0x29: {  	s4 =	sld [smem:$0x3FA6]  }
0x2a: {  	p0 =	seq.s32 s5, $0x0;
	s5 =	sld [smem:$0x3FA7]  }
0x2b: {  	s6 =	sld [smem:$0x3FA8]  }
0x2c: {  	s7 =	sld [smem:$0x3FA9]  }
0x2d: {  	s3 =	simm.s32 $0x108;
	s8 =	sld [smem:$0x3FAA]  }
0x2e: {  	s3 =	simm.s32 @!p0 $0x1082;
	s9 =	sld [smem:$0x3FAB]  }
0x2f: {  	lr =	sadd.s32 s0, s3;
	s0 =	sld [smem:$0x3FA2]  }
0x30: {  	s3 =	sld [smem:$0x3FA5]  }
0x31: {  	[smem:$0x3FAE] =	sst s10  }
0x32: {  	s10 =	sld [smem:$0x3FAC];
	_ =	sdelay $0x3  }
0x33: {  	p0 =	seq.s32 s10, $0x1;
	s10 =	sld [smem:$0x3FAE];
	_ =	sdelay $0x3  }
0x34: {  	[smem:$0x3FAE] =	sst s10  }
0x35: {  	s10 =	sld [smem:$0x3FAD];
	_ =	sdelay $0x3  }
0x36: {  	p1 =	seq.s32 s10, $0x1;
	s10 =	sld [smem:$0x3FAE];
	_ =	sdelay $0x3  }
0x37: {  	[smem:$0x3FAE] =	sst s10  }
0x38: {  	s10 =	sld [smem:$0x3FAF]  }
0x39: {  	_ = 	snop;
	(pc) =	sbr.ind lr, $3  }
0x3a: {  	_ = 	snop  }
0x3b: {  	_ = 	snop  }
0x3c: {  	p2 =	seq.s32 s10, $0x1;
	s10 =	sld [smem:$0x3FAE]  }
0x3d: {  	_ =	shalt  }
0x3e: {  	_ =	shalt  }
0x3f: {  	_ =	shalt  }
0x40: {  	_ =	shalt  }
0x41: {  	_ =	shalt  }
0x42: {  	_ =	shalt  }
0x43: {  	_ =	shalt  }
0x44: {  	_ =	shalt  }
0x45: {  	_ =	shalt  }
0x46: {  	_ =	shalt  }
0x47: {  	_ =	shalt  }
0x48: {  	_ =	shalt  }
0x49: {  	_ =	shalt  }
0x4a: {  	_ =	shalt  }
0x4b: {  	_ =	shalt  }
0x4c: {  	_ =	shalt  }
0x4d: {  	_ =	shalt  }
0x4e: {  	_ =	shalt  }
0x4f: {  	_ =	shalt  }
0x50: {  	_ =	shalt  }
0x51: {  	_ =	shalt  }
0x52: {  	_ =	shalt  }
0x53: {  	_ =	shalt  }
0x54: {  	_ =	shalt  }
0x55: {  	_ =	shalt  }
0x56: {  	_ =	shalt  }
0x57: {  	_ =	shalt  }
0x58: {  	_ =	shalt  }
0x59: {  	_ =	shalt  }
0x5a: {  	_ =	shalt  }
0x5b: {  	_ =	shalt  }
0x5c: {  	_ =	shalt  }
0x5d: {  	_ =	shalt  }
0x5e: {  	_ =	shalt  }
0x5f: {  	_ =	shalt  }
0x60: {  	_ =	shalt  }
0x61: {  	_ =	shalt  }
0x62: {  	_ =	shalt  }
0x63: {  	_ =	shalt  }
0x64: {  	_ =	shalt  }
0x65: {  	_ =	shalt  }
0x66: {  	_ =	shalt  }
0x67: {  	_ =	shalt  }
0x68: {  	_ =	shalt  }
0x69: {  	_ =	shalt  }
0x6a: {  	_ =	shalt  }
0x6b: {  	_ =	shalt  }
0x6c: {  	_ =	shalt  }
0x6d: {  	_ =	shalt  }
0x6e: {  	_ =	shalt  }
0x6f: {  	_ =	shalt  }
0x70: {  	_ =	shalt  }
0x71: {  	_ =	shalt  }
0x72: {  	_ =	shalt  }
0x73: {  	_ =	shalt  }
0x74: {  	_ =	shalt  }
0x75: {  	_ =	shalt  }
0x76: {  	_ =	shalt  }
0x77: {  	_ =	shalt  }
0x78: {  	_ =	shalt  }
0x79: {  	_ =	shalt  }
0x7a: {  	_ =	shalt  }
0x7b: {  	_ =	shalt  }
0x7c: {  	_ =	shalt  }
0x7d: {  	_ =	shalt  }
0x7e: {  	_ =	shalt  }
0x7f: {  	_ =	shalt  }
0x80: {  	_ =	shalt  }
0x81: {  	_ =	shalt  }
0x82: {  	_ =	shalt  }
0x83: {  	_ =	shalt  }
0x84: {  	_ =	shalt  }
0x85: {  	_ =	shalt  }
0x86: {  	_ =	shalt  }
0x87: {  	_ =	shalt  }
.Lfunc_end0:
.L_simem_size_0:
called_computation.2_lowered:
.L_overlay_start_0:
0x88: {  	s2 =	sld [smem:$0x3FD9]  }
0x89: {  	s3 =	sld [smem:$0x3FFE];
	_ =	sdelay $0x1  }
0x8a: {  	s1 =	srdreg.scid  }
0x8b: {  	s0 =	sand.u32 $0x1, s1  }
0x8c: {  	s17 =	sshll.u32 s0, $0xA;
	s2 =	sadd.s32 s3, s2  }
0x8d: {  	s2 =	sadd.s32 s2, s17  }
0x8e: {  	[smem:$0x3FBA] =	sst s2  }
0x8f: {  	_ = 	snop  }
0x90: {  	s2 =	sld [smem:$0x3FD0];
	(tm) =	ssettm $0x1  }
0x91: {  	s18 =	sld [smem:$0x3FFB];
	_ =	sdelay $0x3  }
0x92: {  	_ =	strace s18  }
0x93: {  	s3 =	sld [smem:$0x3FFC];
	_ =	sdelay $0x3  }
0x94: {  	_ =	strace s3  }
0x95: {  	s3 =	sld [smem:$0x3FFD];
	_ =	sdelay $0x3  }
0x96: {  	_ =	strace s3  }
0x97: {  	_ =	strace $0x8FFFFFFF  }
0x98: {  	s19 =	sld [smem:$0x3FDB];
	_ =	sdelay $0x1  }
0x99: {  	s4 =	simm.s32 $_scs_section_size  }
0x9a: {  	s5 =	simm.s32 $_size__tile_overlayer_lowered;
	s6 =	simm.s32 $_tile_overlayer_lowered  }
0x9b: {  	s22 =	simm.s32 $0x1BFF;
	s21 =	sshll.u32 s6, $0x1;
	s3 =	sadd.s32 s4, s19  }
0x9c: {  	s7 =	simm.s32 $0x0;
	s20 =	sshll.u32 s5, $0x1;
	s5 =	sadd.s32 s21, s3  }
0x9d: {  	[timem:s7], [sflag:s22] =	dma.local [hbm:s5], s20  }
0x9e: {  	_ =	swait.ge [sflag:s22], s20  }
0x9f: {  	s4 =	ssub.s32 $0x0, s20;
	[sflag:s22] =	ssyncset.done $0x0  }
0xa0: {  	[sflag:s22] =	ssyncadd.s32 s4;
	_ =	sdelay $0x1  }
0xa1: {  	s23 =	simm.s32 $0x1B8B  }
0xa2: {  	_ =	swait.ge [sflag:s23], $0x1  }
0xa3: {  	[sflag:s23] =	ssyncset.done $0x0  }
0xa4: {  	s25 =	simm.s32 $0x1B8E;
	s24 =	sld [smem:$0x3FFE];
	[sflag:s23] =	ssyncadd.s32 $0xFFFFFFFF  }
0xa5: {  	s26 =	simm.s32 $execute0_lowered;
	[smem:$0x3FD2] =	sst s25  }
0xa6: {  	s5 =	sshll.u32 s26, $0x1;
	_ =	strace $0x8000004C;
	[dreg:$0x1] =	wrdreg $0xFFFFFFFF  }
0xa7: {  	s28 =	simm.s32 $_size_execute0_lowered;
	s3 =	sadd.s32 s3, s5;
	[dreg:$0x0] =	wrdreg $0x0  }
0xa8: {  	s5 =	sshll.u32 s28, $0x1;
	[dreg:$0x2] =	wrdreg s3  }
0xa9: {  	[dreg:$0x3] =	wrdreg s5  }
0xaa: {  	[dreg:$0x4] =	wrdreg $0xC0  }
0xab: {  	_ =	task [dreg:s7], $0x5FFFF  }
0xac: {  	[dreg:$0x1] =	wrdreg $0xFFFFFFFF  }
0xad: {  	[dreg:$0x0] =	wrdreg $0x60  }
0xae: {  	[dreg:$0x2] =	wrdreg s2  }
0xaf: {  	[dreg:$0x3] =	wrdreg s24  }
0xb0: {  	[dreg:$0x4] =	wrdreg $0x0  }
0xb1: {  	[dreg:$0x5] =	wrdreg $0x9  }
0xb2: {  	_ =	task.clear_ibuf [dreg:s7], $0x6FFFF;
	_ =	strace $0x9000004C  }
0xb3: {  	s29 =	simm.s32 $0x9;
	_ =	strace $0x8000004E  }
0xb4: {  	_ =	swait.ge [sflag:s29], $0x1  }
0xb5: {  	[sflag:s29] =	ssyncadd.s32 $0xFFFFFFFF  }
0xb6: {  	_ =	strace $0x9000004E  }
0xb7: {  	_ =	sfence  }
0xb8: {  	s30 =	sld [smem:$0x0];
	_ =	sdelay $0x2  }
0xb9: {  	s31 =	sshll.u32 s1, $0xD;
	s1 =	sshrl.u32 s1, $0x2  }
0xba: {  	s3 =	sand.u32 $0x4000, s31;
	s1 =	sadd.s32 s1, s30  }
0xbb: {  	s0 =	sor.u32 s3, s0;
	s1 =	sshll.u32 s1, $0x11  }
0xbc: {  	s0 =	sor.u32 s1, s0  }
0xbd: {  	s0 =	sadd.s32 $0x8F2B, s0  }
0xbe: {  	[sflag:s0] =	ssyncadd.remote.s32 $0x1  }
0xbf: {  	_ =	sfence.sel $0xFFFF  }
0xc0: {  	[dreg:$0x0] =	wrdreg $0xFFFFFFFF;
	(pc) =	sbr.abs _section_cstart, $3  }
0xc1: {  	[dreg:$0x1] =	wrdreg $0xFFFFFFFF  }
0xc2: {  	_ =	task.clear_ibuf [dreg:s7], $0x2FFFF;
	_ =	strace $0x9FFFFFFF  }
0xc3: {  	(tm) =	ssettm $0x7FFFFFFF  }
tec
execute0_lowered:
.L_overlay_start_1:
0x0: {  	(tag) =	ssettag $0x1  }
0x1: {  	s0 =	rddreg [dreg:$0x0]  }
0x2: {  	s1 =	rddreg [dreg:$0x1];
	s2 =	srdreg.scid  }
0x3: {  	s3 =	rddreg [dreg:$0x2];
	s10 =	stileid.u32  }
0x4: {  	s4 =	simm.s32 $0x0;
	s28 =	simm.s32 $0x4;
	s6 =	smul.u32 $0x14000, s10  }
0x5: {  	s29 =	simm.s32 $0x1;
	s30 =	simm.s32 $0x18200;
	s7 =	smul.u32 $0x50000, s10  }
0x6: {  	s2 =	sand.u32 $0x1, s2;
	[smem:$0x7FF] =	sst s4;
	s22 =	smul.u32 $0x2800, s10  }
0x7: {  	s31 =	simm.s32 $0x14080;
	s5 =	smul.u32 $0x140000, s2;
	_ =	strace $0x8000004D  }
0x8: {  	s16 =	ssub.s32 $0x2, s2;
	s8 =	sshll.u32 s2, $0x4;
	s2 =	smul.u32 $0x28000, s2  }
0x9: {  	s9 =	sshrl.u32 s16, $0x1;
	s8 =	sor.u32 s10, s8;
	s7 =	sshrl.u32 s7, $0x2  }
0xa: {  	s5 =	sadd.s32 s6, s5;
	s6 =	sadd.s32 $0x5E00, s1;
	s9 =	ssub.s32 s16, s9  }
0xb: {  	s17 =	smul.u32 $0xA00, s8;
	s2 =	sadd.s32 s22, s2;
	s22 =	simm.s32 $0x5  }
0xc: {  	s5 =	sshrl.u32 s5, $0x3;
	s24 =	sor.u32 $0x180, s2;
	s2 =	sor.u32 $0x100, s2  }
0xd: {  	s1 =	sadd.s32 s5, s1;
	s5 =	sadd.s32 s7, s3;
	s14 =	sadd.s32 s6, s17  }
0xe: {  	s25 =	sshrl.u32 s24, $0x2;
	s26 =	sshrl.u32 s2, $0x2;
	s24 =	simm.s32 $0x80  }
0xf: {  	s2 =	simm.s32 $0x2;
	s7 =	simm.s32 $0x0;
	s18 =	sadd.s32 $0x2000, s5  }
0x10: {  	s19 =	sadd.s32 $0x4000, s5;
	s20 =	sadd.s32 $0x6000, s5;
	s21 =	sadd.s32 $0x8000, s5  }
0x11: {  	s23 =	sadd.s32 $0xA000, s5;
	s11 =	sadd.s32 $0xC000, s5;
	[dreg:$0x4] =	wrdreg s18  }
0x12: {  	s12 =	sadd.s32 $0xE000, s5;
	s13 =	sadd.s32 $0x10000, s5;
	[dreg:$0x5] =	wrdreg s19  }
0x13: {  	s15 =	sadd.s32 $0x12000, s5;
	s16 =	sadd.s32 $0x20, s14;
	[dreg:$0x6] =	wrdreg s20  }
0x14: {  	s17 =	sadd.s32 $0x41000, s1;
	s1 =	simm.s32 $0x3;
	[dreg:$0x7] =	wrdreg s21  }
0x15: {  	[dreg:$0x8] =	wrdreg s23;
	s18 =	smax.u32 s9, $0x1;
	s19 =	sadd.s32 s25, s6  }
0x16: {  	s20 =	sadd.s32 s26, s6;
	s21 =	simm.s32 $0x1C200;
	s23 =	simm.s32 $0x14000  }
0x17: {  	v0 =	vimm.f32 $0.0e+00;
	s25 =	simm.s32 $0x14200;
	s26 =	simm.s32 $0x14100;
	s6 =	simm.s32 $0x14180  }
.LBB2_1:
0x18: {  	s8 =	simm.s32 $0x0;
	s9 =	simm.s32 $0x200  }
.LBB2_2:
0x19: {  	p0 =	sne.s32 s9, $0x7E00;
	[tilespmem:s8+$0x1C270] =	vst v0  }
0x1a: {  	[tilespmem:s8+$0x1C200] =	vst v0  }
0x1b: {  	[tilespmem:s8+$0x1C210] =	vst v0  }
.Ltmp0:
0x1c: {  	[tilespmem:s8+$0x1C220] =	vst v0;
	(pc) =	sbr.rel @p0 .LBB2_2-.Ltmp0, $4  }
0x1d: {  	[tilespmem:s8+$0x1C230] =	vst v0  }
0x1e: {  	[tilespmem:s8+$0x1C240] =	vst v0  }
0x1f: {  	[tilespmem:s8+$0x1C250] =	vst v0  }
0x20: {  	[tilespmem:s8+$0x1C260] =	vst v0;
	s8 =	sshra.s32 s9, $0x2;
	s9 =	sadd.s32 $0x200, s9  }
0x21: {  	[tilespmem:s8+$0x1C270] =	vst v0  }
0x22: {  	[tilespmem:s8+$0x1C200] =	vst v0  }
0x23: {  	[tilespmem:s8+$0x1C210] =	vst v0  }
0x24: {  	[tilespmem:s8+$0x1C220] =	vst v0  }
0x25: {  	[tilespmem:s8+$0x1C230] =	vst v0  }
0x26: {  	[tilespmem:s8+$0x1C240] =	vst v0  }
0x27: {  	[tilespmem:s8+$0x1C250] =	vst v0  }
0x28: {  	[tilespmem:s8+$0x1C260] =	vst v0  }
0x29: {  	[spmem:s5] =	stream.linear.scatter [tilespmem:s21], [sflag:$0x5], $0x2000, $0x38;
	[tilespmem:$0x1E200] =	vst v63  }
0x2a: {  	_ =	swait.ge [sflag:s22], $0x2000  }
0x2b: {  	[sflag:s22] =	ssyncset.done $0x0  }
0x2c: {  	s10 =	rddreg [dreg:$0x4];
	[sflag:s22] =	ssyncadd.s32 $0xFFFFE000  }
0x2d: {  	[spmem:s10] =	stream.linear.scatter [tilespmem:s21], [sflag:$0x5], $0x2000, $0x38;
	[tilespmem:$0x1E200] =	vst v63  }
0x2e: {  	_ =	swait.ge [sflag:s22], $0x2000  }
0x2f: {  	[sflag:s22] =	ssyncset.done $0x0  }
0x30: {  	s9 =	rddreg [dreg:$0x5];
	[sflag:s22] =	ssyncadd.s32 $0xFFFFE000  }
0x31: {  	[spmem:s9] =	stream.linear.scatter [tilespmem:s21], [sflag:$0x5], $0x2000, $0x38;
	[tilespmem:$0x1E200] =	vst v63  }
0x32: {  	_ =	swait.ge [sflag:s22], $0x2000  }
0x33: {  	[sflag:s22] =	ssyncset.done $0x0  }
0x34: {  	s10 =	rddreg [dreg:$0x6];
	[sflag:s22] =	ssyncadd.s32 $0xFFFFE000  }
0x35: {  	[spmem:s10] =	stream.linear.scatter [tilespmem:s21], [sflag:$0x5], $0x2000, $0x38;
	[tilespmem:$0x1E200] =	vst v63  }
0x36: {  	_ =	swait.ge [sflag:s22], $0x2000  }
0x37: {  	[sflag:s22] =	ssyncset.done $0x0  }
0x38: {  	s9 =	rddreg [dreg:$0x7];
	[sflag:s22] =	ssyncadd.s32 $0xFFFFE000  }
0x39: {  	[spmem:s9] =	stream.linear.scatter [tilespmem:s21], [sflag:$0x5], $0x2000, $0x38;
	[tilespmem:$0x1E200] =	vst v63  }
0x3a: {  	_ =	swait.ge [sflag:s22], $0x2000  }
0x3b: {  	[sflag:s22] =	ssyncset.done $0x0  }
0x3c: {  	s10 =	rddreg [dreg:$0x8];
	[sflag:s22] =	ssyncadd.s32 $0xFFFFE000  }
0x3d: {  	[spmem:s10] =	stream.linear.scatter [tilespmem:s21], [sflag:$0x5], $0x2000, $0x38;
	[tilespmem:$0x1E200] =	vst v63  }
0x3e: {  	_ =	swait.ge [sflag:s22], $0x2000  }
0x3f: {  	[sflag:s22] =	ssyncset.done $0x0  }
0x40: {  	[sflag:s22] =	ssyncadd.s32 $0xFFFFE000  }
0x41: {  	[spmem:s11] =	stream.linear.scatter [tilespmem:s21], [sflag:$0x5], $0x2000, $0x38;
	[tilespmem:$0x1E200] =	vst v63  }
0x42: {  	_ =	swait.ge [sflag:s22], $0x2000  }
0x43: {  	[sflag:s22] =	ssyncset.done $0x0  }
0x44: {  	[sflag:s22] =	ssyncadd.s32 $0xFFFFE000  }
0x45: {  	[spmem:s12] =	stream.linear.scatter [tilespmem:s21], [sflag:$0x5], $0x2000, $0x38;
	[tilespmem:$0x1E200] =	vst v63  }
0x46: {  	_ =	swait.ge [sflag:s22], $0x2000  }
0x47: {  	[sflag:s22] =	ssyncset.done $0x0  }
0x48: {  	[sflag:s22] =	ssyncadd.s32 $0xFFFFE000  }
0x49: {  	[spmem:s13] =	stream.linear.scatter [tilespmem:s21], [sflag:$0x5], $0x2000, $0x38;
	[tilespmem:$0x1E200] =	vst v63  }
0x4a: {  	_ =	swait.ge [sflag:s22], $0x2000  }
0x4b: {  	[sflag:s22] =	ssyncset.done $0x0  }
0x4c: {  	[sflag:s22] =	ssyncadd.s32 $0xFFFFE000  }
0x4d: {  	[spmem:s15] =	stream.linear.scatter [tilespmem:s21], [sflag:$0x5], $0x2000, $0x38;
	[tilespmem:$0x1E200] =	vst v63  }
0x4e: {  	_ =	swait.ge [sflag:s22], $0x2000  }
0x4f: {  	[sflag:s22] =	ssyncset.done $0x0  }
0x50: {  	[sflag:s22] =	ssyncadd.s32 $0xFFFFE000  }
0x51: {  	s9 =	simm.s32 $0x0;
	[bflag:$0x0] =	sbarrier.arrive $0xFFFF  }
0x52: {  	[tilespmem:s23], [sflag:$0x5] =	stream.linear.gather [hbm4b:s14+s9], $0x100, $0x38;
	[tilespmem:$0x1E200] =	vst v63  }
0x53: {  	_ =	swait.ge [sflag:s22], $0x100  }
0x54: {  	[sflag:s22] =	ssyncset.done $0x0  }
0x55: {  	[sflag:s22] =	ssyncadd.s32 $0xFFFFFF00  }
0x56: {  	[tilespmem:s25], [sflag:$0x1] =	stream.indirect.gather [hbm4b:s0+s24], $0x80, s23, s24, $0xb8;
	[tilespmem:$0x1E200] =	vst v63  }
0x57: {  	_ = 	snop  }
0x58: {  	[tilespmem:s26], [sflag:$0x4] =	stream.linear.gather [hbm4b:s16+s9], $0x100, $0x38;
	[tilespmem:$0x1E200] =	vst v63  }
0x59: {  	_ =	swait.ge [sflag:s28], $0x100  }
0x5a: {  	[sflag:s28] =	ssyncset.done $0x0  }
0x5b: {  	[sflag:s28] =	ssyncadd.s32 $0xFFFFFF00  }
0x5c: {  	_ =	swait.ge [sflag:s29], $0x4000  }
0x5d: {  	[sflag:s29] =	ssyncset.done $0x0  }
0x5e: {  	[sflag:s29] =	ssyncadd.s32 $0xFFFFC000  }
0x5f: {  	[tilespmem:s30], [sflag:$0x2] =	stream.indirect.gather [hbm4b:s0+s24], $0x80, s26, s24, $0xb8;
	[tilespmem:$0x1E200] =	vst v63  }
0x60: {  	_ = 	snop  }
0x61: {  	[spmem:s3] =	stream.indirect.scatter.add.f32 [tilespmem:s25], [sflag:$0x5], $0x80, s31, s24, $0xb8;
	[tilespmem:$0x1E200] =	vst v63  }
0x62: {  	_ =	swait.ge [sflag:s22], $0x4000  }
0x63: {  	[sflag:s22] =	ssyncset.done $0x0  }
0x64: {  	s10 =	sadd.s32 $0x0, s20;
	[sflag:s22] =	ssyncadd.s32 $0xFFFFC000  }
0x65: {  	[tilespmem:s23], [sflag:$0x3] =	stream.linear.gather [hbm4b:s10+s4], $0x100, $0x38;
	[tilespmem:$0x1E200] =	vst v63  }
0x66: {  	_ =	swait.ge [sflag:s1], $0x100  }
0x67: {  	[sflag:s1] =	ssyncset.done $0x0  }
0x68: {  	[sflag:s1] =	ssyncadd.s32 $0xFFFFFF00  }
0x69: {  	_ =	swait.ge [sflag:s2], $0x4000  }
0x6a: {  	[sflag:s2] =	ssyncset.done $0x0  }
0x6b: {  	[sflag:s2] =	ssyncadd.s32 $0xFFFFC000  }
0x6c: {  	[tilespmem:s25], [sflag:$0x1] =	stream.indirect.gather [hbm4b:s0+s24], $0x80, s23, s24, $0xb8;
	[tilespmem:$0x1E200] =	vst v63  }
0x6d: {  	_ = 	snop  }
0x6e: {  	[spmem:s3] =	stream.indirect.scatter.add.f32 [tilespmem:s30], [sflag:$0x5], $0x80, s6, s24, $0xb8;
	[tilespmem:$0x1E200] =	vst v63  }
0x6f: {  	_ =	swait.ge [sflag:s22], $0x4000  }
0x70: {  	[sflag:s22] =	ssyncset.done $0x0  }
0x71: {  	s8 =	simm.s32 $0x40;
	s9 =	sadd.s32 $0x0, s19;
	[sflag:s22] =	ssyncadd.s32 $0xFFFFC000  }
.LBB2_4:
0x72: {  	[tilespmem:s26], [sflag:$0x4] =	stream.linear.gather [hbm4b:s9+s4], $0x100, $0x38;
	[tilespmem:$0x1E200] =	vst v63  }
0x73: {  	s9 =	smov.u32 s8  }
0x74: {  	p0 =	sne.s32 s8, $0x980;
	s8 =	sadd.s32 $0x40, s8;
	_ =	swait.ge [sflag:s28], $0x100  }
0x75: {  	[sflag:s28] =	ssyncset.done $0x0  }
0x76: {  	[sflag:s28] =	ssyncadd.s32 $0xFFFFFF00  }
0x77: {  	_ =	swait.ge [sflag:s29], $0x4000  }
0x78: {  	[sflag:s29] =	ssyncset.done $0x0  }
0x79: {  	[sflag:s29] =	ssyncadd.s32 $0xFFFFC000  }
0x7a: {  	[tilespmem:s30], [sflag:$0x2] =	stream.indirect.gather [hbm4b:s0+s24], $0x80, s26, s24, $0xb8;
	[tilespmem:$0x1E200] =	vst v63  }
0x7b: {  	_ = 	snop  }
0x7c: {  	[spmem:s3] =	stream.indirect.scatter.add.f32 [tilespmem:s25], [sflag:$0x5], $0x80, s31, s24, $0xb8;
	[tilespmem:$0x1E200] =	vst v63  }
0x7d: {  	_ =	swait.ge [sflag:s22], $0x4000  }
0x7e: {  	[sflag:s22] =	ssyncset.done $0x0  }
0x7f: {  	s10 =	sadd.s32 s9, s20;
	[sflag:s22] =	ssyncadd.s32 $0xFFFFC000  }
0x80: {  	[tilespmem:s23], [sflag:$0x3] =	stream.linear.gather [hbm4b:s10+s4], $0x100, $0x38;
	[tilespmem:$0x1E200] =	vst v63  }
0x81: {  	_ =	swait.ge [sflag:s1], $0x100  }
0x82: {  	[sflag:s1] =	ssyncset.done $0x0  }
0x83: {  	[sflag:s1] =	ssyncadd.s32 $0xFFFFFF00  }
0x84: {  	_ =	swait.ge [sflag:s2], $0x4000  }
0x85: {  	[sflag:s2] =	ssyncset.done $0x0  }
0x86: {  	[sflag:s2] =	ssyncadd.s32 $0xFFFFC000  }
0x87: {  	[tilespmem:s25], [sflag:$0x1] =	stream.indirect.gather [hbm4b:s0+s24], $0x80, s23, s24, $0xb8;
	[tilespmem:$0x1E200] =	vst v63  }
.Ltmp1:
0x88: {  	(pc) =	sbr.rel @p0 .LBB2_4-.Ltmp1, $4  }
0x89: {  	[spmem:s3] =	stream.indirect.scatter.add.f32 [tilespmem:s30], [sflag:$0x5], $0x80, s6, s24, $0xb8;
	[tilespmem:$0x1E200] =	vst v63  }
0x8a: {  	_ =	swait.ge [sflag:s22], $0x4000  }
0x8b: {  	[sflag:s22] =	ssyncset.done $0x0  }
0x8c: {  	s9 =	sadd.s32 s9, s19;
	[sflag:s22] =	ssyncadd.s32 $0xFFFFC000  }
0x8d: {  	[tilespmem:s26], [sflag:$0x4] =	stream.linear.gather [hbm4b:s9+s4], $0x100, $0x38;
	[tilespmem:$0x1E200] =	vst v63  }
0x8e: {  	_ =	swait.ge [sflag:s28], $0x100  }
0x8f: {  	[sflag:s28] =	ssyncset.done $0x0  }
0x90: {  	[sflag:s28] =	ssyncadd.s32 $0xFFFFFF00  }
0x91: {  	_ =	swait.ge [sflag:s29], $0x4000  }
0x92: {  	[sflag:s29] =	ssyncset.done $0x0  }
0x93: {  	[sflag:s29] =	ssyncadd.s32 $0xFFFFC000  }
0x94: {  	[tilespmem:s30], [sflag:$0x2] =	stream.indirect.gather [hbm4b:s0+s24], $0x80, s26, s24, $0xb8;
	[tilespmem:$0x1E200] =	vst v63  }
0x95: {  	_ = 	snop  }
0x96: {  	[spmem:s3] =	stream.indirect.scatter.add.f32 [tilespmem:s25], [sflag:$0x5], $0x80, s31, s24, $0xb8;
	[tilespmem:$0x1E200] =	vst v63  }
0x97: {  	_ =	swait.ge [sflag:s22], $0x4000  }
0x98: {  	[sflag:s22] =	ssyncset.done $0x0  }
0x99: {  	[sflag:s22] =	ssyncadd.s32 $0xFFFFC000  }
0x9a: {  	_ =	swait.ge [sflag:s2], $0x4000  }
0x9b: {  	[sflag:s2] =	ssyncset.done $0x0  }
0x9c: {  	[sflag:s2] =	ssyncadd.s32 $0xFFFFC000  }
0x9d: {  	[spmem:s3] =	stream.indirect.scatter.add.f32 [tilespmem:s30], [sflag:$0x5], $0x80, s6, s24, $0xb8;
	[tilespmem:$0x1E200] =	vst v63  }
0x9e: {  	s8 =	stileid.u32;
	_ =	swait.ge [sflag:s22], $0x4000  }
0x9f: {  	s10 =	sshrl.u32 s5, $0x3;
	s7 =	sadd.s32 $0x1, s7;
	[sflag:s22] =	ssyncset.done $0x0  }
0xa0: {  	s8 =	sshll.u32 s8, $0x6;
	p0 =	sne.s32 s7, s18;
	[sflag:s22] =	ssyncadd.s32 $0xFFFFC000  }
.Ltmp2:
0xa1: {  	s8 =	sor.u32 $0x1C05, s8;
	[bflag:$0x0] =	sbarrier.arrive $0xFFFF;
	(pc) =	sbr.rel @p0 .LBB2_1-.Ltmp2, $4  }
0xa2: {  	[hbm:s17], [sflag:s8] =	dma.local [spmem:s10], $0x2800  }
0xa3: {  	_ =	swait.ge [sflag:s22], $0x2800  }
0xa4: {  	[sflag:s22] =	ssyncset.done $0x0  }
0xa5: {  	[sflag:s22] =	ssyncadd.s32 $0xFFFFD800  }
0xa6: {  	_ =	sfence.sel $0x180000  }
0xa7: {  	[bflag:$0x0] =	sbarrier.arrive $0xFFFF  }
0xa8: {  	_ =	strace $0x9000004D  }
0xa9: {  	s0 =	stileid.u32;
	[bflag:$0x2] =	sbarrier.arrive $0xFFFF  }
0xaa: {  	p0 =	sne.s32 s0, $0x0;
	s0 =	rddreg [dreg:$0x3]  }
0xab: {  	s0 =	sadd.s32 @!p0 $0x100000, s0  }
0xac: {  	[sflag:s0] =	ssyncadd.tile.s32 @!p0 $0x1;
	_ =	shalt  }
.Lfunc_end2:
_tile_overlayer_lowered:
.L_overlay_start_2:
0xad: {  	(tag) =	ssettag $0x2  }
0xae: {  	s0 =	rddreg [dreg:$0x0];
	s2 =	stileid.u32  }
0xaf: {  	s1 =	rddreg [dreg:$0x1];
	p0 =	sne.s32 s2, $0x0  }
0xb0: {  	s3 =	rddreg [dreg:$0x2];
	[bflag:$0x3] =	sbarrier.arrive $0xFFFF;
	s2 =	simm.s32 @!p0 $0x1C05  }
0xb1: {  	[timem:s3], [sflag:s2] =	dma.local @!p0 [hbm:s0], s1  }
0xb2: {  	s0 =	simm.s32 @!p0 $0x5  }
0xb3: {  	_ =	swait.ge @!p0 [sflag:s0], s1  }
0xb4: {  	s1 =	ssub.s32 @!p0 $0x0, s1;
	[sflag:s0] =	ssyncset.done @!p0 $0x0  }
0xb5: {  	[sflag:s0] =	ssyncadd.s32 @!p0 s1  }
0xb6: {  	[bflag:$0x3] =	sbarrier.arrive $0xFFFF  }
0xb7: {  	_ =	shalt  }

// kernel: kernel.23.cloned.1.call-start
scs
__scs_entry_jumppad:
0x0: {  	(pc) =	sbr.rel $0x88, $3  }
0x1: {  	(tag) =	ssettag $0x0;
	lr =	simm.s32 $0x1  }
0x2: {  	[smem:$0x3F93] =	sst lr;
	_ =	strace $0xD0000000  }
0x3: {  	_ = 	snop  }
0x4: {  	_ = 	snop  }
0x5: {  	_ = 	snop  }
0x6: {  	_ = 	snop  }
0x7: {  	_ = 	snop  }
__scs_overlays_trampoline_lowered:
0x8: {  	[smem:$0x3FA2] =	sst s0  }
0x9: {  	[smem:$0x3FA3] =	sst s1  }
0xa: {  	[smem:$0x3FA4] =	sst s2  }
0xb: {  	[smem:$0x3FA5] =	sst s3  }
0xc: {  	[smem:$0x3FA6] =	sst s4  }
0xd: {  	[smem:$0x3FA7] =	sst s5  }
0xe: {  	[smem:$0x3FA8] =	sst s6  }
0xf: {  	[smem:$0x3FA9] =	sst s7  }
0x10: {  	[smem:$0x3FAA] =	sst s8  }
0x11: {  	[smem:$0x3FAB] =	sst s9;
	s0 =	simm.s32 @!p0 $0x0  }
0x12: {  	s1 =	sld [smem:$0x3F91];
	s0 =	simm.s32 @p0 $0x1  }
0x13: {  	[smem:$0x3FAC] =	sst s0;
	s0 =	simm.s32 @!p1 $0x0  }
0x14: {  	s2 =	sld [smem:$0x3F90];
	s0 =	simm.s32 @p1 $0x1  }
0x15: {  	[smem:$0x3FAD] =	sst s0;
	s0 =	simm.s32 @!p2 $0x0  }
0x16: {  	s3 =	sld [smem:$0x3FDB];
	s0 =	simm.s32 @p2 $0x1  }
0x17: {  	s4 =	simm.s32 $0x1BF5;
	[smem:$0x3FAF] =	sst s0  }
0x18: {  	s0 =	sld [smem:$0x3F92];
	_ =	swait.ge [sflag:s4], $0x0  }
0x19: {  	s7 =	sld [smem:$0x3F93]  }
0x1a: {  	s8 =	sadd.s32 $0xFFFFE003, lr  }
0x1b: {  	s9 =	sadd.s32 $0xFFFFFEF7, lr;
	s5 =	simm.s32 $0xFFFFFFFF;
	p2 =	slt.u32 s8, $0xFFFFF086  }
0x1c: {  	p1 =	slt.u32 s9, $0xF7A;
	s5 =	simm.s32 @!p2 $0x0  }
0x1d: {  	s5 =	simm.s32 @p1 $0x1;
	p0 =	seq.s32 s7, s2  }
0x1e: {  	s7 =	smul.u32 @!p0 $0xF7A, s2;
	p2 =	seq.s32 @!p0 s5, $0x0  }
0x1f: {  	s9 =	smul.u32 $0xF7A, s1;
	s8 =	simm.s32 @!p0 $0x1BF5;
	p2 =	por !p2, p0  }
0x20: {  	[sflag:s8] =	ssyncset.s32 @!p0 $0xFFFFF086;
	s6 =	sadd.s32 @!p0 s3, s7;
	s7 =	simm.s32 @!p0 $0x108  }
0x21: {  	s3 =	sadd.s32 s3, s9;
	s6 =	sadd.s32 @!p0 $0x88, s6;
	s7 =	simm.s32 @p2 $0x1082  }
0x22: {  	[simem:s7], [sflag:s8] =	dma.local @!p0 [hbm:s6], $0xF7A  }
0x23: {  	s9 =	sor.u32 $0xD0000000, s2;
	s6 =	simm.s32 $0x108;
	_ =	swait.ge @!p0 [sflag:s8], $0x0  }
0x24: {  	s3 =	sadd.s32 $0x88, s3;
	s6 =	simm.s32 @!p1 $0x1082;
	[sflag:s4] =	ssyncset.s32 $0xFFFFF086  }
0x25: {  	[simem:s6], [sflag:s4] =	dma.local [hbm:s3], $0xF7A  }
0x26: {  	[smem:$0x3F93] =	sst s1;
	(tag) =	ssettag s2;
	_ =	strace s9  }
0x27: {  	s1 =	sld [smem:$0x3FA3]  }
0x28: {  	s2 =	sld [smem:$0x3FA4]  }
0x29: {  	s4 =	sld [smem:$0x3FA6]  }
0x2a: {  	p0 =	seq.s32 s5, $0x0;
	s5 =	sld [smem:$0x3FA7]  }
0x2b: {  	s6 =	sld [smem:$0x3FA8]  }
0x2c: {  	s7 =	sld [smem:$0x3FA9]  }
0x2d: {  	s3 =	simm.s32 $0x108;
	s8 =	sld [smem:$0x3FAA]  }
0x2e: {  	s3 =	simm.s32 @!p0 $0x1082;
	s9 =	sld [smem:$0x3FAB]  }
0x2f: {  	lr =	sadd.s32 s0, s3;
	s0 =	sld [smem:$0x3FA2]  }
0x30: {  	s3 =	sld [smem:$0x3FA5]  }
0x31: {  	[smem:$0x3FAE] =	sst s10  }
0x32: {  	s10 =	sld [smem:$0x3FAC];
	_ =	sdelay $0x3  }
0x33: {  	p0 =	seq.s32 s10, $0x1;
	s10 =	sld [smem:$0x3FAE];
	_ =	sdelay $0x3  }
0x34: {  	[smem:$0x3FAE] =	sst s10  }
0x35: {  	s10 =	sld [smem:$0x3FAD];
	_ =	sdelay $0x3  }
0x36: {  	p1 =	seq.s32 s10, $0x1;
	s10 =	sld [smem:$0x3FAE];
	_ =	sdelay $0x3  }
0x37: {  	[smem:$0x3FAE] =	sst s10  }
0x38: {  	s10 =	sld [smem:$0x3FAF]  }
0x39: {  	_ = 	snop;
	(pc) =	sbr.ind lr, $3  }
0x3a: {  	_ = 	snop  }
0x3b: {  	_ = 	snop  }
0x3c: {  	p2 =	seq.s32 s10, $0x1;
	s10 =	sld [smem:$0x3FAE]  }
0x3d: {  	_ =	shalt  }
0x3e: {  	_ =	shalt  }
0x3f: {  	_ =	shalt  }
0x40: {  	_ =	shalt  }
0x41: {  	_ =	shalt  }
0x42: {  	_ =	shalt  }
0x43: {  	_ =	shalt  }
0x44: {  	_ =	shalt  }
0x45: {  	_ =	shalt  }
0x46: {  	_ =	shalt  }
0x47: {  	_ =	shalt  }
0x48: {  	_ =	shalt  }
0x49: {  	_ =	shalt  }
0x4a: {  	_ =	shalt  }
0x4b: {  	_ =	shalt  }
0x4c: {  	_ =	shalt  }
0x4d: {  	_ =	shalt  }
0x4e: {  	_ =	shalt  }
0x4f: {  	_ =	shalt  }
0x50: {  	_ =	shalt  }
0x51: {  	_ =	shalt  }
0x52: {  	_ =	shalt  }
0x53: {  	_ =	shalt  }
0x54: {  	_ =	shalt  }
0x55: {  	_ =	shalt  }
0x56: {  	_ =	shalt  }
0x57: {  	_ =	shalt  }
0x58: {  	_ =	shalt  }
0x59: {  	_ =	shalt  }
0x5a: {  	_ =	shalt  }
0x5b: {  	_ =	shalt  }
0x5c: {  	_ =	shalt  }
0x5d: {  	_ =	shalt  }
0x5e: {  	_ =	shalt  }
0x5f: {  	_ =	shalt  }
0x60: {  	_ =	shalt  }
0x61: {  	_ =	shalt  }
0x62: {  	_ =	shalt  }
0x63: {  	_ =	shalt  }
0x64: {  	_ =	shalt  }
0x65: {  	_ =	shalt  }
0x66: {  	_ =	shalt  }
0x67: {  	_ =	shalt  }
0x68: {  	_ =	shalt  }
0x69: {  	_ =	shalt  }
0x6a: {  	_ =	shalt  }
0x6b: {  	_ =	shalt  }
0x6c: {  	_ =	shalt  }
0x6d: {  	_ =	shalt  }
0x6e: {  	_ =	shalt  }
0x6f: {  	_ =	shalt  }
0x70: {  	_ =	shalt  }
0x71: {  	_ =	shalt  }
0x72: {  	_ =	shalt  }
0x73: {  	_ =	shalt  }
0x74: {  	_ =	shalt  }
0x75: {  	_ =	shalt  }
0x76: {  	_ =	shalt  }
0x77: {  	_ =	shalt  }
0x78: {  	_ =	shalt  }
0x79: {  	_ =	shalt  }
0x7a: {  	_ =	shalt  }
0x7b: {  	_ =	shalt  }
0x7c: {  	_ =	shalt  }
0x7d: {  	_ =	shalt  }
0x7e: {  	_ =	shalt  }
0x7f: {  	_ =	shalt  }
0x80: {  	_ =	shalt  }
0x81: {  	_ =	shalt  }
0x82: {  	_ =	shalt  }
0x83: {  	_ =	shalt  }
0x84: {  	_ =	shalt  }
0x85: {  	_ =	shalt  }
0x86: {  	_ =	shalt  }
0x87: {  	_ =	shalt  }
.Lfunc_end0:
.L_simem_size_0:
called_computation.3_lowered:
.L_overlay_start_0:
0x88: {  	s2 =	sld [smem:$0x3FD9]  }
0x89: {  	s3 =	sld [smem:$0x3FFE];
	_ =	sdelay $0x1  }
0x8a: {  	s1 =	srdreg.scid  }
0x8b: {  	s0 =	sand.u32 $0x1, s1  }
0x8c: {  	s17 =	sshll.u32 s0, $0xA;
	s2 =	sadd.s32 s3, s2  }
0x8d: {  	s2 =	sadd.s32 s2, s17  }
0x8e: {  	[smem:$0x3FBA] =	sst s2  }
0x8f: {  	_ = 	snop  }
0x90: {  	s2 =	sld [smem:$0x3FD0];
	(tm) =	ssettm $0x1  }
0x91: {  	s18 =	sld [smem:$0x3FFB];
	_ =	sdelay $0x3  }
0x92: {  	_ =	strace s18  }
0x93: {  	s3 =	sld [smem:$0x3FFC];
	_ =	sdelay $0x3  }
0x94: {  	_ =	strace s3  }
0x95: {  	s3 =	sld [smem:$0x3FFD];
	_ =	sdelay $0x3  }
0x96: {  	_ =	strace s3  }
0x97: {  	_ =	strace $0x8FFFFFFF  }
0x98: {  	s19 =	sld [smem:$0x3FDB];
	_ =	sdelay $0x1  }
0x99: {  	s4 =	simm.s32 $_scs_section_size  }
0x9a: {  	s5 =	simm.s32 $_size__tile_overlayer_lowered;
	s6 =	simm.s32 $_tile_overlayer_lowered  }
0x9b: {  	s22 =	simm.s32 $0x1BFF;
	s21 =	sshll.u32 s6, $0x1;
	s3 =	sadd.s32 s4, s19  }
0x9c: {  	s7 =	simm.s32 $0x0;
	s20 =	sshll.u32 s5, $0x1;
	s5 =	sadd.s32 s21, s3  }
0x9d: {  	[timem:s7], [sflag:s22] =	dma.local [hbm:s5], s20  }
0x9e: {  	_ =	swait.ge [sflag:s22], s20  }
0x9f: {  	s4 =	ssub.s32 $0x0, s20;
	[sflag:s22] =	ssyncset.done $0x0  }
0xa0: {  	[sflag:s22] =	ssyncadd.s32 s4;
	_ =	sdelay $0x1  }
0xa1: {  	s23 =	simm.s32 $0x1B8B  }
0xa2: {  	_ =	swait.ge [sflag:s23], $0x1  }
0xa3: {  	[sflag:s23] =	ssyncset.done $0x0  }
0xa4: {  	s25 =	simm.s32 $0x1B8E;
	s24 =	sld [smem:$0x3FFE];
	[sflag:s23] =	ssyncadd.s32 $0xFFFFFFFF  }
0xa5: {  	s26 =	simm.s32 $execute0_lowered;
	[smem:$0x3FD2] =	sst s25  }
0xa6: {  	s5 =	sshll.u32 s26, $0x1;
	_ =	strace $0x8000004F;
	[dreg:$0x1] =	wrdreg $0xFFFFFFFF  }
0xa7: {  	s28 =	simm.s32 $_size_execute0_lowered;
	s3 =	sadd.s32 s3, s5;
	[dreg:$0x0] =	wrdreg $0x0  }
0xa8: {  	s5 =	sshll.u32 s28, $0x1;
	[dreg:$0x2] =	wrdreg s3  }
0xa9: {  	[dreg:$0x3] =	wrdreg s5  }
0xaa: {  	[dreg:$0x4] =	wrdreg $0xC0  }
0xab: {  	_ =	task [dreg:s7], $0x5FFFF  }
0xac: {  	[dreg:$0x1] =	wrdreg $0xFFFFFFFF  }
0xad: {  	[dreg:$0x0] =	wrdreg $0x60  }
0xae: {  	[dreg:$0x2] =	wrdreg s2  }
0xaf: {  	[dreg:$0x3] =	wrdreg s24  }
0xb0: {  	[dreg:$0x4] =	wrdreg $0x0  }
0xb1: {  	[dreg:$0x5] =	wrdreg $0x9  }
0xb2: {  	_ =	task.clear_ibuf [dreg:s7], $0x6FFFF;
	_ =	strace $0x9000004F  }
0xb3: {  	s29 =	simm.s32 $0x9;
	_ =	strace $0x80000051  }
0xb4: {  	_ =	swait.ge [sflag:s29], $0x1  }
0xb5: {  	[sflag:s29] =	ssyncadd.s32 $0xFFFFFFFF  }
0xb6: {  	_ =	strace $0x90000051  }
0xb7: {  	_ =	sfence  }
0xb8: {  	s30 =	sld [smem:$0x0];
	_ =	sdelay $0x2  }
0xb9: {  	s31 =	sshll.u32 s1, $0xD;
	s1 =	sshrl.u32 s1, $0x2  }
0xba: {  	s3 =	sand.u32 $0x4000, s31;
	s1 =	sadd.s32 s1, s30  }
0xbb: {  	s0 =	sor.u32 s3, s0;
	s1 =	sshll.u32 s1, $0x11  }
0xbc: {  	s0 =	sor.u32 s1, s0  }
0xbd: {  	s0 =	sadd.s32 $0x8F2B, s0  }
0xbe: {  	[sflag:s0] =	ssyncadd.remote.s32 $0x1  }
0xbf: {  	_ =	sfence.sel $0xFFFF  }
0xc0: {  	[dreg:$0x0] =	wrdreg $0xFFFFFFFF;
	(pc) =	sbr.abs _section_cstart, $3  }
0xc1: {  	[dreg:$0x1] =	wrdreg $0xFFFFFFFF  }
0xc2: {  	_ =	task.clear_ibuf [dreg:s7], $0x2FFFF;
	_ =	strace $0x9FFFFFFF  }
0xc3: {  	(tm) =	ssettm $0x7FFFFFFF  }
tec
execute0_lowered:
.L_overlay_start_1:
0x0: {  	(tag) =	ssettag $0x1  }
0x1: {  	s0 =	rddreg [dreg:$0x0]  }
0x2: {  	s1 =	rddreg [dreg:$0x1];
	s2 =	srdreg.scid  }
0x3: {  	s3 =	rddreg [dreg:$0x2];
	s10 =	stileid.u32  }
0x4: {  	s4 =	simm.s32 $0x0;
	s28 =	simm.s32 $0x4;
	s6 =	smul.u32 $0x14000, s10  }
0x5: {  	s29 =	simm.s32 $0x1;
	s30 =	simm.s32 $0x18200;
	s7 =	smul.u32 $0x50000, s10  }
0x6: {  	s2 =	sand.u32 $0x1, s2;
	[smem:$0x7FF] =	sst s4;
	s22 =	smul.u32 $0x2800, s10  }
0x7: {  	s31 =	simm.s32 $0x14080;
	s5 =	smul.u32 $0x140000, s2;
	_ =	strace $0x80000050  }
0x8: {  	s16 =	ssub.s32 $0x2, s2;
	s8 =	sshll.u32 s2, $0x4;
	s2 =	smul.u32 $0x28000, s2  }
0x9: {  	s9 =	sshrl.u32 s16, $0x1;
	s8 =	sor.u32 s10, s8;
	s7 =	sshrl.u32 s7, $0x2  }
0xa: {  	s5 =	sadd.s32 s6, s5;
	s6 =	sadd.s32 $0x5E00, s1;
	s9 =	ssub.s32 s16, s9  }
0xb: {  	s17 =	smul.u32 $0xA00, s8;
	s2 =	sadd.s32 s22, s2;
	s22 =	simm.s32 $0x5  }
0xc: {  	s5 =	sshrl.u32 s5, $0x3;
	s24 =	sor.u32 $0x180, s2;
	s2 =	sor.u32 $0x100, s2  }
0xd: {  	s1 =	sadd.s32 s5, s1;
	s5 =	sadd.s32 s7, s3;
	s14 =	sadd.s32 s6, s17  }
0xe: {  	s25 =	sshrl.u32 s24, $0x2;
	s26 =	sshrl.u32 s2, $0x2;
	s24 =	simm.s32 $0x80  }
0xf: {  	s2 =	simm.s32 $0x2;
	s7 =	simm.s32 $0x0;
	s18 =	sadd.s32 $0x2000, s5  }
0x10: {  	s19 =	sadd.s32 $0x4000, s5;
	s20 =	sadd.s32 $0x6000, s5;
	s21 =	sadd.s32 $0x8000, s5  }
0x11: {  	s23 =	sadd.s32 $0xA000, s5;
	s11 =	sadd.s32 $0xC000, s5;
	[dreg:$0x4] =	wrdreg s18  }
0x12: {  	s12 =	sadd.s32 $0xE000, s5;
	s13 =	sadd.s32 $0x10000, s5;
	[dreg:$0x5] =	wrdreg s19  }
0x13: {  	s15 =	sadd.s32 $0x12000, s5;
	s16 =	sadd.s32 $0x20, s14;
	[dreg:$0x6] =	wrdreg s20  }
0x14: {  	s17 =	sadd.s32 $0x41000, s1;
	s1 =	simm.s32 $0x3;
	[dreg:$0x7] =	wrdreg s21  }
0x15: {  	[dreg:$0x8] =	wrdreg s23;
	s18 =	smax.u32 s9, $0x1;
	s19 =	sadd.s32 s25, s6  }
0x16: {  	s20 =	sadd.s32 s26, s6;
	s21 =	simm.s32 $0x1C200;
	s23 =	simm.s32 $0x14000  }
0x17: {  	v0 =	vimm.f32 $0.0e+00;
	s25 =	simm.s32 $0x14200;
	s26 =	simm.s32 $0x14100;
	s6 =	simm.s32 $0x14180  }
.LBB2_1:
0x18: {  	s8 =	simm.s32 $0x0;
	s9 =	simm.s32 $0x200  }
.LBB2_2:
0x19: {  	p0 =	sne.s32 s9, $0x7E00;
	[tilespmem:s8+$0x1C270] =	vst v0  }
0x1a: {  	[tilespmem:s8+$0x1C200] =	vst v0  }
0x1b: {  	[tilespmem:s8+$0x1C210] =	vst v0  }
.Ltmp0:
0x1c: {  	[tilespmem:s8+$0x1C220] =	vst v0;
	(pc) =	sbr.rel @p0 .LBB2_2-.Ltmp0, $4  }
0x1d: {  	[tilespmem:s8+$0x1C230] =	vst v0  }
0x1e: {  	[tilespmem:s8+$0x1C240] =	vst v0  }
0x1f: {  	[tilespmem:s8+$0x1C250] =	vst v0  }
0x20: {  	[tilespmem:s8+$0x1C260] =	vst v0;
	s8 =	sshra.s32 s9, $0x2;
	s9 =	sadd.s32 $0x200, s9  }
0x21: {  	[tilespmem:s8+$0x1C270] =	vst v0  }
0x22: {  	[tilespmem:s8+$0x1C200] =	vst v0  }
0x23: {  	[tilespmem:s8+$0x1C210] =	vst v0  }
0x24: {  	[tilespmem:s8+$0x1C220] =	vst v0  }
0x25: {  	[tilespmem:s8+$0x1C230] =	vst v0  }
0x26: {  	[tilespmem:s8+$0x1C240] =	vst v0  }
0x27: {  	[tilespmem:s8+$0x1C250] =	vst v0  }
0x28: {  	[tilespmem:s8+$0x1C260] =	vst v0  }
0x29: {  	[spmem:s5] =	stream.linear.scatter [tilespmem:s21], [sflag:$0x5], $0x2000, $0x38;
	[tilespmem:$0x1E200] =	vst v63  }
0x2a: {  	_ =	swait.ge [sflag:s22], $0x2000  }
0x2b: {  	[sflag:s22] =	ssyncset.done $0x0  }
0x2c: {  	s10 =	rddreg [dreg:$0x4];
	[sflag:s22] =	ssyncadd.s32 $0xFFFFE000  }
0x2d: {  	[spmem:s10] =	stream.linear.scatter [tilespmem:s21], [sflag:$0x5], $0x2000, $0x38;
	[tilespmem:$0x1E200] =	vst v63  }
0x2e: {  	_ =	swait.ge [sflag:s22], $0x2000  }
0x2f: {  	[sflag:s22] =	ssyncset.done $0x0  }
0x30: {  	s9 =	rddreg [dreg:$0x5];
	[sflag:s22] =	ssyncadd.s32 $0xFFFFE000  }
0x31: {  	[spmem:s9] =	stream.linear.scatter [tilespmem:s21], [sflag:$0x5], $0x2000, $0x38;
	[tilespmem:$0x1E200] =	vst v63  }
0x32: {  	_ =	swait.ge [sflag:s22], $0x2000  }
0x33: {  	[sflag:s22] =	ssyncset.done $0x0  }
0x34: {  	s10 =	rddreg [dreg:$0x6];
	[sflag:s22] =	ssyncadd.s32 $0xFFFFE000  }
0x35: {  	[spmem:s10] =	stream.linear.scatter [tilespmem:s21], [sflag:$0x5], $0x2000, $0x38;
	[tilespmem:$0x1E200] =	vst v63  }
0x36: {  	_ =	swait.ge [sflag:s22], $0x2000  }
0x37: {  	[sflag:s22] =	ssyncset.done $0x0  }
0x38: {  	s9 =	rddreg [dreg:$0x7];
	[sflag:s22] =	ssyncadd.s32 $0xFFFFE000  }
0x39: {  	[spmem:s9] =	stream.linear.scatter [tilespmem:s21], [sflag:$0x5], $0x2000, $0x38;
	[tilespmem:$0x1E200] =	vst v63  }
0x3a: {  	_ =	swait.ge [sflag:s22], $0x2000  }
0x3b: {  	[sflag:s22] =	ssyncset.done $0x0  }
0x3c: {  	s10 =	rddreg [dreg:$0x8];
	[sflag:s22] =	ssyncadd.s32 $0xFFFFE000  }
0x3d: {  	[spmem:s10] =	stream.linear.scatter [tilespmem:s21], [sflag:$0x5], $0x2000, $0x38;
	[tilespmem:$0x1E200] =	vst v63  }
0x3e: {  	_ =	swait.ge [sflag:s22], $0x2000  }
0x3f: {  	[sflag:s22] =	ssyncset.done $0x0  }
0x40: {  	[sflag:s22] =	ssyncadd.s32 $0xFFFFE000  }
0x41: {  	[spmem:s11] =	stream.linear.scatter [tilespmem:s21], [sflag:$0x5], $0x2000, $0x38;
	[tilespmem:$0x1E200] =	vst v63  }
0x42: {  	_ =	swait.ge [sflag:s22], $0x2000  }
0x43: {  	[sflag:s22] =	ssyncset.done $0x0  }
0x44: {  	[sflag:s22] =	ssyncadd.s32 $0xFFFFE000  }
0x45: {  	[spmem:s12] =	stream.linear.scatter [tilespmem:s21], [sflag:$0x5], $0x2000, $0x38;
	[tilespmem:$0x1E200] =	vst v63  }
0x46: {  	_ =	swait.ge [sflag:s22], $0x2000  }
0x47: {  	[sflag:s22] =	ssyncset.done $0x0  }
0x48: {  	[sflag:s22] =	ssyncadd.s32 $0xFFFFE000  }
0x49: {  	[spmem:s13] =	stream.linear.scatter [tilespmem:s21], [sflag:$0x5], $0x2000, $0x38;
	[tilespmem:$0x1E200] =	vst v63  }
0x4a: {  	_ =	swait.ge [sflag:s22], $0x2000  }
0x4b: {  	[sflag:s22] =	ssyncset.done $0x0  }
0x4c: {  	[sflag:s22] =	ssyncadd.s32 $0xFFFFE000  }
0x4d: {  	[spmem:s15] =	stream.linear.scatter [tilespmem:s21], [sflag:$0x5], $0x2000, $0x38;
	[tilespmem:$0x1E200] =	vst v63  }
0x4e: {  	_ =	swait.ge [sflag:s22], $0x2000  }
0x4f: {  	[sflag:s22] =	ssyncset.done $0x0  }
0x50: {  	[sflag:s22] =	ssyncadd.s32 $0xFFFFE000  }
0x51: {  	s9 =	simm.s32 $0x0;
	[bflag:$0x0] =	sbarrier.arrive $0xFFFF  }
0x52: {  	[tilespmem:s23], [sflag:$0x5] =	stream.linear.gather [hbm4b:s14+s9], $0x100, $0x38;
	[tilespmem:$0x1E200] =	vst v63  }
0x53: {  	_ =	swait.ge [sflag:s22], $0x100  }
0x54: {  	[sflag:s22] =	ssyncset.done $0x0  }
0x55: {  	[sflag:s22] =	ssyncadd.s32 $0xFFFFFF00  }
0x56: {  	[tilespmem:s25], [sflag:$0x1] =	stream.indirect.gather [hbm4b:s0+s24], $0x80, s23, s24, $0xb8;
	[tilespmem:$0x1E200] =	vst v63  }
0x57: {  	_ = 	snop  }
0x58: {  	[tilespmem:s26], [sflag:$0x4] =	stream.linear.gather [hbm4b:s16+s9], $0x100, $0x38;
	[tilespmem:$0x1E200] =	vst v63  }
0x59: {  	_ =	swait.ge [sflag:s28], $0x100  }
0x5a: {  	[sflag:s28] =	ssyncset.done $0x0  }
0x5b: {  	[sflag:s28] =	ssyncadd.s32 $0xFFFFFF00  }
0x5c: {  	_ =	swait.ge [sflag:s29], $0x4000  }
0x5d: {  	[sflag:s29] =	ssyncset.done $0x0  }
0x5e: {  	[sflag:s29] =	ssyncadd.s32 $0xFFFFC000  }
0x5f: {  	[tilespmem:s30], [sflag:$0x2] =	stream.indirect.gather [hbm4b:s0+s24], $0x80, s26, s24, $0xb8;
	[tilespmem:$0x1E200] =	vst v63  }
0x60: {  	_ = 	snop  }
0x61: {  	[spmem:s3] =	stream.indirect.scatter.add.f32 [tilespmem:s25], [sflag:$0x5], $0x80, s31, s24, $0xb8;
	[tilespmem:$0x1E200] =	vst v63  }
0x62: {  	_ =	swait.ge [sflag:s22], $0x4000  }
0x63: {  	[sflag:s22] =	ssyncset.done $0x0  }
0x64: {  	s10 =	sadd.s32 $0x0, s20;
	[sflag:s22] =	ssyncadd.s32 $0xFFFFC000  }
0x65: {  	[tilespmem:s23], [sflag:$0x3] =	stream.linear.gather [hbm4b:s10+s4], $0x100, $0x38;
	[tilespmem:$0x1E200] =	vst v63  }
0x66: {  	_ =	swait.ge [sflag:s1], $0x100  }
0x67: {  	[sflag:s1] =	ssyncset.done $0x0  }
0x68: {  	[sflag:s1] =	ssyncadd.s32 $0xFFFFFF00  }
0x69: {  	_ =	swait.ge [sflag:s2], $0x4000  }
0x6a: {  	[sflag:s2] =	ssyncset.done $0x0  }
0x6b: {  	[sflag:s2] =	ssyncadd.s32 $0xFFFFC000  }
0x6c: {  	[tilespmem:s25], [sflag:$0x1] =	stream.indirect.gather [hbm4b:s0+s24], $0x80, s23, s24, $0xb8;
	[tilespmem:$0x1E200] =	vst v63  }
0x6d: {  	_ = 	snop  }
0x6e: {  	[spmem:s3] =	stream.indirect.scatter.add.f32 [tilespmem:s30], [sflag:$0x5], $0x80, s6, s24, $0xb8;
	[tilespmem:$0x1E200] =	vst v63  }
0x6f: {  	_ =	swait.ge [sflag:s22], $0x4000  }
0x70: {  	[sflag:s22] =	ssyncset.done $0x0  }
0x71: {  	s8 =	simm.s32 $0x40;
	s9 =	sadd.s32 $0x0, s19;
	[sflag:s22] =	ssyncadd.s32 $0xFFFFC000  }
.LBB2_4:
0x72: {  	[tilespmem:s26], [sflag:$0x4] =	stream.linear.gather [hbm4b:s9+s4], $0x100, $0x38;
	[tilespmem:$0x1E200] =	vst v63  }
0x73: {  	s9 =	smov.u32 s8  }
0x74: {  	p0 =	sne.s32 s8, $0x980;
	s8 =	sadd.s32 $0x40, s8;
	_ =	swait.ge [sflag:s28], $0x100  }
0x75: {  	[sflag:s28] =	ssyncset.done $0x0  }
0x76: {  	[sflag:s28] =	ssyncadd.s32 $0xFFFFFF00  }
0x77: {  	_ =	swait.ge [sflag:s29], $0x4000  }
0x78: {  	[sflag:s29] =	ssyncset.done $0x0  }
0x79: {  	[sflag:s29] =	ssyncadd.s32 $0xFFFFC000  }
0x7a: {  	[tilespmem:s30], [sflag:$0x2] =	stream.indirect.gather [hbm4b:s0+s24], $0x80, s26, s24, $0xb8;
	[tilespmem:$0x1E200] =	vst v63  }
0x7b: {  	_ = 	snop  }
0x7c: {  	[spmem:s3] =	stream.indirect.scatter.add.f32 [tilespmem:s25], [sflag:$0x5], $0x80, s31, s24, $0xb8;
	[tilespmem:$0x1E200] =	vst v63  }
0x7d: {  	_ =	swait.ge [sflag:s22], $0x4000  }
0x7e: {  	[sflag:s22] =	ssyncset.done $0x0  }
0x7f: {  	s10 =	sadd.s32 s9, s20;
	[sflag:s22] =	ssyncadd.s32 $0xFFFFC000  }
0x80: {  	[tilespmem:s23], [sflag:$0x3] =	stream.linear.gather [hbm4b:s10+s4], $0x100, $0x38;
	[tilespmem:$0x1E200] =	vst v63  }
0x81: {  	_ =	swait.ge [sflag:s1], $0x100  }
0x82: {  	[sflag:s1] =	ssyncset.done $0x0  }
0x83: {  	[sflag:s1] =	ssyncadd.s32 $0xFFFFFF00  }
0x84: {  	_ =	swait.ge [sflag:s2], $0x4000  }
0x85: {  	[sflag:s2] =	ssyncset.done $0x0  }
0x86: {  	[sflag:s2] =	ssyncadd.s32 $0xFFFFC000  }
0x87: {  	[tilespmem:s25], [sflag:$0x1] =	stream.indirect.gather [hbm4b:s0+s24], $0x80, s23, s24, $0xb8;
	[tilespmem:$0x1E200] =	vst v63  }
.Ltmp1:
0x88: {  	(pc) =	sbr.rel @p0 .LBB2_4-.Ltmp1, $4  }
0x89: {  	[spmem:s3] =	stream.indirect.scatter.add.f32 [tilespmem:s30], [sflag:$0x5], $0x80, s6, s24, $0xb8;
	[tilespmem:$0x1E200] =	vst v63  }
0x8a: {  	_ =	swait.ge [sflag:s22], $0x4000  }
0x8b: {  	[sflag:s22] =	ssyncset.done $0x0  }
0x8c: {  	s9 =	sadd.s32 s9, s19;
	[sflag:s22] =	ssyncadd.s32 $0xFFFFC000  }
0x8d: {  	[tilespmem:s26], [sflag:$0x4] =	stream.linear.gather [hbm4b:s9+s4], $0x100, $0x38;
	[tilespmem:$0x1E200] =	vst v63  }
0x8e: {  	_ =	swait.ge [sflag:s28], $0x100  }
0x8f: {  	[sflag:s28] =	ssyncset.done $0x0  }
0x90: {  	[sflag:s28] =	ssyncadd.s32 $0xFFFFFF00  }
0x91: {  	_ =	swait.ge [sflag:s29], $0x4000  }
0x92: {  	[sflag:s29] =	ssyncset.done $0x0  }
0x93: {  	[sflag:s29] =	ssyncadd.s32 $0xFFFFC000  }
0x94: {  	[tilespmem:s30], [sflag:$0x2] =	stream.indirect.gather [hbm4b:s0+s24], $0x80, s26, s24, $0xb8;
	[tilespmem:$0x1E200] =	vst v63  }
0x95: {  	_ = 	snop  }
0x96: {  	[spmem:s3] =	stream.indirect.scatter.add.f32 [tilespmem:s25], [sflag:$0x5], $0x80, s31, s24, $0xb8;
	[tilespmem:$0x1E200] =	vst v63  }
0x97: {  	_ =	swait.ge [sflag:s22], $0x4000  }
0x98: {  	[sflag:s22] =	ssyncset.done $0x0  }
0x99: {  	[sflag:s22] =	ssyncadd.s32 $0xFFFFC000  }
0x9a: {  	_ =	swait.ge [sflag:s2], $0x4000  }
0x9b: {  	[sflag:s2] =	ssyncset.done $0x0  }
0x9c: {  	[sflag:s2] =	ssyncadd.s32 $0xFFFFC000  }
0x9d: {  	[spmem:s3] =	stream.indirect.scatter.add.f32 [tilespmem:s30], [sflag:$0x5], $0x80, s6, s24, $0xb8;
	[tilespmem:$0x1E200] =	vst v63  }
0x9e: {  	s8 =	stileid.u32;
	_ =	swait.ge [sflag:s22], $0x4000  }
0x9f: {  	s10 =	sshrl.u32 s5, $0x3;
	s7 =	sadd.s32 $0x1, s7;
	[sflag:s22] =	ssyncset.done $0x0  }
0xa0: {  	s8 =	sshll.u32 s8, $0x6;
	p0 =	sne.s32 s7, s18;
	[sflag:s22] =	ssyncadd.s32 $0xFFFFC000  }
.Ltmp2:
0xa1: {  	s8 =	sor.u32 $0x1C05, s8;
	[bflag:$0x0] =	sbarrier.arrive $0xFFFF;
	(pc) =	sbr.rel @p0 .LBB2_1-.Ltmp2, $4  }
0xa2: {  	[hbm:s17], [sflag:s8] =	dma.local [spmem:s10], $0x2800  }
0xa3: {  	_ =	swait.ge [sflag:s22], $0x2800  }
0xa4: {  	[sflag:s22] =	ssyncset.done $0x0  }
0xa5: {  	[sflag:s22] =	ssyncadd.s32 $0xFFFFD800  }
0xa6: {  	_ =	sfence.sel $0x180000  }
0xa7: {  	[bflag:$0x0] =	sbarrier.arrive $0xFFFF  }
0xa8: {  	_ =	strace $0x90000050  }
0xa9: {  	s0 =	stileid.u32;
	[bflag:$0x2] =	sbarrier.arrive $0xFFFF  }
0xaa: {  	p0 =	sne.s32 s0, $0x0;
	s0 =	rddreg [dreg:$0x3]  }
0xab: {  	s0 =	sadd.s32 @!p0 $0x100000, s0  }
0xac: {  	[sflag:s0] =	ssyncadd.tile.s32 @!p0 $0x1;
	_ =	shalt  }
.Lfunc_end2:
_tile_overlayer_lowered:
.L_overlay_start_2:
0xad: {  	(tag) =	ssettag $0x2  }
0xae: {  	s0 =	rddreg [dreg:$0x0];
	s2 =	stileid.u32  }
0xaf: {  	s1 =	rddreg [dreg:$0x1];
	p0 =	sne.s32 s2, $0x0  }
0xb0: {  	s3 =	rddreg [dreg:$0x2];
	[bflag:$0x3] =	sbarrier.arrive $0xFFFF;
	s2 =	simm.s32 @!p0 $0x1C05  }
0xb1: {  	[timem:s3], [sflag:s2] =	dma.local @!p0 [hbm:s0], s1  }
0xb2: {  	s0 =	simm.s32 @!p0 $0x5  }
0xb3: {  	_ =	swait.ge @!p0 [sflag:s0], s1  }
0xb4: {  	s1 =	ssub.s32 @!p0 $0x0, s1;
	[sflag:s0] =	ssyncset.done @!p0 $0x0  }
0xb5: {  	[sflag:s0] =	ssyncadd.s32 @!p0 s1  }
0xb6: {  	[bflag:$0x3] =	sbarrier.arrive $0xFFFF  }
0xb7: {  	_ =	shalt  }

</sc_bundles>
